<compile_context>
chip_gen: v7x
topology: tpu7x:2x2x1
jax: 0.10.2.dev20260603
libtpu: 0.0.44.dev20260713+nightly
codegen_flags: <defaults>
</compile_context>

<pallas_src>
import functools

import jax
import jax.numpy as jnp
from jax import lax
from jax.experimental import pallas as pl
from jax.experimental.pallas import tpu as pltpu
from jax.experimental.pallas import tpu_sc as plsc

N = 16384
C = 100
L = 16
NV = 7
NW = 32
RPW = N // NW
CH = 128
NCH = RPW // CH
PAD = -1.0


def _sa(v):
    return plsc.sort_key_val(v, v)[0]


def _sd(v):
    return plsc.sort_key_val(v, v, descending=True)[0]


def _sort_top112(p, w6, padv):
    a0, d1 = _sa(p[0]), _sd(p[1])
    d2, a3 = _sd(p[2]), _sa(p[3])
    d4, a5 = _sd(p[4]), _sa(p[5])
    a6 = _sa(w6)
    lo, hi = jnp.minimum(a0, d1), jnp.maximum(a0, d1)
    b01 = [_sa(lo), _sa(hi)]
    lo, hi = jnp.minimum(d2, a3), jnp.maximum(d2, a3)
    b23 = [_sd(hi), _sd(lo)]
    lo, hi = jnp.minimum(d4, a5), jnp.maximum(d4, a5)
    b45 = [_sd(hi), _sd(lo)]
    l0, l1 = jnp.minimum(b01[0], b23[0]), jnp.minimum(b01[1], b23[1])
    h0, h1 = jnp.maximum(b01[0], b23[0]), jnp.maximum(b01[1], b23[1])
    q0 = [
        _sa(jnp.minimum(l0, l1)), _sa(jnp.maximum(l0, l1)),
        _sa(jnp.minimum(h0, h1)), _sa(jnp.maximum(h0, h1)),
    ]
    m1, mm1 = jnp.maximum(b45[1], a6), jnp.minimum(b45[1], a6)
    q1 = [
        _sd(jnp.maximum(b45[0], m1)), _sd(jnp.minimum(b45[0], m1)),
        _sd(mm1), padv,
    ]
    f = [jnp.minimum(q0[i], q1[i]) for i in range(3)]
    g = [jnp.maximum(q0[i], q1[i]) for i in range(3)] + [q0[3]]
    gm0, gm1 = jnp.minimum(g[0], g[2]), jnp.minimum(g[1], g[3])
    gM0, gM1 = jnp.maximum(g[0], g[2]), jnp.maximum(g[1], g[3])
    b4, b5 = jnp.minimum(gm0, gm1), jnp.maximum(gm0, gm1)
    b6, b7 = jnp.minimum(gM0, gM1), jnp.maximum(gM0, gM1)
    mm, MM = jnp.minimum(f[0], f[2]), jnp.maximum(f[0], f[2])
    b1 = mm
    b2, b3 = jnp.minimum(MM, f[1]), jnp.maximum(MM, f[1])
    return [b1, b2, b3, b4, b5, b6, b7]


def _make_meter_kernel():
    mesh = plsc.VectorSubcoreMesh(core_axis_name="c", subcore_axis_name="s")

    @functools.partial(
        pl.kernel,
        out_type=(
            jax.ShapeDtypeStruct((NW, NV * L), jnp.float32),
            jax.ShapeDtypeStruct((NW, NV * L), jnp.float32),
        ),
        mesh=mesh,
        compiler_params=pltpu.CompilerParams(needs_layout_passes=False),
        scratch_types=[
            pltpu.VMEM((CH, C), jnp.float32),
            pltpu.VMEM((CH, C), jnp.float32),
            pltpu.VMEM((CH, C), jnp.float32),
            pltpu.VMEM((CH, C), jnp.float32),
            pltpu.VMEM((NV * L,), jnp.float32),
            pltpu.VMEM((NV * L,), jnp.float32),
            pltpu.SemaphoreType.DMA,
            pltpu.SemaphoreType.DMA,
        ],
    )
    def meter(preds_hbm, targets_hbm, corr_out, tot_out,
              pv0, tv0, pv1, tv1, cst, tst, sem0, sem1):
        wid = lax.axis_index("s") * 2 + lax.axis_index("c")
        base = wid * RPW
        bufs = ((pv0, tv0, sem0), (pv1, tv1, sem1))

        def start_chunk(ch):
            pv, tv, sem = bufs[ch % 2]
            ca = pltpu.async_copy(preds_hbm.at[pl.ds(base + ch * CH, CH)], pv, sem)
            cb = pltpu.async_copy(targets_hbm.at[pl.ds(base + ch * CH, CH)], tv, sem)
            return ca, cb

        pending = start_chunk(0)

        lanes = lax.iota(jnp.int32, L)
        tail = lanes >= (L - (C - (NV - 1) * L))
        padv = jnp.full((L,), PAD, jnp.float32)
        zerov = jnp.zeros((L,), jnp.float32)

        def make_row_step(pv, tv):
            def row_step(r):
                p = [pv[r, pl.ds(i * L, L)] for i in range(NV - 1)]
                p.append(pv[r, pl.ds(C - L, L)])
                ksum = None
                for i in range(NV):
                    ti = tv[r, pl.ds(i * L, L)] if i < NV - 1 else jnp.where(
                        tail, tv[r, pl.ds(C - L, L)], zerov)
                    off = i * L if i < NV - 1 else C - L
                    plsc.addupdate(tst.at[pl.ds(off, L)], ti)
                    ksum = ti if ksum is None else ksum + ti
                k = jnp.clip(jnp.sum(ksum).astype(jnp.int32), 1, C)
                idx = jnp.full((L,), 8 * L, jnp.int32) - k

                s = _sort_top112(p, jnp.where(tail, p[NV - 1], padv), padv)
                v = idx >> 4
                x12 = jnp.where(v <= 1, s[0], s[1])
                x34 = jnp.where(v <= 3, s[2], s[3])
                x56 = jnp.where(v <= 5, s[4], s[5])
                y = jnp.where(v <= 2, x12, x34)
                z = jnp.where(v <= 6, x56, s[6])
                kth = jnp.take_along_axis(
                    _sa(jnp.where(v <= 4, y, z)), idx & (L - 1), axis=0,
                    mode="promise_in_bounds")

                for i in range(NV):
                    ti = tv[r, pl.ds(i * L, L)] if i < NV - 1 else jnp.where(
                        tail, tv[r, pl.ds(C - L, L)], zerov)
                    off = i * L if i < NV - 1 else C - L
                    hard = p[i] >= kth
                    plsc.addupdate(cst.at[pl.ds(off, L)], jnp.where(hard, ti, zerov))

            return row_step

        for i in range(NV):
            cst[pl.ds(i * L, L)] = zerov
            tst[pl.ds(i * L, L)] = zerov
        for ch in range(NCH):
            nxt = start_chunk(ch + 1) if ch + 1 < NCH else None
            pending[0].wait()
            pending[1].wait()
            pv, tv, _ = bufs[ch % 2]
            plsc.parallel_loop(0, CH, unroll=2)(make_row_step(pv, tv))
            pending = nxt

        pltpu.sync_copy(cst, corr_out.at[wid])
        pltpu.sync_copy(tst, tot_out.at[wid])

    return meter


_meter = _make_meter_kernel()


def kernel(preds, targets, corrects, totals):
    cp, tp = _meter(preds, targets)
    corr_col = cp.sum(axis=0)[:C]
    tot_col = tp.sum(axis=0)[:C]
    return (
        corrects + corr_col,
        totals + tot_col,
        corr_col.sum(),
        tot_col.sum(),
    )

# --- scband reference (transcript-rebuilt; emitter-appended) ---
"""Pipeline reference for scband-multi-label-accuracy-meter-23691039604823 (READ-ONLY COPY).

The authoritative reference and input builder live on the scoring server;
editing this copy changes nothing except your own understanding.
"""

import jax, jax.numpy as jnp
import numpy as np


def setup_inputs(seed: int = 0) -> dict:
    key = jax.random.key(seed)
    k1, k2 = jax.random.split(key)
    N, C = 16384, 100
    preds = jax.random.uniform(k1, (N, C), dtype=jnp.float32)
    targets = jax.random.randint(k2, (N, C), 0, 2).astype(jnp.float32)
    # registered buffers of the meter, zero-initialized per reset()
    corrects = jnp.zeros((C,), dtype=jnp.float32)
    totals = jnp.zeros((C,), dtype=jnp.float32)
    return {"preds": preds, "targets": targets, "corrects": corrects, "totals": totals}


def reference(preds, targets, corrects, totals):
    # MultiLabelAccuracyMeter.update
    C = preds.shape[1]
    ks = targets.sum(1).astype(jnp.int32)
    # torch.kthvalue on -preds with k == kth largest of preds.
    # clip to [1, C] for safety (torch would error on k=0; with random 0/1
    # targets over 100 classes a zero row is effectively impossible).
    ks = jnp.clip(ks, 1, C)
    sorted_desc = -jnp.sort(-preds, axis=1)  # descending sort along classes
    kth_values = jnp.take_along_axis(sorted_desc, (ks - 1)[:, None], axis=1)  # (N, 1)
    preds_hard = (preds >= kth_values).astype(preds.dtype)
    corrects_b = preds_hard * targets
    new_corrects = corrects + corrects_b.sum(0)
    new_totals = totals + targets.sum(0)
    overall_correct = corrects_b.sum()
    overall_total = targets.sum()
    return (new_corrects, new_totals, overall_correct, overall_total)

if __name__ == "__main__":
    import jax
    _d = setup_inputs()
    print(jax.jit(kernel)(*tuple(_d.values())))

</pallas_src>

<mosaic_0001>
#map = affine_map<(d0, d1) -> (0, 0)>
module attributes {stable_mosaic.version = 14 : i64} {
  func.func @meter(%arg0: i32, %arg1: i32, %arg2: memref<16384x100xf32, #tpu.memory_space<hbm>>, %arg3: memref<16384x100xf32, #tpu.memory_space<hbm>>, %arg4: memref<32x112xf32, #tpu.memory_space<hbm>>, %arg5: memref<32x112xf32, #tpu.memory_space<hbm>>, %arg6: memref<128x100xf32, #tpu.memory_space<vmem>>, %arg7: memref<128x100xf32, #tpu.memory_space<vmem>>, %arg8: memref<128x100xf32, #tpu.memory_space<vmem>>, %arg9: memref<128x100xf32, #tpu.memory_space<vmem>>, %arg10: memref<112xf32, #tpu.memory_space<vmem>>, %arg11: memref<112xf32, #tpu.memory_space<vmem>>, %arg12: memref<!tpu.dma_semaphore, #tpu.memory_space<semaphore_mem>>, %arg13: memref<!tpu.dma_semaphore, #tpu.memory_space<semaphore_mem>>) attributes {dimension_semantics = [#tpu.dimension_semantics<core_parallel>, #tpu.dimension_semantics<subcore_parallel>], iteration_bounds = array<i64: 2, 16>, scalar_prefetch = 0 : i64, scratch_operands = 8 : i64, tpu.core_type = #tpu.core_type<sc_vector_subcore>, window_params = [{transform_indices = #map}, {transform_indices = #map}, {transform_indices = #map}, {transform_indices = #map}]} {
    %mul3A = arith.constant 2 : i32
    %mul3A_0 = arith.muli %arg1, %mul3A : i32
    %add3A = arith.addi %mul3A_0, %arg0 : i32
    %mul3A_1 = arith.constant 512 : i32
    %mul3A_2 = arith.muli %add3A, %mul3A_1 : i32
    %add3A_3 = arith.constant 0 : i32
    %add3A_4 = arith.addi %mul3A_2, %add3A_3 : i32
    %dma_start3A = arith.constant 0 : i32
    %dma_start3A_5 = tpu.memref_slice %arg2[%add3A_4, %dma_start3A] : memref<16384x100xf32, #tpu.memory_space<hbm>> -> memref<128x100xf32, #tpu.memory_space<hbm>>
    %dma_start3A_6 = arith.constant 0 : i32
    %dma_start3A_7 = tpu.memref_slice %arg2[%add3A_4, %dma_start3A_6] : memref<16384x100xf32, #tpu.memory_space<hbm>> -> memref<128x100xf32, #tpu.memory_space<hbm>>
    tpu.enqueue_dma source(%dma_start3A_7 : memref<128x100xf32, #tpu.memory_space<hbm>>) target(%arg6 : memref<128x100xf32, #tpu.memory_space<vmem>>) target_semaphore(%arg12 : memref<!tpu.dma_semaphore, #tpu.memory_space<semaphore_mem>>)
    %add3A_8 = arith.constant 0 : i32
    %add3A_9 = arith.addi %mul3A_2, %add3A_8 : i32
    %dma_start3A_10 = arith.constant 0 : i32
    %dma_start3A_11 = tpu.memref_slice %arg3[%add3A_9, %dma_start3A_10] : memref<16384x100xf32, #tpu.memory_space<hbm>> -> memref<128x100xf32, #tpu.memory_space<hbm>>
    %dma_start3A_12 = arith.constant 0 : i32
    %dma_start3A_13 = tpu.memref_slice %arg3[%add3A_9, %dma_start3A_12] : memref<16384x100xf32, #tpu.memory_space<hbm>> -> memref<128x100xf32, #tpu.memory_space<hbm>>
    tpu.enqueue_dma source(%dma_start3A_13 : memref<128x100xf32, #tpu.memory_space<hbm>>) target(%arg7 : memref<128x100xf32, #tpu.memory_space<vmem>>) target_semaphore(%arg12 : memref<!tpu.dma_semaphore, #tpu.memory_space<semaphore_mem>>)
    %iota3A = tpu.iota {dimensions = array<i32: 0>} : vector<16xi32>
    %ge3A = arith.constant 12 : i32
    %ge3A_14 = vector.broadcast %ge3A : i32 to vector<16xi32>
    %ge3A_15 = arith.cmpi sge, %iota3A, %ge3A_14 : vector<16xi32>
    %broadcast_in_dim3A = arith.constant -1.000000e+00 : f32
    %broadcast_in_dim3A_16 = vector.broadcast %broadcast_in_dim3A : f32 to vector<16xf32>
    %broadcast_in_dim3A_17 = arith.constant 0.000000e+00 : f32
    %broadcast_in_dim3A_18 = vector.broadcast %broadcast_in_dim3A_17 : f32 to vector<16xf32>
    %swap3A = arith.constant 0 : index
    %swap3A_19 = tpu.vector_load %arg10[%swap3A] {strides = array<i32>} : memref<112xf32, #tpu.memory_space<vmem>>, vector<16xf32>,
    tpu.vector_store %arg10[%swap3A], %broadcast_in_dim3A_18 {strides = array<i32>} : memref<112xf32, #tpu.memory_space<vmem>>, vector<16xf32>,
    %swap3A_20 = arith.constant 0 : index
    %swap3A_21 = tpu.vector_load %arg11[%swap3A_20] {strides = array<i32>} : memref<112xf32, #tpu.memory_space<vmem>>, vector<16xf32>,
    tpu.vector_store %arg11[%swap3A_20], %broadcast_in_dim3A_18 {strides = array<i32>} : memref<112xf32, #tpu.memory_space<vmem>>, vector<16xf32>,
    %swap3A_22 = arith.constant 16 : index
    %swap3A_23 = tpu.vector_load %arg10[%swap3A_22] {strides = array<i32>} : memref<112xf32, #tpu.memory_space<vmem>>, vector<16xf32>,
    tpu.vector_store %arg10[%swap3A_22], %broadcast_in_dim3A_18 {strides = array<i32>} : memref<112xf32, #tpu.memory_space<vmem>>, vector<16xf32>,
    %swap3A_24 = arith.constant 16 : index
    %swap3A_25 = tpu.vector_load %arg11[%swap3A_24] {strides = array<i32>} : memref<112xf32, #tpu.memory_space<vmem>>, vector<16xf32>,
    tpu.vector_store %arg11[%swap3A_24], %broadcast_in_dim3A_18 {strides = array<i32>} : memref<112xf32, #tpu.memory_space<vmem>>, vector<16xf32>,
    %swap3A_26 = arith.constant 32 : index
    %swap3A_27 = tpu.vector_load %arg10[%swap3A_26] {strides = array<i32>} : memref<112xf32, #tpu.memory_space<vmem>>, vector<16xf32>,
    tpu.vector_store %arg10[%swap3A_26], %broadcast_in_dim3A_18 {strides = array<i32>} : memref<112xf32, #tpu.memory_space<vmem>>, vector<16xf32>,
    %swap3A_28 = arith.constant 32 : index
    %swap3A_29 = tpu.vector_load %arg11[%swap3A_28] {strides = array<i32>} : memref<112xf32, #tpu.memory_space<vmem>>, vector<16xf32>,
    tpu.vector_store %arg11[%swap3A_28], %broadcast_in_dim3A_18 {strides = array<i32>} : memref<112xf32, #tpu.memory_space<vmem>>, vector<16xf32>,
    %swap3A_30 = arith.constant 48 : index
    %swap3A_31 = tpu.vector_load %arg10[%swap3A_30] {strides = array<i32>} : memref<112xf32, #tpu.memory_space<vmem>>, vector<16xf32>,
    tpu.vector_store %arg10[%swap3A_30], %broadcast_in_dim3A_18 {strides = array<i32>} : memref<112xf32, #tpu.memory_space<vmem>>, vector<16xf32>,
    %swap3A_32 = arith.constant 48 : index
    %swap3A_33 = tpu.vector_load %arg11[%swap3A_32] {strides = array<i32>} : memref<112xf32, #tpu.memory_space<vmem>>, vector<16xf32>,
    tpu.vector_store %arg11[%swap3A_32], %broadcast_in_dim3A_18 {strides = array<i32>} : memref<112xf32, #tpu.memory_space<vmem>>, vector<16xf32>,
    %swap3A_34 = arith.constant 64 : index
    %swap3A_35 = tpu.vector_load %arg10[%swap3A_34] {strides = array<i32>} : memref<112xf32, #tpu.memory_space<vmem>>, vector<16xf32>,
    tpu.vector_store %arg10[%swap3A_34], %broadcast_in_dim3A_18 {strides = array<i32>} : memref<112xf32, #tpu.memory_space<vmem>>, vector<16xf32>,
    %swap3A_36 = arith.constant 64 : index
    %swap3A_37 = tpu.vector_load %arg11[%swap3A_36] {strides = array<i32>} : memref<112xf32, #tpu.memory_space<vmem>>, vector<16xf32>,
    tpu.vector_store %arg11[%swap3A_36], %broadcast_in_dim3A_18 {strides = array<i32>} : memref<112xf32, #tpu.memory_space<vmem>>, vector<16xf32>,
    %swap3A_38 = arith.constant 80 : index
    %swap3A_39 = tpu.vector_load %arg10[%swap3A_38] {strides = array<i32>} : memref<112xf32, #tpu.memory_space<vmem>>, vector<16xf32>,
    tpu.vector_store %arg10[%swap3A_38], %broadcast_in_dim3A_18 {strides = array<i32>} : memref<112xf32, #tpu.memory_space<vmem>>, vector<16xf32>,
    %swap3A_40 = arith.constant 80 : index
    %swap3A_41 = tpu.vector_load %arg11[%swap3A_40] {strides = array<i32>} : memref<112xf32, #tpu.memory_space<vmem>>, vector<16xf32>,
    tpu.vector_store %arg11[%swap3A_40], %broadcast_in_dim3A_18 {strides = array<i32>} : memref<112xf32, #tpu.memory_space<vmem>>, vector<16xf32>,
    %swap3A_42 = arith.constant 96 : index
    %swap3A_43 = tpu.vector_load %arg10[%swap3A_42] {strides = array<i32>} : memref<112xf32, #tpu.memory_space<vmem>>, vector<16xf32>,
    tpu.vector_store %arg10[%swap3A_42], %broadcast_in_dim3A_18 {strides = array<i32>} : memref<112xf32, #tpu.memory_space<vmem>>, vector<16xf32>,
    %swap3A_44 = arith.constant 96 : index
    %swap3A_45 = tpu.vector_load %arg11[%swap3A_44] {strides = array<i32>} : memref<112xf32, #tpu.memory_space<vmem>>, vector<16xf32>,
    tpu.vector_store %arg11[%swap3A_44], %broadcast_in_dim3A_18 {strides = array<i32>} : memref<112xf32, #tpu.memory_space<vmem>>, vector<16xf32>,
    %add3A_46 = arith.constant 128 : i32
    %add3A_47 = arith.addi %mul3A_2, %add3A_46 : i32
    %dma_start3A_48 = arith.constant 0 : i32
    %dma_start3A_49 = tpu.memref_slice %arg2[%add3A_47, %dma_start3A_48] : memref<16384x100xf32, #tpu.memory_space<hbm>> -> memref<128x100xf32, #tpu.memory_space<hbm>>
    %dma_start3A_50 = arith.constant 0 : i32
    %dma_start3A_51 = tpu.memref_slice %arg2[%add3A_47, %dma_start3A_50] : memref<16384x100xf32, #tpu.memory_space<hbm>> -> memref<128x100xf32, #tpu.memory_space<hbm>>
    tpu.enqueue_dma source(%dma_start3A_51 : memref<128x100xf32, #tpu.memory_space<hbm>>) target(%arg8 : memref<128x100xf32, #tpu.memory_space<vmem>>) target_semaphore(%arg13 : memref<!tpu.dma_semaphore, #tpu.memory_space<semaphore_mem>>)
    %add3A_52 = arith.constant 128 : i32
    %add3A_53 = arith.addi %mul3A_2, %add3A_52 : i32
    %dma_start3A_54 = arith.constant 0 : i32
    %dma_start3A_55 = tpu.memref_slice %arg3[%add3A_53, %dma_start3A_54] : memref<16384x100xf32, #tpu.memory_space<hbm>> -> memref<128x100xf32, #tpu.memory_space<hbm>>
    %dma_start3A_56 = arith.constant 0 : i32
    %dma_start3A_57 = tpu.memref_slice %arg3[%add3A_53, %dma_start3A_56] : memref<16384x100xf32, #tpu.memory_space<hbm>> -> memref<128x100xf32, #tpu.memory_space<hbm>>
    tpu.enqueue_dma source(%dma_start3A_57 : memref<128x100xf32, #tpu.memory_space<hbm>>) target(%arg9 : memref<128x100xf32, #tpu.memory_space<vmem>>) target_semaphore(%arg13 : memref<!tpu.dma_semaphore, #tpu.memory_space<semaphore_mem>>)
    %dma_wait3A = arith.constant 0 : i32
    %dma_wait3A_58 = tpu.memref_slice %arg2[%add3A_4, %dma_wait3A] : memref<16384x100xf32, #tpu.memory_space<hbm>> -> memref<128x100xf32, #tpu.memory_space<hbm>>
    %dma_wait3A_59 = arith.constant 0 : i32
    %dma_wait3A_60 = tpu.memref_slice %arg2[%add3A_4, %dma_wait3A_59] : memref<16384x100xf32, #tpu.memory_space<hbm>> -> memref<128x100xf32, #tpu.memory_space<hbm>>
    tpu.wait_dma2 semaphore(%arg12 : memref<!tpu.dma_semaphore, #tpu.memory_space<semaphore_mem>>) src(%dma_wait3A_60 : memref<128x100xf32, #tpu.memory_space<hbm>>) dst(%arg6 : memref<128x100xf32, #tpu.memory_space<vmem>>)
    %dma_wait3A_61 = arith.constant 0 : i32
    %dma_wait3A_62 = tpu.memref_slice %arg3[%add3A_9, %dma_wait3A_61] : memref<16384x100xf32, #tpu.memory_space<hbm>> -> memref<128x100xf32, #tpu.memory_space<hbm>>
    %dma_wait3A_63 = arith.constant 0 : i32
    %dma_wait3A_64 = tpu.memref_slice %arg3[%add3A_9, %dma_wait3A_63] : memref<16384x100xf32, #tpu.memory_space<hbm>> -> memref<128x100xf32, #tpu.memory_space<hbm>>
    tpu.wait_dma2 semaphore(%arg12 : memref<!tpu.dma_semaphore, #tpu.memory_space<semaphore_mem>>) src(%dma_wait3A_64 : memref<128x100xf32, #tpu.memory_space<hbm>>) dst(%arg7 : memref<128x100xf32, #tpu.memory_space<vmem>>)
    %parallel_loop3A = arith.constant 0 : i32
    %parallel_loop3A_65 = arith.constant 128 : i32
    %parallel_loop3A_66 = arith.constant 1 : i32
    scf.for %parallel_loop3A_124 = %parallel_loop3A to %parallel_loop3A_65 step %parallel_loop3A_66  : i32 {
      %parallel_loop3A_125 = arith.index_cast %parallel_loop3A_124 : i32 to index
      %parallel_loop3A_126 = arith.constant 0 : index
      %parallel_loop3A_127 = tpu.vector_load %arg6[%parallel_loop3A_125, %parallel_loop3A_126] {strides = array<i32>} : memref<128x100xf32, #tpu.memory_space<vmem>>, vector<16xf32>,
      %parallel_loop3A_128 = arith.index_cast %parallel_loop3A_124 : i32 to index
      %parallel_loop3A_129 = arith.constant 16 : index
      %parallel_loop3A_130 = tpu.vector_load %arg6[%parallel_loop3A_128, %parallel_loop3A_129] {strides = array<i32>} : memref<128x100xf32, #tpu.memory_space<vmem>>, vector<16xf32>,
      %parallel_loop3A_131 = arith.index_cast %parallel_loop3A_124 : i32 to index
      %parallel_loop3A_132 = arith.constant 32 : index
      %parallel_loop3A_133 = tpu.vector_load %arg6[%parallel_loop3A_131, %parallel_loop3A_132] {strides = array<i32>} : memref<128x100xf32, #tpu.memory_space<vmem>>, vector<16xf32>,
      %parallel_loop3A_134 = arith.index_cast %parallel_loop3A_124 : i32 to index
      %parallel_loop3A_135 = arith.constant 48 : index
      %parallel_loop3A_136 = tpu.vector_load %arg6[%parallel_loop3A_134, %parallel_loop3A_135] {strides = array<i32>} : memref<128x100xf32, #tpu.memory_space<vmem>>, vector<16xf32>,
      %parallel_loop3A_137 = arith.index_cast %parallel_loop3A_124 : i32 to index
      %parallel_loop3A_138 = arith.constant 64 : index
      %parallel_loop3A_139 = tpu.vector_load %arg6[%parallel_loop3A_137, %parallel_loop3A_138] {strides = array<i32>} : memref<128x100xf32, #tpu.memory_space<vmem>>, vector<16xf32>,
      %parallel_loop3A_140 = arith.index_cast %parallel_loop3A_124 : i32 to index
      %parallel_loop3A_141 = arith.constant 80 : index
      %parallel_loop3A_142 = tpu.vector_load %arg6[%parallel_loop3A_140, %parallel_loop3A_141] {strides = array<i32>} : memref<128x100xf32, #tpu.memory_space<vmem>>, vector<16xf32>,
      %parallel_loop3A_143 = arith.index_cast %parallel_loop3A_124 : i32 to index
      %parallel_loop3A_144 = arith.constant 84 : index
      %parallel_loop3A_145 = tpu.vector_load %arg6[%parallel_loop3A_143, %parallel_loop3A_144] {strides = array<i32>} : memref<128x100xf32, #tpu.memory_space<vmem>>, vector<16xf32>,
      %parallel_loop3A_146 = arith.index_cast %parallel_loop3A_124 : i32 to index
      %parallel_loop3A_147 = arith.constant 0 : index
      %parallel_loop3A_148 = tpu.vector_load %arg7[%parallel_loop3A_146, %parallel_loop3A_147] {strides = array<i32>} : memref<128x100xf32, #tpu.memory_space<vmem>>, vector<16xf32>,
      %parallel_loop3A_149 = arith.constant 0 : index
      %parallel_loop3A_150 = tpu.vector_load %arg11[%parallel_loop3A_149] {strides = array<i32>} : memref<112xf32, #tpu.memory_space<vmem>>, vector<16xf32>,
      tpu.vector_store %arg11[%parallel_loop3A_149], %parallel_loop3A_148 {add = true, strides = array<i32>} : memref<112xf32, #tpu.memory_space<vmem>>, vector<16xf32>,
      %parallel_loop3A_151 = arith.index_cast %parallel_loop3A_124 : i32 to index
      %parallel_loop3A_152 = arith.constant 16 : index
      %parallel_loop3A_153 = tpu.vector_load %arg7[%parallel_loop3A_151, %parallel_loop3A_152] {strides = array<i32>} : memref<128x100xf32, #tpu.memory_space<vmem>>, vector<16xf32>,
      %parallel_loop3A_154 = arith.constant 16 : index
      %parallel_loop3A_155 = tpu.vector_load %arg11[%parallel_loop3A_154] {strides = array<i32>} : memref<112xf32, #tpu.memory_space<vmem>>, vector<16xf32>,
      tpu.vector_store %arg11[%parallel_loop3A_154], %parallel_loop3A_153 {add = true, strides = array<i32>} : memref<112xf32, #tpu.memory_space<vmem>>, vector<16xf32>,
      %parallel_loop3A_156 = arith.addf %parallel_loop3A_148, %parallel_loop3A_153 : vector<16xf32>
      %parallel_loop3A_157 = arith.index_cast %parallel_loop3A_124 : i32 to index
      %parallel_loop3A_158 = arith.constant 32 : index
      %parallel_loop3A_159 = tpu.vector_load %arg7[%parallel_loop3A_157, %parallel_loop3A_158] {strides = array<i32>} : memref<128x100xf32, #tpu.memory_space<vmem>>, vector<16xf32>,
      %parallel_loop3A_160 = arith.constant 32 : index
      %parallel_loop3A_161 = tpu.vector_load %arg11[%parallel_loop3A_160] {strides = array<i32>} : memref<112xf32, #tpu.memory_space<vmem>>, vector<16xf32>,
      tpu.vector_store %arg11[%parallel_loop3A_160], %parallel_loop3A_159 {add = true, strides = array<i32>} : memref<112xf32, #tpu.memory_space<vmem>>, vector<16xf32>,
      %parallel_loop3A_162 = arith.addf %parallel_loop3A_156, %parallel_loop3A_159 : vector<16xf32>
      %parallel_loop3A_163 = arith.index_cast %parallel_loop3A_124 : i32 to index
      %parallel_loop3A_164 = arith.constant 48 : index
      %parallel_loop3A_165 = tpu.vector_load %arg7[%parallel_loop3A_163, %parallel_loop3A_164] {strides = array<i32>} : memref<128x100xf32, #tpu.memory_space<vmem>>, vector<16xf32>,
      %parallel_loop3A_166 = arith.constant 48 : index
      %parallel_loop3A_167 = tpu.vector_load %arg11[%parallel_loop3A_166] {strides = array<i32>} : memref<112xf32, #tpu.memory_space<vmem>>, vector<16xf32>,
      tpu.vector_store %arg11[%parallel_loop3A_166], %parallel_loop3A_165 {add = true, strides = array<i32>} : memref<112xf32, #tpu.memory_space<vmem>>, vector<16xf32>,
      %parallel_loop3A_168 = arith.addf %parallel_loop3A_162, %parallel_loop3A_165 : vector<16xf32>
      %parallel_loop3A_169 = arith.index_cast %parallel_loop3A_124 : i32 to index
      %parallel_loop3A_170 = arith.constant 64 : index
      %parallel_loop3A_171 = tpu.vector_load %arg7[%parallel_loop3A_169, %parallel_loop3A_170] {strides = array<i32>} : memref<128x100xf32, #tpu.memory_space<vmem>>, vector<16xf32>,
      %parallel_loop3A_172 = arith.constant 64 : index
      %parallel_loop3A_173 = tpu.vector_load %arg11[%parallel_loop3A_172] {strides = array<i32>} : memref<112xf32, #tpu.memory_space<vmem>>, vector<16xf32>,
      tpu.vector_store %arg11[%parallel_loop3A_172], %parallel_loop3A_171 {add = true, strides = array<i32>} : memref<112xf32, #tpu.memory_space<vmem>>, vector<16xf32>,
      %parallel_loop3A_174 = arith.addf %parallel_loop3A_168, %parallel_loop3A_171 : vector<16xf32>
      %parallel_loop3A_175 = arith.index_cast %parallel_loop3A_124 : i32 to index
      %parallel_loop3A_176 = arith.constant 80 : index
      %parallel_loop3A_177 = tpu.vector_load %arg7[%parallel_loop3A_175, %parallel_loop3A_176] {strides = array<i32>} : memref<128x100xf32, #tpu.memory_space<vmem>>, vector<16xf32>,
      %parallel_loop3A_178 = arith.constant 80 : index
      %parallel_loop3A_179 = tpu.vector_load %arg11[%parallel_loop3A_178] {strides = array<i32>} : memref<112xf32, #tpu.memory_space<vmem>>, vector<16xf32>,
      tpu.vector_store %arg11[%parallel_loop3A_178], %parallel_loop3A_177 {add = true, strides = array<i32>} : memref<112xf32, #tpu.memory_space<vmem>>, vector<16xf32>,
      %parallel_loop3A_180 = arith.addf %parallel_loop3A_174, %parallel_loop3A_177 : vector<16xf32>
      %parallel_loop3A_181 = arith.index_cast %parallel_loop3A_124 : i32 to index
      %parallel_loop3A_182 = arith.constant 84 : index
      %parallel_loop3A_183 = tpu.vector_load %arg7[%parallel_loop3A_181, %parallel_loop3A_182] {strides = array<i32>} : memref<128x100xf32, #tpu.memory_space<vmem>>, vector<16xf32>,
      %parallel_loop3A_184 = arith.select %ge3A_15, %parallel_loop3A_183, %broadcast_in_dim3A_18 : vector<16xi1>, vector<16xf32>
      %parallel_loop3A_185 = arith.constant 84 : index
      %parallel_loop3A_186 = tpu.vector_load %arg11[%parallel_loop3A_185] {strides = array<i32>} : memref<112xf32, #tpu.memory_space<vmem>>, vector<16xf32>,
      tpu.vector_store %arg11[%parallel_loop3A_185], %parallel_loop3A_184 {add = true, strides = array<i32>} : memref<112xf32, #tpu.memory_space<vmem>>, vector<16xf32>,
      %parallel_loop3A_187 = arith.addf %parallel_loop3A_180, %parallel_loop3A_184 : vector<16xf32>
      %parallel_loop3A_188 = arith.constant true
      %parallel_loop3A_189 = vector.broadcast %parallel_loop3A_188 : i1 to vector<16xi1>
      %parallel_loop3A_190 = tpu.scan <sum>, %parallel_loop3A_187 masked %parallel_loop3A_189 : vector<16xf32>, vector<16xi1> -> vector<16xf32>
      %parallel_loop3A_191 = vector.extract %parallel_loop3A_190[15] : f32 from vector<16xf32>
      %parallel_loop3A_192 = arith.fptosi %parallel_loop3A_191 : f32 to i32
      %parallel_loop3A_193 = arith.constant 1 : i32
      %parallel_loop3A_194 = arith.constant 100 : i32
      %parallel_loop3A_195 = arith.maxsi %parallel_loop3A_193, %parallel_loop3A_192 : i32
      %parallel_loop3A_196 = arith.minsi %parallel_loop3A_194, %parallel_loop3A_195 : i32
      %parallel_loop3A_197 = arith.constant 128 : i32
      %parallel_loop3A_198 = vector.broadcast %parallel_loop3A_197 : i32 to vector<16xi32>
      %parallel_loop3A_199 = vector.broadcast %parallel_loop3A_196 : i32 to vector<16xi32>
      %parallel_loop3A_200 = arith.subi %parallel_loop3A_198, %parallel_loop3A_199 : vector<16xi32>
      %parallel_loop3A_201 = arith.select %ge3A_15, %parallel_loop3A_145, %broadcast_in_dim3A_16 : vector<16xi1>, vector<16xf32>
      %parallel_loop3A_202 = arith.constant dense<true> : vector<16xi1>
      %parallel_loop3A_203, %parallel_loop3A_204, %parallel_loop3A_205 = tpu.sort %parallel_loop3A_127, %parallel_loop3A_127 masked %parallel_loop3A_202 : (vector<16xf32>, vector<16xf32>, vector<16xi1>) -> (vector<16xi1>, vector<16xf32>, vector<16xf32>)
      %parallel_loop3A_206 = arith.constant dense<true> : vector<16xi1>
      %parallel_loop3A_207, %parallel_loop3A_208, %parallel_loop3A_209 = tpu.sort %parallel_loop3A_130, %parallel_loop3A_130 masked %parallel_loop3A_206 {descending = true} : (vector<16xf32>, vector<16xf32>, vector<16xi1>) -> (vector<16xi1>, vector<16xf32>, vector<16xf32>)
      %parallel_loop3A_210 = arith.constant dense<true> : vector<16xi1>
      %parallel_loop3A_211, %parallel_loop3A_212, %parallel_loop3A_213 = tpu.sort %parallel_loop3A_133, %parallel_loop3A_133 masked %parallel_loop3A_210 {descending = true} : (vector<16xf32>, vector<16xf32>, vector<16xi1>) -> (vector<16xi1>, vector<16xf32>, vector<16xf32>)
      %parallel_loop3A_214 = arith.constant dense<true> : vector<16xi1>
      %parallel_loop3A_215, %parallel_loop3A_216, %parallel_loop3A_217 = tpu.sort %parallel_loop3A_136, %parallel_loop3A_136 masked %parallel_loop3A_214 : (vector<16xf32>, vector<16xf32>, vector<16xi1>) -> (vector<16xi1>, vector<16xf32>, vector<16xf32>)
      %parallel_loop3A_218 = arith.constant dense<true> : vector<16xi1>
      %parallel_loop3A_219, %parallel_loop3A_220, %parallel_loop3A_221 = tpu.sort %parallel_loop3A_139, %parallel_loop3A_139 masked %parallel_loop3A_218 {descending = true} : (vector<16xf32>, vector<16xf32>, vector<16xi1>) -> (vector<16xi1>, vector<16xf32>, vector<16xf32>)
      %parallel_loop3A_222 = arith.constant dense<true> : vector<16xi1>
      %parallel_loop3A_223, %parallel_loop3A_224, %parallel_loop3A_225 = tpu.sort %parallel_loop3A_142, %parallel_loop3A_142 masked %parallel_loop3A_222 : (vector<16xf32>, vector<16xf32>, vector<16xi1>) -> (vector<16xi1>, vector<16xf32>, vector<16xf32>)
      %parallel_loop3A_226 = arith.constant dense<true> : vector<16xi1>
      %parallel_loop3A_227, %parallel_loop3A_228, %parallel_loop3A_229 = tpu.sort %parallel_loop3A_201, %parallel_loop3A_201 masked %parallel_loop3A_226 : (vector<16xf32>, vector<16xf32>, vector<16xi1>) -> (vector<16xi1>, vector<16xf32>, vector<16xf32>)
      %parallel_loop3A_230 = arith.minimumf %parallel_loop3A_204, %parallel_loop3A_208 : vector<16xf32>
      %parallel_loop3A_231 = arith.maximumf %parallel_loop3A_204, %parallel_loop3A_208 : vector<16xf32>
      %parallel_loop3A_232 = arith.constant dense<true> : vector<16xi1>
      %parallel_loop3A_233, %parallel_loop3A_234, %parallel_loop3A_235 = tpu.sort %parallel_loop3A_230, %parallel_loop3A_230 masked %parallel_loop3A_232 : (vector<16xf32>, vector<16xf32>, vector<16xi1>) -> (vector<16xi1>, vector<16xf32>, vector<16xf32>)
      %parallel_loop3A_236 = arith.constant dense<true> : vector<16xi1>
      %parallel_loop3A_237, %parallel_loop3A_238, %parallel_loop3A_239 = tpu.sort %parallel_loop3A_231, %parallel_loop3A_231 masked %parallel_loop3A_236 : (vector<16xf32>, vector<16xf32>, vector<16xi1>) -> (vector<16xi1>, vector<16xf32>, vector<16xf32>)
      %parallel_loop3A_240 = arith.minimumf %parallel_loop3A_212, %parallel_loop3A_216 : vector<16xf32>
      %parallel_loop3A_241 = arith.maximumf %parallel_loop3A_212, %parallel_loop3A_216 : vector<16xf32>
      %parallel_loop3A_242 = arith.constant dense<true> : vector<16xi1>
      %parallel_loop3A_243, %parallel_loop3A_244, %parallel_loop3A_245 = tpu.sort %parallel_loop3A_241, %parallel_loop3A_241 masked %parallel_loop3A_242 {descending = true} : (vector<16xf32>, vector<16xf32>, vector<16xi1>) -> (vector<16xi1>, vector<16xf32>, vector<16xf32>)
      %parallel_loop3A_246 = arith.constant dense<true> : vector<16xi1>
      %parallel_loop3A_247, %parallel_loop3A_248, %parallel_loop3A_249 = tpu.sort %parallel_loop3A_240, %parallel_loop3A_240 masked %parallel_loop3A_246 {descending = true} : (vector<16xf32>, vector<16xf32>, vector<16xi1>) -> (vector<16xi1>, vector<16xf32>, vector<16xf32>)
      %parallel_loop3A_250 = arith.minimumf %parallel_loop3A_220, %parallel_loop3A_224 : vector<16xf32>
      %parallel_loop3A_251 = arith.maximumf %parallel_loop3A_220, %parallel_loop3A_224 : vector<16xf32>
      %parallel_loop3A_252 = arith.constant dense<true> : vector<16xi1>
      %parallel_loop3A_253, %parallel_loop3A_254, %parallel_loop3A_255 = tpu.sort %parallel_loop3A_251, %parallel_loop3A_251 masked %parallel_loop3A_252 {descending = true} : (vector<16xf32>, vector<16xf32>, vector<16xi1>) -> (vector<16xi1>, vector<16xf32>, vector<16xf32>)
      %parallel_loop3A_256 = arith.constant dense<true> : vector<16xi1>
      %parallel_loop3A_257, %parallel_loop3A_258, %parallel_loop3A_259 = tpu.sort %parallel_loop3A_250, %parallel_loop3A_250 masked %parallel_loop3A_256 {descending = true} : (vector<16xf32>, vector<16xf32>, vector<16xi1>) -> (vector<16xi1>, vector<16xf32>, vector<16xf32>)
      %parallel_loop3A_260 = arith.minimumf %parallel_loop3A_234, %parallel_loop3A_244 : vector<16xf32>
      %parallel_loop3A_261 = arith.minimumf %parallel_loop3A_238, %parallel_loop3A_248 : vector<16xf32>
      %parallel_loop3A_262 = arith.maximumf %parallel_loop3A_234, %parallel_loop3A_244 : vector<16xf32>
      %parallel_loop3A_263 = arith.maximumf %parallel_loop3A_238, %parallel_loop3A_248 : vector<16xf32>
      %parallel_loop3A_264 = arith.minimumf %parallel_loop3A_260, %parallel_loop3A_261 : vector<16xf32>
      %parallel_loop3A_265 = arith.constant dense<true> : vector<16xi1>
      %parallel_loop3A_266, %parallel_loop3A_267, %parallel_loop3A_268 = tpu.sort %parallel_loop3A_264, %parallel_loop3A_264 masked %parallel_loop3A_265 : (vector<16xf32>, vector<16xf32>, vector<16xi1>) -> (vector<16xi1>, vector<16xf32>, vector<16xf32>)
      %parallel_loop3A_269 = arith.maximumf %parallel_loop3A_260, %parallel_loop3A_261 : vector<16xf32>
      %parallel_loop3A_270 = arith.constant dense<true> : vector<16xi1>
      %parallel_loop3A_271, %parallel_loop3A_272, %parallel_loop3A_273 = tpu.sort %parallel_loop3A_269, %parallel_loop3A_269 masked %parallel_loop3A_270 : (vector<16xf32>, vector<16xf32>, vector<16xi1>) -> (vector<16xi1>, vector<16xf32>, vector<16xf32>)
      %parallel_loop3A_274 = arith.minimumf %parallel_loop3A_262, %parallel_loop3A_263 : vector<16xf32>
      %parallel_loop3A_275 = arith.constant dense<true> : vector<16xi1>
      %parallel_loop3A_276, %parallel_loop3A_277, %parallel_loop3A_278 = tpu.sort %parallel_loop3A_274, %parallel_loop3A_274 masked %parallel_loop3A_275 : (vector<16xf32>, vector<16xf32>, vector<16xi1>) -> (vector<16xi1>, vector<16xf32>, vector<16xf32>)
      %parallel_loop3A_279 = arith.maximumf %parallel_loop3A_262, %parallel_loop3A_263 : vector<16xf32>
      %parallel_loop3A_280 = arith.constant dense<true> : vector<16xi1>
      %parallel_loop3A_281, %parallel_loop3A_282, %parallel_loop3A_283 = tpu.sort %parallel_loop3A_279, %parallel_loop3A_279 masked %parallel_loop3A_280 : (vector<16xf32>, vector<16xf32>, vector<16xi1>) -> (vector<16xi1>, vector<16xf32>, vector<16xf32>)
      %parallel_loop3A_284 = arith.maximumf %parallel_loop3A_258, %parallel_loop3A_228 : vector<16xf32>
      %parallel_loop3A_285 = arith.minimumf %parallel_loop3A_258, %parallel_loop3A_228 : vector<16xf32>
      %parallel_loop3A_286 = arith.maximumf %parallel_loop3A_254, %parallel_loop3A_284 : vector<16xf32>
      %parallel_loop3A_287 = arith.constant dense<true> : vector<16xi1>
      %parallel_loop3A_288, %parallel_loop3A_289, %parallel_loop3A_290 = tpu.sort %parallel_loop3A_286, %parallel_loop3A_286 masked %parallel_loop3A_287 {descending = true} : (vector<16xf32>, vector<16xf32>, vector<16xi1>) -> (vector<16xi1>, vector<16xf32>, vector<16xf32>)
      %parallel_loop3A_291 = arith.minimumf %parallel_loop3A_254, %parallel_loop3A_284 : vector<16xf32>
      %parallel_loop3A_292 = arith.constant dense<true> : vector<16xi1>
      %parallel_loop3A_293, %parallel_loop3A_294, %parallel_loop3A_295 = tpu.sort %parallel_loop3A_291, %parallel_loop3A_291 masked %parallel_loop3A_292 {descending = true} : (vector<16xf32>, vector<16xf32>, vector<16xi1>) -> (vector<16xi1>, vector<16xf32>, vector<16xf32>)
      %parallel_loop3A_296 = arith.constant dense<true> : vector<16xi1>
      %parallel_loop3A_297, %parallel_loop3A_298, %parallel_loop3A_299 = tpu.sort %parallel_loop3A_285, %parallel_loop3A_285 masked %parallel_loop3A_296 {descending = true} : (vector<16xf32>, vector<16xf32>, vector<16xi1>) -> (vector<16xi1>, vector<16xf32>, vector<16xf32>)
      %parallel_loop3A_300 = arith.minimumf %parallel_loop3A_267, %parallel_loop3A_289 : vector<16xf32>
      %parallel_loop3A_301 = arith.minimumf %parallel_loop3A_272, %parallel_loop3A_294 : vector<16xf32>
      %parallel_loop3A_302 = arith.minimumf %parallel_loop3A_277, %parallel_loop3A_298 : vector<16xf32>
      %parallel_loop3A_303 = arith.maximumf %parallel_loop3A_267, %parallel_loop3A_289 : vector<16xf32>
      %parallel_loop3A_304 = arith.maximumf %parallel_loop3A_272, %parallel_loop3A_294 : vector<16xf32>
      %parallel_loop3A_305 = arith.maximumf %parallel_loop3A_277, %parallel_loop3A_298 : vector<16xf32>
      %parallel_loop3A_306 = arith.minimumf %parallel_loop3A_303, %parallel_loop3A_305 : vector<16xf32>
      %parallel_loop3A_307 = arith.minimumf %parallel_loop3A_304, %parallel_loop3A_282 : vector<16xf32>
      %parallel_loop3A_308 = arith.maximumf %parallel_loop3A_303, %parallel_loop3A_305 : vector<16xf32>
      %parallel_loop3A_309 = arith.maximumf %parallel_loop3A_304, %parallel_loop3A_282 : vector<16xf32>
      %parallel_loop3A_310 = arith.minimumf %parallel_loop3A_306, %parallel_loop3A_307 : vector<16xf32>
      %parallel_loop3A_311 = arith.maximumf %parallel_loop3A_306, %parallel_loop3A_307 : vector<16xf32>
      %parallel_loop3A_312 = arith.minimumf %parallel_loop3A_308, %parallel_loop3A_309 : vector<16xf32>
      %parallel_loop3A_313 = arith.maximumf %parallel_loop3A_308, %parallel_loop3A_309 : vector<16xf32>
      %parallel_loop3A_314 = arith.minimumf %parallel_loop3A_300, %parallel_loop3A_302 : vector<16xf32>
      %parallel_loop3A_315 = arith.maximumf %parallel_loop3A_300, %parallel_loop3A_302 : vector<16xf32>
      %parallel_loop3A_316 = arith.minimumf %parallel_loop3A_315, %parallel_loop3A_301 : vector<16xf32>
      %parallel_loop3A_317 = arith.maximumf %parallel_loop3A_315, %parallel_loop3A_301 : vector<16xf32>
      %parallel_loop3A_318 = arith.constant 4 : i32
      %parallel_loop3A_319 = vector.broadcast %parallel_loop3A_318 : i32 to vector<16xi32>
      %parallel_loop3A_320 = arith.shrsi %parallel_loop3A_200, %parallel_loop3A_319 : vector<16xi32>
      %parallel_loop3A_321 = arith.constant 1 : i32
      %parallel_loop3A_322 = vector.broadcast %parallel_loop3A_321 : i32 to vector<16xi32>
      %parallel_loop3A_323 = arith.cmpi sle, %parallel_loop3A_320, %parallel_loop3A_322 : vector<16xi32>
      %parallel_loop3A_324 = arith.select %parallel_loop3A_323, %parallel_loop3A_314, %parallel_loop3A_316 : vector<16xi1>, vector<16xf32>
      %parallel_loop3A_325 = arith.constant 3 : i32
      %parallel_loop3A_326 = vector.broadcast %parallel_loop3A_325 : i32 to vector<16xi32>
      %parallel_loop3A_327 = arith.cmpi sle, %parallel_loop3A_320, %parallel_loop3A_326 : vector<16xi32>
      %parallel_loop3A_328 = arith.select %parallel_loop3A_327, %parallel_loop3A_317, %parallel_loop3A_310 : vector<16xi1>, vector<16xf32>
      %parallel_loop3A_329 = arith.constant 5 : i32
      %parallel_loop3A_330 = vector.broadcast %parallel_loop3A_329 : i32 to vector<16xi32>
      %parallel_loop3A_331 = arith.cmpi sle, %parallel_loop3A_320, %parallel_loop3A_330 : vector<16xi32>
      %parallel_loop3A_332 = arith.select %parallel_loop3A_331, %parallel_loop3A_311, %parallel_loop3A_312 : vector<16xi1>, vector<16xf32>
      %parallel_loop3A_333 = arith.constant 2 : i32
      %parallel_loop3A_334 = vector.broadcast %parallel_loop3A_333 : i32 to vector<16xi32>
      %parallel_loop3A_335 = arith.cmpi sle, %parallel_loop3A_320, %parallel_loop3A_334 : vector<16xi32>
      %parallel_loop3A_336 = arith.select %parallel_loop3A_335, %parallel_loop3A_324, %parallel_loop3A_328 : vector<16xi1>, vector<16xf32>
      %parallel_loop3A_337 = arith.constant 6 : i32
      %parallel_loop3A_338 = vector.broadcast %parallel_loop3A_337 : i32 to vector<16xi32>
      %parallel_loop3A_339 = arith.cmpi sle, %parallel_loop3A_320, %parallel_loop3A_338 : vector<16xi32>
      %parallel_loop3A_340 = arith.select %parallel_loop3A_339, %parallel_loop3A_332, %parallel_loop3A_313 : vector<16xi1>, vector<16xf32>
      %parallel_loop3A_341 = arith.constant 4 : i32
      %parallel_loop3A_342 = vector.broadcast %parallel_loop3A_341 : i32 to vector<16xi32>
      %parallel_loop3A_343 = arith.cmpi sle, %parallel_loop3A_320, %parallel_loop3A_342 : vector<16xi32>
      %parallel_loop3A_344 = arith.select %parallel_loop3A_343, %parallel_loop3A_336, %parallel_loop3A_340 : vector<16xi1>, vector<16xf32>
      %parallel_loop3A_345 = arith.constant dense<true> : vector<16xi1>
      %parallel_loop3A_346, %parallel_loop3A_347, %parallel_loop3A_348 = tpu.sort %parallel_loop3A_344, %parallel_loop3A_344 masked %parallel_loop3A_345 : (vector<16xf32>, vector<16xf32>, vector<16xi1>) -> (vector<16xi1>, vector<16xf32>, vector<16xf32>)
      %parallel_loop3A_349 = arith.constant 15 : i32
      %parallel_loop3A_350 = vector.broadcast %parallel_loop3A_349 : i32 to vector<16xi32>
      %parallel_loop3A_351 = arith.andi %parallel_loop3A_200, %parallel_loop3A_350 : vector<16xi32>
      %parallel_loop3A_352 = vector.shape_cast %parallel_loop3A_351 : vector<16xi32> to vector<16x1xi32>
      %parallel_loop3A_353 = vector.shape_cast %parallel_loop3A_352 : vector<16x1xi32> to vector<16xi32>
      %parallel_loop3A_354 = tpu.dynamic_gather %parallel_loop3A_347[%parallel_loop3A_353] in [0] : vector<16xf32>, vector<16xi32> -> vector<16xf32>
      %parallel_loop3A_355 = arith.index_cast %parallel_loop3A_124 : i32 to index
      %parallel_loop3A_356 = arith.constant 0 : index
      %parallel_loop3A_357 = tpu.vector_load %arg7[%parallel_loop3A_355, %parallel_loop3A_356] {strides = array<i32>} : memref<128x100xf32, #tpu.memory_space<vmem>>, vector<16xf32>,
      %parallel_loop3A_358 = arith.cmpf oge, %parallel_loop3A_127, %parallel_loop3A_354 : vector<16xf32>
      %parallel_loop3A_359 = arith.select %parallel_loop3A_358, %parallel_loop3A_357, %broadcast_in_dim3A_18 : vector<16xi1>, vector<16xf32>
      %parallel_loop3A_360 = arith.constant 0 : index
      %parallel_loop3A_361 = tpu.vector_load %arg10[%parallel_loop3A_360] {strides = array<i32>} : memref<112xf32, #tpu.memory_space<vmem>>, vector<16xf32>,
      tpu.vector_store %arg10[%parallel_loop3A_360], %parallel_loop3A_359 {add = true, strides = array<i32>} : memref<112xf32, #tpu.memory_space<vmem>>, vector<16xf32>,
      %parallel_loop3A_362 = arith.index_cast %parallel_loop3A_124 : i32 to index
      %parallel_loop3A_363 = arith.constant 16 : index
      %parallel_loop3A_364 = tpu.vector_load %arg7[%parallel_loop3A_362, %parallel_loop3A_363] {strides = array<i32>} : memref<128x100xf32, #tpu.memory_space<vmem>>, vector<16xf32>,
      %parallel_loop3A_365 = arith.cmpf oge, %parallel_loop3A_130, %parallel_loop3A_354 : vector<16xf32>
      %parallel_loop3A_366 = arith.select %parallel_loop3A_365, %parallel_loop3A_364, %broadcast_in_dim3A_18 : vector<16xi1>, vector<16xf32>
      %parallel_loop3A_367 = arith.constant 16 : index
      %parallel_loop3A_368 = tpu.vector_load %arg10[%parallel_loop3A_367] {strides = array<i32>} : memref<112xf32, #tpu.memory_space<vmem>>, vector<16xf32>,
      tpu.vector_store %arg10[%parallel_loop3A_367], %parallel_loop3A_366 {add = true, strides = array<i32>} : memref<112xf32, #tpu.memory_space<vmem>>, vector<16xf32>,
      %parallel_loop3A_369 = arith.index_cast %parallel_loop3A_124 : i32 to index
      %parallel_loop3A_370 = arith.constant 32 : index
      %parallel_loop3A_371 = tpu.vector_load %arg7[%parallel_loop3A_369, %parallel_loop3A_370] {strides = array<i32>} : memref<128x100xf32, #tpu.memory_space<vmem>>, vector<16xf32>,
      %parallel_loop3A_372 = arith.cmpf oge, %parallel_loop3A_133, %parallel_loop3A_354 : vector<16xf32>
      %parallel_loop3A_373 = arith.select %parallel_loop3A_372, %parallel_loop3A_371, %broadcast_in_dim3A_18 : vector<16xi1>, vector<16xf32>
      %parallel_loop3A_374 = arith.constant 32 : index
      %parallel_loop3A_375 = tpu.vector_load %arg10[%parallel_loop3A_374] {strides = array<i32>} : memref<112xf32, #tpu.memory_space<vmem>>, vector<16xf32>,
      tpu.vector_store %arg10[%parallel_loop3A_374], %parallel_loop3A_373 {add = true, strides = array<i32>} : memref<112xf32, #tpu.memory_space<vmem>>, vector<16xf32>,
      %parallel_loop3A_376 = arith.index_cast %parallel_loop3A_124 : i32 to index
      %parallel_loop3A_377 = arith.constant 48 : index
      %parallel_loop3A_378 = tpu.vector_load %arg7[%parallel_loop3A_376, %parallel_loop3A_377] {strides = array<i32>} : memref<128x100xf32, #tpu.memory_space<vmem>>, vector<16xf32>,
      %parallel_loop3A_379 = arith.cmpf oge, %parallel_loop3A_136, %parallel_loop3A_354 : vector<16xf32>
      %parallel_loop3A_380 = arith.select %parallel_loop3A_379, %parallel_loop3A_378, %broadcast_in_dim3A_18 : vector<16xi1>, vector<16xf32>
      %parallel_loop3A_381 = arith.constant 48 : index
      %parallel_loop3A_382 = tpu.vector_load %arg10[%parallel_loop3A_381] {strides = array<i32>} : memref<112xf32, #tpu.memory_space<vmem>>, vector<16xf32>,
      tpu.vector_store %arg10[%parallel_loop3A_381], %parallel_loop3A_380 {add = true, strides = array<i32>} : memref<112xf32, #tpu.memory_space<vmem>>, vector<16xf32>,
      %parallel_loop3A_383 = arith.index_cast %parallel_loop3A_124 : i32 to index
      %parallel_loop3A_384 = arith.constant 64 : index
      %parallel_loop3A_385 = tpu.vector_load %arg7[%parallel_loop3A_383, %parallel_loop3A_384] {strides = array<i32>} : memref<128x100xf32, #tpu.memory_space<vmem>>, vector<16xf32>,
      %parallel_loop3A_386 = arith.cmpf oge, %parallel_loop3A_139, %parallel_loop3A_354 : vector<16xf32>
      %parallel_loop3A_387 = arith.select %parallel_loop3A_386, %parallel_loop3A_385, %broadcast_in_dim3A_18 : vector<16xi1>, vector<16xf32>
      %parallel_loop3A_388 = arith.constant 64 : index
      %parallel_loop3A_389 = tpu.vector_load %arg10[%parallel_loop3A_388] {strides = array<i32>} : memref<112xf32, #tpu.memory_space<vmem>>, vector<16xf32>,
      tpu.vector_store %arg10[%parallel_loop3A_388], %parallel_loop3A_387 {add = true, strides = array<i32>} : memref<112xf32, #tpu.memory_space<vmem>>, vector<16xf32>,
      %parallel_loop3A_390 = arith.index_cast %parallel_loop3A_124 : i32 to index
      %parallel_loop3A_391 = arith.constant 80 : index
      %parallel_loop3A_392 = tpu.vector_load %arg7[%parallel_loop3A_390, %parallel_loop3A_391] {strides = array<i32>} : memref<128x100xf32, #tpu.memory_space<vmem>>, vector<16xf32>,
      %parallel_loop3A_393 = arith.cmpf oge, %parallel_loop3A_142, %parallel_loop3A_354 : vector<16xf32>
      %parallel_loop3A_394 = arith.select %parallel_loop3A_393, %parallel_loop3A_392, %broadcast_in_dim3A_18 : vector<16xi1>, vector<16xf32>
      %parallel_loop3A_395 = arith.constant 80 : index
      %parallel_loop3A_396 = tpu.vector_load %arg10[%parallel_loop3A_395] {strides = array<i32>} : memref<112xf32, #tpu.memory_space<vmem>>, vector<16xf32>,
      tpu.vector_store %arg10[%parallel_loop3A_395], %parallel_loop3A_394 {add = true, strides = array<i32>} : memref<112xf32, #tpu.memory_space<vmem>>, vector<16xf32>,
      %parallel_loop3A_397 = arith.index_cast %parallel_loop3A_124 : i32 to index
      %parallel_loop3A_398 = arith.constant 84 : index
      %parallel_loop3A_399 = tpu.vector_load %arg7[%parallel_loop3A_397, %parallel_loop3A_398] {strides = array<i32>} : memref<128x100xf32, #tpu.memory_space<vmem>>, vector<16xf32>,
      %parallel_loop3A_400 = arith.select %ge3A_15, %parallel_loop3A_399, %broadcast_in_dim3A_18 : vector<16xi1>, vector<16xf32>
      %parallel_loop3A_401 = arith.cmpf oge, %parallel_loop3A_145, %parallel_loop3A_354 : vector<16xf32>
      %parallel_loop3A_402 = arith.select %parallel_loop3A_401, %parallel_loop3A_400, %broadcast_in_dim3A_18 : vector<16xi1>, vector<16xf32>
      %parallel_loop3A_403 = arith.constant 84 : index
      %parallel_loop3A_404 = tpu.vector_load %arg10[%parallel_loop3A_403] {strides = array<i32>} : memref<112xf32, #tpu.memory_space<vmem>>, vector<16xf32>,
      tpu.vector_store %arg10[%parallel_loop3A_403], %parallel_loop3A_402 {add = true, strides = array<i32>} : memref<112xf32, #tpu.memory_space<vmem>>, vector<16xf32>,
    } {sc.loop_unroll_factor = 2 : i64, sc.parallel_access}
    %add3A_67 = arith.constant 256 : i32
    %add3A_68 = arith.addi %mul3A_2, %add3A_67 : i32
    %dma_start3A_69 = arith.constant 0 : i32
    %dma_start3A_70 = tpu.memref_slice %arg2[%add3A_68, %dma_start3A_69] : memref<16384x100xf32, #tpu.memory_space<hbm>> -> memref<128x100xf32, #tpu.memory_space<hbm>>
    %dma_start3A_71 = arith.constant 0 : i32
    %dma_start3A_72 = tpu.memref_slice %arg2[%add3A_68, %dma_start3A_71] : memref<16384x100xf32, #tpu.memory_space<hbm>> -> memref<128x100xf32, #tpu.memory_space<hbm>>
    tpu.enqueue_dma source(%dma_start3A_72 : memref<128x100xf32, #tpu.memory_space<hbm>>) target(%arg6 : memref<128x100xf32, #tpu.memory_space<vmem>>) target_semaphore(%arg12 : memref<!tpu.dma_semaphore, #tpu.memory_space<semaphore_mem>>)
    %add3A_73 = arith.constant 256 : i32
    %add3A_74 = arith.addi %mul3A_2, %add3A_73 : i32
    %dma_start3A_75 = arith.constant 0 : i32
    %dma_start3A_76 = tpu.memref_slice %arg3[%add3A_74, %dma_start3A_75] : memref<16384x100xf32, #tpu.memory_space<hbm>> -> memref<128x100xf32, #tpu.memory_space<hbm>>
    %dma_start3A_77 = arith.constant 0 : i32
    %dma_start3A_78 = tpu.memref_slice %arg3[%add3A_74, %dma_start3A_77] : memref<16384x100xf32, #tpu.memory_space<hbm>> -> memref<128x100xf32, #tpu.memory_space<hbm>>
    tpu.enqueue_dma source(%dma_start3A_78 : memref<128x100xf32, #tpu.memory_space<hbm>>) target(%arg7 : memref<128x100xf32, #tpu.memory_space<vmem>>) target_semaphore(%arg12 : memref<!tpu.dma_semaphore, #tpu.memory_space<semaphore_mem>>)
    %dma_wait3A_79 = arith.constant 0 : i32
    %dma_wait3A_80 = tpu.memref_slice %arg2[%add3A_47, %dma_wait3A_79] : memref<16384x100xf32, #tpu.memory_space<hbm>> -> memref<128x100xf32, #tpu.memory_space<hbm>>
    %dma_wait3A_81 = arith.constant 0 : i32
    %dma_wait3A_82 = tpu.memref_slice %arg2[%add3A_47, %dma_wait3A_81] : memref<16384x100xf32, #tpu.memory_space<hbm>> -> memref<128x100xf32, #tpu.memory_space<hbm>>
    tpu.wait_dma2 semaphore(%arg13 : memref<!tpu.dma_semaphore, #tpu.memory_space<semaphore_mem>>) src(%dma_wait3A_82 : memref<128x100xf32, #tpu.memory_space<hbm>>) dst(%arg8 : memref<128x100xf32, #tpu.memory_space<vmem>>)
    %dma_wait3A_83 = arith.constant 0 : i32
    %dma_wait3A_84 = tpu.memref_slice %arg3[%add3A_53, %dma_wait3A_83] : memref<16384x100xf32, #tpu.memory_space<hbm>> -> memref<128x100xf32, #tpu.memory_space<hbm>>
    %dma_wait3A_85 = arith.constant 0 : i32
    %dma_wait3A_86 = tpu.memref_slice %arg3[%add3A_53, %dma_wait3A_85] : memref<16384x100xf32, #tpu.memory_space<hbm>> -> memref<128x100xf32, #tpu.memory_space<hbm>>
    tpu.wait_dma2 semaphore(%arg13 : memref<!tpu.dma_semaphore, #tpu.memory_space<semaphore_mem>>) src(%dma_wait3A_86 : memref<128x100xf32, #tpu.memory_space<hbm>>) dst(%arg9 : memref<128x100xf32, #tpu.memory_space<vmem>>)
    %parallel_loop3A_87 = arith.constant 0 : i32
    %parallel_loop3A_88 = arith.constant 128 : i32
    %parallel_loop3A_89 = arith.constant 1 : i32
    scf.for %parallel_loop3A_124 = %parallel_loop3A_87 to %parallel_loop3A_88 step %parallel_loop3A_89  : i32 {
      %parallel_loop3A_125 = arith.index_cast %parallel_loop3A_124 : i32 to index
      %parallel_loop3A_126 = arith.constant 0 : index
      %parallel_loop3A_127 = tpu.vector_load %arg8[%parallel_loop3A_125, %parallel_loop3A_126] {strides = array<i32>} : memref<128x100xf32, #tpu.memory_space<vmem>>, vector<16xf32>,
      %parallel_loop3A_128 = arith.index_cast %parallel_loop3A_124 : i32 to index
      %parallel_loop3A_129 = arith.constant 16 : index
      %parallel_loop3A_130 = tpu.vector_load %arg8[%parallel_loop3A_128, %parallel_loop3A_129] {strides = array<i32>} : memref<128x100xf32, #tpu.memory_space<vmem>>, vector<16xf32>,
      %parallel_loop3A_131 = arith.index_cast %parallel_loop3A_124 : i32 to index
      %parallel_loop3A_132 = arith.constant 32 : index
      %parallel_loop3A_133 = tpu.vector_load %arg8[%parallel_loop3A_131, %parallel_loop3A_132] {strides = array<i32>} : memref<128x100xf32, #tpu.memory_space<vmem>>, vector<16xf32>,
      %parallel_loop3A_134 = arith.index_cast %parallel_loop3A_124 : i32 to index
      %parallel_loop3A_135 = arith.constant 48 : index
      %parallel_loop3A_136 = tpu.vector_load %arg8[%parallel_loop3A_134, %parallel_loop3A_135] {strides = array<i32>} : memref<128x100xf32, #tpu.memory_space<vmem>>, vector<16xf32>,
      %parallel_loop3A_137 = arith.index_cast %parallel_loop3A_124 : i32 to index
      %parallel_loop3A_138 = arith.constant 64 : index
      %parallel_loop3A_139 = tpu.vector_load %arg8[%parallel_loop3A_137, %parallel_loop3A_138] {strides = array<i32>} : memref<128x100xf32, #tpu.memory_space<vmem>>, vector<16xf32>,
      %parallel_loop3A_140 = arith.index_cast %parallel_loop3A_124 : i32 to index
      %parallel_loop3A_141 = arith.constant 80 : index
      %parallel_loop3A_142 = tpu.vector_load %arg8[%parallel_loop3A_140, %parallel_loop3A_141] {strides = array<i32>} : memref<128x100xf32, #tpu.memory_space<vmem>>, vector<16xf32>,
      %parallel_loop3A_143 = arith.index_cast %parallel_loop3A_124 : i32 to index
      %parallel_loop3A_144 = arith.constant 84 : index
      %parallel_loop3A_145 = tpu.vector_load %arg8[%parallel_loop3A_143, %parallel_loop3A_144] {strides = array<i32>} : memref<128x100xf32, #tpu.memory_space<vmem>>, vector<16xf32>,
      %parallel_loop3A_146 = arith.index_cast %parallel_loop3A_124 : i32 to index
      %parallel_loop3A_147 = arith.constant 0 : index
      %parallel_loop3A_148 = tpu.vector_load %arg9[%parallel_loop3A_146, %parallel_loop3A_147] {strides = array<i32>} : memref<128x100xf32, #tpu.memory_space<vmem>>, vector<16xf32>,
      %parallel_loop3A_149 = arith.constant 0 : index
      %parallel_loop3A_150 = tpu.vector_load %arg11[%parallel_loop3A_149] {strides = array<i32>} : memref<112xf32, #tpu.memory_space<vmem>>, vector<16xf32>,
      tpu.vector_store %arg11[%parallel_loop3A_149], %parallel_loop3A_148 {add = true, strides = array<i32>} : memref<112xf32, #tpu.memory_space<vmem>>, vector<16xf32>,
      %parallel_loop3A_151 = arith.index_cast %parallel_loop3A_124 : i32 to index
      %parallel_loop3A_152 = arith.constant 16 : index
      %parallel_loop3A_153 = tpu.vector_load %arg9[%parallel_loop3A_151, %parallel_loop3A_152] {strides = array<i32>} : memref<128x100xf32, #tpu.memory_space<vmem>>, vector<16xf32>,
      %parallel_loop3A_154 = arith.constant 16 : index
      %parallel_loop3A_155 = tpu.vector_load %arg11[%parallel_loop3A_154] {strides = array<i32>} : memref<112xf32, #tpu.memory_space<vmem>>, vector<16xf32>,
      tpu.vector_store %arg11[%parallel_loop3A_154], %parallel_loop3A_153 {add = true, strides = array<i32>} : memref<112xf32, #tpu.memory_space<vmem>>, vector<16xf32>,
      %parallel_loop3A_156 = arith.addf %parallel_loop3A_148, %parallel_loop3A_153 : vector<16xf32>
      %parallel_loop3A_157 = arith.index_cast %parallel_loop3A_124 : i32 to index
      %parallel_loop3A_158 = arith.constant 32 : index
      %parallel_loop3A_159 = tpu.vector_load %arg9[%parallel_loop3A_157, %parallel_loop3A_158] {strides = array<i32>} : memref<128x100xf32, #tpu.memory_space<vmem>>, vector<16xf32>,
      %parallel_loop3A_160 = arith.constant 32 : index
      %parallel_loop3A_161 = tpu.vector_load %arg11[%parallel_loop3A_160] {strides = array<i32>} : memref<112xf32, #tpu.memory_space<vmem>>, vector<16xf32>,
      tpu.vector_store %arg11[%parallel_loop3A_160], %parallel_loop3A_159 {add = true, strides = array<i32>} : memref<112xf32, #tpu.memory_space<vmem>>, vector<16xf32>,
      %parallel_loop3A_162 = arith.addf %parallel_loop3A_156, %parallel_loop3A_159 : vector<16xf32>
      %parallel_loop3A_163 = arith.index_cast %parallel_loop3A_124 : i32 to index
      %parallel_loop3A_164 = arith.constant 48 : index
      %parallel_loop3A_165 = tpu.vector_load %arg9[%parallel_loop3A_163, %parallel_loop3A_164] {strides = array<i32>} : memref<128x100xf32, #tpu.memory_space<vmem>>, vector<16xf32>,
      %parallel_loop3A_166 = arith.constant 48 : index
      %parallel_loop3A_167 = tpu.vector_load %arg11[%parallel_loop3A_166] {strides = array<i32>} : memref<112xf32, #tpu.memory_space<vmem>>, vector<16xf32>,
      tpu.vector_store %arg11[%parallel_loop3A_166], %parallel_loop3A_165 {add = true, strides = array<i32>} : memref<112xf32, #tpu.memory_space<vmem>>, vector<16xf32>,
      %parallel_loop3A_168 = arith.addf %parallel_loop3A_162, %parallel_loop3A_165 : vector<16xf32>
      %parallel_loop3A_169 = arith.index_cast %parallel_loop3A_124 : i32 to index
      %parallel_loop3A_170 = arith.constant 64 : index
      %parallel_loop3A_171 = tpu.vector_load %arg9[%parallel_loop3A_169, %parallel_loop3A_170] {strides = array<i32>} : memref<128x100xf32, #tpu.memory_space<vmem>>, vector<16xf32>,
      %parallel_loop3A_172 = arith.constant 64 : index
      %parallel_loop3A_173 = tpu.vector_load %arg11[%parallel_loop3A_172] {strides = array<i32>} : memref<112xf32, #tpu.memory_space<vmem>>, vector<16xf32>,
      tpu.vector_store %arg11[%parallel_loop3A_172], %parallel_loop3A_171 {add = true, strides = array<i32>} : memref<112xf32, #tpu.memory_space<vmem>>, vector<16xf32>,
      %parallel_loop3A_174 = arith.addf %parallel_loop3A_168, %parallel_loop3A_171 : vector<16xf32>
      %parallel_loop3A_175 = arith.index_cast %parallel_loop3A_124 : i32 to index
      %parallel_loop3A_176 = arith.constant 80 : index
      %parallel_loop3A_177 = tpu.vector_load %arg9[%parallel_loop3A_175, %parallel_loop3A_176] {strides = array<i32>} : memref<128x100xf32, #tpu.memory_space<vmem>>, vector<16xf32>,
      %parallel_loop3A_178 = arith.constant 80 : index
      %parallel_loop3A_179 = tpu.vector_load %arg11[%parallel_loop3A_178] {strides = array<i32>} : memref<112xf32, #tpu.memory_space<vmem>>, vector<16xf32>,
      tpu.vector_store %arg11[%parallel_loop3A_178], %parallel_loop3A_177 {add = true, strides = array<i32>} : memref<112xf32, #tpu.memory_space<vmem>>, vector<16xf32>,
      %parallel_loop3A_180 = arith.addf %parallel_loop3A_174, %parallel_loop3A_177 : vector<16xf32>
      %parallel_loop3A_181 = arith.index_cast %parallel_loop3A_124 : i32 to index
      %parallel_loop3A_182 = arith.constant 84 : index
      %parallel_loop3A_183 = tpu.vector_load %arg9[%parallel_loop3A_181, %parallel_loop3A_182] {strides = array<i32>} : memref<128x100xf32, #tpu.memory_space<vmem>>, vector<16xf32>,
      %parallel_loop3A_184 = arith.select %ge3A_15, %parallel_loop3A_183, %broadcast_in_dim3A_18 : vector<16xi1>, vector<16xf32>
      %parallel_loop3A_185 = arith.constant 84 : index
      %parallel_loop3A_186 = tpu.vector_load %arg11[%parallel_loop3A_185] {strides = array<i32>} : memref<112xf32, #tpu.memory_space<vmem>>, vector<16xf32>,
      tpu.vector_store %arg11[%parallel_loop3A_185], %parallel_loop3A_184 {add = true, strides = array<i32>} : memref<112xf32, #tpu.memory_space<vmem>>, vector<16xf32>,
      %parallel_loop3A_187 = arith.addf %parallel_loop3A_180, %parallel_loop3A_184 : vector<16xf32>
      %parallel_loop3A_188 = arith.constant true
      %parallel_loop3A_189 = vector.broadcast %parallel_loop3A_188 : i1 to vector<16xi1>
      %parallel_loop3A_190 = tpu.scan <sum>, %parallel_loop3A_187 masked %parallel_loop3A_189 : vector<16xf32>, vector<16xi1> -> vector<16xf32>
      %parallel_loop3A_191 = vector.extract %parallel_loop3A_190[15] : f32 from vector<16xf32>
      %parallel_loop3A_192 = arith.fptosi %parallel_loop3A_191 : f32 to i32
      %parallel_loop3A_193 = arith.constant 1 : i32
      %parallel_loop3A_194 = arith.constant 100 : i32
      %parallel_loop3A_195 = arith.maxsi %parallel_loop3A_193, %parallel_loop3A_192 : i32
      %parallel_loop3A_196 = arith.minsi %parallel_loop3A_194, %parallel_loop3A_195 : i32
      %parallel_loop3A_197 = arith.constant 128 : i32
      %parallel_loop3A_198 = vector.broadcast %parallel_loop3A_197 : i32 to vector<16xi32>
      %parallel_loop3A_199 = vector.broadcast %parallel_loop3A_196 : i32 to vector<16xi32>
      %parallel_loop3A_200 = arith.subi %parallel_loop3A_198, %parallel_loop3A_199 : vector<16xi32>
      %parallel_loop3A_201 = arith.select %ge3A_15, %parallel_loop3A_145, %broadcast_in_dim3A_16 : vector<16xi1>, vector<16xf32>
      %parallel_loop3A_202 = arith.constant dense<true> : vector<16xi1>
      %parallel_loop3A_203, %parallel_loop3A_204, %parallel_loop3A_205 = tpu.sort %parallel_loop3A_127, %parallel_loop3A_127 masked %parallel_loop3A_202 : (vector<16xf32>, vector<16xf32>, vector<16xi1>) -> (vector<16xi1>, vector<16xf32>, vector<16xf32>)
      %parallel_loop3A_206 = arith.constant dense<true> : vector<16xi1>
      %parallel_loop3A_207, %parallel_loop3A_208, %parallel_loop3A_209 = tpu.sort %parallel_loop3A_130, %parallel_loop3A_130 masked %parallel_loop3A_206 {descending = true} : (vector<16xf32>, vector<16xf32>, vector<16xi1>) -> (vector<16xi1>, vector<16xf32>, vector<16xf32>)
      %parallel_loop3A_210 = arith.constant dense<true> : vector<16xi1>
      %parallel_loop3A_211, %parallel_loop3A_212, %parallel_loop3A_213 = tpu.sort %parallel_loop3A_133, %parallel_loop3A_133 masked %parallel_loop3A_210 {descending = true} : (vector<16xf32>, vector<16xf32>, vector<16xi1>) -> (vector<16xi1>, vector<16xf32>, vector<16xf32>)
      %parallel_loop3A_214 = arith.constant dense<true> : vector<16xi1>
      %parallel_loop3A_215, %parallel_loop3A_216, %parallel_loop3A_217 = tpu.sort %parallel_loop3A_136, %parallel_loop3A_136 masked %parallel_loop3A_214 : (vector<16xf32>, vector<16xf32>, vector<16xi1>) -> (vector<16xi1>, vector<16xf32>, vector<16xf32>)
      %parallel_loop3A_218 = arith.constant dense<true> : vector<16xi1>
      %parallel_loop3A_219, %parallel_loop3A_220, %parallel_loop3A_221 = tpu.sort %parallel_loop3A_139, %parallel_loop3A_139 masked %parallel_loop3A_218 {descending = true} : (vector<16xf32>, vector<16xf32>, vector<16xi1>) -> (vector<16xi1>, vector<16xf32>, vector<16xf32>)
      %parallel_loop3A_222 = arith.constant dense<true> : vector<16xi1>
      %parallel_loop3A_223, %parallel_loop3A_224, %parallel_loop3A_225 = tpu.sort %parallel_loop3A_142, %parallel_loop3A_142 masked %parallel_loop3A_222 : (vector<16xf32>, vector<16xf32>, vector<16xi1>) -> (vector<16xi1>, vector<16xf32>, vector<16xf32>)
      %parallel_loop3A_226 = arith.constant dense<true> : vector<16xi1>
      %parallel_loop3A_227, %parallel_loop3A_228, %parallel_loop3A_229 = tpu.sort %parallel_loop3A_201, %parallel_loop3A_201 masked %parallel_loop3A_226 : (vector<16xf32>, vector<16xf32>, vector<16xi1>) -> (vector<16xi1>, vector<16xf32>, vector<16xf32>)
      %parallel_loop3A_230 = arith.minimumf %parallel_loop3A_204, %parallel_loop3A_208 : vector<16xf32>
      %parallel_loop3A_231 = arith.maximumf %parallel_loop3A_204, %parallel_loop3A_208 : vector<16xf32>
      %parallel_loop3A_232 = arith.constant dense<true> : vector<16xi1>
      %parallel_loop3A_233, %parallel_loop3A_234, %parallel_loop3A_235 = tpu.sort %parallel_loop3A_230, %parallel_loop3A_230 masked %parallel_loop3A_232 : (vector<16xf32>, vector<16xf32>, vector<16xi1>) -> (vector<16xi1>, vector<16xf32>, vector<16xf32>)
      %parallel_loop3A_236 = arith.constant dense<true> : vector<16xi1>
      %parallel_loop3A_237, %parallel_loop3A_238, %parallel_loop3A_239 = tpu.sort %parallel_loop3A_231, %parallel_loop3A_231 masked %parallel_loop3A_236 : (vector<16xf32>, vector<16xf32>, vector<16xi1>) -> (vector<16xi1>, vector<16xf32>, vector<16xf32>)
      %parallel_loop3A_240 = arith.minimumf %parallel_loop3A_212, %parallel_loop3A_216 : vector<16xf32>
      %parallel_loop3A_241 = arith.maximumf %parallel_loop3A_212, %parallel_loop3A_216 : vector<16xf32>
      %parallel_loop3A_242 = arith.constant dense<true> : vector<16xi1>
      %parallel_loop3A_243, %parallel_loop3A_244, %parallel_loop3A_245 = tpu.sort %parallel_loop3A_241, %parallel_loop3A_241 masked %parallel_loop3A_242 {descending = true} : (vector<16xf32>, vector<16xf32>, vector<16xi1>) -> (vector<16xi1>, vector<16xf32>, vector<16xf32>)
      %parallel_loop3A_246 = arith.constant dense<true> : vector<16xi1>
      %parallel_loop3A_247, %parallel_loop3A_248, %parallel_loop3A_249 = tpu.sort %parallel_loop3A_240, %parallel_loop3A_240 masked %parallel_loop3A_246 {descending = true} : (vector<16xf32>, vector<16xf32>, vector<16xi1>) -> (vector<16xi1>, vector<16xf32>, vector<16xf32>)
      %parallel_loop3A_250 = arith.minimumf %parallel_loop3A_220, %parallel_loop3A_224 : vector<16xf32>
      %parallel_loop3A_251 = arith.maximumf %parallel_loop3A_220, %parallel_loop3A_224 : vector<16xf32>
      %parallel_loop3A_252 = arith.constant dense<true> : vector<16xi1>
      %parallel_loop3A_253, %parallel_loop3A_254, %parallel_loop3A_255 = tpu.sort %parallel_loop3A_251, %parallel_loop3A_251 masked %parallel_loop3A_252 {descending = true} : (vector<16xf32>, vector<16xf32>, vector<16xi1>) -> (vector<16xi1>, vector<16xf32>, vector<16xf32>)
      %parallel_loop3A_256 = arith.constant dense<true> : vector<16xi1>
      %parallel_loop3A_257, %parallel_loop3A_258, %parallel_loop3A_259 = tpu.sort %parallel_loop3A_250, %parallel_loop3A_250 masked %parallel_loop3A_256 {descending = true} : (vector<16xf32>, vector<16xf32>, vector<16xi1>) -> (vector<16xi1>, vector<16xf32>, vector<16xf32>)
      %parallel_loop3A_260 = arith.minimumf %parallel_loop3A_234, %parallel_loop3A_244 : vector<16xf32>
      %parallel_loop3A_261 = arith.minimumf %parallel_loop3A_238, %parallel_loop3A_248 : vector<16xf32>
      %parallel_loop3A_262 = arith.maximumf %parallel_loop3A_234, %parallel_loop3A_244 : vector<16xf32>
      %parallel_loop3A_263 = arith.maximumf %parallel_loop3A_238, %parallel_loop3A_248 : vector<16xf32>
      %parallel_loop3A_264 = arith.minimumf %parallel_loop3A_260, %parallel_loop3A_261 : vector<16xf32>
      %parallel_loop3A_265 = arith.constant dense<true> : vector<16xi1>
      %parallel_loop3A_266, %parallel_loop3A_267, %parallel_loop3A_268 = tpu.sort %parallel_loop3A_264, %parallel_loop3A_264 masked %parallel_loop3A_265 : (vector<16xf32>, vector<16xf32>, vector<16xi1>) -> (vector<16xi1>, vector<16xf32>, vector<16xf32>)
      %parallel_loop3A_269 = arith.maximumf %parallel_loop3A_260, %parallel_loop3A_261 : vector<16xf32>
      %parallel_loop3A_270 = arith.constant dense<true> : vector<16xi1>
      %parallel_loop3A_271, %parallel_loop3A_272, %parallel_loop3A_273 = tpu.sort %parallel_loop3A_269, %parallel_loop3A_269 masked %parallel_loop3A_270 : (vector<16xf32>, vector<16xf32>, vector<16xi1>) -> (vector<16xi1>, vector<16xf32>, vector<16xf32>)
      %parallel_loop3A_274 = arith.minimumf %parallel_loop3A_262, %parallel_loop3A_263 : vector<16xf32>
      %parallel_loop3A_275 = arith.constant dense<true> : vector<16xi1>
      %parallel_loop3A_276, %parallel_loop3A_277, %parallel_loop3A_278 = tpu.sort %parallel_loop3A_274, %parallel_loop3A_274 masked %parallel_loop3A_275 : (vector<16xf32>, vector<16xf32>, vector<16xi1>) -> (vector<16xi1>, vector<16xf32>, vector<16xf32>)
      %parallel_loop3A_279 = arith.maximumf %parallel_loop3A_262, %parallel_loop3A_263 : vector<16xf32>
      %parallel_loop3A_280 = arith.constant dense<true> : vector<16xi1>
      %parallel_loop3A_281, %parallel_loop3A_282, %parallel_loop3A_283 = tpu.sort %parallel_loop3A_279, %parallel_loop3A_279 masked %parallel_loop3A_280 : (vector<16xf32>, vector<16xf32>, vector<16xi1>) -> (vector<16xi1>, vector<16xf32>, vector<16xf32>)
      %parallel_loop3A_284 = arith.maximumf %parallel_loop3A_258, %parallel_loop3A_228 : vector<16xf32>
      %parallel_loop3A_285 = arith.minimumf %parallel_loop3A_258, %parallel_loop3A_228 : vector<16xf32>
      %parallel_loop3A_286 = arith.maximumf %parallel_loop3A_254, %parallel_loop3A_284 : vector<16xf32>
      %parallel_loop3A_287 = arith.constant dense<true> : vector<16xi1>
      %parallel_loop3A_288, %parallel_loop3A_289, %parallel_loop3A_290 = tpu.sort %parallel_loop3A_286, %parallel_loop3A_286 masked %parallel_loop3A_287 {descending = true} : (vector<16xf32>, vector<16xf32>, vector<16xi1>) -> (vector<16xi1>, vector<16xf32>, vector<16xf32>)
      %parallel_loop3A_291 = arith.minimumf %parallel_loop3A_254, %parallel_loop3A_284 : vector<16xf32>
      %parallel_loop3A_292 = arith.constant dense<true> : vector<16xi1>
      %parallel_loop3A_293, %parallel_loop3A_294, %parallel_loop3A_295 = tpu.sort %parallel_loop3A_291, %parallel_loop3A_291 masked %parallel_loop3A_292 {descending = true} : (vector<16xf32>, vector<16xf32>, vector<16xi1>) -> (vector<16xi1>, vector<16xf32>, vector<16xf32>)
      %parallel_loop3A_296 = arith.constant dense<true> : vector<16xi1>
      %parallel_loop3A_297, %parallel_loop3A_298, %parallel_loop3A_299 = tpu.sort %parallel_loop3A_285, %parallel_loop3A_285 masked %parallel_loop3A_296 {descending = true} : (vector<16xf32>, vector<16xf32>, vector<16xi1>) -> (vector<16xi1>, vector<16xf32>, vector<16xf32>)
      %parallel_loop3A_300 = arith.minimumf %parallel_loop3A_267, %parallel_loop3A_289 : vector<16xf32>
      %parallel_loop3A_301 = arith.minimumf %parallel_loop3A_272, %parallel_loop3A_294 : vector<16xf32>
      %parallel_loop3A_302 = arith.minimumf %parallel_loop3A_277, %parallel_loop3A_298 : vector<16xf32>
      %parallel_loop3A_303 = arith.maximumf %parallel_loop3A_267, %parallel_loop3A_289 : vector<16xf32>
      %parallel_loop3A_304 = arith.maximumf %parallel_loop3A_272, %parallel_loop3A_294 : vector<16xf32>
      %parallel_loop3A_305 = arith.maximumf %parallel_loop3A_277, %parallel_loop3A_298 : vector<16xf32>
      %parallel_loop3A_306 = arith.minimumf %parallel_loop3A_303, %parallel_loop3A_305 : vector<16xf32>
      %parallel_loop3A_307 = arith.minimumf %parallel_loop3A_304, %parallel_loop3A_282 : vector<16xf32>
      %parallel_loop3A_308 = arith.maximumf %parallel_loop3A_303, %parallel_loop3A_305 : vector<16xf32>
      %parallel_loop3A_309 = arith.maximumf %parallel_loop3A_304, %parallel_loop3A_282 : vector<16xf32>
      %parallel_loop3A_310 = arith.minimumf %parallel_loop3A_306, %parallel_loop3A_307 : vector<16xf32>
      %parallel_loop3A_311 = arith.maximumf %parallel_loop3A_306, %parallel_loop3A_307 : vector<16xf32>
      %parallel_loop3A_312 = arith.minimumf %parallel_loop3A_308, %parallel_loop3A_309 : vector<16xf32>
      %parallel_loop3A_313 = arith.maximumf %parallel_loop3A_308, %parallel_loop3A_309 : vector<16xf32>
      %parallel_loop3A_314 = arith.minimumf %parallel_loop3A_300, %parallel_loop3A_302 : vector<16xf32>
      %parallel_loop3A_315 = arith.maximumf %parallel_loop3A_300, %parallel_loop3A_302 : vector<16xf32>
      %parallel_loop3A_316 = arith.minimumf %parallel_loop3A_315, %parallel_loop3A_301 : vector<16xf32>
      %parallel_loop3A_317 = arith.maximumf %parallel_loop3A_315, %parallel_loop3A_301 : vector<16xf32>
      %parallel_loop3A_318 = arith.constant 4 : i32
      %parallel_loop3A_319 = vector.broadcast %parallel_loop3A_318 : i32 to vector<16xi32>
      %parallel_loop3A_320 = arith.shrsi %parallel_loop3A_200, %parallel_loop3A_319 : vector<16xi32>
      %parallel_loop3A_321 = arith.constant 1 : i32
      %parallel_loop3A_322 = vector.broadcast %parallel_loop3A_321 : i32 to vector<16xi32>
      %parallel_loop3A_323 = arith.cmpi sle, %parallel_loop3A_320, %parallel_loop3A_322 : vector<16xi32>
      %parallel_loop3A_324 = arith.select %parallel_loop3A_323, %parallel_loop3A_314, %parallel_loop3A_316 : vector<16xi1>, vector<16xf32>
      %parallel_loop3A_325 = arith.constant 3 : i32
      %parallel_loop3A_326 = vector.broadcast %parallel_loop3A_325 : i32 to vector<16xi32>
      %parallel_loop3A_327 = arith.cmpi sle, %parallel_loop3A_320, %parallel_loop3A_326 : vector<16xi32>
      %parallel_loop3A_328 = arith.select %parallel_loop3A_327, %parallel_loop3A_317, %parallel_loop3A_310 : vector<16xi1>, vector<16xf32>
      %parallel_loop3A_329 = arith.constant 5 : i32
      %parallel_loop3A_330 = vector.broadcast %parallel_loop3A_329 : i32 to vector<16xi32>
      %parallel_loop3A_331 = arith.cmpi sle, %parallel_loop3A_320, %parallel_loop3A_330 : vector<16xi32>
      %parallel_loop3A_332 = arith.select %parallel_loop3A_331, %parallel_loop3A_311, %parallel_loop3A_312 : vector<16xi1>, vector<16xf32>
      %parallel_loop3A_333 = arith.constant 2 : i32
      %parallel_loop3A_334 = vector.broadcast %parallel_loop3A_333 : i32 to vector<16xi32>
      %parallel_loop3A_335 = arith.cmpi sle, %parallel_loop3A_320, %parallel_loop3A_334 : vector<16xi32>
      %parallel_loop3A_336 = arith.select %parallel_loop3A_335, %parallel_loop3A_324, %parallel_loop3A_328 : vector<16xi1>, vector<16xf32>
      %parallel_loop3A_337 = arith.constant 6 : i32
      %parallel_loop3A_338 = vector.broadcast %parallel_loop3A_337 : i32 to vector<16xi32>
      %parallel_loop3A_339 = arith.cmpi sle, %parallel_loop3A_320, %parallel_loop3A_338 : vector<16xi32>
      %parallel_loop3A_340 = arith.select %parallel_loop3A_339, %parallel_loop3A_332, %parallel_loop3A_313 : vector<16xi1>, vector<16xf32>
      %parallel_loop3A_341 = arith.constant 4 : i32
      %parallel_loop3A_342 = vector.broadcast %parallel_loop3A_341 : i32 to vector<16xi32>
      %parallel_loop3A_343 = arith.cmpi sle, %parallel_loop3A_320, %parallel_loop3A_342 : vector<16xi32>
      %parallel_loop3A_344 = arith.select %parallel_loop3A_343, %parallel_loop3A_336, %parallel_loop3A_340 : vector<16xi1>, vector<16xf32>
      %parallel_loop3A_345 = arith.constant dense<true> : vector<16xi1>
      %parallel_loop3A_346, %parallel_loop3A_347, %parallel_loop3A_348 = tpu.sort %parallel_loop3A_344, %parallel_loop3A_344 masked %parallel_loop3A_345 : (vector<16xf32>, vector<16xf32>, vector<16xi1>) -> (vector<16xi1>, vector<16xf32>, vector<16xf32>)
      %parallel_loop3A_349 = arith.constant 15 : i32
      %parallel_loop3A_350 = vector.broadcast %parallel_loop3A_349 : i32 to vector<16xi32>
      %parallel_loop3A_351 = arith.andi %parallel_loop3A_200, %parallel_loop3A_350 : vector<16xi32>
      %parallel_loop3A_352 = vector.shape_cast %parallel_loop3A_351 : vector<16xi32> to vector<16x1xi32>
      %parallel_loop3A_353 = vector.shape_cast %parallel_loop3A_352 : vector<16x1xi32> to vector<16xi32>
      %parallel_loop3A_354 = tpu.dynamic_gather %parallel_loop3A_347[%parallel_loop3A_353] in [0] : vector<16xf32>, vector<16xi32> -> vector<16xf32>
      %parallel_loop3A_355 = arith.index_cast %parallel_loop3A_124 : i32 to index
      %parallel_loop3A_356 = arith.constant 0 : index
      %parallel_loop3A_357 = tpu.vector_load %arg9[%parallel_loop3A_355, %parallel_loop3A_356] {strides = array<i32>} : memref<128x100xf32, #tpu.memory_space<vmem>>, vector<16xf32>,
      %parallel_loop3A_358 = arith.cmpf oge, %parallel_loop3A_127, %parallel_loop3A_354 : vector<16xf32>
      %parallel_loop3A_359 = arith.select %parallel_loop3A_358, %parallel_loop3A_357, %broadcast_in_dim3A_18 : vector<16xi1>, vector<16xf32>
      %parallel_loop3A_360 = arith.constant 0 : index
      %parallel_loop3A_361 = tpu.vector_load %arg10[%parallel_loop3A_360] {strides = array<i32>} : memref<112xf32, #tpu.memory_space<vmem>>, vector<16xf32>,
      tpu.vector_store %arg10[%parallel_loop3A_360], %parallel_loop3A_359 {add = true, strides = array<i32>} : memref<112xf32, #tpu.memory_space<vmem>>, vector<16xf32>,
      %parallel_loop3A_362 = arith.index_cast %parallel_loop3A_124 : i32 to index
      %parallel_loop3A_363 = arith.constant 16 : index
      %parallel_loop3A_364 = tpu.vector_load %arg9[%parallel_loop3A_362, %parallel_loop3A_363] {strides = array<i32>} : memref<128x100xf32, #tpu.memory_space<vmem>>, vector<16xf32>,
      %parallel_loop3A_365 = arith.cmpf oge, %parallel_loop3A_130, %parallel_loop3A_354 : vector<16xf32>
      %parallel_loop3A_366 = arith.select %parallel_loop3A_365, %parallel_loop3A_364, %broadcast_in_dim3A_18 : vector<16xi1>, vector<16xf32>
      %parallel_loop3A_367 = arith.constant 16 : index
      %parallel_loop3A_368 = tpu.vector_load %arg10[%parallel_loop3A_367] {strides = array<i32>} : memref<112xf32, #tpu.memory_space<vmem>>, vector<16xf32>,
      tpu.vector_store %arg10[%parallel_loop3A_367], %parallel_loop3A_366 {add = true, strides = array<i32>} : memref<112xf32, #tpu.memory_space<vmem>>, vector<16xf32>,
      %parallel_loop3A_369 = arith.index_cast %parallel_loop3A_124 : i32 to index
      %parallel_loop3A_370 = arith.constant 32 : index
      %parallel_loop3A_371 = tpu.vector_load %arg9[%parallel_loop3A_369, %parallel_loop3A_370] {strides = array<i32>} : memref<128x100xf32, #tpu.memory_space<vmem>>, vector<16xf32>,
      %parallel_loop3A_372 = arith.cmpf oge, %parallel_loop3A_133, %parallel_loop3A_354 : vector<16xf32>
      %parallel_loop3A_373 = arith.select %parallel_loop3A_372, %parallel_loop3A_371, %broadcast_in_dim3A_18 : vector<16xi1>, vector<16xf32>
      %parallel_loop3A_374 = arith.constant 32 : index
      %parallel_loop3A_375 = tpu.vector_load %arg10[%parallel_loop3A_374] {strides = array<i32>} : memref<112xf32, #tpu.memory_space<vmem>>, vector<16xf32>,
      tpu.vector_store %arg10[%parallel_loop3A_374], %parallel_loop3A_373 {add = true, strides = array<i32>} : memref<112xf32, #tpu.memory_space<vmem>>, vector<16xf32>,
      %parallel_loop3A_376 = arith.index_cast %parallel_loop3A_124 : i32 to index
      %parallel_loop3A_377 = arith.constant 48 : index
      %parallel_loop3A_378 = tpu.vector_load %arg9[%parallel_loop3A_376, %parallel_loop3A_377] {strides = array<i32>} : memref<128x100xf32, #tpu.memory_space<vmem>>, vector<16xf32>,
      %parallel_loop3A_379 = arith.cmpf oge, %parallel_loop3A_136, %parallel_loop3A_354 : vector<16xf32>
      %parallel_loop3A_380 = arith.select %parallel_loop3A_379, %parallel_loop3A_378, %broadcast_in_dim3A_18 : vector<16xi1>, vector<16xf32>
      %parallel_loop3A_381 = arith.constant 48 : index
      %parallel_loop3A_382 = tpu.vector_load %arg10[%parallel_loop3A_381] {strides = array<i32>} : memref<112xf32, #tpu.memory_space<vmem>>, vector<16xf32>,
      tpu.vector_store %arg10[%parallel_loop3A_381], %parallel_loop3A_380 {add = true, strides = array<i32>} : memref<112xf32, #tpu.memory_space<vmem>>, vector<16xf32>,
      %parallel_loop3A_383 = arith.index_cast %parallel_loop3A_124 : i32 to index
      %parallel_loop3A_384 = arith.constant 64 : index
      %parallel_loop3A_385 = tpu.vector_load %arg9[%parallel_loop3A_383, %parallel_loop3A_384] {strides = array<i32>} : memref<128x100xf32, #tpu.memory_space<vmem>>, vector<16xf32>,
      %parallel_loop3A_386 = arith.cmpf oge, %parallel_loop3A_139, %parallel_loop3A_354 : vector<16xf32>
      %parallel_loop3A_387 = arith.select %parallel_loop3A_386, %parallel_loop3A_385, %broadcast_in_dim3A_18 : vector<16xi1>, vector<16xf32>
      %parallel_loop3A_388 = arith.constant 64 : index
      %parallel_loop3A_389 = tpu.vector_load %arg10[%parallel_loop3A_388] {strides = array<i32>} : memref<112xf32, #tpu.memory_space<vmem>>, vector<16xf32>,
      tpu.vector_store %arg10[%parallel_loop3A_388], %parallel_loop3A_387 {add = true, strides = array<i32>} : memref<112xf32, #tpu.memory_space<vmem>>, vector<16xf32>,
      %parallel_loop3A_390 = arith.index_cast %parallel_loop3A_124 : i32 to index
      %parallel_loop3A_391 = arith.constant 80 : index
      %parallel_loop3A_392 = tpu.vector_load %arg9[%parallel_loop3A_390, %parallel_loop3A_391] {strides = array<i32>} : memref<128x100xf32, #tpu.memory_space<vmem>>, vector<16xf32>,
      %parallel_loop3A_393 = arith.cmpf oge, %parallel_loop3A_142, %parallel_loop3A_354 : vector<16xf32>
      %parallel_loop3A_394 = arith.select %parallel_loop3A_393, %parallel_loop3A_392, %broadcast_in_dim3A_18 : vector<16xi1>, vector<16xf32>
      %parallel_loop3A_395 = arith.constant 80 : index
      %parallel_loop3A_396 = tpu.vector_load %arg10[%parallel_loop3A_395] {strides = array<i32>} : memref<112xf32, #tpu.memory_space<vmem>>, vector<16xf32>,
      tpu.vector_store %arg10[%parallel_loop3A_395], %parallel_loop3A_394 {add = true, strides = array<i32>} : memref<112xf32, #tpu.memory_space<vmem>>, vector<16xf32>,
      %parallel_loop3A_397 = arith.index_cast %parallel_loop3A_124 : i32 to index
      %parallel_loop3A_398 = arith.constant 84 : index
      %parallel_loop3A_399 = tpu.vector_load %arg9[%parallel_loop3A_397, %parallel_loop3A_398] {strides = array<i32>} : memref<128x100xf32, #tpu.memory_space<vmem>>, vector<16xf32>,
      %parallel_loop3A_400 = arith.select %ge3A_15, %parallel_loop3A_399, %broadcast_in_dim3A_18 : vector<16xi1>, vector<16xf32>
      %parallel_loop3A_401 = arith.cmpf oge, %parallel_loop3A_145, %parallel_loop3A_354 : vector<16xf32>
      %parallel_loop3A_402 = arith.select %parallel_loop3A_401, %parallel_loop3A_400, %broadcast_in_dim3A_18 : vector<16xi1>, vector<16xf32>
      %parallel_loop3A_403 = arith.constant 84 : index
      %parallel_loop3A_404 = tpu.vector_load %arg10[%parallel_loop3A_403] {strides = array<i32>} : memref<112xf32, #tpu.memory_space<vmem>>, vector<16xf32>,
      tpu.vector_store %arg10[%parallel_loop3A_403], %parallel_loop3A_402 {add = true, strides = array<i32>} : memref<112xf32, #tpu.memory_space<vmem>>, vector<16xf32>,
    } {sc.loop_unroll_factor = 2 : i64, sc.parallel_access}
    %add3A_90 = arith.constant 384 : i32
    %add3A_91 = arith.addi %mul3A_2, %add3A_90 : i32
    %dma_start3A_92 = arith.constant 0 : i32
    %dma_start3A_93 = tpu.memref_slice %arg2[%add3A_91, %dma_start3A_92] : memref<16384x100xf32, #tpu.memory_space<hbm>> -> memref<128x100xf32, #tpu.memory_space<hbm>>
    %dma_start3A_94 = arith.constant 0 : i32
    %dma_start3A_95 = tpu.memref_slice %arg2[%add3A_91, %dma_start3A_94] : memref<16384x100xf32, #tpu.memory_space<hbm>> -> memref<128x100xf32, #tpu.memory_space<hbm>>
    tpu.enqueue_dma source(%dma_start3A_95 : memref<128x100xf32, #tpu.memory_space<hbm>>) target(%arg8 : memref<128x100xf32, #tpu.memory_space<vmem>>) target_semaphore(%arg13 : memref<!tpu.dma_semaphore, #tpu.memory_space<semaphore_mem>>)
    %add3A_96 = arith.constant 384 : i32
    %add3A_97 = arith.addi %mul3A_2, %add3A_96 : i32
    %dma_start3A_98 = arith.constant 0 : i32
    %dma_start3A_99 = tpu.memref_slice %arg3[%add3A_97, %dma_start3A_98] : memref<16384x100xf32, #tpu.memory_space<hbm>> -> memref<128x100xf32, #tpu.memory_space<hbm>>
    %dma_start3A_100 = arith.constant 0 : i32
    %dma_start3A_101 = tpu.memref_slice %arg3[%add3A_97, %dma_start3A_100] : memref<16384x100xf32, #tpu.memory_space<hbm>> -> memref<128x100xf32, #tpu.memory_space<hbm>>
    tpu.enqueue_dma source(%dma_start3A_101 : memref<128x100xf32, #tpu.memory_space<hbm>>) target(%arg9 : memref<128x100xf32, #tpu.memory_space<vmem>>) target_semaphore(%arg13 : memref<!tpu.dma_semaphore, #tpu.memory_space<semaphore_mem>>)
    %dma_wait3A_102 = arith.constant 0 : i32
    %dma_wait3A_103 = tpu.memref_slice %arg2[%add3A_68, %dma_wait3A_102] : memref<16384x100xf32, #tpu.memory_space<hbm>> -> memref<128x100xf32, #tpu.memory_space<hbm>>
    %dma_wait3A_104 = arith.constant 0 : i32
    %dma_wait3A_105 = tpu.memref_slice %arg2[%add3A_68, %dma_wait3A_104] : memref<16384x100xf32, #tpu.memory_space<hbm>> -> memref<128x100xf32, #tpu.memory_space<hbm>>
    tpu.wait_dma2 semaphore(%arg12 : memref<!tpu.dma_semaphore, #tpu.memory_space<semaphore_mem>>) src(%dma_wait3A_105 : memref<128x100xf32, #tpu.memory_space<hbm>>) dst(%arg6 : memref<128x100xf32, #tpu.memory_space<vmem>>)
    %dma_wait3A_106 = arith.constant 0 : i32
    %dma_wait3A_107 = tpu.memref_slice %arg3[%add3A_74, %dma_wait3A_106] : memref<16384x100xf32, #tpu.memory_space<hbm>> -> memref<128x100xf32, #tpu.memory_space<hbm>>
    %dma_wait3A_108 = arith.constant 0 : i32
    %dma_wait3A_109 = tpu.memref_slice %arg3[%add3A_74, %dma_wait3A_108] : memref<16384x100xf32, #tpu.memory_space<hbm>> -> memref<128x100xf32, #tpu.memory_space<hbm>>
    tpu.wait_dma2 semaphore(%arg12 : memref<!tpu.dma_semaphore, #tpu.memory_space<semaphore_mem>>) src(%dma_wait3A_109 : memref<128x100xf32, #tpu.memory_space<hbm>>) dst(%arg7 : memref<128x100xf32, #tpu.memory_space<vmem>>)
    %parallel_loop3A_110 = arith.constant 0 : i32
    %parallel_loop3A_111 = arith.constant 128 : i32
    %parallel_loop3A_112 = arith.constant 1 : i32
    scf.for %parallel_loop3A_124 = %parallel_loop3A_110 to %parallel_loop3A_111 step %parallel_loop3A_112  : i32 {
      %parallel_loop3A_125 = arith.index_cast %parallel_loop3A_124 : i32 to index
      %parallel_loop3A_126 = arith.constant 0 : index
      %parallel_loop3A_127 = tpu.vector_load %arg6[%parallel_loop3A_125, %parallel_loop3A_126] {strides = array<i32>} : memref<128x100xf32, #tpu.memory_space<vmem>>, vector<16xf32>,
      %parallel_loop3A_128 = arith.index_cast %parallel_loop3A_124 : i32 to index
      %parallel_loop3A_129 = arith.constant 16 : index
      %parallel_loop3A_130 = tpu.vector_load %arg6[%parallel_loop3A_128, %parallel_loop3A_129] {strides = array<i32>} : memref<128x100xf32, #tpu.memory_space<vmem>>, vector<16xf32>,
      %parallel_loop3A_131 = arith.index_cast %parallel_loop3A_124 : i32 to index
      %parallel_loop3A_132 = arith.constant 32 : index
      %parallel_loop3A_133 = tpu.vector_load %arg6[%parallel_loop3A_131, %parallel_loop3A_132] {strides = array<i32>} : memref<128x100xf32, #tpu.memory_space<vmem>>, vector<16xf32>,
      %parallel_loop3A_134 = arith.index_cast %parallel_loop3A_124 : i32 to index
      %parallel_loop3A_135 = arith.constant 48 : index
      %parallel_loop3A_136 = tpu.vector_load %arg6[%parallel_loop3A_134, %parallel_loop3A_135] {strides = array<i32>} : memref<128x100xf32, #tpu.memory_space<vmem>>, vector<16xf32>,
      %parallel_loop3A_137 = arith.index_cast %parallel_loop3A_124 : i32 to index
      %parallel_loop3A_138 = arith.constant 64 : index
      %parallel_loop3A_139 = tpu.vector_load %arg6[%parallel_loop3A_137, %parallel_loop3A_138] {strides = array<i32>} : memref<128x100xf32, #tpu.memory_space<vmem>>, vector<16xf32>,
      %parallel_loop3A_140 = arith.index_cast %parallel_loop3A_124 : i32 to index
      %parallel_loop3A_141 = arith.constant 80 : index
      %parallel_loop3A_142 = tpu.vector_load %arg6[%parallel_loop3A_140, %parallel_loop3A_141] {strides = array<i32>} : memref<128x100xf32, #tpu.memory_space<vmem>>, vector<16xf32>,
      %parallel_loop3A_143 = arith.index_cast %parallel_loop3A_124 : i32 to index
      %parallel_loop3A_144 = arith.constant 84 : index
      %parallel_loop3A_145 = tpu.vector_load %arg6[%parallel_loop3A_143, %parallel_loop3A_144] {strides = array<i32>} : memref<128x100xf32, #tpu.memory_space<vmem>>, vector<16xf32>,
      %parallel_loop3A_146 = arith.index_cast %parallel_loop3A_124 : i32 to index
      %parallel_loop3A_147 = arith.constant 0 : index
      %parallel_loop3A_148 = tpu.vector_load %arg7[%parallel_loop3A_146, %parallel_loop3A_147] {strides = array<i32>} : memref<128x100xf32, #tpu.memory_space<vmem>>, vector<16xf32>,
      %parallel_loop3A_149 = arith.constant 0 : index
      %parallel_loop3A_150 = tpu.vector_load %arg11[%parallel_loop3A_149] {strides = array<i32>} : memref<112xf32, #tpu.memory_space<vmem>>, vector<16xf32>,
      tpu.vector_store %arg11[%parallel_loop3A_149], %parallel_loop3A_148 {add = true, strides = array<i32>} : memref<112xf32, #tpu.memory_space<vmem>>, vector<16xf32>,
      %parallel_loop3A_151 = arith.index_cast %parallel_loop3A_124 : i32 to index
      %parallel_loop3A_152 = arith.constant 16 : index
      %parallel_loop3A_153 = tpu.vector_load %arg7[%parallel_loop3A_151, %parallel_loop3A_152] {strides = array<i32>} : memref<128x100xf32, #tpu.memory_space<vmem>>, vector<16xf32>,
      %parallel_loop3A_154 = arith.constant 16 : index
      %parallel_loop3A_155 = tpu.vector_load %arg11[%parallel_loop3A_154] {strides = array<i32>} : memref<112xf32, #tpu.memory_space<vmem>>, vector<16xf32>,
      tpu.vector_store %arg11[%parallel_loop3A_154], %parallel_loop3A_153 {add = true, strides = array<i32>} : memref<112xf32, #tpu.memory_space<vmem>>, vector<16xf32>,
      %parallel_loop3A_156 = arith.addf %parallel_loop3A_148, %parallel_loop3A_153 : vector<16xf32>
      %parallel_loop3A_157 = arith.index_cast %parallel_loop3A_124 : i32 to index
      %parallel_loop3A_158 = arith.constant 32 : index
      %parallel_loop3A_159 = tpu.vector_load %arg7[%parallel_loop3A_157, %parallel_loop3A_158] {strides = array<i32>} : memref<128x100xf32, #tpu.memory_space<vmem>>, vector<16xf32>,
      %parallel_loop3A_160 = arith.constant 32 : index
      %parallel_loop3A_161 = tpu.vector_load %arg11[%parallel_loop3A_160] {strides = array<i32>} : memref<112xf32, #tpu.memory_space<vmem>>, vector<16xf32>,
      tpu.vector_store %arg11[%parallel_loop3A_160], %parallel_loop3A_159 {add = true, strides = array<i32>} : memref<112xf32, #tpu.memory_space<vmem>>, vector<16xf32>,
      %parallel_loop3A_162 = arith.addf %parallel_loop3A_156, %parallel_loop3A_159 : vector<16xf32>
      %parallel_loop3A_163 = arith.index_cast %parallel_loop3A_124 : i32 to index
      %parallel_loop3A_164 = arith.constant 48 : index
      %parallel_loop3A_165 = tpu.vector_load %arg7[%parallel_loop3A_163, %parallel_loop3A_164] {strides = array<i32>} : memref<128x100xf32, #tpu.memory_space<vmem>>, vector<16xf32>,
      %parallel_loop3A_166 = arith.constant 48 : index
      %parallel_loop3A_167 = tpu.vector_load %arg11[%parallel_loop3A_166] {strides = array<i32>} : memref<112xf32, #tpu.memory_space<vmem>>, vector<16xf32>,
      tpu.vector_store %arg11[%parallel_loop3A_166], %parallel_loop3A_165 {add = true, strides = array<i32>} : memref<112xf32, #tpu.memory_space<vmem>>, vector<16xf32>,
      %parallel_loop3A_168 = arith.addf %parallel_loop3A_162, %parallel_loop3A_165 : vector<16xf32>
      %parallel_loop3A_169 = arith.index_cast %parallel_loop3A_124 : i32 to index
      %parallel_loop3A_170 = arith.constant 64 : index
      %parallel_loop3A_171 = tpu.vector_load %arg7[%parallel_loop3A_169, %parallel_loop3A_170] {strides = array<i32>} : memref<128x100xf32, #tpu.memory_space<vmem>>, vector<16xf32>,
      %parallel_loop3A_172 = arith.constant 64 : index
      %parallel_loop3A_173 = tpu.vector_load %arg11[%parallel_loop3A_172] {strides = array<i32>} : memref<112xf32, #tpu.memory_space<vmem>>, vector<16xf32>,
      tpu.vector_store %arg11[%parallel_loop3A_172], %parallel_loop3A_171 {add = true, strides = array<i32>} : memref<112xf32, #tpu.memory_space<vmem>>, vector<16xf32>,
      %parallel_loop3A_174 = arith.addf %parallel_loop3A_168, %parallel_loop3A_171 : vector<16xf32>
      %parallel_loop3A_175 = arith.index_cast %parallel_loop3A_124 : i32 to index
      %parallel_loop3A_176 = arith.constant 80 : index
      %parallel_loop3A_177 = tpu.vector_load %arg7[%parallel_loop3A_175, %parallel_loop3A_176] {strides = array<i32>} : memref<128x100xf32, #tpu.memory_space<vmem>>, vector<16xf32>,
      %parallel_loop3A_178 = arith.constant 80 : index
      %parallel_loop3A_179 = tpu.vector_load %arg11[%parallel_loop3A_178] {strides = array<i32>} : memref<112xf32, #tpu.memory_space<vmem>>, vector<16xf32>,
      tpu.vector_store %arg11[%parallel_loop3A_178], %parallel_loop3A_177 {add = true, strides = array<i32>} : memref<112xf32, #tpu.memory_space<vmem>>, vector<16xf32>,
      %parallel_loop3A_180 = arith.addf %parallel_loop3A_174, %parallel_loop3A_177 : vector<16xf32>
      %parallel_loop3A_181 = arith.index_cast %parallel_loop3A_124 : i32 to index
      %parallel_loop3A_182 = arith.constant 84 : index
      %parallel_loop3A_183 = tpu.vector_load %arg7[%parallel_loop3A_181, %parallel_loop3A_182] {strides = array<i32>} : memref<128x100xf32, #tpu.memory_space<vmem>>, vector<16xf32>,
      %parallel_loop3A_184 = arith.select %ge3A_15, %parallel_loop3A_183, %broadcast_in_dim3A_18 : vector<16xi1>, vector<16xf32>
      %parallel_loop3A_185 = arith.constant 84 : index
      %parallel_loop3A_186 = tpu.vector_load %arg11[%parallel_loop3A_185] {strides = array<i32>} : memref<112xf32, #tpu.memory_space<vmem>>, vector<16xf32>,
      tpu.vector_store %arg11[%parallel_loop3A_185], %parallel_loop3A_184 {add = true, strides = array<i32>} : memref<112xf32, #tpu.memory_space<vmem>>, vector<16xf32>,
      %parallel_loop3A_187 = arith.addf %parallel_loop3A_180, %parallel_loop3A_184 : vector<16xf32>
      %parallel_loop3A_188 = arith.constant true
      %parallel_loop3A_189 = vector.broadcast %parallel_loop3A_188 : i1 to vector<16xi1>
      %parallel_loop3A_190 = tpu.scan <sum>, %parallel_loop3A_187 masked %parallel_loop3A_189 : vector<16xf32>, vector<16xi1> -> vector<16xf32>
      %parallel_loop3A_191 = vector.extract %parallel_loop3A_190[15] : f32 from vector<16xf32>
      %parallel_loop3A_192 = arith.fptosi %parallel_loop3A_191 : f32 to i32
      %parallel_loop3A_193 = arith.constant 1 : i32
      %parallel_loop3A_194 = arith.constant 100 : i32
      %parallel_loop3A_195 = arith.maxsi %parallel_loop3A_193, %parallel_loop3A_192 : i32
      %parallel_loop3A_196 = arith.minsi %parallel_loop3A_194, %parallel_loop3A_195 : i32
      %parallel_loop3A_197 = arith.constant 128 : i32
      %parallel_loop3A_198 = vector.broadcast %parallel_loop3A_197 : i32 to vector<16xi32>
      %parallel_loop3A_199 = vector.broadcast %parallel_loop3A_196 : i32 to vector<16xi32>
      %parallel_loop3A_200 = arith.subi %parallel_loop3A_198, %parallel_loop3A_199 : vector<16xi32>
      %parallel_loop3A_201 = arith.select %ge3A_15, %parallel_loop3A_145, %broadcast_in_dim3A_16 : vector<16xi1>, vector<16xf32>
      %parallel_loop3A_202 = arith.constant dense<true> : vector<16xi1>
      %parallel_loop3A_203, %parallel_loop3A_204, %parallel_loop3A_205 = tpu.sort %parallel_loop3A_127, %parallel_loop3A_127 masked %parallel_loop3A_202 : (vector<16xf32>, vector<16xf32>, vector<16xi1>) -> (vector<16xi1>, vector<16xf32>, vector<16xf32>)
      %parallel_loop3A_206 = arith.constant dense<true> : vector<16xi1>
      %parallel_loop3A_207, %parallel_loop3A_208, %parallel_loop3A_209 = tpu.sort %parallel_loop3A_130, %parallel_loop3A_130 masked %parallel_loop3A_206 {descending = true} : (vector<16xf32>, vector<16xf32>, vector<16xi1>) -> (vector<16xi1>, vector<16xf32>, vector<16xf32>)
      %parallel_loop3A_210 = arith.constant dense<true> : vector<16xi1>
      %parallel_loop3A_211, %parallel_loop3A_212, %parallel_loop3A_213 = tpu.sort %parallel_loop3A_133, %parallel_loop3A_133 masked %parallel_loop3A_210 {descending = true} : (vector<16xf32>, vector<16xf32>, vector<16xi1>) -> (vector<16xi1>, vector<16xf32>, vector<16xf32>)
      %parallel_loop3A_214 = arith.constant dense<true> : vector<16xi1>
      %parallel_loop3A_215, %parallel_loop3A_216, %parallel_loop3A_217 = tpu.sort %parallel_loop3A_136, %parallel_loop3A_136 masked %parallel_loop3A_214 : (vector<16xf32>, vector<16xf32>, vector<16xi1>) -> (vector<16xi1>, vector<16xf32>, vector<16xf32>)
      %parallel_loop3A_218 = arith.constant dense<true> : vector<16xi1>
      %parallel_loop3A_219, %parallel_loop3A_220, %parallel_loop3A_221 = tpu.sort %parallel_loop3A_139, %parallel_loop3A_139 masked %parallel_loop3A_218 {descending = true} : (vector<16xf32>, vector<16xf32>, vector<16xi1>) -> (vector<16xi1>, vector<16xf32>, vector<16xf32>)
      %parallel_loop3A_222 = arith.constant dense<true> : vector<16xi1>
      %parallel_loop3A_223, %parallel_loop3A_224, %parallel_loop3A_225 = tpu.sort %parallel_loop3A_142, %parallel_loop3A_142 masked %parallel_loop3A_222 : (vector<16xf32>, vector<16xf32>, vector<16xi1>) -> (vector<16xi1>, vector<16xf32>, vector<16xf32>)
      %parallel_loop3A_226 = arith.constant dense<true> : vector<16xi1>
      %parallel_loop3A_227, %parallel_loop3A_228, %parallel_loop3A_229 = tpu.sort %parallel_loop3A_201, %parallel_loop3A_201 masked %parallel_loop3A_226 : (vector<16xf32>, vector<16xf32>, vector<16xi1>) -> (vector<16xi1>, vector<16xf32>, vector<16xf32>)
      %parallel_loop3A_230 = arith.minimumf %parallel_loop3A_204, %parallel_loop3A_208 : vector<16xf32>
      %parallel_loop3A_231 = arith.maximumf %parallel_loop3A_204, %parallel_loop3A_208 : vector<16xf32>
      %parallel_loop3A_232 = arith.constant dense<true> : vector<16xi1>
      %parallel_loop3A_233, %parallel_loop3A_234, %parallel_loop3A_235 = tpu.sort %parallel_loop3A_230, %parallel_loop3A_230 masked %parallel_loop3A_232 : (vector<16xf32>, vector<16xf32>, vector<16xi1>) -> (vector<16xi1>, vector<16xf32>, vector<16xf32>)
      %parallel_loop3A_236 = arith.constant dense<true> : vector<16xi1>
      %parallel_loop3A_237, %parallel_loop3A_238, %parallel_loop3A_239 = tpu.sort %parallel_loop3A_231, %parallel_loop3A_231 masked %parallel_loop3A_236 : (vector<16xf32>, vector<16xf32>, vector<16xi1>) -> (vector<16xi1>, vector<16xf32>, vector<16xf32>)
      %parallel_loop3A_240 = arith.minimumf %parallel_loop3A_212, %parallel_loop3A_216 : vector<16xf32>
      %parallel_loop3A_241 = arith.maximumf %parallel_loop3A_212, %parallel_loop3A_216 : vector<16xf32>
      %parallel_loop3A_242 = arith.constant dense<true> : vector<16xi1>
      %parallel_loop3A_243, %parallel_loop3A_244, %parallel_loop3A_245 = tpu.sort %parallel_loop3A_241, %parallel_loop3A_241 masked %parallel_loop3A_242 {descending = true} : (vector<16xf32>, vector<16xf32>, vector<16xi1>) -> (vector<16xi1>, vector<16xf32>, vector<16xf32>)
      %parallel_loop3A_246 = arith.constant dense<true> : vector<16xi1>
      %parallel_loop3A_247, %parallel_loop3A_248, %parallel_loop3A_249 = tpu.sort %parallel_loop3A_240, %parallel_loop3A_240 masked %parallel_loop3A_246 {descending = true} : (vector<16xf32>, vector<16xf32>, vector<16xi1>) -> (vector<16xi1>, vector<16xf32>, vector<16xf32>)
      %parallel_loop3A_250 = arith.minimumf %parallel_loop3A_220, %parallel_loop3A_224 : vector<16xf32>
      %parallel_loop3A_251 = arith.maximumf %parallel_loop3A_220, %parallel_loop3A_224 : vector<16xf32>
      %parallel_loop3A_252 = arith.constant dense<true> : vector<16xi1>
      %parallel_loop3A_253, %parallel_loop3A_254, %parallel_loop3A_255 = tpu.sort %parallel_loop3A_251, %parallel_loop3A_251 masked %parallel_loop3A_252 {descending = true} : (vector<16xf32>, vector<16xf32>, vector<16xi1>) -> (vector<16xi1>, vector<16xf32>, vector<16xf32>)
      %parallel_loop3A_256 = arith.constant dense<true> : vector<16xi1>
      %parallel_loop3A_257, %parallel_loop3A_258, %parallel_loop3A_259 = tpu.sort %parallel_loop3A_250, %parallel_loop3A_250 masked %parallel_loop3A_256 {descending = true} : (vector<16xf32>, vector<16xf32>, vector<16xi1>) -> (vector<16xi1>, vector<16xf32>, vector<16xf32>)
      %parallel_loop3A_260 = arith.minimumf %parallel_loop3A_234, %parallel_loop3A_244 : vector<16xf32>
      %parallel_loop3A_261 = arith.minimumf %parallel_loop3A_238, %parallel_loop3A_248 : vector<16xf32>
      %parallel_loop3A_262 = arith.maximumf %parallel_loop3A_234, %parallel_loop3A_244 : vector<16xf32>
      %parallel_loop3A_263 = arith.maximumf %parallel_loop3A_238, %parallel_loop3A_248 : vector<16xf32>
      %parallel_loop3A_264 = arith.minimumf %parallel_loop3A_260, %parallel_loop3A_261 : vector<16xf32>
      %parallel_loop3A_265 = arith.constant dense<true> : vector<16xi1>
      %parallel_loop3A_266, %parallel_loop3A_267, %parallel_loop3A_268 = tpu.sort %parallel_loop3A_264, %parallel_loop3A_264 masked %parallel_loop3A_265 : (vector<16xf32>, vector<16xf32>, vector<16xi1>) -> (vector<16xi1>, vector<16xf32>, vector<16xf32>)
      %parallel_loop3A_269 = arith.maximumf %parallel_loop3A_260, %parallel_loop3A_261 : vector<16xf32>
      %parallel_loop3A_270 = arith.constant dense<true> : vector<16xi1>
      %parallel_loop3A_271, %parallel_loop3A_272, %parallel_loop3A_273 = tpu.sort %parallel_loop3A_269, %parallel_loop3A_269 masked %parallel_loop3A_270 : (vector<16xf32>, vector<16xf32>, vector<16xi1>) -> (vector<16xi1>, vector<16xf32>, vector<16xf32>)
      %parallel_loop3A_274 = arith.minimumf %parallel_loop3A_262, %parallel_loop3A_263 : vector<16xf32>
      %parallel_loop3A_275 = arith.constant dense<true> : vector<16xi1>
      %parallel_loop3A_276, %parallel_loop3A_277, %parallel_loop3A_278 = tpu.sort %parallel_loop3A_274, %parallel_loop3A_274 masked %parallel_loop3A_275 : (vector<16xf32>, vector<16xf32>, vector<16xi1>) -> (vector<16xi1>, vector<16xf32>, vector<16xf32>)
      %parallel_loop3A_279 = arith.maximumf %parallel_loop3A_262, %parallel_loop3A_263 : vector<16xf32>
      %parallel_loop3A_280 = arith.constant dense<true> : vector<16xi1>
      %parallel_loop3A_281, %parallel_loop3A_282, %parallel_loop3A_283 = tpu.sort %parallel_loop3A_279, %parallel_loop3A_279 masked %parallel_loop3A_280 : (vector<16xf32>, vector<16xf32>, vector<16xi1>) -> (vector<16xi1>, vector<16xf32>, vector<16xf32>)
      %parallel_loop3A_284 = arith.maximumf %parallel_loop3A_258, %parallel_loop3A_228 : vector<16xf32>
      %parallel_loop3A_285 = arith.minimumf %parallel_loop3A_258, %parallel_loop3A_228 : vector<16xf32>
      %parallel_loop3A_286 = arith.maximumf %parallel_loop3A_254, %parallel_loop3A_284 : vector<16xf32>
      %parallel_loop3A_287 = arith.constant dense<true> : vector<16xi1>
      %parallel_loop3A_288, %parallel_loop3A_289, %parallel_loop3A_290 = tpu.sort %parallel_loop3A_286, %parallel_loop3A_286 masked %parallel_loop3A_287 {descending = true} : (vector<16xf32>, vector<16xf32>, vector<16xi1>) -> (vector<16xi1>, vector<16xf32>, vector<16xf32>)
      %parallel_loop3A_291 = arith.minimumf %parallel_loop3A_254, %parallel_loop3A_284 : vector<16xf32>
      %parallel_loop3A_292 = arith.constant dense<true> : vector<16xi1>
      %parallel_loop3A_293, %parallel_loop3A_294, %parallel_loop3A_295 = tpu.sort %parallel_loop3A_291, %parallel_loop3A_291 masked %parallel_loop3A_292 {descending = true} : (vector<16xf32>, vector<16xf32>, vector<16xi1>) -> (vector<16xi1>, vector<16xf32>, vector<16xf32>)
      %parallel_loop3A_296 = arith.constant dense<true> : vector<16xi1>
      %parallel_loop3A_297, %parallel_loop3A_298, %parallel_loop3A_299 = tpu.sort %parallel_loop3A_285, %parallel_loop3A_285 masked %parallel_loop3A_296 {descending = true} : (vector<16xf32>, vector<16xf32>, vector<16xi1>) -> (vector<16xi1>, vector<16xf32>, vector<16xf32>)
      %parallel_loop3A_300 = arith.minimumf %parallel_loop3A_267, %parallel_loop3A_289 : vector<16xf32>
      %parallel_loop3A_301 = arith.minimumf %parallel_loop3A_272, %parallel_loop3A_294 : vector<16xf32>
      %parallel_loop3A_302 = arith.minimumf %parallel_loop3A_277, %parallel_loop3A_298 : vector<16xf32>
      %parallel_loop3A_303 = arith.maximumf %parallel_loop3A_267, %parallel_loop3A_289 : vector<16xf32>
      %parallel_loop3A_304 = arith.maximumf %parallel_loop3A_272, %parallel_loop3A_294 : vector<16xf32>
      %parallel_loop3A_305 = arith.maximumf %parallel_loop3A_277, %parallel_loop3A_298 : vector<16xf32>
      %parallel_loop3A_306 = arith.minimumf %parallel_loop3A_303, %parallel_loop3A_305 : vector<16xf32>
      %parallel_loop3A_307 = arith.minimumf %parallel_loop3A_304, %parallel_loop3A_282 : vector<16xf32>
      %parallel_loop3A_308 = arith.maximumf %parallel_loop3A_303, %parallel_loop3A_305 : vector<16xf32>
      %parallel_loop3A_309 = arith.maximumf %parallel_loop3A_304, %parallel_loop3A_282 : vector<16xf32>
      %parallel_loop3A_310 = arith.minimumf %parallel_loop3A_306, %parallel_loop3A_307 : vector<16xf32>
      %parallel_loop3A_311 = arith.maximumf %parallel_loop3A_306, %parallel_loop3A_307 : vector<16xf32>
      %parallel_loop3A_312 = arith.minimumf %parallel_loop3A_308, %parallel_loop3A_309 : vector<16xf32>
      %parallel_loop3A_313 = arith.maximumf %parallel_loop3A_308, %parallel_loop3A_309 : vector<16xf32>
      %parallel_loop3A_314 = arith.minimumf %parallel_loop3A_300, %parallel_loop3A_302 : vector<16xf32>
      %parallel_loop3A_315 = arith.maximumf %parallel_loop3A_300, %parallel_loop3A_302 : vector<16xf32>
      %parallel_loop3A_316 = arith.minimumf %parallel_loop3A_315, %parallel_loop3A_301 : vector<16xf32>
      %parallel_loop3A_317 = arith.maximumf %parallel_loop3A_315, %parallel_loop3A_301 : vector<16xf32>
      %parallel_loop3A_318 = arith.constant 4 : i32
      %parallel_loop3A_319 = vector.broadcast %parallel_loop3A_318 : i32 to vector<16xi32>
      %parallel_loop3A_320 = arith.shrsi %parallel_loop3A_200, %parallel_loop3A_319 : vector<16xi32>
      %parallel_loop3A_321 = arith.constant 1 : i32
      %parallel_loop3A_322 = vector.broadcast %parallel_loop3A_321 : i32 to vector<16xi32>
      %parallel_loop3A_323 = arith.cmpi sle, %parallel_loop3A_320, %parallel_loop3A_322 : vector<16xi32>
      %parallel_loop3A_324 = arith.select %parallel_loop3A_323, %parallel_loop3A_314, %parallel_loop3A_316 : vector<16xi1>, vector<16xf32>
      %parallel_loop3A_325 = arith.constant 3 : i32
      %parallel_loop3A_326 = vector.broadcast %parallel_loop3A_325 : i32 to vector<16xi32>
      %parallel_loop3A_327 = arith.cmpi sle, %parallel_loop3A_320, %parallel_loop3A_326 : vector<16xi32>
      %parallel_loop3A_328 = arith.select %parallel_loop3A_327, %parallel_loop3A_317, %parallel_loop3A_310 : vector<16xi1>, vector<16xf32>
      %parallel_loop3A_329 = arith.constant 5 : i32
      %parallel_loop3A_330 = vector.broadcast %parallel_loop3A_329 : i32 to vector<16xi32>
      %parallel_loop3A_331 = arith.cmpi sle, %parallel_loop3A_320, %parallel_loop3A_330 : vector<16xi32>
      %parallel_loop3A_332 = arith.select %parallel_loop3A_331, %parallel_loop3A_311, %parallel_loop3A_312 : vector<16xi1>, vector<16xf32>
      %parallel_loop3A_333 = arith.constant 2 : i32
      %parallel_loop3A_334 = vector.broadcast %parallel_loop3A_333 : i32 to vector<16xi32>
      %parallel_loop3A_335 = arith.cmpi sle, %parallel_loop3A_320, %parallel_loop3A_334 : vector<16xi32>
      %parallel_loop3A_336 = arith.select %parallel_loop3A_335, %parallel_loop3A_324, %parallel_loop3A_328 : vector<16xi1>, vector<16xf32>
      %parallel_loop3A_337 = arith.constant 6 : i32
      %parallel_loop3A_338 = vector.broadcast %parallel_loop3A_337 : i32 to vector<16xi32>
      %parallel_loop3A_339 = arith.cmpi sle, %parallel_loop3A_320, %parallel_loop3A_338 : vector<16xi32>
      %parallel_loop3A_340 = arith.select %parallel_loop3A_339, %parallel_loop3A_332, %parallel_loop3A_313 : vector<16xi1>, vector<16xf32>
      %parallel_loop3A_341 = arith.constant 4 : i32
      %parallel_loop3A_342 = vector.broadcast %parallel_loop3A_341 : i32 to vector<16xi32>
      %parallel_loop3A_343 = arith.cmpi sle, %parallel_loop3A_320, %parallel_loop3A_342 : vector<16xi32>
      %parallel_loop3A_344 = arith.select %parallel_loop3A_343, %parallel_loop3A_336, %parallel_loop3A_340 : vector<16xi1>, vector<16xf32>
      %parallel_loop3A_345 = arith.constant dense<true> : vector<16xi1>
      %parallel_loop3A_346, %parallel_loop3A_347, %parallel_loop3A_348 = tpu.sort %parallel_loop3A_344, %parallel_loop3A_344 masked %parallel_loop3A_345 : (vector<16xf32>, vector<16xf32>, vector<16xi1>) -> (vector<16xi1>, vector<16xf32>, vector<16xf32>)
      %parallel_loop3A_349 = arith.constant 15 : i32
      %parallel_loop3A_350 = vector.broadcast %parallel_loop3A_349 : i32 to vector<16xi32>
      %parallel_loop3A_351 = arith.andi %parallel_loop3A_200, %parallel_loop3A_350 : vector<16xi32>
      %parallel_loop3A_352 = vector.shape_cast %parallel_loop3A_351 : vector<16xi32> to vector<16x1xi32>
      %parallel_loop3A_353 = vector.shape_cast %parallel_loop3A_352 : vector<16x1xi32> to vector<16xi32>
      %parallel_loop3A_354 = tpu.dynamic_gather %parallel_loop3A_347[%parallel_loop3A_353] in [0] : vector<16xf32>, vector<16xi32> -> vector<16xf32>
      %parallel_loop3A_355 = arith.index_cast %parallel_loop3A_124 : i32 to index
      %parallel_loop3A_356 = arith.constant 0 : index
      %parallel_loop3A_357 = tpu.vector_load %arg7[%parallel_loop3A_355, %parallel_loop3A_356] {strides = array<i32>} : memref<128x100xf32, #tpu.memory_space<vmem>>, vector<16xf32>,
      %parallel_loop3A_358 = arith.cmpf oge, %parallel_loop3A_127, %parallel_loop3A_354 : vector<16xf32>
      %parallel_loop3A_359 = arith.select %parallel_loop3A_358, %parallel_loop3A_357, %broadcast_in_dim3A_18 : vector<16xi1>, vector<16xf32>
      %parallel_loop3A_360 = arith.constant 0 : index
      %parallel_loop3A_361 = tpu.vector_load %arg10[%parallel_loop3A_360] {strides = array<i32>} : memref<112xf32, #tpu.memory_space<vmem>>, vector<16xf32>,
      tpu.vector_store %arg10[%parallel_loop3A_360], %parallel_loop3A_359 {add = true, strides = array<i32>} : memref<112xf32, #tpu.memory_space<vmem>>, vector<16xf32>,
      %parallel_loop3A_362 = arith.index_cast %parallel_loop3A_124 : i32 to index
      %parallel_loop3A_363 = arith.constant 16 : index
      %parallel_loop3A_364 = tpu.vector_load %arg7[%parallel_loop3A_362, %parallel_loop3A_363] {strides = array<i32>} : memref<128x100xf32, #tpu.memory_space<vmem>>, vector<16xf32>,
      %parallel_loop3A_365 = arith.cmpf oge, %parallel_loop3A_130, %parallel_loop3A_354 : vector<16xf32>
      %parallel_loop3A_366 = arith.select %parallel_loop3A_365, %parallel_loop3A_364, %broadcast_in_dim3A_18 : vector<16xi1>, vector<16xf32>
      %parallel_loop3A_367 = arith.constant 16 : index
      %parallel_loop3A_368 = tpu.vector_load %arg10[%parallel_loop3A_367] {strides = array<i32>} : memref<112xf32, #tpu.memory_space<vmem>>, vector<16xf32>,
      tpu.vector_store %arg10[%parallel_loop3A_367], %parallel_loop3A_366 {add = true, strides = array<i32>} : memref<112xf32, #tpu.memory_space<vmem>>, vector<16xf32>,
      %parallel_loop3A_369 = arith.index_cast %parallel_loop3A_124 : i32 to index
      %parallel_loop3A_370 = arith.constant 32 : index
      %parallel_loop3A_371 = tpu.vector_load %arg7[%parallel_loop3A_369, %parallel_loop3A_370] {strides = array<i32>} : memref<128x100xf32, #tpu.memory_space<vmem>>, vector<16xf32>,
      %parallel_loop3A_372 = arith.cmpf oge, %parallel_loop3A_133, %parallel_loop3A_354 : vector<16xf32>
      %parallel_loop3A_373 = arith.select %parallel_loop3A_372, %parallel_loop3A_371, %broadcast_in_dim3A_18 : vector<16xi1>, vector<16xf32>
      %parallel_loop3A_374 = arith.constant 32 : index
      %parallel_loop3A_375 = tpu.vector_load %arg10[%parallel_loop3A_374] {strides = array<i32>} : memref<112xf32, #tpu.memory_space<vmem>>, vector<16xf32>,
      tpu.vector_store %arg10[%parallel_loop3A_374], %parallel_loop3A_373 {add = true, strides = array<i32>} : memref<112xf32, #tpu.memory_space<vmem>>, vector<16xf32>,
      %parallel_loop3A_376 = arith.index_cast %parallel_loop3A_124 : i32 to index
      %parallel_loop3A_377 = arith.constant 48 : index
      %parallel_loop3A_378 = tpu.vector_load %arg7[%parallel_loop3A_376, %parallel_loop3A_377] {strides = array<i32>} : memref<128x100xf32, #tpu.memory_space<vmem>>, vector<16xf32>,
      %parallel_loop3A_379 = arith.cmpf oge, %parallel_loop3A_136, %parallel_loop3A_354 : vector<16xf32>
      %parallel_loop3A_380 = arith.select %parallel_loop3A_379, %parallel_loop3A_378, %broadcast_in_dim3A_18 : vector<16xi1>, vector<16xf32>
      %parallel_loop3A_381 = arith.constant 48 : index
      %parallel_loop3A_382 = tpu.vector_load %arg10[%parallel_loop3A_381] {strides = array<i32>} : memref<112xf32, #tpu.memory_space<vmem>>, vector<16xf32>,
      tpu.vector_store %arg10[%parallel_loop3A_381], %parallel_loop3A_380 {add = true, strides = array<i32>} : memref<112xf32, #tpu.memory_space<vmem>>, vector<16xf32>,
      %parallel_loop3A_383 = arith.index_cast %parallel_loop3A_124 : i32 to index
      %parallel_loop3A_384 = arith.constant 64 : index
      %parallel_loop3A_385 = tpu.vector_load %arg7[%parallel_loop3A_383, %parallel_loop3A_384] {strides = array<i32>} : memref<128x100xf32, #tpu.memory_space<vmem>>, vector<16xf32>,
      %parallel_loop3A_386 = arith.cmpf oge, %parallel_loop3A_139, %parallel_loop3A_354 : vector<16xf32>
      %parallel_loop3A_387 = arith.select %parallel_loop3A_386, %parallel_loop3A_385, %broadcast_in_dim3A_18 : vector<16xi1>, vector<16xf32>
      %parallel_loop3A_388 = arith.constant 64 : index
      %parallel_loop3A_389 = tpu.vector_load %arg10[%parallel_loop3A_388] {strides = array<i32>} : memref<112xf32, #tpu.memory_space<vmem>>, vector<16xf32>,
      tpu.vector_store %arg10[%parallel_loop3A_388], %parallel_loop3A_387 {add = true, strides = array<i32>} : memref<112xf32, #tpu.memory_space<vmem>>, vector<16xf32>,
      %parallel_loop3A_390 = arith.index_cast %parallel_loop3A_124 : i32 to index
      %parallel_loop3A_391 = arith.constant 80 : index
      %parallel_loop3A_392 = tpu.vector_load %arg7[%parallel_loop3A_390, %parallel_loop3A_391] {strides = array<i32>} : memref<128x100xf32, #tpu.memory_space<vmem>>, vector<16xf32>,
      %parallel_loop3A_393 = arith.cmpf oge, %parallel_loop3A_142, %parallel_loop3A_354 : vector<16xf32>
      %parallel_loop3A_394 = arith.select %parallel_loop3A_393, %parallel_loop3A_392, %broadcast_in_dim3A_18 : vector<16xi1>, vector<16xf32>
      %parallel_loop3A_395 = arith.constant 80 : index
      %parallel_loop3A_396 = tpu.vector_load %arg10[%parallel_loop3A_395] {strides = array<i32>} : memref<112xf32, #tpu.memory_space<vmem>>, vector<16xf32>,
      tpu.vector_store %arg10[%parallel_loop3A_395], %parallel_loop3A_394 {add = true, strides = array<i32>} : memref<112xf32, #tpu.memory_space<vmem>>, vector<16xf32>,
      %parallel_loop3A_397 = arith.index_cast %parallel_loop3A_124 : i32 to index
      %parallel_loop3A_398 = arith.constant 84 : index
      %parallel_loop3A_399 = tpu.vector_load %arg7[%parallel_loop3A_397, %parallel_loop3A_398] {strides = array<i32>} : memref<128x100xf32, #tpu.memory_space<vmem>>, vector<16xf32>,
      %parallel_loop3A_400 = arith.select %ge3A_15, %parallel_loop3A_399, %broadcast_in_dim3A_18 : vector<16xi1>, vector<16xf32>
      %parallel_loop3A_401 = arith.cmpf oge, %parallel_loop3A_145, %parallel_loop3A_354 : vector<16xf32>
      %parallel_loop3A_402 = arith.select %parallel_loop3A_401, %parallel_loop3A_400, %broadcast_in_dim3A_18 : vector<16xi1>, vector<16xf32>
      %parallel_loop3A_403 = arith.constant 84 : index
      %parallel_loop3A_404 = tpu.vector_load %arg10[%parallel_loop3A_403] {strides = array<i32>} : memref<112xf32, #tpu.memory_space<vmem>>, vector<16xf32>,
      tpu.vector_store %arg10[%parallel_loop3A_403], %parallel_loop3A_402 {add = true, strides = array<i32>} : memref<112xf32, #tpu.memory_space<vmem>>, vector<16xf32>,
    } {sc.loop_unroll_factor = 2 : i64, sc.parallel_access}
    %dma_wait3A_113 = arith.constant 0 : i32
    %dma_wait3A_114 = tpu.memref_slice %arg2[%add3A_91, %dma_wait3A_113] : memref<16384x100xf32, #tpu.memory_space<hbm>> -> memref<128x100xf32, #tpu.memory_space<hbm>>
    %dma_wait3A_115 = arith.constant 0 : i32
    %dma_wait3A_116 = tpu.memref_slice %arg2[%add3A_91, %dma_wait3A_115] : memref<16384x100xf32, #tpu.memory_space<hbm>> -> memref<128x100xf32, #tpu.memory_space<hbm>>
    tpu.wait_dma2 semaphore(%arg13 : memref<!tpu.dma_semaphore, #tpu.memory_space<semaphore_mem>>) src(%dma_wait3A_116 : memref<128x100xf32, #tpu.memory_space<hbm>>) dst(%arg8 : memref<128x100xf32, #tpu.memory_space<vmem>>)
    %dma_wait3A_117 = arith.constant 0 : i32
    %dma_wait3A_118 = tpu.memref_slice %arg3[%add3A_97, %dma_wait3A_117] : memref<16384x100xf32, #tpu.memory_space<hbm>> -> memref<128x100xf32, #tpu.memory_space<hbm>>
    %dma_wait3A_119 = arith.constant 0 : i32
    %dma_wait3A_120 = tpu.memref_slice %arg3[%add3A_97, %dma_wait3A_119] : memref<16384x100xf32, #tpu.memory_space<hbm>> -> memref<128x100xf32, #tpu.memory_space<hbm>>
    tpu.wait_dma2 semaphore(%arg13 : memref<!tpu.dma_semaphore, #tpu.memory_space<semaphore_mem>>) src(%dma_wait3A_120 : memref<128x100xf32, #tpu.memory_space<hbm>>) dst(%arg9 : memref<128x100xf32, #tpu.memory_space<vmem>>)
    %parallel_loop3A_121 = arith.constant 0 : i32
    %parallel_loop3A_122 = arith.constant 128 : i32
    %parallel_loop3A_123 = arith.constant 1 : i32
    scf.for %parallel_loop3A_124 = %parallel_loop3A_121 to %parallel_loop3A_122 step %parallel_loop3A_123  : i32 {
      %parallel_loop3A_125 = arith.index_cast %parallel_loop3A_124 : i32 to index
      %parallel_loop3A_126 = arith.constant 0 : index
      %parallel_loop3A_127 = tpu.vector_load %arg8[%parallel_loop3A_125, %parallel_loop3A_126] {strides = array<i32>} : memref<128x100xf32, #tpu.memory_space<vmem>>, vector<16xf32>,
      %parallel_loop3A_128 = arith.index_cast %parallel_loop3A_124 : i32 to index
      %parallel_loop3A_129 = arith.constant 16 : index
      %parallel_loop3A_130 = tpu.vector_load %arg8[%parallel_loop3A_128, %parallel_loop3A_129] {strides = array<i32>} : memref<128x100xf32, #tpu.memory_space<vmem>>, vector<16xf32>,
      %parallel_loop3A_131 = arith.index_cast %parallel_loop3A_124 : i32 to index
      %parallel_loop3A_132 = arith.constant 32 : index
      %parallel_loop3A_133 = tpu.vector_load %arg8[%parallel_loop3A_131, %parallel_loop3A_132] {strides = array<i32>} : memref<128x100xf32, #tpu.memory_space<vmem>>, vector<16xf32>,
      %parallel_loop3A_134 = arith.index_cast %parallel_loop3A_124 : i32 to index
      %parallel_loop3A_135 = arith.constant 48 : index
      %parallel_loop3A_136 = tpu.vector_load %arg8[%parallel_loop3A_134, %parallel_loop3A_135] {strides = array<i32>} : memref<128x100xf32, #tpu.memory_space<vmem>>, vector<16xf32>,
      %parallel_loop3A_137 = arith.index_cast %parallel_loop3A_124 : i32 to index
      %parallel_loop3A_138 = arith.constant 64 : index
      %parallel_loop3A_139 = tpu.vector_load %arg8[%parallel_loop3A_137, %parallel_loop3A_138] {strides = array<i32>} : memref<128x100xf32, #tpu.memory_space<vmem>>, vector<16xf32>,
      %parallel_loop3A_140 = arith.index_cast %parallel_loop3A_124 : i32 to index
      %parallel_loop3A_141 = arith.constant 80 : index
      %parallel_loop3A_142 = tpu.vector_load %arg8[%parallel_loop3A_140, %parallel_loop3A_141] {strides = array<i32>} : memref<128x100xf32, #tpu.memory_space<vmem>>, vector<16xf32>,
      %parallel_loop3A_143 = arith.index_cast %parallel_loop3A_124 : i32 to index
      %parallel_loop3A_144 = arith.constant 84 : index
      %parallel_loop3A_145 = tpu.vector_load %arg8[%parallel_loop3A_143, %parallel_loop3A_144] {strides = array<i32>} : memref<128x100xf32, #tpu.memory_space<vmem>>, vector<16xf32>,
      %parallel_loop3A_146 = arith.index_cast %parallel_loop3A_124 : i32 to index
      %parallel_loop3A_147 = arith.constant 0 : index
      %parallel_loop3A_148 = tpu.vector_load %arg9[%parallel_loop3A_146, %parallel_loop3A_147] {strides = array<i32>} : memref<128x100xf32, #tpu.memory_space<vmem>>, vector<16xf32>,
      %parallel_loop3A_149 = arith.constant 0 : index
      %parallel_loop3A_150 = tpu.vector_load %arg11[%parallel_loop3A_149] {strides = array<i32>} : memref<112xf32, #tpu.memory_space<vmem>>, vector<16xf32>,
      tpu.vector_store %arg11[%parallel_loop3A_149], %parallel_loop3A_148 {add = true, strides = array<i32>} : memref<112xf32, #tpu.memory_space<vmem>>, vector<16xf32>,
      %parallel_loop3A_151 = arith.index_cast %parallel_loop3A_124 : i32 to index
      %parallel_loop3A_152 = arith.constant 16 : index
      %parallel_loop3A_153 = tpu.vector_load %arg9[%parallel_loop3A_151, %parallel_loop3A_152] {strides = array<i32>} : memref<128x100xf32, #tpu.memory_space<vmem>>, vector<16xf32>,
      %parallel_loop3A_154 = arith.constant 16 : index
      %parallel_loop3A_155 = tpu.vector_load %arg11[%parallel_loop3A_154] {strides = array<i32>} : memref<112xf32, #tpu.memory_space<vmem>>, vector<16xf32>,
      tpu.vector_store %arg11[%parallel_loop3A_154], %parallel_loop3A_153 {add = true, strides = array<i32>} : memref<112xf32, #tpu.memory_space<vmem>>, vector<16xf32>,
      %parallel_loop3A_156 = arith.addf %parallel_loop3A_148, %parallel_loop3A_153 : vector<16xf32>
      %parallel_loop3A_157 = arith.index_cast %parallel_loop3A_124 : i32 to index
      %parallel_loop3A_158 = arith.constant 32 : index
      %parallel_loop3A_159 = tpu.vector_load %arg9[%parallel_loop3A_157, %parallel_loop3A_158] {strides = array<i32>} : memref<128x100xf32, #tpu.memory_space<vmem>>, vector<16xf32>,
      %parallel_loop3A_160 = arith.constant 32 : index
      %parallel_loop3A_161 = tpu.vector_load %arg11[%parallel_loop3A_160] {strides = array<i32>} : memref<112xf32, #tpu.memory_space<vmem>>, vector<16xf32>,
      tpu.vector_store %arg11[%parallel_loop3A_160], %parallel_loop3A_159 {add = true, strides = array<i32>} : memref<112xf32, #tpu.memory_space<vmem>>, vector<16xf32>,
      %parallel_loop3A_162 = arith.addf %parallel_loop3A_156, %parallel_loop3A_159 : vector<16xf32>
      %parallel_loop3A_163 = arith.index_cast %parallel_loop3A_124 : i32 to index
      %parallel_loop3A_164 = arith.constant 48 : index
      %parallel_loop3A_165 = tpu.vector_load %arg9[%parallel_loop3A_163, %parallel_loop3A_164] {strides = array<i32>} : memref<128x100xf32, #tpu.memory_space<vmem>>, vector<16xf32>,
      %parallel_loop3A_166 = arith.constant 48 : index
      %parallel_loop3A_167 = tpu.vector_load %arg11[%parallel_loop3A_166] {strides = array<i32>} : memref<112xf32, #tpu.memory_space<vmem>>, vector<16xf32>,
      tpu.vector_store %arg11[%parallel_loop3A_166], %parallel_loop3A_165 {add = true, strides = array<i32>} : memref<112xf32, #tpu.memory_space<vmem>>, vector<16xf32>,
      %parallel_loop3A_168 = arith.addf %parallel_loop3A_162, %parallel_loop3A_165 : vector<16xf32>
      %parallel_loop3A_169 = arith.index_cast %parallel_loop3A_124 : i32 to index
      %parallel_loop3A_170 = arith.constant 64 : index
      %parallel_loop3A_171 = tpu.vector_load %arg9[%parallel_loop3A_169, %parallel_loop3A_170] {strides = array<i32>} : memref<128x100xf32, #tpu.memory_space<vmem>>, vector<16xf32>,
      %parallel_loop3A_172 = arith.constant 64 : index
      %parallel_loop3A_173 = tpu.vector_load %arg11[%parallel_loop3A_172] {strides = array<i32>} : memref<112xf32, #tpu.memory_space<vmem>>, vector<16xf32>,
      tpu.vector_store %arg11[%parallel_loop3A_172], %parallel_loop3A_171 {add = true, strides = array<i32>} : memref<112xf32, #tpu.memory_space<vmem>>, vector<16xf32>,
      %parallel_loop3A_174 = arith.addf %parallel_loop3A_168, %parallel_loop3A_171 : vector<16xf32>
      %parallel_loop3A_175 = arith.index_cast %parallel_loop3A_124 : i32 to index
      %parallel_loop3A_176 = arith.constant 80 : index
      %parallel_loop3A_177 = tpu.vector_load %arg9[%parallel_loop3A_175, %parallel_loop3A_176] {strides = array<i32>} : memref<128x100xf32, #tpu.memory_space<vmem>>, vector<16xf32>,
      %parallel_loop3A_178 = arith.constant 80 : index
      %parallel_loop3A_179 = tpu.vector_load %arg11[%parallel_loop3A_178] {strides = array<i32>} : memref<112xf32, #tpu.memory_space<vmem>>, vector<16xf32>,
      tpu.vector_store %arg11[%parallel_loop3A_178], %parallel_loop3A_177 {add = true, strides = array<i32>} : memref<112xf32, #tpu.memory_space<vmem>>, vector<16xf32>,
      %parallel_loop3A_180 = arith.addf %parallel_loop3A_174, %parallel_loop3A_177 : vector<16xf32>
      %parallel_loop3A_181 = arith.index_cast %parallel_loop3A_124 : i32 to index
      %parallel_loop3A_182 = arith.constant 84 : index
      %parallel_loop3A_183 = tpu.vector_load %arg9[%parallel_loop3A_181, %parallel_loop3A_182] {strides = array<i32>} : memref<128x100xf32, #tpu.memory_space<vmem>>, vector<16xf32>,
      %parallel_loop3A_184 = arith.select %ge3A_15, %parallel_loop3A_183, %broadcast_in_dim3A_18 : vector<16xi1>, vector<16xf32>
      %parallel_loop3A_185 = arith.constant 84 : index
      %parallel_loop3A_186 = tpu.vector_load %arg11[%parallel_loop3A_185] {strides = array<i32>} : memref<112xf32, #tpu.memory_space<vmem>>, vector<16xf32>,
      tpu.vector_store %arg11[%parallel_loop3A_185], %parallel_loop3A_184 {add = true, strides = array<i32>} : memref<112xf32, #tpu.memory_space<vmem>>, vector<16xf32>,
      %parallel_loop3A_187 = arith.addf %parallel_loop3A_180, %parallel_loop3A_184 : vector<16xf32>
      %parallel_loop3A_188 = arith.constant true
      %parallel_loop3A_189 = vector.broadcast %parallel_loop3A_188 : i1 to vector<16xi1>
      %parallel_loop3A_190 = tpu.scan <sum>, %parallel_loop3A_187 masked %parallel_loop3A_189 : vector<16xf32>, vector<16xi1> -> vector<16xf32>
      %parallel_loop3A_191 = vector.extract %parallel_loop3A_190[15] : f32 from vector<16xf32>
      %parallel_loop3A_192 = arith.fptosi %parallel_loop3A_191 : f32 to i32
      %parallel_loop3A_193 = arith.constant 1 : i32
      %parallel_loop3A_194 = arith.constant 100 : i32
      %parallel_loop3A_195 = arith.maxsi %parallel_loop3A_193, %parallel_loop3A_192 : i32
      %parallel_loop3A_196 = arith.minsi %parallel_loop3A_194, %parallel_loop3A_195 : i32
      %parallel_loop3A_197 = arith.constant 128 : i32
      %parallel_loop3A_198 = vector.broadcast %parallel_loop3A_197 : i32 to vector<16xi32>
      %parallel_loop3A_199 = vector.broadcast %parallel_loop3A_196 : i32 to vector<16xi32>
      %parallel_loop3A_200 = arith.subi %parallel_loop3A_198, %parallel_loop3A_199 : vector<16xi32>
      %parallel_loop3A_201 = arith.select %ge3A_15, %parallel_loop3A_145, %broadcast_in_dim3A_16 : vector<16xi1>, vector<16xf32>
      %parallel_loop3A_202 = arith.constant dense<true> : vector<16xi1>
      %parallel_loop3A_203, %parallel_loop3A_204, %parallel_loop3A_205 = tpu.sort %parallel_loop3A_127, %parallel_loop3A_127 masked %parallel_loop3A_202 : (vector<16xf32>, vector<16xf32>, vector<16xi1>) -> (vector<16xi1>, vector<16xf32>, vector<16xf32>)
      %parallel_loop3A_206 = arith.constant dense<true> : vector<16xi1>
      %parallel_loop3A_207, %parallel_loop3A_208, %parallel_loop3A_209 = tpu.sort %parallel_loop3A_130, %parallel_loop3A_130 masked %parallel_loop3A_206 {descending = true} : (vector<16xf32>, vector<16xf32>, vector<16xi1>) -> (vector<16xi1>, vector<16xf32>, vector<16xf32>)
      %parallel_loop3A_210 = arith.constant dense<true> : vector<16xi1>
      %parallel_loop3A_211, %parallel_loop3A_212, %parallel_loop3A_213 = tpu.sort %parallel_loop3A_133, %parallel_loop3A_133 masked %parallel_loop3A_210 {descending = true} : (vector<16xf32>, vector<16xf32>, vector<16xi1>) -> (vector<16xi1>, vector<16xf32>, vector<16xf32>)
      %parallel_loop3A_214 = arith.constant dense<true> : vector<16xi1>
      %parallel_loop3A_215, %parallel_loop3A_216, %parallel_loop3A_217 = tpu.sort %parallel_loop3A_136, %parallel_loop3A_136 masked %parallel_loop3A_214 : (vector<16xf32>, vector<16xf32>, vector<16xi1>) -> (vector<16xi1>, vector<16xf32>, vector<16xf32>)
      %parallel_loop3A_218 = arith.constant dense<true> : vector<16xi1>
      %parallel_loop3A_219, %parallel_loop3A_220, %parallel_loop3A_221 = tpu.sort %parallel_loop3A_139, %parallel_loop3A_139 masked %parallel_loop3A_218 {descending = true} : (vector<16xf32>, vector<16xf32>, vector<16xi1>) -> (vector<16xi1>, vector<16xf32>, vector<16xf32>)
      %parallel_loop3A_222 = arith.constant dense<true> : vector<16xi1>
      %parallel_loop3A_223, %parallel_loop3A_224, %parallel_loop3A_225 = tpu.sort %parallel_loop3A_142, %parallel_loop3A_142 masked %parallel_loop3A_222 : (vector<16xf32>, vector<16xf32>, vector<16xi1>) -> (vector<16xi1>, vector<16xf32>, vector<16xf32>)
      %parallel_loop3A_226 = arith.constant dense<true> : vector<16xi1>
      %parallel_loop3A_227, %parallel_loop3A_228, %parallel_loop3A_229 = tpu.sort %parallel_loop3A_201, %parallel_loop3A_201 masked %parallel_loop3A_226 : (vector<16xf32>, vector<16xf32>, vector<16xi1>) -> (vector<16xi1>, vector<16xf32>, vector<16xf32>)
      %parallel_loop3A_230 = arith.minimumf %parallel_loop3A_204, %parallel_loop3A_208 : vector<16xf32>
      %parallel_loop3A_231 = arith.maximumf %parallel_loop3A_204, %parallel_loop3A_208 : vector<16xf32>
      %parallel_loop3A_232 = arith.constant dense<true> : vector<16xi1>
      %parallel_loop3A_233, %parallel_loop3A_234, %parallel_loop3A_235 = tpu.sort %parallel_loop3A_230, %parallel_loop3A_230 masked %parallel_loop3A_232 : (vector<16xf32>, vector<16xf32>, vector<16xi1>) -> (vector<16xi1>, vector<16xf32>, vector<16xf32>)
      %parallel_loop3A_236 = arith.constant dense<true> : vector<16xi1>
      %parallel_loop3A_237, %parallel_loop3A_238, %parallel_loop3A_239 = tpu.sort %parallel_loop3A_231, %parallel_loop3A_231 masked %parallel_loop3A_236 : (vector<16xf32>, vector<16xf32>, vector<16xi1>) -> (vector<16xi1>, vector<16xf32>, vector<16xf32>)
      %parallel_loop3A_240 = arith.minimumf %parallel_loop3A_212, %parallel_loop3A_216 : vector<16xf32>
      %parallel_loop3A_241 = arith.maximumf %parallel_loop3A_212, %parallel_loop3A_216 : vector<16xf32>
      %parallel_loop3A_242 = arith.constant dense<true> : vector<16xi1>
      %parallel_loop3A_243, %parallel_loop3A_244, %parallel_loop3A_245 = tpu.sort %parallel_loop3A_241, %parallel_loop3A_241 masked %parallel_loop3A_242 {descending = true} : (vector<16xf32>, vector<16xf32>, vector<16xi1>) -> (vector<16xi1>, vector<16xf32>, vector<16xf32>)
      %parallel_loop3A_246 = arith.constant dense<true> : vector<16xi1>
      %parallel_loop3A_247, %parallel_loop3A_248, %parallel_loop3A_249 = tpu.sort %parallel_loop3A_240, %parallel_loop3A_240 masked %parallel_loop3A_246 {descending = true} : (vector<16xf32>, vector<16xf32>, vector<16xi1>) -> (vector<16xi1>, vector<16xf32>, vector<16xf32>)
      %parallel_loop3A_250 = arith.minimumf %parallel_loop3A_220, %parallel_loop3A_224 : vector<16xf32>
      %parallel_loop3A_251 = arith.maximumf %parallel_loop3A_220, %parallel_loop3A_224 : vector<16xf32>
      %parallel_loop3A_252 = arith.constant dense<true> : vector<16xi1>
      %parallel_loop3A_253, %parallel_loop3A_254, %parallel_loop3A_255 = tpu.sort %parallel_loop3A_251, %parallel_loop3A_251 masked %parallel_loop3A_252 {descending = true} : (vector<16xf32>, vector<16xf32>, vector<16xi1>) -> (vector<16xi1>, vector<16xf32>, vector<16xf32>)
      %parallel_loop3A_256 = arith.constant dense<true> : vector<16xi1>
      %parallel_loop3A_257, %parallel_loop3A_258, %parallel_loop3A_259 = tpu.sort %parallel_loop3A_250, %parallel_loop3A_250 masked %parallel_loop3A_256 {descending = true} : (vector<16xf32>, vector<16xf32>, vector<16xi1>) -> (vector<16xi1>, vector<16xf32>, vector<16xf32>)
      %parallel_loop3A_260 = arith.minimumf %parallel_loop3A_234, %parallel_loop3A_244 : vector<16xf32>
      %parallel_loop3A_261 = arith.minimumf %parallel_loop3A_238, %parallel_loop3A_248 : vector<16xf32>
      %parallel_loop3A_262 = arith.maximumf %parallel_loop3A_234, %parallel_loop3A_244 : vector<16xf32>
      %parallel_loop3A_263 = arith.maximumf %parallel_loop3A_238, %parallel_loop3A_248 : vector<16xf32>
      %parallel_loop3A_264 = arith.minimumf %parallel_loop3A_260, %parallel_loop3A_261 : vector<16xf32>
      %parallel_loop3A_265 = arith.constant dense<true> : vector<16xi1>
      %parallel_loop3A_266, %parallel_loop3A_267, %parallel_loop3A_268 = tpu.sort %parallel_loop3A_264, %parallel_loop3A_264 masked %parallel_loop3A_265 : (vector<16xf32>, vector<16xf32>, vector<16xi1>) -> (vector<16xi1>, vector<16xf32>, vector<16xf32>)
      %parallel_loop3A_269 = arith.maximumf %parallel_loop3A_260, %parallel_loop3A_261 : vector<16xf32>
      %parallel_loop3A_270 = arith.constant dense<true> : vector<16xi1>
      %parallel_loop3A_271, %parallel_loop3A_272, %parallel_loop3A_273 = tpu.sort %parallel_loop3A_269, %parallel_loop3A_269 masked %parallel_loop3A_270 : (vector<16xf32>, vector<16xf32>, vector<16xi1>) -> (vector<16xi1>, vector<16xf32>, vector<16xf32>)
      %parallel_loop3A_274 = arith.minimumf %parallel_loop3A_262, %parallel_loop3A_263 : vector<16xf32>
      %parallel_loop3A_275 = arith.constant dense<true> : vector<16xi1>
      %parallel_loop3A_276, %parallel_loop3A_277, %parallel_loop3A_278 = tpu.sort %parallel_loop3A_274, %parallel_loop3A_274 masked %parallel_loop3A_275 : (vector<16xf32>, vector<16xf32>, vector<16xi1>) -> (vector<16xi1>, vector<16xf32>, vector<16xf32>)
      %parallel_loop3A_279 = arith.maximumf %parallel_loop3A_262, %parallel_loop3A_263 : vector<16xf32>
      %parallel_loop3A_280 = arith.constant dense<true> : vector<16xi1>
      %parallel_loop3A_281, %parallel_loop3A_282, %parallel_loop3A_283 = tpu.sort %parallel_loop3A_279, %parallel_loop3A_279 masked %parallel_loop3A_280 : (vector<16xf32>, vector<16xf32>, vector<16xi1>) -> (vector<16xi1>, vector<16xf32>, vector<16xf32>)
      %parallel_loop3A_284 = arith.maximumf %parallel_loop3A_258, %parallel_loop3A_228 : vector<16xf32>
      %parallel_loop3A_285 = arith.minimumf %parallel_loop3A_258, %parallel_loop3A_228 : vector<16xf32>
      %parallel_loop3A_286 = arith.maximumf %parallel_loop3A_254, %parallel_loop3A_284 : vector<16xf32>
      %parallel_loop3A_287 = arith.constant dense<true> : vector<16xi1>
      %parallel_loop3A_288, %parallel_loop3A_289, %parallel_loop3A_290 = tpu.sort %parallel_loop3A_286, %parallel_loop3A_286 masked %parallel_loop3A_287 {descending = true} : (vector<16xf32>, vector<16xf32>, vector<16xi1>) -> (vector<16xi1>, vector<16xf32>, vector<16xf32>)
      %parallel_loop3A_291 = arith.minimumf %parallel_loop3A_254, %parallel_loop3A_284 : vector<16xf32>
      %parallel_loop3A_292 = arith.constant dense<true> : vector<16xi1>
      %parallel_loop3A_293, %parallel_loop3A_294, %parallel_loop3A_295 = tpu.sort %parallel_loop3A_291, %parallel_loop3A_291 masked %parallel_loop3A_292 {descending = true} : (vector<16xf32>, vector<16xf32>, vector<16xi1>) -> (vector<16xi1>, vector<16xf32>, vector<16xf32>)
      %parallel_loop3A_296 = arith.constant dense<true> : vector<16xi1>
      %parallel_loop3A_297, %parallel_loop3A_298, %parallel_loop3A_299 = tpu.sort %parallel_loop3A_285, %parallel_loop3A_285 masked %parallel_loop3A_296 {descending = true} : (vector<16xf32>, vector<16xf32>, vector<16xi1>) -> (vector<16xi1>, vector<16xf32>, vector<16xf32>)
      %parallel_loop3A_300 = arith.minimumf %parallel_loop3A_267, %parallel_loop3A_289 : vector<16xf32>
      %parallel_loop3A_301 = arith.minimumf %parallel_loop3A_272, %parallel_loop3A_294 : vector<16xf32>
      %parallel_loop3A_302 = arith.minimumf %parallel_loop3A_277, %parallel_loop3A_298 : vector<16xf32>
      %parallel_loop3A_303 = arith.maximumf %parallel_loop3A_267, %parallel_loop3A_289 : vector<16xf32>
      %parallel_loop3A_304 = arith.maximumf %parallel_loop3A_272, %parallel_loop3A_294 : vector<16xf32>
      %parallel_loop3A_305 = arith.maximumf %parallel_loop3A_277, %parallel_loop3A_298 : vector<16xf32>
      %parallel_loop3A_306 = arith.minimumf %parallel_loop3A_303, %parallel_loop3A_305 : vector<16xf32>
      %parallel_loop3A_307 = arith.minimumf %parallel_loop3A_304, %parallel_loop3A_282 : vector<16xf32>
      %parallel_loop3A_308 = arith.maximumf %parallel_loop3A_303, %parallel_loop3A_305 : vector<16xf32>
      %parallel_loop3A_309 = arith.maximumf %parallel_loop3A_304, %parallel_loop3A_282 : vector<16xf32>
      %parallel_loop3A_310 = arith.minimumf %parallel_loop3A_306, %parallel_loop3A_307 : vector<16xf32>
      %parallel_loop3A_311 = arith.maximumf %parallel_loop3A_306, %parallel_loop3A_307 : vector<16xf32>
      %parallel_loop3A_312 = arith.minimumf %parallel_loop3A_308, %parallel_loop3A_309 : vector<16xf32>
      %parallel_loop3A_313 = arith.maximumf %parallel_loop3A_308, %parallel_loop3A_309 : vector<16xf32>
      %parallel_loop3A_314 = arith.minimumf %parallel_loop3A_300, %parallel_loop3A_302 : vector<16xf32>
      %parallel_loop3A_315 = arith.maximumf %parallel_loop3A_300, %parallel_loop3A_302 : vector<16xf32>
      %parallel_loop3A_316 = arith.minimumf %parallel_loop3A_315, %parallel_loop3A_301 : vector<16xf32>
      %parallel_loop3A_317 = arith.maximumf %parallel_loop3A_315, %parallel_loop3A_301 : vector<16xf32>
      %parallel_loop3A_318 = arith.constant 4 : i32
      %parallel_loop3A_319 = vector.broadcast %parallel_loop3A_318 : i32 to vector<16xi32>
      %parallel_loop3A_320 = arith.shrsi %parallel_loop3A_200, %parallel_loop3A_319 : vector<16xi32>
      %parallel_loop3A_321 = arith.constant 1 : i32
      %parallel_loop3A_322 = vector.broadcast %parallel_loop3A_321 : i32 to vector<16xi32>
      %parallel_loop3A_323 = arith.cmpi sle, %parallel_loop3A_320, %parallel_loop3A_322 : vector<16xi32>
      %parallel_loop3A_324 = arith.select %parallel_loop3A_323, %parallel_loop3A_314, %parallel_loop3A_316 : vector<16xi1>, vector<16xf32>
      %parallel_loop3A_325 = arith.constant 3 : i32
      %parallel_loop3A_326 = vector.broadcast %parallel_loop3A_325 : i32 to vector<16xi32>
      %parallel_loop3A_327 = arith.cmpi sle, %parallel_loop3A_320, %parallel_loop3A_326 : vector<16xi32>
      %parallel_loop3A_328 = arith.select %parallel_loop3A_327, %parallel_loop3A_317, %parallel_loop3A_310 : vector<16xi1>, vector<16xf32>
      %parallel_loop3A_329 = arith.constant 5 : i32
      %parallel_loop3A_330 = vector.broadcast %parallel_loop3A_329 : i32 to vector<16xi32>
      %parallel_loop3A_331 = arith.cmpi sle, %parallel_loop3A_320, %parallel_loop3A_330 : vector<16xi32>
      %parallel_loop3A_332 = arith.select %parallel_loop3A_331, %parallel_loop3A_311, %parallel_loop3A_312 : vector<16xi1>, vector<16xf32>
      %parallel_loop3A_333 = arith.constant 2 : i32
      %parallel_loop3A_334 = vector.broadcast %parallel_loop3A_333 : i32 to vector<16xi32>
      %parallel_loop3A_335 = arith.cmpi sle, %parallel_loop3A_320, %parallel_loop3A_334 : vector<16xi32>
      %parallel_loop3A_336 = arith.select %parallel_loop3A_335, %parallel_loop3A_324, %parallel_loop3A_328 : vector<16xi1>, vector<16xf32>
      %parallel_loop3A_337 = arith.constant 6 : i32
      %parallel_loop3A_338 = vector.broadcast %parallel_loop3A_337 : i32 to vector<16xi32>
      %parallel_loop3A_339 = arith.cmpi sle, %parallel_loop3A_320, %parallel_loop3A_338 : vector<16xi32>
      %parallel_loop3A_340 = arith.select %parallel_loop3A_339, %parallel_loop3A_332, %parallel_loop3A_313 : vector<16xi1>, vector<16xf32>
      %parallel_loop3A_341 = arith.constant 4 : i32
      %parallel_loop3A_342 = vector.broadcast %parallel_loop3A_341 : i32 to vector<16xi32>
      %parallel_loop3A_343 = arith.cmpi sle, %parallel_loop3A_320, %parallel_loop3A_342 : vector<16xi32>
      %parallel_loop3A_344 = arith.select %parallel_loop3A_343, %parallel_loop3A_336, %parallel_loop3A_340 : vector<16xi1>, vector<16xf32>
      %parallel_loop3A_345 = arith.constant dense<true> : vector<16xi1>
      %parallel_loop3A_346, %parallel_loop3A_347, %parallel_loop3A_348 = tpu.sort %parallel_loop3A_344, %parallel_loop3A_344 masked %parallel_loop3A_345 : (vector<16xf32>, vector<16xf32>, vector<16xi1>) -> (vector<16xi1>, vector<16xf32>, vector<16xf32>)
      %parallel_loop3A_349 = arith.constant 15 : i32
      %parallel_loop3A_350 = vector.broadcast %parallel_loop3A_349 : i32 to vector<16xi32>
      %parallel_loop3A_351 = arith.andi %parallel_loop3A_200, %parallel_loop3A_350 : vector<16xi32>
      %parallel_loop3A_352 = vector.shape_cast %parallel_loop3A_351 : vector<16xi32> to vector<16x1xi32>
      %parallel_loop3A_353 = vector.shape_cast %parallel_loop3A_352 : vector<16x1xi32> to vector<16xi32>
      %parallel_loop3A_354 = tpu.dynamic_gather %parallel_loop3A_347[%parallel_loop3A_353] in [0] : vector<16xf32>, vector<16xi32> -> vector<16xf32>
      %parallel_loop3A_355 = arith.index_cast %parallel_loop3A_124 : i32 to index
      %parallel_loop3A_356 = arith.constant 0 : index
      %parallel_loop3A_357 = tpu.vector_load %arg9[%parallel_loop3A_355, %parallel_loop3A_356] {strides = array<i32>} : memref<128x100xf32, #tpu.memory_space<vmem>>, vector<16xf32>,
      %parallel_loop3A_358 = arith.cmpf oge, %parallel_loop3A_127, %parallel_loop3A_354 : vector<16xf32>
      %parallel_loop3A_359 = arith.select %parallel_loop3A_358, %parallel_loop3A_357, %broadcast_in_dim3A_18 : vector<16xi1>, vector<16xf32>
      %parallel_loop3A_360 = arith.constant 0 : index
      %parallel_loop3A_361 = tpu.vector_load %arg10[%parallel_loop3A_360] {strides = array<i32>} : memref<112xf32, #tpu.memory_space<vmem>>, vector<16xf32>,
      tpu.vector_store %arg10[%parallel_loop3A_360], %parallel_loop3A_359 {add = true, strides = array<i32>} : memref<112xf32, #tpu.memory_space<vmem>>, vector<16xf32>,
      %parallel_loop3A_362 = arith.index_cast %parallel_loop3A_124 : i32 to index
      %parallel_loop3A_363 = arith.constant 16 : index
      %parallel_loop3A_364 = tpu.vector_load %arg9[%parallel_loop3A_362, %parallel_loop3A_363] {strides = array<i32>} : memref<128x100xf32, #tpu.memory_space<vmem>>, vector<16xf32>,
      %parallel_loop3A_365 = arith.cmpf oge, %parallel_loop3A_130, %parallel_loop3A_354 : vector<16xf32>
      %parallel_loop3A_366 = arith.select %parallel_loop3A_365, %parallel_loop3A_364, %broadcast_in_dim3A_18 : vector<16xi1>, vector<16xf32>
      %parallel_loop3A_367 = arith.constant 16 : index
      %parallel_loop3A_368 = tpu.vector_load %arg10[%parallel_loop3A_367] {strides = array<i32>} : memref<112xf32, #tpu.memory_space<vmem>>, vector<16xf32>,
      tpu.vector_store %arg10[%parallel_loop3A_367], %parallel_loop3A_366 {add = true, strides = array<i32>} : memref<112xf32, #tpu.memory_space<vmem>>, vector<16xf32>,
      %parallel_loop3A_369 = arith.index_cast %parallel_loop3A_124 : i32 to index
      %parallel_loop3A_370 = arith.constant 32 : index
      %parallel_loop3A_371 = tpu.vector_load %arg9[%parallel_loop3A_369, %parallel_loop3A_370] {strides = array<i32>} : memref<128x100xf32, #tpu.memory_space<vmem>>, vector<16xf32>,
      %parallel_loop3A_372 = arith.cmpf oge, %parallel_loop3A_133, %parallel_loop3A_354 : vector<16xf32>
      %parallel_loop3A_373 = arith.select %parallel_loop3A_372, %parallel_loop3A_371, %broadcast_in_dim3A_18 : vector<16xi1>, vector<16xf32>
      %parallel_loop3A_374 = arith.constant 32 : index
      %parallel_loop3A_375 = tpu.vector_load %arg10[%parallel_loop3A_374] {strides = array<i32>} : memref<112xf32, #tpu.memory_space<vmem>>, vector<16xf32>,
      tpu.vector_store %arg10[%parallel_loop3A_374], %parallel_loop3A_373 {add = true, strides = array<i32>} : memref<112xf32, #tpu.memory_space<vmem>>, vector<16xf32>,
      %parallel_loop3A_376 = arith.index_cast %parallel_loop3A_124 : i32 to index
      %parallel_loop3A_377 = arith.constant 48 : index
      %parallel_loop3A_378 = tpu.vector_load %arg9[%parallel_loop3A_376, %parallel_loop3A_377] {strides = array<i32>} : memref<128x100xf32, #tpu.memory_space<vmem>>, vector<16xf32>,
      %parallel_loop3A_379 = arith.cmpf oge, %parallel_loop3A_136, %parallel_loop3A_354 : vector<16xf32>
      %parallel_loop3A_380 = arith.select %parallel_loop3A_379, %parallel_loop3A_378, %broadcast_in_dim3A_18 : vector<16xi1>, vector<16xf32>
      %parallel_loop3A_381 = arith.constant 48 : index
      %parallel_loop3A_382 = tpu.vector_load %arg10[%parallel_loop3A_381] {strides = array<i32>} : memref<112xf32, #tpu.memory_space<vmem>>, vector<16xf32>,
      tpu.vector_store %arg10[%parallel_loop3A_381], %parallel_loop3A_380 {add = true, strides = array<i32>} : memref<112xf32, #tpu.memory_space<vmem>>, vector<16xf32>,
      %parallel_loop3A_383 = arith.index_cast %parallel_loop3A_124 : i32 to index
      %parallel_loop3A_384 = arith.constant 64 : index
      %parallel_loop3A_385 = tpu.vector_load %arg9[%parallel_loop3A_383, %parallel_loop3A_384] {strides = array<i32>} : memref<128x100xf32, #tpu.memory_space<vmem>>, vector<16xf32>,
      %parallel_loop3A_386 = arith.cmpf oge, %parallel_loop3A_139, %parallel_loop3A_354 : vector<16xf32>
      %parallel_loop3A_387 = arith.select %parallel_loop3A_386, %parallel_loop3A_385, %broadcast_in_dim3A_18 : vector<16xi1>, vector<16xf32>
      %parallel_loop3A_388 = arith.constant 64 : index
      %parallel_loop3A_389 = tpu.vector_load %arg10[%parallel_loop3A_388] {strides = array<i32>} : memref<112xf32, #tpu.memory_space<vmem>>, vector<16xf32>,
      tpu.vector_store %arg10[%parallel_loop3A_388], %parallel_loop3A_387 {add = true, strides = array<i32>} : memref<112xf32, #tpu.memory_space<vmem>>, vector<16xf32>,
      %parallel_loop3A_390 = arith.index_cast %parallel_loop3A_124 : i32 to index
      %parallel_loop3A_391 = arith.constant 80 : index
      %parallel_loop3A_392 = tpu.vector_load %arg9[%parallel_loop3A_390, %parallel_loop3A_391] {strides = array<i32>} : memref<128x100xf32, #tpu.memory_space<vmem>>, vector<16xf32>,
      %parallel_loop3A_393 = arith.cmpf oge, %parallel_loop3A_142, %parallel_loop3A_354 : vector<16xf32>
      %parallel_loop3A_394 = arith.select %parallel_loop3A_393, %parallel_loop3A_392, %broadcast_in_dim3A_18 : vector<16xi1>, vector<16xf32>
      %parallel_loop3A_395 = arith.constant 80 : index
      %parallel_loop3A_396 = tpu.vector_load %arg10[%parallel_loop3A_395] {strides = array<i32>} : memref<112xf32, #tpu.memory_space<vmem>>, vector<16xf32>,
      tpu.vector_store %arg10[%parallel_loop3A_395], %parallel_loop3A_394 {add = true, strides = array<i32>} : memref<112xf32, #tpu.memory_space<vmem>>, vector<16xf32>,
      %parallel_loop3A_397 = arith.index_cast %parallel_loop3A_124 : i32 to index
      %parallel_loop3A_398 = arith.constant 84 : index
      %parallel_loop3A_399 = tpu.vector_load %arg9[%parallel_loop3A_397, %parallel_loop3A_398] {strides = array<i32>} : memref<128x100xf32, #tpu.memory_space<vmem>>, vector<16xf32>,
      %parallel_loop3A_400 = arith.select %ge3A_15, %parallel_loop3A_399, %broadcast_in_dim3A_18 : vector<16xi1>, vector<16xf32>
      %parallel_loop3A_401 = arith.cmpf oge, %parallel_loop3A_145, %parallel_loop3A_354 : vector<16xf32>
      %parallel_loop3A_402 = arith.select %parallel_loop3A_401, %parallel_loop3A_400, %broadcast_in_dim3A_18 : vector<16xi1>, vector<16xf32>
      %parallel_loop3A_403 = arith.constant 84 : index
      %parallel_loop3A_404 = tpu.vector_load %arg10[%parallel_loop3A_403] {strides = array<i32>} : memref<112xf32, #tpu.memory_space<vmem>>, vector<16xf32>,
      tpu.vector_store %arg10[%parallel_loop3A_403], %parallel_loop3A_402 {add = true, strides = array<i32>} : memref<112xf32, #tpu.memory_space<vmem>>, vector<16xf32>,
    } {sc.loop_unroll_factor = 2 : i64, sc.parallel_access}
    "tpu.region"() ({
      %run_scoped3A = tpu.sem_alloc : memref<!tpu.dma_semaphore, #tpu.memory_space<semaphore_mem>>
      %dma_start3A_124 = arith.constant 0 : i32
      %dma_start3A_125 = tpu.memref_slice %arg4[%add3A, %dma_start3A_124] : memref<32x112xf32, #tpu.memory_space<hbm>> -> memref<1x112xf32, #tpu.memory_space<hbm>>
      %dma_start3A_126 = tpu.memref_squeeze %dma_start3A_125 : memref<1x112xf32, #tpu.memory_space<hbm>> -> memref<112xf32, #tpu.memory_space<hbm>>
      %dma_start3A_127 = arith.constant 0 : i32
      %dma_start3A_128 = tpu.memref_slice %arg4[%add3A, %dma_start3A_127] : memref<32x112xf32, #tpu.memory_space<hbm>> -> memref<1x112xf32, #tpu.memory_space<hbm>>
      %dma_start3A_129 = tpu.memref_squeeze %dma_start3A_128 : memref<1x112xf32, #tpu.memory_space<hbm>> -> memref<112xf32, #tpu.memory_space<hbm>>
      tpu.enqueue_dma source(%arg10 : memref<112xf32, #tpu.memory_space<vmem>>) target(%dma_start3A_129 : memref<112xf32, #tpu.memory_space<hbm>>) target_semaphore(%run_scoped3A : memref<!tpu.dma_semaphore, #tpu.memory_space<semaphore_mem>>)
      %dma_wait3A_130 = arith.constant 0 : i32
      %dma_wait3A_131 = tpu.memref_slice %arg4[%add3A, %dma_wait3A_130] : memref<32x112xf32, #tpu.memory_space<hbm>> -> memref<1x112xf32, #tpu.memory_space<hbm>>
      %dma_wait3A_132 = tpu.memref_squeeze %dma_wait3A_131 : memref<1x112xf32, #tpu.memory_space<hbm>> -> memref<112xf32, #tpu.memory_space<hbm>>
      %dma_wait3A_133 = arith.constant 0 : i32
      %dma_wait3A_134 = tpu.memref_slice %arg4[%add3A, %dma_wait3A_133] : memref<32x112xf32, #tpu.memory_space<hbm>> -> memref<1x112xf32, #tpu.memory_space<hbm>>
      %dma_wait3A_135 = tpu.memref_squeeze %dma_wait3A_134 : memref<1x112xf32, #tpu.memory_space<hbm>> -> memref<112xf32, #tpu.memory_space<hbm>>
      tpu.wait_dma2 semaphore(%run_scoped3A : memref<!tpu.dma_semaphore, #tpu.memory_space<semaphore_mem>>) src(%arg10 : memref<112xf32, #tpu.memory_space<vmem>>) dst(%dma_wait3A_135 : memref<112xf32, #tpu.memory_space<hbm>>)
      tpu.yield
    }) : () -> ()
    "tpu.region"() ({
      %run_scoped3A = tpu.sem_alloc : memref<!tpu.dma_semaphore, #tpu.memory_space<semaphore_mem>>
      %dma_start3A_124 = arith.constant 0 : i32
      %dma_start3A_125 = tpu.memref_slice %arg5[%add3A, %dma_start3A_124] : memref<32x112xf32, #tpu.memory_space<hbm>> -> memref<1x112xf32, #tpu.memory_space<hbm>>
      %dma_start3A_126 = tpu.memref_squeeze %dma_start3A_125 : memref<1x112xf32, #tpu.memory_space<hbm>> -> memref<112xf32, #tpu.memory_space<hbm>>
      %dma_start3A_127 = arith.constant 0 : i32
      %dma_start3A_128 = tpu.memref_slice %arg5[%add3A, %dma_start3A_127] : memref<32x112xf32, #tpu.memory_space<hbm>> -> memref<1x112xf32, #tpu.memory_space<hbm>>
      %dma_start3A_129 = tpu.memref_squeeze %dma_start3A_128 : memref<1x112xf32, #tpu.memory_space<hbm>> -> memref<112xf32, #tpu.memory_space<hbm>>
      tpu.enqueue_dma source(%arg11 : memref<112xf32, #tpu.memory_space<vmem>>) target(%dma_start3A_129 : memref<112xf32, #tpu.memory_space<hbm>>) target_semaphore(%run_scoped3A : memref<!tpu.dma_semaphore, #tpu.memory_space<semaphore_mem>>)
      %dma_wait3A_130 = arith.constant 0 : i32
      %dma_wait3A_131 = tpu.memref_slice %arg5[%add3A, %dma_wait3A_130] : memref<32x112xf32, #tpu.memory_space<hbm>> -> memref<1x112xf32, #tpu.memory_space<hbm>>
      %dma_wait3A_132 = tpu.memref_squeeze %dma_wait3A_131 : memref<1x112xf32, #tpu.memory_space<hbm>> -> memref<112xf32, #tpu.memory_space<hbm>>
      %dma_wait3A_133 = arith.constant 0 : i32
      %dma_wait3A_134 = tpu.memref_slice %arg5[%add3A, %dma_wait3A_133] : memref<32x112xf32, #tpu.memory_space<hbm>> -> memref<1x112xf32, #tpu.memory_space<hbm>>
      %dma_wait3A_135 = tpu.memref_squeeze %dma_wait3A_134 : memref<1x112xf32, #tpu.memory_space<hbm>> -> memref<112xf32, #tpu.memory_space<hbm>>
      tpu.wait_dma2 semaphore(%run_scoped3A : memref<!tpu.dma_semaphore, #tpu.memory_space<semaphore_mem>>) src(%arg11 : memref<112xf32, #tpu.memory_space<vmem>>) dst(%dma_wait3A_135 : memref<112xf32, #tpu.memory_space<hbm>>)
      tpu.yield
    }) : () -> ()
    return
  }
}

</mosaic_0001>

<sc_bundles>
// kernel: kernel.3.cloned.1.call-start
scs
__scs_entry_jumppad:
0x0: {  	(pc) =	sbr.rel $0x88, $3  }
0x1: {  	(tag) =	ssettag $0x0;
	lr =	simm.s32 $0x1  }
0x2: {  	[smem:$0x3F9D] =	sst lr;
	_ =	strace $0xD0000000  }
0x3: {  	_ = 	snop  }
0x4: {  	_ = 	snop  }
0x5: {  	_ = 	snop  }
0x6: {  	_ = 	snop  }
0x7: {  	_ = 	snop  }
__scs_overlays_trampoline_lowered:
0x8: {  	[smem:$0x3FAC] =	sst s0  }
0x9: {  	[smem:$0x3FAD] =	sst s1  }
0xa: {  	[smem:$0x3FAE] =	sst s2  }
0xb: {  	[smem:$0x3FAF] =	sst s3  }
0xc: {  	[smem:$0x3FB0] =	sst s4  }
0xd: {  	[smem:$0x3FB1] =	sst s5  }
0xe: {  	[smem:$0x3FB2] =	sst s6  }
0xf: {  	[smem:$0x3FB3] =	sst s7  }
0x10: {  	[smem:$0x3FB4] =	sst s8  }
0x11: {  	[smem:$0x3FB5] =	sst s9;
	s0 =	simm.s32 @!p0 $0x0  }
0x12: {  	s1 =	sld [smem:$0x3F9B];
	s0 =	simm.s32 @p0 $0x1  }
0x13: {  	[smem:$0x3FB6] =	sst s0;
	s0 =	simm.s32 @!p1 $0x0  }
0x14: {  	s2 =	sld [smem:$0x3F9A];
	s0 =	simm.s32 @p1 $0x1  }
0x15: {  	[smem:$0x3FB7] =	sst s0;
	s0 =	simm.s32 @!p2 $0x0  }
0x16: {  	s3 =	sld [smem:$0x3FDB];
	s0 =	simm.s32 @p2 $0x1  }
0x17: {  	s4 =	simm.s32 $0x1BF5;
	[smem:$0x3FB9] =	sst s0  }
0x18: {  	s0 =	sld [smem:$0x3F9C];
	_ =	swait.ge [sflag:s4], $0x0  }
0x19: {  	s7 =	sld [smem:$0x3F9D]  }
0x1a: {  	s8 =	sadd.s32 $0xFFFFE003, lr  }
0x1b: {  	s9 =	sadd.s32 $0xFFFFFEF7, lr;
	s5 =	simm.s32 $0xFFFFFFFF;
	p2 =	slt.u32 s8, $0xFFFFF086  }
0x1c: {  	p1 =	slt.u32 s9, $0xF7A;
	s5 =	simm.s32 @!p2 $0x0  }
0x1d: {  	s5 =	simm.s32 @p1 $0x1;
	p0 =	seq.s32 s7, s2  }
0x1e: {  	s7 =	smul.u32 @!p0 $0xF7A, s2;
	p2 =	seq.s32 @!p0 s5, $0x0  }
0x1f: {  	s9 =	smul.u32 $0xF7A, s1;
	s8 =	simm.s32 @!p0 $0x1BF5;
	p2 =	por !p2, p0  }
0x20: {  	[sflag:s8] =	ssyncset.s32 @!p0 $0xFFFFF086;
	s6 =	sadd.s32 @!p0 s3, s7;
	s7 =	simm.s32 @!p0 $0x108  }
0x21: {  	s3 =	sadd.s32 s3, s9;
	s6 =	sadd.s32 @!p0 $0x88, s6;
	s7 =	simm.s32 @p2 $0x1082  }
0x22: {  	[simem:s7], [sflag:s8] =	dma.local @!p0 [hbm:s6], $0xF7A  }
0x23: {  	s9 =	sor.u32 $0xD0000000, s2;
	s6 =	simm.s32 $0x108;
	_ =	swait.ge @!p0 [sflag:s8], $0x0  }
0x24: {  	s3 =	sadd.s32 $0x88, s3;
	s6 =	simm.s32 @!p1 $0x1082;
	[sflag:s4] =	ssyncset.s32 $0xFFFFF086  }
0x25: {  	[simem:s6], [sflag:s4] =	dma.local [hbm:s3], $0xF7A  }
0x26: {  	[smem:$0x3F9D] =	sst s1;
	(tag) =	ssettag s2;
	_ =	strace s9  }
0x27: {  	s1 =	sld [smem:$0x3FAD]  }
0x28: {  	s2 =	sld [smem:$0x3FAE]  }
0x29: {  	s4 =	sld [smem:$0x3FB0]  }
0x2a: {  	p0 =	seq.s32 s5, $0x0;
	s5 =	sld [smem:$0x3FB1]  }
0x2b: {  	s6 =	sld [smem:$0x3FB2]  }
0x2c: {  	s7 =	sld [smem:$0x3FB3]  }
0x2d: {  	s3 =	simm.s32 $0x108;
	s8 =	sld [smem:$0x3FB4]  }
0x2e: {  	s3 =	simm.s32 @!p0 $0x1082;
	s9 =	sld [smem:$0x3FB5]  }
0x2f: {  	lr =	sadd.s32 s0, s3;
	s0 =	sld [smem:$0x3FAC]  }
0x30: {  	s3 =	sld [smem:$0x3FAF]  }
0x31: {  	[smem:$0x3FB8] =	sst s10  }
0x32: {  	s10 =	sld [smem:$0x3FB6];
	_ =	sdelay $0x3  }
0x33: {  	p0 =	seq.s32 s10, $0x1;
	s10 =	sld [smem:$0x3FB8];
	_ =	sdelay $0x3  }
0x34: {  	[smem:$0x3FB8] =	sst s10  }
0x35: {  	s10 =	sld [smem:$0x3FB7];
	_ =	sdelay $0x3  }
0x36: {  	p1 =	seq.s32 s10, $0x1;
	s10 =	sld [smem:$0x3FB8];
	_ =	sdelay $0x3  }
0x37: {  	[smem:$0x3FB8] =	sst s10  }
0x38: {  	s10 =	sld [smem:$0x3FB9]  }
0x39: {  	_ = 	snop;
	(pc) =	sbr.ind lr, $3  }
0x3a: {  	_ = 	snop  }
0x3b: {  	_ = 	snop  }
0x3c: {  	p2 =	seq.s32 s10, $0x1;
	s10 =	sld [smem:$0x3FB8]  }
0x3d: {  	_ =	shalt  }
0x3e: {  	_ =	shalt  }
0x3f: {  	_ =	shalt  }
0x40: {  	_ =	shalt  }
0x41: {  	_ =	shalt  }
0x42: {  	_ =	shalt  }
0x43: {  	_ =	shalt  }
0x44: {  	_ =	shalt  }
0x45: {  	_ =	shalt  }
0x46: {  	_ =	shalt  }
0x47: {  	_ =	shalt  }
0x48: {  	_ =	shalt  }
0x49: {  	_ =	shalt  }
0x4a: {  	_ =	shalt  }
0x4b: {  	_ =	shalt  }
0x4c: {  	_ =	shalt  }
0x4d: {  	_ =	shalt  }
0x4e: {  	_ =	shalt  }
0x4f: {  	_ =	shalt  }
0x50: {  	_ =	shalt  }
0x51: {  	_ =	shalt  }
0x52: {  	_ =	shalt  }
0x53: {  	_ =	shalt  }
0x54: {  	_ =	shalt  }
0x55: {  	_ =	shalt  }
0x56: {  	_ =	shalt  }
0x57: {  	_ =	shalt  }
0x58: {  	_ =	shalt  }
0x59: {  	_ =	shalt  }
0x5a: {  	_ =	shalt  }
0x5b: {  	_ =	shalt  }
0x5c: {  	_ =	shalt  }
0x5d: {  	_ =	shalt  }
0x5e: {  	_ =	shalt  }
0x5f: {  	_ =	shalt  }
0x60: {  	_ =	shalt  }
0x61: {  	_ =	shalt  }
0x62: {  	_ =	shalt  }
0x63: {  	_ =	shalt  }
0x64: {  	_ =	shalt  }
0x65: {  	_ =	shalt  }
0x66: {  	_ =	shalt  }
0x67: {  	_ =	shalt  }
0x68: {  	_ =	shalt  }
0x69: {  	_ =	shalt  }
0x6a: {  	_ =	shalt  }
0x6b: {  	_ =	shalt  }
0x6c: {  	_ =	shalt  }
0x6d: {  	_ =	shalt  }
0x6e: {  	_ =	shalt  }
0x6f: {  	_ =	shalt  }
0x70: {  	_ =	shalt  }
0x71: {  	_ =	shalt  }
0x72: {  	_ =	shalt  }
0x73: {  	_ =	shalt  }
0x74: {  	_ =	shalt  }
0x75: {  	_ =	shalt  }
0x76: {  	_ =	shalt  }
0x77: {  	_ =	shalt  }
0x78: {  	_ =	shalt  }
0x79: {  	_ =	shalt  }
0x7a: {  	_ =	shalt  }
0x7b: {  	_ =	shalt  }
0x7c: {  	_ =	shalt  }
0x7d: {  	_ =	shalt  }
0x7e: {  	_ =	shalt  }
0x7f: {  	_ =	shalt  }
0x80: {  	_ =	shalt  }
0x81: {  	_ =	shalt  }
0x82: {  	_ =	shalt  }
0x83: {  	_ =	shalt  }
0x84: {  	_ =	shalt  }
0x85: {  	_ =	shalt  }
0x86: {  	_ =	shalt  }
0x87: {  	_ =	shalt  }
.Lfunc_end0:
.L_simem_size_0:
called_computation_lowered:
.L_overlay_start_0:
0x88: {  	s2 =	sld [smem:$0x3FD9]  }
0x89: {  	s3 =	sld [smem:$0x3FFE];
	_ =	sdelay $0x1  }
0x8a: {  	s1 =	srdreg.scid  }
0x8b: {  	s0 =	sand.u32 $0x1, s1  }
0x8c: {  	s16 =	sshll.u32 s0, $0xA;
	s2 =	sadd.s32 s3, s2  }
0x8d: {  	s2 =	sadd.s32 s2, s16  }
0x8e: {  	[smem:$0x3FC4] =	sst s2  }
0x8f: {  	_ = 	snop  }
0x90: {  	(tm) =	ssettm $0x1  }
0x91: {  	s17 =	sld [smem:$0x3FFB];
	_ =	sdelay $0x3  }
0x92: {  	_ =	strace s17  }
0x93: {  	s2 =	sld [smem:$0x3FFC];
	_ =	sdelay $0x3  }
0x94: {  	_ =	strace s2  }
0x95: {  	s2 =	sld [smem:$0x3FFD];
	_ =	sdelay $0x3  }
0x96: {  	_ =	strace s2  }
0x97: {  	_ =	strace $0x8FFFFFFF  }
0x98: {  	s18 =	sld [smem:$0x3FDB];
	_ =	sdelay $0x1  }
0x99: {  	s19 =	simm.s32 $_scs_section_size  }
0x9a: {  	s4 =	simm.s32 $_size__tile_overlayer_lowered;
	s5 =	simm.s32 $_tile_overlayer_lowered  }
0x9b: {  	s22 =	simm.s32 $0x1BFF;
	s21 =	sshll.u32 s5, $0x1;
	s2 =	sadd.s32 s19, s18  }
0x9c: {  	s6 =	simm.s32 $0x0;
	s20 =	sshll.u32 s4, $0x1;
	s4 =	sadd.s32 s21, s2  }
0x9d: {  	[timem:s6], [sflag:s22] =	dma.local [hbm:s4], s20  }
0x9e: {  	_ =	swait.ge [sflag:s22], s20  }
0x9f: {  	s3 =	ssub.s32 $0x0, s20;
	[sflag:s22] =	ssyncset.done $0x0  }
0xa0: {  	[sflag:s22] =	ssyncadd.s32 s3;
	_ =	sdelay $0x1  }
0xa1: {  	s23 =	simm.s32 $0x1B8B  }
0xa2: {  	_ =	swait.ge [sflag:s23], $0x1  }
0xa3: {  	[sflag:s23] =	ssyncset.done $0x0  }
0xa4: {  	s25 =	simm.s32 $0x1B8E;
	s24 =	sld [smem:$0x3FFE];
	[sflag:s23] =	ssyncadd.s32 $0xFFFFFFFF  }
0xa5: {  	s26 =	simm.s32 $execute0_lowered;
	[smem:$0x3FD2] =	sst s25  }
0xa6: {  	s4 =	sshll.u32 s26, $0x1;
	_ =	strace $0x80000046;
	[dreg:$0x1] =	wrdreg $0xFFFFFFFF  }
0xa7: {  	s28 =	simm.s32 $_size_execute0_lowered;
	s2 =	sadd.s32 s2, s4;
	[dreg:$0x0] =	wrdreg $0x0  }
0xa8: {  	s4 =	sshll.u32 s28, $0x1;
	[dreg:$0x2] =	wrdreg s2  }
0xa9: {  	[dreg:$0x3] =	wrdreg s4  }
0xaa: {  	[dreg:$0x4] =	wrdreg $0xC0  }
0xab: {  	_ =	task [dreg:s6], $0x5FFFF  }
0xac: {  	[dreg:$0x1] =	wrdreg $0xFFFFFFFF  }
0xad: {  	[dreg:$0x0] =	wrdreg $0x60  }
0xae: {  	[dreg:$0x2] =	wrdreg s24  }
0xaf: {  	[dreg:$0x3] =	wrdreg $0x9  }
0xb0: {  	_ =	task.clear_ibuf [dreg:s6], $0x4FFFF;
	_ =	strace $0x90000046  }
0xb1: {  	s29 =	simm.s32 $0x9;
	_ =	strace $0x80000048  }
0xb2: {  	_ =	swait.ge [sflag:s29], $0x1  }
0xb3: {  	[sflag:s29] =	ssyncadd.s32 $0xFFFFFFFF  }
0xb4: {  	_ =	strace $0x90000048  }
0xb5: {  	_ =	sfence  }
0xb6: {  	s30 =	sld [smem:$0x0];
	_ =	sdelay $0x2  }
0xb7: {  	s31 =	sshll.u32 s1, $0xD;
	s1 =	sshrl.u32 s1, $0x2  }
0xb8: {  	s3 =	sand.u32 $0x4000, s31;
	s1 =	sadd.s32 s1, s30  }
0xb9: {  	s0 =	sor.u32 s3, s0;
	s1 =	sshll.u32 s1, $0x11  }
0xba: {  	s0 =	sor.u32 s1, s0  }
0xbb: {  	s0 =	sadd.s32 $0x8F2B, s0  }
0xbc: {  	[sflag:s0] =	ssyncadd.remote.s32 $0x1  }
0xbd: {  	_ =	sfence.sel $0xFFFF  }
0xbe: {  	[dreg:$0x0] =	wrdreg $0xFFFFFFFF;
	(pc) =	sbr.abs _section_cstart, $3  }
0xbf: {  	[dreg:$0x1] =	wrdreg $0xFFFFFFFF  }
0xc0: {  	_ =	task.clear_ibuf [dreg:s6], $0x2FFFF;
	_ =	strace $0x9FFFFFFF  }
0xc1: {  	(tm) =	ssettm $0x7FFFFFFF  }
tec
execute0_lowered:
.L_overlay_start_1:
0x0: {  	(tag) =	ssettag $0x1  }
0x1: {  	s0 =	rddreg [dreg:$0x0];
	s2 =	simm.s32 $0x0;
	s1 =	srdreg.scid  }
0x2: {  	s3 =	stileid.u32;
	s17 =	simm.s32 $0x1;
	s18 =	simm.s32 $0x10080  }
0x3: {  	s19 =	simm.s32 $0x10090;
	s20 =	simm.s32 $0x100A0;
	s28 =	simm.s32 $0x10020  }
0x4: {  	s29 =	simm.s32 $0x10030;
	s30 =	simm.s32 $0x10040;
	s31 =	simm.s32 $0x10050  }
0x5: {  	s14 =	simm.s32 $0x3;
	s15 =	simm.s32 $0x0;
	[smem:$0x7FF] =	sst s2  }
0x6: {  	s1 =	sand.u32 $0x1, s1;
	s3 =	sshll.u32 s3, $0x1;
	s4 =	sadd.s32 $0x40000, s0  }
0x7: {  	_ =	strace $0x80000047;
	s3 =	sor.u32 s1, s3;
	s1 =	ssub.s32 $0x2, s1  }
0x8: {  	s5 =	sshll.u32 s3, $0x4;
	s6 =	sshrl.u32 s1, $0x1;
	s3 =	sshll.u32 s3, $0xD  }
0x9: {  	s5 =	sadd.s32 s5, s0;
	s1 =	ssub.s32 s1, s6;
	s21 =	sadd.s32 s0, s3  }
0xa: {  	s22 =	sor.u32 $0x800, s3;
	s7 =	sadd.s32 s4, s3;
	[dreg:$0x2] =	wrdreg s21  }
0xb: {  	s24 =	sor.u32 $0x1000, s3;
	s3 =	sor.u32 $0x1800, s3;
	[dreg:$0x3] =	wrdreg s7  }
0xc: {  	s23 =	sadd.s32 s0, s22;
	s6 =	sadd.s32 s4, s22;
	s25 =	sadd.s32 s0, s24  }
0xd: {  	s26 =	sadd.s32 s4, s24;
	s9 =	sadd.s32 s0, s3;
	s10 =	sadd.s32 s4, s3  }
0xe: {  	s11 =	sadd.s32 $0x80000, s5;
	s12 =	sadd.s32 $0x80200, s5;
	[dreg:$0x4] =	wrdreg s23  }
0xf: {  	s13 =	smax.u32 s1, $0x1;
	s21 =	simm.s32 $0x100B0;
	[dreg:$0x5] =	wrdreg s6  }
0x10: {  	s22 =	simm.s32 $0x100C0;
	s24 =	simm.s32 $0x100D4;
	[dreg:$0x6] =	wrdreg s25  }
0x11: {  	s0 =	simm.s32 $0x10054;
	s1 =	simm.s32 $0x2;
	[dreg:$0x7] =	wrdreg s26  }
0x12: {  	v0 =	vimm.f32 $0.0e+00;
	vm0 =	vmmov $0xfff;
	s23 =	simm.s32 $0x100D0;
	s25 =	simm.s32 $0x10000;
	s26 =	simm.s32 $0x10010  }
.LBB2_1:
0x13: {  	s3 =	rddreg [dreg:$0x2]  }
0x14: {  	[tilespmem:s2], [sflag:$0x1] =	stream.linear.gather [hbm4b:s3+s2], $0x4000, $0x38;
	[tilespmem:$0x10100] =	vst v63  }
0x15: {  	s5 =	rddreg [dreg:$0x3];
	s4 =	simm.s32 $0x4000  }
0x16: {  	[tilespmem:s4], [sflag:$0x1] =	stream.linear.gather [hbm4b:s5+s2], $0x4000, $0x38;
	[tilespmem:$0x10100] =	vst v63  }
0x17: {  	[tilespmem:$0x10000] =	vst v0  }
0x18: {  	[tilespmem:$0x10080] =	vst v0  }
0x19: {  	[tilespmem:$0x10010] =	vst v0  }
0x1a: {  	[tilespmem:$0x10090] =	vst v0  }
0x1b: {  	[tilespmem:$0x10020] =	vst v0  }
0x1c: {  	[tilespmem:$0x100A0] =	vst v0  }
0x1d: {  	[tilespmem:$0x10030] =	vst v0  }
0x1e: {  	[tilespmem:$0x100B0] =	vst v0  }
0x1f: {  	[tilespmem:$0x10040] =	vst v0  }
0x20: {  	[tilespmem:$0x100C0] =	vst v0  }
0x21: {  	[tilespmem:$0x10050] =	vst v0  }
0x22: {  	[tilespmem:$0x100D0] =	vst v0  }
0x23: {  	[tilespmem:$0x10060] =	vst v0  }
0x24: {  	s6 =	rddreg [dreg:$0x4];
	s7 =	simm.s32 $0x8000;
	[tilespmem:$0x100E0] =	vst v0  }
0x25: {  	[tilespmem:s7], [sflag:$0x2] =	stream.linear.gather [hbm4b:s6+s2], $0x4000, $0x38;
	[tilespmem:$0x10100] =	vst v63  }
0x26: {  	s8 =	rddreg [dreg:$0x5];
	s16 =	simm.s32 $0xC000  }
0x27: {  	[tilespmem:s16], [sflag:$0x2] =	stream.linear.gather [hbm4b:s8+s2], $0x4000, $0x38;
	[tilespmem:$0x10100] =	vst v63  }
0x28: {  	_ =	swait.ge [sflag:s17], $0x4000  }
0x29: {  	[sflag:s17] =	ssyncset.done $0x0  }
0x2a: {  	[sflag:s17] =	ssyncadd.s32 $0xFFFFC000  }
0x2b: {  	_ =	swait.ge [sflag:s17], $0x4000  }
0x2c: {  	[sflag:s17] =	ssyncset.done $0x0  }
0x2d: {  	s5 =	simm.s32 $0x80;
	[sflag:s17] =	ssyncadd.s32 $0xFFFFC000  }
0x2e: {  	v5 =	vld [tilespmem:s5+$0x0]  }
0x2f: {  	v4 =	vld [tilespmem:s5+$0x10]  }
0x30: {  	s4 =	simm.s32 $0x4080;
	v3 =	vld [tilespmem:s5+$0x20]  }
0x31: {  	v6 =	vld [tilespmem:s4+$0x0]  }
0x32: {  	v2 =	vld [tilespmem:s5+$0x30]  }
0x33: {  	v1 =	vld [tilespmem:s5+$0x40]  }
0x34: {  	v14 =	vld [tilespmem:s5+$0x50]  }
0x35: {  	v9 =	vld [tilespmem:s5+$0x54]  }
0x36: {  	[tilespmem:s18+$0x0] =	vst.add.f32.msk $0xffff, v6  }
0x37: {  	v7 =	vld [tilespmem:s4+$0x10];
	_ =	sdelay $0x2  }
0x38: {  	v15 =	vld [tilespmem:s5+$0xFFFFFF90];
	_ =	sdelay $0x1  }
0x39: {  	[tilespmem:s19+$0x0] =	vst.add.f32.msk $0xffff, v7  }
0x3a: {  	v12 =	vld [tilespmem:s4+$0x20];
	_ =	sdelay $0x1  }
0x3b: {  	v8 =	vld [tilespmem:s4+$0xFFFFFF80];
	(xrf1) =	vsort.dscd.msk.f32 $0xffff, v15, v15  }
0x3c: {  	v19 =	vld [tilespmem:s5+$0xFFFFFFA0];
	(xrf1) =	vsort.ascd.msk.f32 $0xffff, v5, v5  }
0x3d: {  	v20 =	vld [tilespmem:s5+$0xFFFFFF80];
	(xrf1) =	vsort.dscd.msk.f32 $0xffff, v4, v4  }
0x3e: {  	(xrf1) =	vsort.dscd.msk.f32 $0xffff, v3, v3;
	[tilespmem:s20+$0x0] =	vst.add.f32.msk $0xffff, v12  }
0x3f: {  	(xrf1) =	vsort.ascd.msk.f32 $0xffff, v2, v2;
	v13 =	vld [tilespmem:s4+$0x30]  }
0x40: {  	v11 =	vld [tilespmem:s5+$0xFFFFFFB0];
	(xrf1) =	vsort.dscd.msk.f32 $0xffff, v1, v1  }
0x41: {  	v10 =	vld [tilespmem:s5+$0xFFFFFFC0];
	(xrf1) =	vsort.ascd.msk.f32 $0xffff, v14, v14  }
0x42: {  	v17 =	vld [tilespmem:s5+$0xFFFFFFD0]  }
0x43: {  	v16 =	vld [tilespmem:s5+$0xFFFFFFD4]  }
0x44: {  	(xrf1) =	vsort.ascd.msk.f32 $0xffff, v20, v20;
	[tilespmem:s21+$0x0] =	vst.add.f32.msk $0xffff, v13  }
0x45: {  	v21 =	vld [tilespmem:s4+$0x40]  }
0x46: {  	[tilespmem:s18+$0x0] =	vst.add.f32.msk $0xffff, v8;
	(xrf1) =	vsort.dscd.msk.f32 $0xffff, v19, v19  }
0x47: {  	v18 =	vld [tilespmem:s4+$0xFFFFFF90];
	(xrf1) =	vsort.ascd.msk.f32 $0xffff, v11, v11  }
0x48: {  	(xrf1) =	vsort.dscd.msk.f32 $0xffff, v10, v10  }
0x49: {  	v22 =	vsel vm0, $0xBF800000, v16;
	(xrf1) =	vsort.ascd.msk.f32 $0xffff, v17, v17;
	v23, _, _ =	vpop (xrf1)  }
0x4a: {  	(xrf1) =	vsort.ascd.msk.f32 $0xffff, v22, v22;
	v24, _, _ =	vpop (xrf1);
	[tilespmem:s22+$0x0] =	vst.add.f32.msk $0xffff, v21  }
0x4b: {  	v26, _, _ =	vpop (xrf1);
	v25 =	vld [tilespmem:s4+$0x50]  }
0x4c: {  	v27 =	vsel vm0, $0xBF800000, v9;
	[tilespmem:s19+$0x0] =	vst.add.f32.msk $0xffff, v18;
	v28, _, _ =	vpop (xrf1)  }
0x4d: {  	v6 =	vadd.f32 v7, v6;
	v22 =	vld [tilespmem:s4+$0xFFFFFFA0];
	v7 =	vmin.f32 v24, v26;
	(xrf1) =	vsort.ascd.msk.f32 $0xffff, v27, v27;
	v29, _, _ =	vpop (xrf1)  }
0x4e: {  	v24 =	vmax.f32 v24, v26;
	(xrf1) =	vsort.ascd.msk.f32 $0xffff, v7, v7;
	v26, _, _ =	vpop (xrf1)  }
0x4f: {  	v6 =	vadd.f32 v12, v6;
	v7 =	vmax.f32 v28, v29;
	(xrf1) =	vsort.ascd.msk.f32 $0xffff, v24, v24;
	v12, _, _ =	vpop (xrf1)  }
0x50: {  	(xrf1) =	vsort.dscd.msk.f32 $0xffff, v7, v7;
	v24 =	vmin.f32 v26, v12;
	[tilespmem:s23+$0x0] =	vst.add.f32.msk $0xffff, v25  }
0x51: {  	v6 =	vadd.f32 v13, v6;
	(xrf1) =	vsort.dscd.msk.f32 $0xffff, v24, v24;
	v7 =	vld [tilespmem:s4+$0x54]  }
0x52: {  	[tilespmem:s20+$0x0] =	vst.add.f32.msk $0xffff, v22;
	v27 =	vmin.f32 v28, v29;
	v13, _, _ =	vpop (xrf1)  }
0x53: {  	v24 =	vld [tilespmem:s4+$0xFFFFFFB0];
	v29 =	vmin.f32 v13, v23;
	(xrf1) =	vsort.dscd.msk.f32 $0xffff, v27, v27;
	v6 =	vadd.f32 v21, v6  }
0x54: {  	v12 =	vmax.f32 v26, v12;
	v28, _, _ =	vpop (xrf1);
	(xrf1) =	vsort.ascd.msk.f32 $0xffff, v29, v29  }
0x55: {  	v13 =	vmax.f32 v13, v23;
	v21, _, _ =	vpop (xrf1);
	v6 =	vadd.f32 v25, v6  }
0x56: {  	v26, _, _ =	vpop (xrf1);
	(xrf1) =	vsort.dscd.msk.f32 $0xffff, v12, v12;
	v7 =	vsel vm0, $0x0, v7  }
0x57: {  	v23 =	vmax.f32 v28, v21;
	v12, _, _ =	vpop (xrf1);
	(xrf1) =	vsort.ascd.msk.f32 $0xffff, v13, v13;
	v6 =	vadd.f32 v7, v6  }
0x58: {  	v13, _, _ =	vpop (xrf1);
	[tilespmem:s21+$0x0] =	vst.add.f32.msk $0xffff, v24;
	(xrf1) =	vsort.dscd.msk.f32 $0xffff, v23, v23  }
0x59: {  	v23 =	vld [tilespmem:s4+$0xFFFFFFC0];
	(xrf2) =	vadd.scan.msk.f32 $0xffff, v6;
	_ =	sdelay $0x1  }
0x5a: {  	v21 =	vmin.f32 v28, v21;
	v6, _, _ =	vpop (xrf1)  }
0x5b: {  	v25, _, _ =	vpop (xrf1)  }
0x5c: {  	v27, _, _ =	vpop (xrf1)  }
0x5d: {  	v28 =	vmin.f32 v26, v12;
	v12 =	vmax.f32 v26, v12;
	(xrf1) =	vsort.dscd.msk.f32 $0xffff, v21, v21;
	v21, _, _ =	vpop (xrf1)  }
0x5e: {  	v26, _, _ =	vpop (xrf1)  }
0x5f: {  	(xrf1) =	vsort.dscd.msk.f32 $0xffff, v28, v28;
	v28 =	vmin.f32 v26, v6  }
0x60: {  	(xrf1) =	vsort.dscd.msk.f32 $0xffff, v12, v12;
	v12, _, _ =	vpop (xrf1)  }
0x61: {  	v29 =	vmin.f32 v25, v21;
	v30 =	vmin.f32 v27, v12;
	v31, _, _ =	vpop (xrf1)  }
0x62: {  	(xrf1) =	vsort.dscd.msk.f32 $0xffff, v28, v28;
	v32 =	vmin.f32 v29, v30;
	v28, _, _ =	vpop (xrf2)  }
0x63: {  	v6 =	vmax.f32 v26, v6;
	v33, _, _ =	vpop (xrf1);
	v29 =	vmax.f32 v29, v30;
	(xrf1) =	vsort.ascd.msk.f32 $0xffff, v32, v32;
	(v2sf) =	vpush v28, $0xF  }
0x64: {  	v21 =	vmax.f32 v25, v21;
	v25 =	vmax.f32 v33, v6;
	(xrf1) =	vsort.ascd.msk.f32 $0xffff, v29, v29  }
0x65: {  	v12 =	vmax.f32 v27, v12;
	v6 =	vmin.f32 v33, v6;
	(xrf1) =	vsort.dscd.msk.f32 $0xffff, v25, v25  }
0x66: {  	v25 =	vmin.f32 v21, v12;
	(xrf1) =	vsort.dscd.msk.f32 $0xffff, v6, v6  }
0x67: {  	(xrf1) =	vsort.ascd.msk.f32 $0xffff, v25, v25  }
0x68: {  	v8 =	vadd.f32 v18, v8;
	[tilespmem:s22+$0x0] =	vst.add.f32.msk $0xffff, v23;
	v12 =	vmax.f32 v21, v12  }
0x69: {  	v6 =	vld [tilespmem:s4+$0xFFFFFFD0];
	(xrf1) =	vsort.ascd.msk.f32 $0xffff, v12, v12  }
0x6a: {  	v8 =	vadd.f32 v22, v8  }
0x6b: {  	v12, _, _ =	vpop (xrf1)  }
0x6c: {  	v8 =	vadd.f32 v24, v8;
	v18, _, _ =	vpop (xrf1)  }
0x6d: {  	v22, _, _ =	vpop (xrf1)  }
0x6e: {  	v8 =	vadd.f32 v23, v8;
	[tilespmem:s23+$0x0] =	vst.add.f32.msk $0xffff, v6;
	v24, _, _ =	vpop (xrf1)  }
0x6f: {  	s16 =	simm.s32 $0x4180;
	v21 =	vld [tilespmem:s4+$0xFFFFFFD4];
	v25, _, _ =	vpop (xrf1)  }
0x70: {  	s6 =	simm.s32 $0x180;
	v36 =	vld [tilespmem:s16+$0x0];
	v8 =	vadd.f32 v6, v8;
	v6 =	vmin.f32 v31, v18;
	v27 =	vmin.f32 v12, v22;
	v28, _, _ =	vpop (xrf1)  }
0x71: {  	v23 =	vld [tilespmem:s6+$0x10];
	v18 =	vmax.f32 v31, v18;
	v12 =	vmax.f32 v12, v22;
	v29 =	vmax.f32 v24, v13;
	v30, _, _ =	vpop (xrf1)  }
0x72: {  	v26 =	vld [tilespmem:s6+$0x0];
	v31 =	vmin.f32 v6, v27;
	v27 =	vmax.f32 v6, v27;
	v54 =	vmin.f32 v18, v12;
	v53, _, _ =	vpop (xrf1);
	s5 =	spop (v2sf)  }
0x73: {  	v22 =	vld [tilespmem:s6+$0x20];
	v24 =	vmin.f32 v24, v13;
	v34 =	vmax.f32 v25, v29;
	(xrf1) =	vsort.ascd.msk.f32 $0xffff, v31, v31;
	v35, _, _ =	vpop (xrf1);
	s5 =	scvt.f32.s32 s5  }
0x74: {  	v13 =	vld [tilespmem:s6+$0x40];
	v25 =	vmin.f32 v25, v29;
	v29 =	vmax.f32 v18, v12;
	(xrf1) =	vsort.ascd.msk.f32 $0xffff, v27, v27;
	v6 =	vsel vm0, $0x0, v21;
	v18, _, _ =	vpop (xrf1)  }
0x75: {  	v12 =	vld [tilespmem:s6+$0x50];
	v8 =	vadd.f32 v6, v8;
	v31 =	vmin.f32 v30, v35;
	v30 =	vmax.f32 v30, v35;
	v38, _, _ =	vpop (xrf1);
	p0 =	sgt.s32 s5, $0x1  }
0x76: {  	v21 =	vld [tilespmem:s6+$0x30];
	v37 =	vmin.f32 v53, v18;
	v39 =	vmin.f32 v38, v28;
	v28 =	vmax.f32 v38, v28;
	s5 =	simm.s32 @!p0 $0x1  }
0x77: {  	v32 =	vmax.f32 v53, v18;
	v18 =	vld [tilespmem:s6+$0x54];
	v40, _, _ =	vpop (xrf1);
	v35 =	vmin.f32 v30, v28;
	v55 =	vmin.f32 v31, v39;
	s5 =	smin.u32 s5, $0x64  }
0x78: {  	[tilespmem:s18+$0x0] =	vst.add.f32.msk $0xffff, v36;
	v42 =	vmin.f32 v32, v40;
	v28 =	vmax.f32 v30, v28;
	v41 =	vmov s5  }
0x79: {  	(xrf1) =	vsort.ascd.msk.f32 $0xffff, v54, v54;
	v56 =	vld [tilespmem:s16+$0x10];
	v30 =	vmax.f32 v32, v40;
	v31 =	vmax.f32 v31, v39;
	v27 =	vsub.s32 $0x80, v41  }
0x7a: {  	(xrf2) =	vadd.scan.msk.f32 $0xffff, v8;
	v32 =	vmax.f32 v28, v30;
	v8 =	vmax.f32 v35, v42;
	v40 =	vbroadcast v27, $0x0  }
0x7b: {  	v30 =	vmin.f32 v28, v30;
	v57 =	vmin.f32 v31, v37;
	v31 =	vmax.f32 v31, v37  }
0x7c: {  	(xrf1) =	vsort.dscd.msk.f32 $0xffff, v34, v34;
	v27 =	vmin.f32 v35, v42;
	vm1 =	vlt.u32 v40, $0x30;
	vm2 =	vlt.u32 v40, $0x70  }
0x7d: {  	(xrf1) =	vsort.dscd.msk.f32 $0xffff, v25, v25;
	v28 =	vld [tilespmem:s6+$0xFFFFFF90];
	vm3 =	vlt.u32 v40, $0x20;
	vm4 =	vlt.u32 v40, $0x40;
	vm5 =	vlt.u32 v40, $0x60  }
0x7e: {  	[tilespmem:s19+$0x0] =	vst.add.f32.msk $0xffff, v56;
	v25 =	vsel vm3, v55, v57;
	v27 =	vsel vm4, v31, v27;
	v8 =	vsel vm5, v8, v30  }
0x7f: {  	(xrf1) =	vsort.dscd.msk.f32 $0xffff, v24, v24;
	v24 =	vsel vm1, v25, v27;
	v8 =	vsel vm2, v8, v32;
	vm1 =	vlt.u32 v40, $0x50;
	v25 =	vld [tilespmem:s16+$0x20]  }
0x80: {  	(xrf1) =	vsort.ascd.msk.f32 $0xffff, v29, v29;
	v8 =	vsel vm1, v24, v8  }
0x81: {  	(xrf1) =	vsort.ascd.msk.f32 $0xffff, v8, v8  }
0x82: {  	(xrf1) =	vsort.dscd.msk.f32 $0xffff, v28, v28  }
0x83: {  	v33 =	vld [tilespmem:s6+$0xFFFFFF80];
	(xrf1) =	vsort.ascd.msk.f32 $0xffff, v26, v26  }
0x84: {  	(xrf1) =	vsort.dscd.msk.f32 $0xffff, v23, v23;
	[tilespmem:s20+$0x0] =	vst.add.f32.msk $0xffff, v25  }
0x85: {  	v24, _, _ =	vpop (xrf2);
	(xrf1) =	vsort.dscd.msk.f32 $0xffff, v22, v22;
	v34 =	vld [tilespmem:s16+$0x30]  }
0x86: {  	[tilespmem:s24+$0x0] =	vst.add.f32.msk $0xffff, v7;
	(v2sf) =	vpush v24, $0xF;
	(xrf1) =	vsort.ascd.msk.f32 $0xffff, v21, v21  }
0x87: {  	v30 =	vld [tilespmem:s6+$0xFFFFFFA0];
	(xrf1) =	vsort.dscd.msk.f32 $0xffff, v13, v13  }
0x88: {  	v29, _, _ =	vpop (xrf1);
	v31 =	vld [tilespmem:s6+$0xFFFFFFB0];
	(xrf1) =	vsort.ascd.msk.f32 $0xffff, v12, v12  }
0x89: {  	v35, _, _ =	vpop (xrf1);
	v32 =	vld [tilespmem:s6+$0xFFFFFFC0]  }
0x8a: {  	v58, _, _ =	vpop (xrf1);
	(xrf1) =	vsort.ascd.msk.f32 $0xffff, v33, v33;
	[tilespmem:s21+$0x0] =	vst.add.f32.msk $0xffff, v34  }
0x8b: {  	v59, _, _ =	vpop (xrf1);
	v41 =	vld [tilespmem:s16+$0x40]  }
0x8c: {  	v42, _, _ =	vpop (xrf1);
	v27 =	vld [tilespmem:s6+$0xFFFFFFD0]  }
0x8d: {  	v36 =	vadd.f32 v56, v36;
	v45 =	vmin.f32 v29, v59;
	v29 =	vmax.f32 v29, v59;
	v43, _, _ =	vpop (xrf1);
	v24 =	vld [tilespmem:s6+$0xFFFFFFD4]  }
0x8e: {  	v60 =	vmax.f32 v35, v42;
	v35 =	vmin.f32 v35, v42;
	v8 =	vld [tilespmem:s16+$0xFFFFFF80];
	v44, _, _ =	vpop (xrf1);
	(xrf1) =	vsort.dscd.msk.f32 $0xffff, v30, v30  }
0x8f: {  	v62 =	vld [tilespmem:s4+$0x0];
	v46 =	vmin.f32 v58, v43;
	v37 =	vmax.f32 v58, v43;
	(xrf1) =	vsort.ascd.msk.f32 $0xffff, v31, v31;
	v47, _, _ =	vpop (xrf1)  }
0x90: {  	v48 =	vmin.f32 v29, v37;
	v36 =	vadd.f32 v25, v36;
	(xrf1) =	vsort.dscd.msk.f32 $0xffff, v32, v32;
	v38, _, _ =	vpop (xrf1);
	[tilespmem:s22+$0x0] =	vst.add.f32.msk $0xffff, v41  }
0x91: {  	v7 =	vsel vm0, $0xBF800000, v18;
	v51 =	vmin.f32 v60, v44;
	(xrf1) =	vsort.ascd.msk.f32 $0xffff, v27, v27;
	v25 =	vperm.xlane v47, v40;
	v49, _, _ =	vpop (xrf1);
	v50 =	vld [tilespmem:s16+$0x50]  }
0x92: {  	v37 =	vmax.f32 v29, v37;
	v52 =	vsel vm0, $0xBF800000, v24;
	v34 =	vadd.f32 v34, v36;
	v53, _, _ =	vpop (xrf1)  }
0x93: {  	v43 =	vmax.f32 v60, v44;
	[tilespmem:s18+$0x0] =	vst.add.f32.msk $0xffff, v8;
	(xrf1) =	vsort.ascd.msk.f32 $0xffff, v52, v52;
	vm1 =	vge.f32 v5, v25;
	v61, _, _ =	vpop (xrf1)  }
0x94: {  	v29 =	vld [tilespmem:s16+$0xFFFFFF90];
	(xrf1) =	vsort.ascd.msk.f32 $0xffff, v7, v7;
	v34 =	vadd.f32 v41, v34;
	v63 =	vmin.f32 v49, v53;
	v39 =	vnsel vm1, $0x0, v62;
	v54, _, _ =	vpop (xrf1)  }
0x95: {  	v41 =	vmin.f32 v48, v51;
	s7 =	spop (v2sf);
	v7 =	vmax.f32 v49, v53;
	(xrf1) =	vsort.ascd.msk.f32 $0xffff, v63, v63;
	[tilespmem:s25+$0x0] =	vst.add.f32.msk $0xffff, v39;
	v56, _, _ =	vpop (xrf1)  }
0x96: {  	s3 =	scvt.f32.s32 s7;
	v62 =	vmax.f32 v45, v46;
	v57 =	vmax.f32 v61, v54;
	(xrf1) =	vsort.ascd.msk.f32 $0xffff, v7, v7;
	v58, _, _ =	vpop (xrf1);
	[tilespmem:s23+$0x0] =	vst.add.f32.msk $0xffff, v50  }
0x97: {  	v53 =	vmax.f32 v48, v51;
	(xrf1) =	vsort.dscd.msk.f32 $0xffff, v57, v57;
	v7 =	vmin.f32 v56, v58;
	v59 =	vld [tilespmem:s16+$0x54]  }
0x98: {  	v45 =	vmin.f32 v45, v46;
	v60 =	vmin.f32 v61, v54;
	p0 =	sgt.s32 s3, $0x1;
	v63 =	vld [tilespmem:s4+$0x10];
	v5, _, _ =	vpop (xrf1);
	(xrf1) =	vsort.dscd.msk.f32 $0xffff, v7, v7  }
0x99: {  	vm1 =	vge.f32 v4, v25;
	s3 =	simm.s32 @!p0 $0x1;
	v61 =	vmin.f32 v5, v38;
	(xrf1) =	vsort.dscd.msk.f32 $0xffff, v60, v60  }
0x9a: {  	v55 =	vmin.f32 v62, v35;
	v35 =	vmax.f32 v62, v35;
	s3 =	smin.u32 s3, $0x64;
	(xrf1) =	vsort.ascd.msk.f32 $0xffff, v61, v61  }
0x9b: {  	[tilespmem:s19+$0x0] =	vst.add.f32.msk $0xffff, v29;
	v34 =	vadd.f32 v50, v34;
	v52 =	vmax.f32 v56, v58;
	v57 =	vmov s3  }
0x9c: {  	v54 =	vmin.f32 v37, v43;
	v7 =	vld [tilespmem:s16+$0xFFFFFFA0];
	v56, _, _ =	vpop (xrf1);
	v40 =	vsub.s32 $0x80, v57;
	(xrf1) =	vsort.dscd.msk.f32 $0xffff, v52, v52;
	v39 =	vsel vm0, $0x0, v59  }
0x9d: {  	v58, _, _ =	vpop (xrf1);
	v40 =	vbroadcast v40, $0x0;
	v42 =	vnsel vm1, $0x0, v63;
	v34 =	vadd.f32 v39, v34  }
0x9e: {  	v37 =	vmax.f32 v37, v43;
	v5 =	vmax.f32 v5, v38;
	v4, _, _ =	vpop (xrf1);
	v60 =	vmin.f32 v56, v58;
	[tilespmem:s26+$0x0] =	vst.add.f32.msk $0xffff, v42  }
0x9f: {  	v61 =	vmax.f32 v56, v58;
	v59, _, _ =	vpop (xrf1);
	v63 =	vld [tilespmem:s4+$0x20];
	vm1 =	vlt.u32 v40, $0x20;
	vm2 =	vlt.u32 v40, $0x40;
	(xrf2) =	vadd.scan.msk.f32 $0xffff, v34  }
0xa0: {  	v62 =	vmin.f32 v4, v59;
	v36 =	vsel vm1, v45, v55;
	vm1 =	vlt.u32 v40, $0x60  }
0xa1: {  	[tilespmem:s20+$0x0] =	vst.add.f32.msk $0xffff, v7;
	v46, _, _ =	vpop (xrf1);
	v35 =	vsel vm2, v35, v41;
	v52 =	vsel vm1, v53, v54;
	vm1 =	vlt.u32 v40, $0x30  }
0xa2: {  	(xrf1) =	vsort.ascd.msk.f32 $0xffff, v5, v5;
	v4 =	vmax.f32 v4, v59;
	vm2 =	vlt.u32 v40, $0x70;
	v5, _, _ =	vpop (xrf1);
	v34 =	vld [tilespmem:s16+$0xFFFFFFB0];
	v35 =	vsel vm1, v36, v35  }
0xa3: {  	(xrf1) =	vsort.dscd.msk.f32 $0xffff, v61, v61;
	v53 =	vsel vm2, v52, v37;
	vm1 =	vlt.u32 v40, $0x50;
	vm2 =	vge.f32 v3, v25;
	v38, _, _ =	vpop (xrf1)  }
0xa4: {  	(xrf1) =	vsort.dscd.msk.f32 $0xffff, v60, v60;
	v3 =	vsel vm1, v35, v53;
	v55 =	vnsel vm2, $0x0, v63;
	v42, _, _ =	vpop (xrf1)  }
0xa5: {  	(xrf1) =	vsort.dscd.msk.f32 $0xffff, v62, v62;
	[tilespmem:s28+$0x0] =	vst.add.f32.msk $0xffff, v55;
	v54, _, _ =	vpop (xrf1)  }
0xa6: {  	(xrf1) =	vsort.dscd.msk.f32 $0xffff, v4, v4;
	v63 =	vld [tilespmem:s4+$0x30];
	v4, _, _ =	vpop (xrf1)  }
0xa7: {  	(xrf1) =	vsort.ascd.msk.f32 $0xffff, v3, v3;
	[tilespmem:s21+$0x0] =	vst.add.f32.msk $0xffff, v34;
	v3, _, _ =	vpop (xrf1)  }
0xa8: {  	v56 =	vld [tilespmem:s16+$0xFFFFFFC0];
	v58 =	vmin.f32 v38, v54;
	v57 =	vmin.f32 v4, v5;
	v59 =	vmin.f32 v42, v3;
	v60, _, _ =	vpop (xrf1)  }
0xa9: {  	vm1 =	vge.f32 v2, v25;
	(xrf1) =	vsort.dscd.msk.f32 $0xffff, v57, v57;
	v61 =	vmin.f32 v58, v59;
	v62, _, _ =	vpop (xrf2)  }
0xaa: {  	v4 =	vmax.f32 v4, v5;
	v52, _, _ =	vpop (xrf1);
	v43 =	vmax.f32 v58, v59;
	(xrf1) =	vsort.ascd.msk.f32 $0xffff, v61, v61;
	(v2sf) =	vpush v62, $0xF  }
0xab: {  	v5 =	vmax.f32 v38, v54;
	v2 =	vnsel vm1, $0x0, v63;
	v53 =	vmax.f32 v52, v4;
	(xrf1) =	vsort.ascd.msk.f32 $0xffff, v43, v43  }
0xac: {  	v3 =	vmax.f32 v42, v3;
	[tilespmem:s29+$0x0] =	vst.add.f32.msk $0xffff, v2;
	v4 =	vmin.f32 v52, v4;
	(xrf1) =	vsort.dscd.msk.f32 $0xffff, v53, v53  }
0xad: {  	v54 =	vmin.f32 v5, v3;
	[tilespmem:s22+$0x0] =	vst.add.f32.msk $0xffff, v56;
	(xrf1) =	vsort.dscd.msk.f32 $0xffff, v4, v4  }
0xae: {  	v3 =	vmax.f32 v5, v3;
	v2 =	vld [tilespmem:s4+$0x40];
	(xrf1) =	vsort.ascd.msk.f32 $0xffff, v54, v54  }
0xaf: {  	v4 =	vadd.f32 v29, v8;
	v8 =	vld [tilespmem:s16+$0xFFFFFFD0]  }
0xb0: {  	(xrf1) =	vsort.ascd.msk.f32 $0xffff, v3, v3  }
0xb1: {  	v4 =	vadd.f32 v7, v4;
	v3, _, _ =	vpop (xrf1)  }
0xb2: {  	v5, _, _ =	vpop (xrf1)  }
0xb3: {  	[tilespmem:s24+$0x0] =	vst.add.f32.msk $0xffff, v6;
	vm1 =	vge.f32 v1, v25;
	v4 =	vadd.f32 v34, v4;
	v7, _, _ =	vpop (xrf1)  }
0xb4: {  	v2 =	vnsel vm1, $0x0, v2;
	[tilespmem:s23+$0x0] =	vst.add.f32.msk $0xffff, v8;
	v55, _, _ =	vpop (xrf1)  }
0xb5: {  	s3 =	simm.s32 $0x4280;
	v4 =	vadd.f32 v56, v4;
	v29 =	vld [tilespmem:s16+$0xFFFFFFD4];
	v1, _, _ =	vpop (xrf1)  }
0xb6: {  	v47 =	vld [tilespmem:s3+$0x0];
	v41, _, _ =	vpop (xrf1)  }
0xb7: {  	[tilespmem:s30+$0x0] =	vst.add.f32.msk $0xffff, v2;
	v6 =	vmin.f32 v60, v5;
	v5 =	vmax.f32 v60, v5;
	v4 =	vadd.f32 v8, v4;
	v2, _, _ =	vpop (xrf1)  }
0xb8: {  	s8 =	simm.s32 $0x280;
	[tilespmem:s24+$0x0] =	vst.add.f32.msk $0xffff, v39;
	v8 =	vmin.f32 v3, v7;
	v3 =	vmax.f32 v3, v7;
	v7 =	vmax.f32 v55, v46;
	v57, _, _ =	vpop (xrf1)  }
0xb9: {  	v37 =	vld [tilespmem:s8+$0x10];
	v46 =	vmin.f32 v55, v46;
	v56 =	vmin.f32 v6, v8;
	v6 =	vmax.f32 v6, v8;
	v59, _, _ =	vpop (xrf1);
	s6 =	spop (v2sf)  }
0xba: {  	v36 =	vld [tilespmem:s8+$0x20];
	v58 =	vmin.f32 v5, v3;
	v60 =	vmax.f32 v1, v7;
	(xrf1) =	vsort.ascd.msk.f32 $0xffff, v56, v56;
	v8 =	vsel vm0, $0x0, v29;
	v29, _, _ =	vpop (xrf1);
	s6 =	scvt.f32.s32 s6  }
0xbb: {  	v35 =	vld [tilespmem:s8+$0x30];
	v7 =	vmin.f32 v1, v7;
	v3 =	vmax.f32 v5, v3;
	(xrf1) =	vsort.ascd.msk.f32 $0xffff, v6, v6;
	v1, _, _ =	vpop (xrf1)  }
0xbc: {  	v38 =	vld [tilespmem:s8+$0x0];
	v4 =	vadd.f32 v8, v4;
	v5 =	vmin.f32 v57, v29;
	v42 =	vmax.f32 v57, v29;
	v61, _, _ =	vpop (xrf1);
	p0 =	sgt.s32 s6, $0x1  }
0xbd: {  	v34 =	vld [tilespmem:s8+$0x40];
	v6 =	vmin.f32 v59, v1;
	v62 =	vmin.f32 v61, v2;
	s6 =	simm.s32 @!p0 $0x1;
	v2 =	vmax.f32 v61, v2  }
0xbe: {  	[tilespmem:s24+$0x0] =	vst.add.f32.msk $0xffff, v8;
	v44 =	vmax.f32 v59, v1;
	v63, _, _ =	vpop (xrf1);
	s6 =	smin.u32 s6, $0x64;
	v48 =	vmin.f32 v42, v2;
	v50 =	vmin.f32 v5, v62  }
0xbf: {  	(xrf1) =	vsort.ascd.msk.f32 $0xffff, v58, v58;
	v29 =	vld [tilespmem:s8+$0x50];
	v57 =	vmin.f32 v44, v63;
	v2 =	vmax.f32 v42, v2;
	v56 =	vmov s6  }
0xc0: {  	(xrf1) =	vsort.dscd.msk.f32 $0xffff, v60, v60;
	v1 =	vld [tilespmem:s8+$0x54];
	v59 =	vmax.f32 v44, v63;
	v5 =	vmax.f32 v5, v62;
	v58 =	vsub.s32 $0x80, v56  }
0xc1: {  	[tilespmem:s18+$0x0] =	vst.add.f32.msk $0xffff, v47;
	v60 =	vmin.f32 v48, v57;
	v61 =	vmax.f32 v2, v59;
	v42 =	vbroadcast v58, $0x0  }
0xc2: {  	v45 =	vld [tilespmem:s3+$0x10];
	v48 =	vmax.f32 v48, v57;
	v2 =	vmin.f32 v2, v59;
	v62 =	vmin.f32 v5, v6  }
0xc3: {  	v51 =	vld [tilespmem:s4+$0xFFFFFF80];
	(xrf2) =	vadd.scan.msk.f32 $0xffff, v4;
	v5 =	vmax.f32 v5, v6;
	vm1 =	vlt.u32 v42, $0x30;
	vm2 =	vlt.u32 v42, $0x70  }
0xc4: {  	v43 =	vld [tilespmem:s3+$0xFFFFFF80];
	(xrf1) =	vsort.dscd.msk.f32 $0xffff, v7, v7;
	vm3 =	vlt.u32 v42, $0x20;
	vm4 =	vlt.u32 v42, $0x40;
	vm5 =	vlt.u32 v42, $0x60  }
0xc5: {  	v4 =	vld [tilespmem:s8+$0xFFFFFF90];
	v6 =	vsel vm3, v50, v62;
	v5 =	vsel vm4, v5, v60;
	v2 =	vsel vm5, v48, v2  }
0xc6: {  	v8 =	vld [tilespmem:s8+$0xFFFFFF80];
	(xrf1) =	vsort.dscd.msk.f32 $0xffff, v46, v46;
	v5 =	vsel vm1, v6, v5;
	v2 =	vsel vm2, v2, v61;
	vm1 =	vlt.u32 v42, $0x50  }
0xc7: {  	(xrf1) =	vsort.ascd.msk.f32 $0xffff, v3, v3;
	[tilespmem:s19+$0x0] =	vst.add.f32.msk $0xffff, v45;
	v2 =	vsel vm1, v5, v2  }
0xc8: {  	v46 =	vld [tilespmem:s3+$0x20];
	(xrf1) =	vsort.ascd.msk.f32 $0xffff, v2, v2  }
0xc9: {  	v7 =	vld [tilespmem:s8+$0xFFFFFFA0]  }
0xca: {  	v3 =	vld [tilespmem:s8+$0xFFFFFFD0];
	(xrf1) =	vsort.dscd.msk.f32 $0xffff, v4, v4  }
0xcb: {  	v6 =	vld [tilespmem:s8+$0xFFFFFFC0];
	(xrf1) =	vsort.ascd.msk.f32 $0xffff, v38, v38  }
0xcc: {  	v5 =	vld [tilespmem:s8+$0xFFFFFFB0];
	(xrf1) =	vsort.dscd.msk.f32 $0xffff, v37, v37  }
0xcd: {  	[tilespmem:s20+$0x0] =	vst.add.f32.msk $0xffff, v46;
	(xrf1) =	vsort.dscd.msk.f32 $0xffff, v36, v36  }
0xce: {  	v48 =	vld [tilespmem:s3+$0x30];
	v2, _, _ =	vpop (xrf2);
	(xrf1) =	vsort.ascd.msk.f32 $0xffff, v35, v35  }
0xcf: {  	v63, _, _ =	vpop (xrf1);
	(v2sf) =	vpush v2, $0xF;
	v2 =	vld [tilespmem:s8+$0xFFFFFFD4];
	(xrf1) =	vsort.dscd.msk.f32 $0xffff, v34, v34  }
0xd0: {  	v40 =	vperm.xlane v41, v40;
	v50, _, _ =	vpop (xrf1);
	[tilespmem:s18+$0x0] =	vst.add.f32.msk $0xffff, v43;
	(xrf1) =	vsort.ascd.msk.f32 $0xffff, v29, v29  }
0xd1: {  	v60, _, _ =	vpop (xrf1);
	v44 =	vld [tilespmem:s3+$0xFFFFFF90];
	(xrf1) =	vsort.ascd.msk.f32 $0xffff, v8, v8  }
0xd2: {  	vm2 =	vge.f32 v15, v40;
	v15 =	vld [tilespmem:s16+$0x0];
	v61, _, _ =	vpop (xrf1);
	(xrf1) =	vsort.dscd.msk.f32 $0xffff, v7, v7  }
0xd3: {  	vm1 =	vge.f32 v20, v40;
	v41, _, _ =	vpop (xrf1);
	[tilespmem:s21+$0x0] =	vst.add.f32.msk $0xffff, v48;
	(xrf1) =	vsort.ascd.msk.f32 $0xffff, v5, v5  }
0xd4: {  	vm3 =	vge.f32 v14, v25;
	v14 =	vnsel vm1, $0x0, v51;
	v56, _, _ =	vpop (xrf1);
	v55 =	vld [tilespmem:s3+$0x40];
	(xrf1) =	vsort.dscd.msk.f32 $0xffff, v6, v6  }
0xd5: {  	[tilespmem:s25+$0x0] =	vst.add.f32.msk $0xffff, v14;
	v20, _, _ =	vpop (xrf1);
	v14 =	vsel vm0, $0xBF800000, v2;
	(xrf1) =	vsort.ascd.msk.f32 $0xffff, v3, v3  }
0xd6: {  	vm1 =	vge.f32 v19, v40;
	[tilespmem:s19+$0x0] =	vst.add.f32.msk $0xffff, v44;
	(xrf1) =	vsort.ascd.msk.f32 $0xffff, v14, v14;
	v14 =	vsel vm0, $0xBF800000, v1;
	v19, _, _ =	vpop (xrf1)  }
0xd7: {  	(xrf1) =	vsort.ascd.msk.f32 $0xffff, v14, v14;
	v14 =	vld [tilespmem:s3+$0xFFFFFFA0];
	v39 =	vperm.xlane v19, v42  }
0xd8: {  	v52 =	vld [tilespmem:s4+$0x50];
	v57, _, _ =	vpop (xrf1)  }
0xd9: {  	v51 =	vmin.f32 v63, v61;
	v49 =	vmax.f32 v63, v61;
	[tilespmem:s22+$0x0] =	vst.add.f32.msk $0xffff, v55;
	v62, _, _ =	vpop (xrf1);
	vm4 =	vge.f32 v26, v39  }
0xda: {  	v53 =	vmax.f32 v60, v56;
	v54 =	vld [tilespmem:s3+$0x50];
	v19 =	vmin.f32 v60, v56;
	v58, _, _ =	vpop (xrf1);
	v15 =	vnsel vm4, $0x0, v15  }
0xdb: {  	v26 =	vadd.f32 v45, v47;
	v47 =	vmax.f32 v49, v53;
	v45, _, _ =	vpop (xrf1);
	v63 =	vmin.f32 v62, v58;
	[tilespmem:s25+$0x0] =	vst.add.f32.msk $0xffff, v15  }
0xdc: {  	v42 =	vmax.f32 v62, v58;
	v62 =	vmax.f32 v50, v41;
	v60, _, _ =	vpop (xrf1);
	(xrf1) =	vsort.ascd.msk.f32 $0xffff, v63, v63;
	[tilespmem:s20+$0x0] =	vst.add.f32.msk $0xffff, v14  }
0xdd: {  	v50 =	vmin.f32 v50, v41;
	(xrf1) =	vsort.ascd.msk.f32 $0xffff, v42, v42;
	v42 =	vmin.f32 v49, v53;
	v49 =	vld [tilespmem:s16+$0x10];
	v15, _, _ =	vpop (xrf1)  }
0xde: {  	v26 =	vadd.f32 v46, v26;
	v61 =	vmax.f32 v45, v60;
	v45 =	vmin.f32 v45, v60;
	v58 =	vld [tilespmem:s3+$0xFFFFFFB0];
	v53, _, _ =	vpop (xrf1)  }
0xdf: {  	s7 =	spop (v2sf);
	[tilespmem:s23+$0x0] =	vst.add.f32.msk $0xffff, v54;
	v60 =	vmin.f32 v62, v20;
	(xrf1) =	vsort.dscd.msk.f32 $0xffff, v61, v61;
	v63 =	vmin.f32 v15, v53  }
0xe0: {  	s5 =	scvt.f32.s32 s7;
	v20 =	vmax.f32 v62, v20;
	v26 =	vadd.f32 v48, v26;
	v61 =	vld [tilespmem:s3+$0x54];
	(xrf1) =	vsort.dscd.msk.f32 $0xffff, v63, v63  }
0xe1: {  	v62 =	vnsel vm3, $0x0, v52;
	vm3 =	vge.f32 v23, v39;
	v56 =	vmax.f32 v42, v60;
	v63 =	vld [tilespmem:s4+$0xFFFFFF90];
	(xrf1) =	vsort.dscd.msk.f32 $0xffff, v45, v45;
	v45, _, _ =	vpop (xrf1)  }
0xe2: {  	p0 =	sgt.s32 s5, $0x1;
	[tilespmem:s31+$0x0] =	vst.add.f32.msk $0xffff, v62;
	v26 =	vadd.f32 v55, v26;
	v55 =	vmin.f32 v42, v60;
	v23 =	vmin.f32 v45, v57  }
0xe3: {  	s5 =	simm.s32 @!p0 $0x1;
	v15 =	vmax.f32 v15, v53;
	[tilespmem:s21+$0x0] =	vst.add.f32.msk $0xffff, v58;
	(xrf1) =	vsort.ascd.msk.f32 $0xffff, v23, v23;
	v23 =	vnsel vm3, $0x0, v49  }
0xe4: {  	v60 =	vmax.f32 v51, v19;
	s5 =	smin.u32 s5, $0x64;
	[tilespmem:s26+$0x0] =	vst.add.f32.msk $0xffff, v23;
	v23 =	vadd.f32 v54, v26;
	(xrf1) =	vsort.dscd.msk.f32 $0xffff, v15, v15  }
0xe5: {  	v19 =	vmin.f32 v51, v19;
	v62 =	vmov s5;
	v41 =	vsel vm0, $0x0, v61;
	v51 =	vld [tilespmem:s3+$0xFFFFFFC0]  }
0xe6: {  	v54 =	vsub.s32 $0x80, v62;
	v15 =	vld [tilespmem:s16+$0x20];
	v61 =	vnsel vm2, $0x0, v63;
	v63, _, _ =	vpop (xrf1);
	v23 =	vadd.f32 v41, v23  }
0xe7: {  	v49 =	vmin.f32 v60, v50;
	v42 =	vbroadcast v54, $0x0;
	[tilespmem:s26+$0x0] =	vst.add.f32.msk $0xffff, v61;
	v59, _, _ =	vpop (xrf1)  }
0xe8: {  	v50 =	vmax.f32 v60, v50;
	vm2 =	vge.f32 v22, v39;
	v60, _, _ =	vpop (xrf1);
	v22 =	vld [tilespmem:s4+$0xFFFFFFA0];
	(xrf2) =	vadd.scan.msk.f32 $0xffff, v23;
	v23 =	vmax.f32 v45, v57  }
0xe9: {  	v26 =	vmin.f32 v47, v20;
	vm3 =	vlt.u32 v42, $0x60;
	v62, _, _ =	vpop (xrf1)  }
0xea: {  	v20 =	vmax.f32 v47, v20;
	[tilespmem:s22+$0x0] =	vst.add.f32.msk $0xffff, v51;
	v26 =	vsel vm3, v56, v26;
	vm3 =	vlt.u32 v42, $0x70;
	v53, _, _ =	vpop (xrf1)  }
0xeb: {  	(xrf1) =	vsort.ascd.msk.f32 $0xffff, v23, v23;
	v20 =	vsel vm3, v26, v20;
	v26 =	vld [tilespmem:s3+$0xFFFFFFD0];
	v15 =	vnsel vm2, $0x0, v15;
	vm2 =	vlt.u32 v42, $0x20;
	v23, _, _ =	vpop (xrf1)  }
0xec: {  	v61 =	vmin.f32 v63, v59;
	v46 =	vmax.f32 v63, v59;
	[tilespmem:s28+$0x0] =	vst.add.f32.msk $0xffff, v15;
	v15 =	vsel vm2, v19, v49;
	v19, _, _ =	vpop (xrf1)  }
0xed: {  	v63 =	vmin.f32 v60, v62;
	(xrf1) =	vsort.dscd.msk.f32 $0xffff, v46, v46;
	vm2 =	vlt.u32 v42, $0x40;
	v22 =	vnsel vm1, $0x0, v22;
	v56, _, _ =	vpop (xrf1)  }
0xee: {  	v47 =	vmax.f32 v60, v62;
	(xrf1) =	vsort.dscd.msk.f32 $0xffff, v61, v61;
	v54 =	vld [tilespmem:s16+$0x30];
	v55 =	vsel vm2, v50, v55;
	vm2 =	vlt.u32 v42, $0x30;
	v57, _, _ =	vpop (xrf1)  }
0xef: {  	(xrf1) =	vsort.dscd.msk.f32 $0xffff, v63, v63;
	vm1 =	vge.f32 v21, v39;
	v15 =	vsel vm2, v15, v55;
	vm2 =	vlt.u32 v42, $0x50;
	v59, _, _ =	vpop (xrf1)  }
0xf0: {  	(xrf1) =	vsort.dscd.msk.f32 $0xffff, v47, v47;
	[tilespmem:s28+$0x0] =	vst.add.f32.msk $0xffff, v22;
	v15 =	vsel vm2, v15, v20;
	v20 =	vmin.f32 v59, v23;
	v22, _, _ =	vpop (xrf1)  }
0xf1: {  	[tilespmem:s23+$0x0] =	vst.add.f32.msk $0xffff, v26;
	(xrf1) =	vsort.ascd.msk.f32 $0xffff, v15, v15;
	v21 =	vmin.f32 v19, v57;
	v60 =	vmin.f32 v56, v22;
	v61, _, _ =	vpop (xrf1)  }
0xf2: {  	v15 =	vld [tilespmem:s4+$0xFFFFFFB0];
	v19 =	vmax.f32 v19, v57;
	(xrf1) =	vsort.dscd.msk.f32 $0xffff, v20, v20;
	v62 =	vmin.f32 v21, v60;
	v63, _, _ =	vpop (xrf1)  }
0xf3: {  	v23 =	vmax.f32 v59, v23;
	v46 =	vnsel vm1, $0x0, v54;
	v21 =	vmax.f32 v21, v60;
	v20, _, _ =	vpop (xrf2);
	(xrf1) =	vsort.ascd.msk.f32 $0xffff, v62, v62  }
0xf4: {  	[tilespmem:s29+$0x0] =	vst.add.f32.msk $0xffff, v46;
	v54 =	vmax.f32 v63, v23;
	(v2sf) =	vpush v20, $0xF;
	(xrf1) =	vsort.ascd.msk.f32 $0xffff, v21, v21  }
0xf5: {  	v22 =	vmax.f32 v56, v22;
	v23 =	vmin.f32 v63, v23;
	v20 =	vld [tilespmem:s16+$0x40];
	(xrf1) =	vsort.dscd.msk.f32 $0xffff, v54, v54  }
0xf6: {  	v55 =	vld [tilespmem:s3+$0xFFFFFFD4];
	vm1 =	vge.f32 v11, v40;
	(xrf1) =	vsort.dscd.msk.f32 $0xffff, v23, v23;
	v23 =	vadd.f32 v44, v43  }
0xf7: {  	v11 =	vmin.f32 v19, v22;
	v21 =	vld [tilespmem:s4+$0x54];
	v15 =	vnsel vm1, $0x0, v15;
	vm1 =	vge.f32 v13, v39  }
0xf8: {  	[tilespmem:s29+$0x0] =	vst.add.f32.msk $0xffff, v15;
	(xrf1) =	vsort.ascd.msk.f32 $0xffff, v11, v11;
	v11 =	vmax.f32 v19, v22;
	v13 =	vadd.f32 v14, v23  }
0xf9: {  	v15 =	vld [tilespmem:s4+$0xFFFFFFC0]  }
0xfa: {  	(xrf1) =	vsort.ascd.msk.f32 $0xffff, v11, v11;
	v14 =	vnsel vm1, $0x0, v20  }
0xfb: {  	v11, _, _ =	vpop (xrf1);
	[tilespmem:s30+$0x0] =	vst.add.f32.msk $0xffff, v14  }
0xfc: {  	vm1 =	vge.f32 v9, v25;
	v14 =	vsel vm0, $0x0, v21;
	v9 =	vadd.f32 v58, v13;
	v19 =	vld [tilespmem:s16+$0x50];
	v13, _, _ =	vpop (xrf1)  }
0xfd: {  	v45 =	vld [tilespmem:s16+$0xFFFFFF80];
	v14 =	vnsel vm1, $0x0, v14;
	vm1 =	vge.f32 v10, v40;
	v20, _, _ =	vpop (xrf1)  }
0xfe: {  	s5 =	simm.s32 $0x4380;
	v21 =	vsel vm0, $0x0, v55;
	[tilespmem:s0+$0x0] =	vst.add.f32.msk $0xffff, v14;
	v9 =	vadd.f32 v51, v9;
	v14 =	vnsel vm1, $0x0, v15;
	v10, _, _ =	vpop (xrf1)  }
0xff: {  	v44 =	vld [tilespmem:s5+$0x0];
	vm1 =	vge.f32 v12, v39;
	v15 =	vmin.f32 v61, v13;
	v23 =	vmax.f32 v61, v13;
	v22, _, _ =	vpop (xrf1)  }
0x100: {  	[tilespmem:s24+$0x0] =	vst.add.f32.msk $0xffff, v21;
	v9 =	vadd.f32 v26, v9;
	v12 =	vmin.f32 v11, v20;
	v11 =	vmax.f32 v11, v20;
	v46, _, _ =	vpop (xrf1)  }
0x101: {  	s8 =	simm.s32 $0x380;
	[tilespmem:s30+$0x0] =	vst.add.f32.msk $0xffff, v14;
	v20 =	vmax.f32 v10, v53;
	v25 =	vmin.f32 v15, v12;
	v13 =	vnsel vm1, $0x0, v19;
	v19, _, _ =	vpop (xrf1)  }
0x102: {  	v14 =	vld [tilespmem:s8+$0x0];
	v15 =	vmax.f32 v15, v12;
	v56 =	vmin.f32 v23, v11;
	v57 =	vmax.f32 v22, v20;
	v26, _, _ =	vpop (xrf1)  }
0x103: {  	v12 =	vld [tilespmem:s8+$0x20];
	v9 =	vadd.f32 v21, v9;
	v21 =	vmin.f32 v10, v53;
	(xrf1) =	vsort.ascd.msk.f32 $0xffff, v25, v25;
	v58, _, _ =	vpop (xrf1);
	s7 =	spop (v2sf)  }
0x104: {  	v20 =	vmin.f32 v22, v20;
	v22 =	vmax.f32 v23, v11;
	v11 =	vld [tilespmem:s8+$0x30];
	(xrf1) =	vsort.ascd.msk.f32 $0xffff, v15, v15;
	v10, _, _ =	vpop (xrf1);
	s7 =	scvt.f32.s32 s7  }
0x105: {  	[tilespmem:s31+$0x0] =	vst.add.f32.msk $0xffff, v13;
	(xrf1) =	vsort.ascd.msk.f32 $0xffff, v56, v56;
	v23, _, _ =	vpop (xrf1)  }
0x106: {  	v13 =	vld [tilespmem:s8+$0x10];
	(xrf1) =	vsort.dscd.msk.f32 $0xffff, v57, v57;
	v25 =	vmin.f32 v26, v10;
	v26 =	vmax.f32 v26, v10;
	v59, _, _ =	vpop (xrf1);
	p0 =	sgt.s32 s7, $0x1  }
0x107: {  	v15 =	vld [tilespmem:s8+$0x40];
	v49 =	vmin.f32 v58, v23;
	v60 =	vmin.f32 v59, v19;
	s7 =	simm.s32 @!p0 $0x1;
	v19 =	vmax.f32 v59, v19  }
0x108: {  	(xrf2) =	vadd.scan.msk.f32 $0xffff, v9;
	v9 =	vld [tilespmem:s8+$0x54];
	v23 =	vmax.f32 v58, v23;
	v63, _, _ =	vpop (xrf1);
	s7 =	smin.u32 s7, $0x64;
	v61 =	vmin.f32 v26, v19;
	v62 =	vmin.f32 v25, v60  }
0x109: {  	(xrf1) =	vsort.dscd.msk.f32 $0xffff, v20, v20;
	v10 =	vld [tilespmem:s8+$0x50];
	v57 =	vmin.f32 v23, v63;
	v19 =	vmax.f32 v26, v19;
	v56 =	vmov s7  }
0x10a: {  	[tilespmem:s18+$0x0] =	vst.add.f32.msk $0xffff, v44;
	v23 =	vmax.f32 v23, v63;
	v58 =	vmax.f32 v25, v60;
	v26 =	vsub.s32 $0x80, v56  }
0x10b: {  	(xrf1) =	vsort.dscd.msk.f32 $0xffff, v21, v21;
	v50 =	vld [tilespmem:s5+$0x10];
	v59 =	vmax.f32 v19, v23;
	v48 =	vmax.f32 v61, v57;
	v53 =	vbroadcast v26, $0x0  }
0x10c: {  	v43 =	vld [tilespmem:s5+$0xFFFFFF80];
	v19 =	vmin.f32 v19, v23;
	v60 =	vmin.f32 v58, v49;
	v21 =	vmax.f32 v58, v49  }
0x10d: {  	v20 =	vld [tilespmem:s8+$0xFFFFFFB0];
	v26 =	vmin.f32 v61, v57;
	vm1 =	vlt.u32 v53, $0x30;
	vm2 =	vlt.u32 v53, $0x70  }
0x10e: {  	(xrf1) =	vsort.ascd.msk.f32 $0xffff, v22, v22;
	v25 =	vld [tilespmem:s8+$0xFFFFFF90];
	vm3 =	vlt.u32 v53, $0x20;
	vm4 =	vlt.u32 v53, $0x40;
	vm5 =	vlt.u32 v53, $0x60  }
0x10f: {  	v23 =	vld [tilespmem:s8+$0xFFFFFFA0];
	v22 =	vsel vm3, v62, v60;
	v21 =	vsel vm4, v21, v26;
	v19 =	vsel vm5, v48, v19  }
0x110: {  	[tilespmem:s19+$0x0] =	vst.add.f32.msk $0xffff, v50;
	v21 =	vsel vm1, v22, v21;
	v19 =	vsel vm2, v19, v59;
	vm1 =	vlt.u32 v53, $0x50  }
0x111: {  	v47 =	vld [tilespmem:s5+$0x20];
	v19 =	vsel vm1, v21, v19  }
0x112: {  	v26 =	vld [tilespmem:s8+$0xFFFFFF80];
	(xrf1) =	vsort.ascd.msk.f32 $0xffff, v19, v19  }
0x113: {  	v22 =	vld [tilespmem:s8+$0xFFFFFFC0]  }
0x114: {  	v21 =	vld [tilespmem:s8+$0xFFFFFFD0];
	(xrf1) =	vsort.dscd.msk.f32 $0xffff, v25, v25  }
0x115: {  	v42 =	vperm.xlane v46, v42;
	v61, _, _ =	vpop (xrf2);
	v19 =	vld [tilespmem:s8+$0xFFFFFFD4];
	(xrf1) =	vsort.ascd.msk.f32 $0xffff, v14, v14  }
0x116: {  	vm6 =	vge.f32 v16, v40;
	(v2sf) =	vpush v61, $0xF;
	[tilespmem:s20+$0x0] =	vst.add.f32.msk $0xffff, v47;
	(xrf1) =	vsort.dscd.msk.f32 $0xffff, v13, v13  }
0x117: {  	vm14 =	vge.f32 v18, v39;
	vm13 =	vge.f32 v24, v42;
	v62, _, _ =	vpop (xrf1);
	v48 =	vld [tilespmem:s5+$0x30];
	(xrf1) =	vsort.dscd.msk.f32 $0xffff, v12, v12  }
0x118: {  	v44 =	vadd.f32 v50, v44;
	v63, _, _ =	vpop (xrf1);
	vm1 =	vge.f32 v33, v42;
	[tilespmem:s18+$0x0] =	vst.add.f32.msk $0xffff, v43;
	(xrf1) =	vsort.ascd.msk.f32 $0xffff, v11, v11  }
0x119: {  	vm5 =	vge.f32 v17, v40;
	vm4 =	vge.f32 v31, v42;
	v55, _, _ =	vpop (xrf1);
	v17 =	vnsel vm1, $0x0, v45;
	v51 =	vld [tilespmem:s5+$0xFFFFFF90];
	(xrf1) =	vsort.dscd.msk.f32 $0xffff, v15, v15  }
0x11a: {  	vm3 =	vge.f32 v32, v42;
	vm2 =	vge.f32 v28, v42;
	v56, _, _ =	vpop (xrf1);
	[tilespmem:s25+$0x0] =	vst.add.f32.msk $0xffff, v17;
	(xrf1) =	vsort.ascd.msk.f32 $0xffff, v10, v10  }
0x11b: {  	vm1 =	vge.f32 v30, v42;
	v44 =	vadd.f32 v47, v44;
	v16, _, _ =	vpop (xrf1);
	v30 =	vmin.f32 v62, v56;
	v28 =	vld [tilespmem:s16+$0xFFFFFF90]  }
0x11c: {  	v31 =	vmax.f32 v62, v56;
	v59 =	vmax.f32 v63, v16;
	v17, _, _ =	vpop (xrf1);
	[tilespmem:s21+$0x0] =	vst.add.f32.msk $0xffff, v48;
	(xrf1) =	vsort.ascd.msk.f32 $0xffff, v26, v26  }
0x11d: {  	v61 =	vmin.f32 v63, v16;
	v57 =	vmax.f32 v55, v17;
	v17 =	vmin.f32 v55, v17;
	v58, _, _ =	vpop (xrf1);
	v46 =	vld [tilespmem:s5+$0x40]  }
0x11e: {  	[tilespmem:s24+$0x0] =	vst.add.f32.msk $0xffff, v41;
	v45 =	vmin.f32 v31, v57;
	v60 =	vmin.f32 v59, v58;
	(xrf1) =	vsort.dscd.msk.f32 $0xffff, v23, v23  }
0x11f: {  	v62 =	vld [tilespmem:s3+$0x0];
	v31 =	vmax.f32 v31, v57;
	v32 =	vmax.f32 v59, v58;
	(xrf1) =	vsort.ascd.msk.f32 $0xffff, v20, v20  }
0x120: {  	v63 =	vmax.f32 v30, v17;
	v30 =	vmin.f32 v30, v17;
	[tilespmem:s19+$0x0] =	vst.add.f32.msk $0xffff, v51;
	(xrf1) =	vsort.dscd.msk.f32 $0xffff, v22, v22;
	v16, _, _ =	vpop (xrf1)  }
0x121: {  	v57 =	vsel vm0, $0xBF800000, v19;
	v49 =	vmin.f32 v45, v60;
	v52 =	vld [tilespmem:s5+$0xFFFFFFA0];
	(xrf1) =	vsort.ascd.msk.f32 $0xffff, v21, v21;
	v16 =	vperm.xlane v16, v53  }
0x122: {  	v45 =	vmax.f32 v45, v60;
	v33 =	vmax.f32 v63, v61;
	v28 =	vnsel vm2, $0x0, v28;
	[tilespmem:s22+$0x0] =	vst.add.f32.msk $0xffff, v46;
	v54, _, _ =	vpop (xrf1)  }
0x123: {  	v59 =	vsel vm0, $0xBF800000, v9;
	(xrf1) =	vsort.ascd.msk.f32 $0xffff, v57, v57;
	v41 =	vld [tilespmem:s5+$0x50];
	v57 =	vadd.f32 v48, v44;
	v17, _, _ =	vpop (xrf1);
	vm7 =	vge.f32 v38, v16  }
0x124: {  	v55 =	vmin.f32 v31, v32;
	vm2 =	vge.f32 v27, v42;
	[tilespmem:s26+$0x0] =	vst.add.f32.msk $0xffff, v28;
	v58, _, _ =	vpop (xrf1);
	v27 =	vnsel vm7, $0x0, v62  }
0x125: {  	vm15 =	vmmov vm5;
	v31 =	vmax.f32 v31, v32;
	s8 =	spop (v2sf);
	(xrf1) =	vsort.ascd.msk.f32 $0xffff, v59, v59;
	v32 =	vadd.f32 v46, v57;
	v57 =	vld [tilespmem:s16+$0x54];
	v28, _, _ =	vpop (xrf1)  }
0x126: {  	s6 =	scvt.f32.s32 s8;
	v53 =	vmin.f32 v63, v61;
	vm5 =	vge.f32 v37, v16;
	v60 =	vmin.f32 v17, v58;
	v61, _, _ =	vpop (xrf1);
	[tilespmem:s25+$0x0] =	vst.add.f32.msk $0xffff, v27  }
0x127: {  	v38 =	vadd.f32 v51, v43;
	v17 =	vmax.f32 v17, v58;
	(xrf1) =	vsort.ascd.msk.f32 $0xffff, v60, v60;
	v62 =	vld [tilespmem:s3+$0x10];
	v27, _, _ =	vpop (xrf1)  }
0x128: {  	p0 =	sgt.s32 s6, $0x1;
	vm8 =	vge.f32 v36, v16;
	[tilespmem:s23+$0x0] =	vst.add.f32.msk $0xffff, v41;
	v63 =	vmax.f32 v28, v61;
	(xrf1) =	vsort.ascd.msk.f32 $0xffff, v17, v17;
	v56, _, _ =	vpop (xrf1)  }
0x129: {  	s6 =	simm.s32 @!p0 $0x1;
	v32 =	vadd.f32 v41, v32;
	v44 =	vld [tilespmem:s5+$0x54];
	(xrf1) =	vsort.dscd.msk.f32 $0xffff, v63, v63;
	v17 =	vmin.f32 v27, v56  }
0x12a: {  	[tilespmem:s20+$0x0] =	vst.add.f32.msk $0xffff, v52;
	s6 =	smin.u32 s6, $0x64;
	v18 =	vadd.f32 v52, v38;
	v28 =	vmin.f32 v28, v61;
	v58, _, _ =	vpop (xrf1);
	(xrf1) =	vsort.dscd.msk.f32 $0xffff, v17, v17  }
0x12b: {  	v61 =	vmov s6;
	v24 =	vsel vm0, $0x0, v57;
	v59 =	vmin.f32 v58, v54;
	(xrf1) =	vsort.dscd.msk.f32 $0xffff, v28, v28;
	v28 =	vld [tilespmem:s5+$0xFFFFFFB0]  }
0x12c: {  	v48 =	vld [tilespmem:s4+$0xFFFFFFD0];
	v24 =	vnsel vm14, $0x0, v24;
	v27 =	vmax.f32 v27, v56;
	v60 =	vnsel vm5, $0x0, v62;
	v62, _, _ =	vpop (xrf1);
	(xrf1) =	vsort.ascd.msk.f32 $0xffff, v59, v59  }
0x12d: {  	v40 =	vmax.f32 v58, v54;
	[tilespmem:s26+$0x0] =	vst.add.f32.msk $0xffff, v60;
	v63, _, _ =	vpop (xrf1);
	(xrf1) =	vsort.dscd.msk.f32 $0xffff, v27, v27;
	v27 =	vsub.s32 $0x80, v61  }
0x12e: {  	v56 =	vld [tilespmem:s3+$0x20];
	v58, _, _ =	vpop (xrf1);
	v59 =	vmax.f32 v62, v63;
	v47 =	vbroadcast v27, $0x0;
	v27 =	vsel vm0, $0x0, v44  }
0x12f: {  	[tilespmem:s0+$0x0] =	vst.add.f32.msk $0xffff, v24;
	v37 =	vmin.f32 v62, v63;
	(xrf1) =	vsort.ascd.msk.f32 $0xffff, v40, v40;
	v60, _, _ =	vpop (xrf1);
	v32 =	vadd.f32 v27, v32  }
0x130: {  	(xrf1) =	vsort.dscd.msk.f32 $0xffff, v59, v59;
	v61 =	vmin.f32 v58, v60;
	v40 =	vmax.f32 v58, v60;
	[tilespmem:s21+$0x0] =	vst.add.f32.msk $0xffff, v28  }
0x131: {  	v63 =	vld [tilespmem:s16+$0xFFFFFFA0];
	vm5 =	vlt.u32 v47, $0x20;
	(xrf1) =	vsort.dscd.msk.f32 $0xffff, v37, v37;
	vm9 =	vlt.u32 v47, $0x60;
	vm12 =	vlt.u32 v47, $0x70  }
0x132: {  	v30 =	vsel vm5, v30, v53;
	vm5 =	vlt.u32 v47, $0x40;
	(xrf2) =	vadd.scan.msk.f32 $0xffff, v32;
	v50 =	vsel vm9, v45, v55  }
0x133: {  	v62 =	vld [tilespmem:s5+$0xFFFFFFC0];
	(xrf1) =	vsort.dscd.msk.f32 $0xffff, v61, v61;
	v33 =	vsel vm5, v33, v49;
	v41 =	vnsel vm8, $0x0, v56;
	vm5 =	vlt.u32 v47, $0x30;
	v32, _, _ =	vpop (xrf1)  }
0x134: {  	v31 =	vsel vm12, v50, v31;
	[tilespmem:s28+$0x0] =	vst.add.f32.msk $0xffff, v41;
	v30 =	vsel vm5, v30, v33;
	vm5 =	vlt.u32 v47, $0x50;
	v51, _, _ =	vpop (xrf1)  }
0x135: {  	v18 =	vadd.f32 v28, v18;
	v28 =	vnsel vm15, $0x0, v48;
	v54 =	vld [tilespmem:s3+$0x30];
	v30 =	vsel vm5, v30, v31;
	v53, _, _ =	vpop (xrf1)  }
0x136: {  	[tilespmem:s31+$0x0] =	vst.add.f32.msk $0xffff, v28;
	(xrf1) =	vsort.dscd.msk.f32 $0xffff, v40, v40;
	v31 =	vnsel vm1, $0x0, v63;
	v55, _, _ =	vpop (xrf1)  }
0x137: {  	[tilespmem:s28+$0x0] =	vst.add.f32.msk $0xffff, v31;
	v57, _, _ =	vpop (xrf1);
	(xrf1) =	vsort.ascd.msk.f32 $0xffff, v30, v30  }
0x138: {  	vm6 =	vmmov vm6;
	vm2 =	vmmov vm2;
	[tilespmem:s22+$0x0] =	vst.add.f32.msk $0xffff, v62;
	v30, _, _ =	vpop (xrf1)  }
0x139: {  	vm15 =	vge.f32 v35, v16;
	vm5 =	vmmov vm6;
	v56 =	vld [tilespmem:s5+$0xFFFFFFD0];
	v59 =	vmin.f32 v53, v57;
	v31, _, _ =	vpop (xrf1)  }
0x13a: {  	v58 =	vld [tilespmem:s16+$0xFFFFFFB0];
	v40 =	vnsel vm15, $0x0, v54;
	v28 =	vmin.f32 v30, v51;
	v60 =	vmin.f32 v55, v31;
	v61, _, _ =	vpop (xrf1)  }
0x13b: {  	v18 =	vadd.f32 v62, v18;
	[tilespmem:s29+$0x0] =	vst.add.f32.msk $0xffff, v40;
	(xrf1) =	vsort.dscd.msk.f32 $0xffff, v28, v28;
	v62 =	vmin.f32 v59, v60;
	v63, _, _ =	vpop (xrf1)  }
0x13c: {  	vm1 =	vmmov vm13;
	v30 =	vmax.f32 v30, v51;
	v28 =	vmax.f32 v59, v60;
	v46, _, _ =	vpop (xrf2);
	v48 =	vld [tilespmem:s3+$0x40];
	(xrf1) =	vsort.ascd.msk.f32 $0xffff, v62, v62  }
0x13d: {  	v50 =	vld [tilespmem:s4+$0xFFFFFFD4];
	v33 =	vmax.f32 v53, v57;
	v49 =	vmax.f32 v63, v30;
	(v2sf) =	vpush v46, $0xF;
	(xrf1) =	vsort.ascd.msk.f32 $0xffff, v28, v28  }
0x13e: {  	v51, _, _ =	vpop (xrf1);
	[tilespmem:s23+$0x0] =	vst.add.f32.msk $0xffff, v56;
	v30 =	vmin.f32 v63, v30;
	v28 =	vmax.f32 v55, v31;
	(xrf1) =	vsort.dscd.msk.f32 $0xffff, v49, v49  }
0x13f: {  	v35 =	vnsel vm4, $0x0, v58;
	vm4 =	vge.f32 v34, v16;
	v31, _, _ =	vpop (xrf1);
	v52 =	vld [tilespmem:s5+$0xFFFFFFD4];
	v53 =	vmin.f32 v33, v28;
	(xrf1) =	vsort.dscd.msk.f32 $0xffff, v30, v30  }
0x140: {  	v18 =	vadd.f32 v56, v18;
	[tilespmem:s29+$0x0] =	vst.add.f32.msk $0xffff, v35;
	v54, _, _ =	vpop (xrf1);
	v28 =	vmax.f32 v33, v28;
	(xrf1) =	vsort.ascd.msk.f32 $0xffff, v53, v53  }
0x141: {  	v58 =	vld [tilespmem:s16+$0xFFFFFFC0];
	v30 =	vmin.f32 v61, v31;
	v55 =	vmin.f32 v51, v54;
	v56, _, _ =	vpop (xrf1);
	v57 =	vnsel vm4, $0x0, v48  }
0x142: {  	v31 =	vmax.f32 v61, v31;
	v24 =	vmax.f32 v51, v54;
	v59 =	vmax.f32 v56, v32;
	[tilespmem:s30+$0x0] =	vst.add.f32.msk $0xffff, v57  }
0x143: {  	v63 =	vsel vm0, $0x0, v50;
	v61 =	vmin.f32 v30, v55;
	v62 =	vmax.f32 v30, v55;
	(xrf1) =	vsort.ascd.msk.f32 $0xffff, v28, v28;
	v30 =	vld [tilespmem:s3+$0x50]  }
0x144: {  	v17 =	vld [tilespmem:s3+$0xFFFFFF80];
	v34 =	vmin.f32 v31, v24;
	v36 =	vmin.f32 v56, v32;
	v60, _, _ =	vpop (xrf1);
	v28 =	vsel vm0, $0x0, v52  }
0x145: {  	v35 =	vmax.f32 v31, v24;
	v37 =	vmax.f32 v60, v59;
	[tilespmem:s24+$0x0] =	vst.add.f32.msk $0xffff, v28;
	v39 =	vadd.f32 v28, v18;
	v18, _, _ =	vpop (xrf1)  }
0x146: {  	(xrf1) =	vsort.ascd.msk.f32 $0xffff, v61, v61;
	v38 =	vmin.f32 v60, v59;
	v33 =	vld [tilespmem:s5+$0xFFFFFF80];
	v28 =	vperm.xlane v18, v47;
	v18 =	vnsel vm3, $0x0, v58  }
0x147: {  	s7 =	simm.s32 $0x480;
	s6 =	simm.s32 $0x6;
	s4 =	simm.s32 $0x4380;
	(xrf1) =	vsort.ascd.msk.f32 $0xffff, v62, v62;
	vm3 =	vge.f32 v29, v16;
	[tilespmem:s30+$0x0] =	vst.add.f32.msk $0xffff, v18;
	v18 =	vnsel vm5, $0x0, v63  }
.LBB2_2:
0x148: {  	v32 =	vld [tilespmem:s7+$0x0];
	(xrf2) =	vadd.scan.msk.f32 $0xffff, v39;
	vm4 =	vge.f32 v8, v28;
	vm8 =	vge.f32 v4, v28;
	v8 =	vnsel vm3, $0x0, v30;
	v4 =	vmovc v25  }
0x149: {  	vm6 =	vge.f32 v7, v28;
	(xrf1) =	vsort.ascd.msk.f32 $0xffff, v34, v34;
	v25, _, _ =	vpop (xrf1);
	v34 =	vnsel vm4, $0x0, v17;
	[tilespmem:s31+$0x0] =	vst.add.f32.msk $0xffff, v8  }
0x14a: {  	vm5 =	vge.f32 v5, v28;
	vm3 =	vge.f32 v6, v28;
	v7 =	vmov v23;
	(xrf1) =	vsort.dscd.msk.f32 $0xffff, v37, v37;
	v37, _, _ =	vpop (xrf1);
	v24 =	vld [tilespmem:s3+$0x54]  }
0x14b: {  	vm7 =	vge.f32 v3, v28;
	vm9 =	vge.f32 v2, v28;
	v5 =	vmov v20;
	v31 =	vld [tilespmem:s7+$0x10];
	(xrf1) =	vsort.dscd.msk.f32 $0xffff, v38, v38;
	v23, _, _ =	vpop (xrf1)  }
0x14c: {  	v6 =	vmov v22;
	v3 =	vmov v21;
	v2 =	vmov v19;
	v30 =	vld [tilespmem:s7+$0x20];
	(xrf1) =	vsort.dscd.msk.f32 $0xffff, v36, v36;
	s8 =	spop (v2sf);
	v20, _, _ =	vpop (xrf1)  }
0x14d: {  	s5 =	sadd.s32 $0x100, s5;
	vm4 =	vmmov vm1;
	v8 =	vmov v26;
	v17 =	vmov v33;
	v29 =	vld [tilespmem:s7+$0x30];
	s8 =	scvt.f32.s32 s8;
	(xrf1) =	vsort.ascd.msk.f32 $0xffff, v35, v35;
	v19, _, _ =	vpop (xrf1)  }
0x14e: {  	vm1 =	vmmov vm9;
	v21 =	vmin.f32 v37, v20;
	v33 =	vld [tilespmem:s5+$0x0];
	v22 =	vmin.f32 v23, v19;
	v26, _, _ =	vpop (xrf1)  }
0x14f: {  	s6 =	sadd.s32 $0x2, s6;
	vm9 =	vge.f32 v1, v16;
	v1 =	vmovc v9;
	v28 =	vld [tilespmem:s7+$0x40];
	p1 =	sgt.s32 s8, $0x1;
	v35 =	vmin.f32 v26, v25;
	v36 =	vsel vm0, $0x0, v24  }
0x150: {  	p0 =	slt.u32 s6, $0x7E;
	v16 =	vmax.f32 v37, v20;
	v20 =	vmax.f32 v26, v25;
	v24 =	vld [tilespmem:s7+$0x50];
	s8 =	simm.s32 @!p1 $0x1;
	v9 =	vnsel vm9, $0x0, v36  }
0x151: {  	v19 =	vmax.f32 v23, v19;
	v23 =	vmin.f32 v16, v20;
	v26 =	vmin.f32 v21, v35;
	s8 =	smin.u32 s8, $0x64;
	v25, _, _ =	vpop (xrf1);
	[tilespmem:s0+$0x0] =	vst.add.f32.msk $0xffff, v9  }
0x152: {  	v16 =	vmax.f32 v16, v20;
	v9 =	vld [tilespmem:s7+$0x54];
	v36 =	vmov s8;
	v37 =	vmin.f32 v19, v25;
	v38, _, _ =	vpop (xrf2)  }
0x153: {  	v21 =	vmax.f32 v21, v35;
	v19 =	vmax.f32 v19, v25;
	[tilespmem:s18+$0x0] =	vst.add.f32.msk $0xffff, v33;
	v20 =	vsub.s32 $0x80, v36  }
0x154: {  	v35 =	vmin.f32 v23, v37;
	v36 =	vmax.f32 v16, v19;
	v39 =	vld [tilespmem:s5+$0x10];
	v40 =	vbroadcast v20, $0x0;
	v41, _, _ =	vpop (xrf1)  }
0x155: {  	v37 =	vmax.f32 v23, v37;
	v16 =	vmin.f32 v16, v19;
	v19 =	vmin.f32 v21, v22;
	v42 =	vld [tilespmem:s5+$0xFFFFFF80];
	v43, _, _ =	vpop (xrf1)  }
0x156: {  	v21 =	vmax.f32 v21, v22;
	v25 =	vld [tilespmem:s7+$0xFFFFFF90];
	vm9 =	vlt.u32 v40, $0x30;
	vm10 =	vlt.u32 v40, $0x70  }
0x157: {  	vm11 =	vlt.u32 v40, $0x20;
	vm12 =	vlt.u32 v40, $0x40;
	vm13 =	vlt.u32 v40, $0x60;
	v23 =	vld [tilespmem:s7+$0xFFFFFFA0];
	v44, _, _ =	vpop (xrf1)  }
0x158: {  	v22 =	vsel vm11, v26, v19;
	v21 =	vsel vm12, v21, v35;
	v16 =	vsel vm13, v37, v16;
	v20 =	vld [tilespmem:s7+$0xFFFFFFB0];
	v26, _, _ =	vpop (xrf1)  }
0x159: {  	v21 =	vsel vm9, v22, v21;
	v16 =	vsel vm10, v16, v36;
	vm9 =	vlt.u32 v40, $0x50;
	[tilespmem:s19+$0x0] =	vst.add.f32.msk $0xffff, v39;
	v35, _, _ =	vpop (xrf1)  }
0x15a: {  	v37 =	vmin.f32 v41, v26;
	v16 =	vsel vm9, v21, v16;
	v45 =	vld [tilespmem:s5+$0x20];
	(v2sf) =	vpush v38, $0xF;
	v19, _, _ =	vpop (xrf1)  }
0x15b: {  	v36 =	vmax.f32 v41, v26;
	v22 =	vld [tilespmem:s7+$0xFFFFFFC0];
	v46 =	vmin.f32 v44, v19;
	v38, _, _ =	vpop (xrf1);
	(xrf1) =	vsort.ascd.msk.f32 $0xffff, v16, v16  }
0x15c: {  	v16 =	vmax.f32 v43, v35;
	v41 =	vmax.f32 v44, v19;
	v21 =	vld [tilespmem:s7+$0xFFFFFFD0];
	(xrf1) =	vsort.dscd.msk.f32 $0xffff, v25, v25  }
0x15d: {  	v44 =	vmin.f32 v36, v41;
	v47 =	vmin.f32 v16, v38;
	v19 =	vld [tilespmem:s7+$0xFFFFFFD4];
	(xrf1) =	vsort.ascd.msk.f32 $0xffff, v32, v32  }
0x15e: {  	v41 =	vmax.f32 v36, v41;
	v16 =	vmax.f32 v16, v38;
	v26 =	vld [tilespmem:s7+$0xFFFFFF80];
	(xrf1) =	vsort.dscd.msk.f32 $0xffff, v31, v31  }
0x15f: {  	v43 =	vmin.f32 v43, v35;
	v48 =	vmax.f32 v37, v46;
	[tilespmem:s20+$0x0] =	vst.add.f32.msk $0xffff, v45;
	(xrf1) =	vsort.dscd.msk.f32 $0xffff, v30, v30  }
0x160: {  	v35 =	vmin.f32 v44, v47;
	v36 =	vmax.f32 v44, v47;
	v49 =	vld [tilespmem:s5+$0x30];
	(xrf1) =	vsort.ascd.msk.f32 $0xffff, v29, v29  }
0x161: {  	v38 =	vmin.f32 v41, v16;
	v44 =	vmin.f32 v48, v43;
	[tilespmem:s18+$0x0] =	vst.add.f32.msk $0xffff, v42;
	(xrf1) =	vsort.dscd.msk.f32 $0xffff, v28, v28  }
0x162: {  	v46 =	vmin.f32 v37, v46;
	v43 =	vmax.f32 v48, v43;
	v47 =	vld [tilespmem:s5+$0xFFFFFF90];
	v50 =	vsel vm0, $0xBF800000, v19;
	(xrf1) =	vsort.ascd.msk.f32 $0xffff, v24, v24  }
0x163: {  	v37 =	vmax.f32 v41, v16;
	(xrf1) =	vsort.ascd.msk.f32 $0xffff, v26, v26;
	[tilespmem:s25+$0x0] =	vst.add.f32.msk $0xffff, v34  }
0x164: {  	(xrf1) =	vsort.dscd.msk.f32 $0xffff, v23, v23;
	v16 =	vld [tilespmem:s3+$0xFFFFFF90]  }
0x165: {  	[tilespmem:s21+$0x0] =	vst.add.f32.msk $0xffff, v49;
	(xrf1) =	vsort.ascd.msk.f32 $0xffff, v20, v20  }
0x166: {  	v34 =	vld [tilespmem:s5+$0x40];
	(xrf1) =	vsort.dscd.msk.f32 $0xffff, v22, v22  }
0x167: {  	v41 =	vadd.f32 v47, v42;
	(xrf1) =	vsort.ascd.msk.f32 $0xffff, v21, v21;
	[tilespmem:s24+$0x0] =	vst.add.f32.msk $0xffff, v27  }
0x168: {  	(xrf1) =	vsort.ascd.msk.f32 $0xffff, v50, v50;
	v27 =	vld [tilespmem:s4+$0x0]  }
0x169: {  	[tilespmem:s19+$0x0] =	vst.add.f32.msk $0xffff, v47;
	s8 =	spop (v2sf);
	v42, _, _ =	vpop (xrf1);
	v47 =	vnsel vm8, $0x0, v16  }
0x16a: {  	v48 =	vld [tilespmem:s5+$0xFFFFFFA0];
	v50, _, _ =	vpop (xrf1);
	s8 =	scvt.f32.s32 s8;
	v16 =	vperm.xlane v42, v40  }
0x16b: {  	[tilespmem:s22+$0x0] =	vst.add.f32.msk $0xffff, v34;
	v40, _, _ =	vpop (xrf1)  }
0x16c: {  	v42 =	vld [tilespmem:s5+$0x50];
	v51, _, _ =	vpop (xrf1);
	p1 =	sgt.s32 s8, $0x1;
	vm8 =	vge.f32 v14, v16;
	v14 =	vmov v32  }
0x16d: {  	v32 =	vsel vm0, $0xBF800000, v9;
	v52, _, _ =	vpop (xrf1);
	s8 =	simm.s32 @!p1 $0x1;
	v27 =	vnsel vm8, $0x0, v27;
	[tilespmem:s26+$0x0] =	vst.add.f32.msk $0xffff, v47  }
0x16e: {  	v33 =	vadd.f32 v39, v33;
	v39 =	vmin.f32 v40, v51;
	v47, _, _ =	vpop (xrf1);
	(xrf1) =	vsort.ascd.msk.f32 $0xffff, v32, v32;
	s8 =	smin.u32 s8, $0x64;
	[tilespmem:s25+$0x0] =	vst.add.f32.msk $0xffff, v27  }
0x16f: {  	v27 =	vmax.f32 v40, v51;
	v41 =	vadd.f32 v48, v41;
	v40, _, _ =	vpop (xrf1);
	(xrf1) =	vsort.ascd.msk.f32 $0xffff, v39, v39;
	v32 =	vmov s8;
	v39 =	vld [tilespmem:s4+$0x10]  }
0x170: {  	v33 =	vadd.f32 v45, v33;
	v45 =	vmax.f32 v52, v47;
	[tilespmem:s20+$0x0] =	vst.add.f32.msk $0xffff, v48;
	v48, _, _ =	vpop (xrf1);
	(xrf1) =	vsort.ascd.msk.f32 $0xffff, v27, v27  }
0x171: {  	v32 =	vsub.s32 $0x80, v32;
	[tilespmem:s23+$0x0] =	vst.add.f32.msk $0xffff, v42;
	v27 =	vmin.f32 v40, v48;
	v51, _, _ =	vpop (xrf1);
	(xrf1) =	vsort.dscd.msk.f32 $0xffff, v45, v45  }
0x172: {  	v33 =	vadd.f32 v49, v33;
	v47 =	vmin.f32 v52, v47;
	v32 =	vbroadcast v32, $0x0;
	v45 =	vld [tilespmem:s5+$0x54];
	v49, _, _ =	vpop (xrf1);
	(xrf1) =	vsort.dscd.msk.f32 $0xffff, v27, v27  }
0x173: {  	vm8 =	vge.f32 v13, v16;
	v13 =	vmov v31;
	v27 =	vmin.f32 v51, v50;
	v52 =	vld [tilespmem:s5+$0xFFFFFFB0];
	v53, _, _ =	vpop (xrf1);
	(xrf1) =	vsort.dscd.msk.f32 $0xffff, v47, v47  }
0x174: {  	v54 =	vadd.f32 v34, v33;
	v33 =	vmax.f32 v40, v48;
	v34, _, _ =	vpop (xrf1);
	(xrf1) =	vsort.ascd.msk.f32 $0xffff, v27, v27;
	v27 =	vnsel vm8, $0x0, v39;
	v39 =	vld [tilespmem:s3+$0xFFFFFFA0]  }
0x175: {  	v40 =	vmax.f32 v51, v50;
	v47 =	vmin.f32 v49, v53;
	v48, _, _ =	vpop (xrf1);
	(xrf1) =	vsort.dscd.msk.f32 $0xffff, v33, v33;
	[tilespmem:s26+$0x0] =	vst.add.f32.msk $0xffff, v27  }
0x176: {  	v42 =	vadd.f32 v42, v54;
	v33 =	vmax.f32 v49, v53;
	v49 =	vmin.f32 v34, v48;
	v31, _, _ =	vpop (xrf1);
	v50 =	vld [tilespmem:s4+$0x20]  }
0x177: {  	vm8 =	vlt.u32 v32, $0x20;
	v34 =	vmax.f32 v34, v48;
	v27 =	vsel vm0, $0x0, v45;
	(xrf1) =	vsort.ascd.msk.f32 $0xffff, v40, v40;
	v40 =	vld [tilespmem:s16+$0xFFFFFFD0]  }
0x178: {  	[tilespmem:s21+$0x0] =	vst.add.f32.msk $0xffff, v52;
	v41 =	vadd.f32 v52, v41;
	v42 =	vadd.f32 v27, v42;
	(xrf1) =	vsort.dscd.msk.f32 $0xffff, v33, v33  }
0x179: {  	vm9 =	vlt.u32 v32, $0x60;
	v44 =	vsel vm8, v46, v44;
	vm8 =	vlt.u32 v32, $0x40;
	v33 =	vld [tilespmem:s5+$0xFFFFFFC0];
	(xrf1) =	vsort.dscd.msk.f32 $0xffff, v47, v47  }
0x17a: {  	v36 =	vsel vm9, v36, v38;
	v35 =	vsel vm8, v43, v35;
	vm8 =	vge.f32 v12, v16;
	(xrf2) =	vadd.scan.msk.f32 $0xffff, v42  }
0x17b: {  	vm10 =	vlt.u32 v32, $0x70;
	vm9 =	vlt.u32 v32, $0x30;
	v12 =	vmovc v30;
	(xrf1) =	vsort.dscd.msk.f32 $0xffff, v49, v49;
	v38 =	vnsel vm8, $0x0, v50  }
0x17c: {  	(xrf1) =	vsort.dscd.msk.f32 $0xffff, v34, v34;
	v30, _, _ =	vpop (xrf1);
	v34 =	vsel vm9, v44, v35;
	v35 =	vsel vm10, v36, v37;
	[tilespmem:s28+$0x0] =	vst.add.f32.msk $0xffff, v38  }
0x17d: {  	vm8 =	vlt.u32 v32, $0x50;
	v38 =	vnsel vm6, $0x0, v39;
	v39 =	vnsel vm2, $0x0, v40;
	v36, _, _ =	vpop (xrf1);
	v37 =	vld [tilespmem:s4+$0x30]  }
0x17e: {  	vm2 =	vmmov vm7;
	v42 =	vsel vm8, v34, v35;
	[tilespmem:s22+$0x0] =	vst.add.f32.msk $0xffff, v33;
	v33 =	vadd.f32 v33, v41;
	v40, _, _ =	vpop (xrf1)  }
0x17f: {  	v35 =	vld [tilespmem:s5+$0xFFFFFFD0];
	v41, _, _ =	vpop (xrf1);
	(xrf1) =	vsort.ascd.msk.f32 $0xffff, v42, v42  }
0x180: {  	v34, _, _ =	vpop (xrf1);
	[tilespmem:s28+$0x0] =	vst.add.f32.msk $0xffff, v38  }
0x181: {  	vm6 =	vge.f32 v11, v16;
	v11 =	vmov v29;
	v38 =	vmin.f32 v34, v30;
	v42, _, _ =	vpop (xrf1);
	v43 =	vld [tilespmem:s3+$0xFFFFFFB0]  }
0x182: {  	v29 =	vmin.f32 v36, v41;
	v44 =	vmin.f32 v40, v42;
	v45, _, _ =	vpop (xrf1);
	v37 =	vnsel vm6, $0x0, v37;
	[tilespmem:s31+$0x0] =	vst.add.f32.msk $0xffff, v39  }
0x183: {  	v47 =	vmin.f32 v29, v44;
	v46, _, _ =	vpop (xrf1);
	(xrf1) =	vsort.dscd.msk.f32 $0xffff, v38, v38;
	[tilespmem:s29+$0x0] =	vst.add.f32.msk $0xffff, v37  }
0x184: {  	v30 =	vmax.f32 v34, v30;
	v29 =	vmax.f32 v29, v44;
	v34, _, _ =	vpop (xrf2);
	(xrf1) =	vsort.ascd.msk.f32 $0xffff, v47, v47;
	v37 =	vld [tilespmem:s4+$0x40]  }
0x185: {  	v36 =	vmax.f32 v36, v41;
	v38 =	vmax.f32 v46, v30;
	v39, _, _ =	vpop (xrf1);
	(v2sf) =	vpush v34, $0xF;
	(xrf1) =	vsort.ascd.msk.f32 $0xffff, v29, v29;
	v29 =	vld [tilespmem:s16+$0xFFFFFFD4];
	s16 =	smov.u32 s3;
	s3 =	smov.u32 s4;
	s4 =	smov.u32 s5  }
0x186: {  	v30 =	vmin.f32 v46, v30;
	v34 =	vmax.f32 v40, v42;
	[tilespmem:s23+$0x0] =	vst.add.f32.msk $0xffff, v35;
	v40, _, _ =	vpop (xrf1);
	(xrf1) =	vsort.dscd.msk.f32 $0xffff, v38, v38  }
0x187: {  	v33 =	vadd.f32 v35, v33;
	v44 =	vmin.f32 v36, v34;
	v35 =	vld [tilespmem:s5+$0xFFFFFFD4];
	v41, _, _ =	vpop (xrf1);
	(xrf1) =	vsort.dscd.msk.f32 $0xffff, v30, v30;
	v30 =	vnsel vm5, $0x0, v43  }
0x188: {  	v42 =	vmin.f32 v45, v40;
	vm5 =	vge.f32 v15, v16;
	(xrf1) =	vsort.ascd.msk.f32 $0xffff, v44, v44;
	[tilespmem:s29+$0x0] =	vst.add.f32.msk $0xffff, v30  }
0x189: {  	v40 =	vmax.f32 v45, v40;
	v15 =	vmin.f32 v39, v41;
	v38, _, _ =	vpop (xrf1);
	v30 =	vnsel vm5, $0x0, v37;
	v43 =	vld [tilespmem:s16+$0xFFFFFFC0]  }
0x18a: {  	v34 =	vmax.f32 v36, v34;
	v41 =	vmax.f32 v39, v41;
	v44 =	vmax.f32 v38, v31;
	v45, _, _ =	vpop (xrf1);
	[tilespmem:s30+$0x0] =	vst.add.f32.msk $0xffff, v30  }
.Ltmp0:
0x18b: {  	v46 =	vmin.f32 v42, v15;
	v42 =	vmax.f32 v42, v15;
	v29 =	vsel vm0, $0x0, v29;
	(xrf1) =	vsort.ascd.msk.f32 $0xffff, v34, v34;
	v30 =	vld [tilespmem:s3+$0x50];
	(pc) =	sbr.rel @p0 .LBB2_2-.Ltmp0, $4  }
0x18c: {  	v34 =	vmin.f32 v40, v41;
	v37 =	vmax.f32 v45, v44;
	v15 =	vmovc v28;
	v35 =	vsel vm0, $0x0, v35;
	[tilespmem:s0+$0x0] =	vst.add.f32.msk $0xffff, v18  }
0x18d: {  	v36 =	vmin.f32 v38, v31;
	v38 =	vmin.f32 v45, v44;
	[tilespmem:s24+$0x0] =	vst.add.f32.msk $0xffff, v35;
	v39 =	vadd.f32 v35, v33;
	v18, _, _ =	vpop (xrf1)  }
0x18e: {  	v35 =	vmax.f32 v40, v41;
	v33 =	vld [tilespmem:s5+$0xFFFFFF80];
	(xrf1) =	vsort.ascd.msk.f32 $0xffff, v46, v46;
	v28 =	vperm.xlane v18, v32;
	v18 =	vnsel vm3, $0x0, v43  }
0x18f: {  	s7 =	sadd.s32 $0x100, s7;
	vm3 =	vge.f32 v10, v16;
	v10 =	vmovc v24;
	(xrf1) =	vsort.ascd.msk.f32 $0xffff, v42, v42;
	[tilespmem:s30+$0x0] =	vst.add.f32.msk $0xffff, v18;
	v18 =	vnsel vm4, $0x0, v29  }
0x190: {  	(xrf2) =	vadd.scan.msk.f32 $0xffff, v39;
	_ =	sdelay $0x9  }
0x191: {  	v24, _, _ =	vpop (xrf2)  }
0x192: {  	(v2sf) =	vpush v24, $0xF  }
0x193: {  	(xrf1) =	vsort.ascd.msk.f32 $0xffff, v34, v34;
	s5 =	spop (v2sf)  }
0x194: {  	(xrf1) =	vsort.dscd.msk.f32 $0xffff, v37, v37;
	s5 =	scvt.f32.s32 s5;
	v24, _, _ =	vpop (xrf1)  }
0x195: {  	(xrf1) =	vsort.dscd.msk.f32 $0xffff, v38, v38;
	v29, _, _ =	vpop (xrf1)  }
0x196: {  	(xrf1) =	vsort.dscd.msk.f32 $0xffff, v36, v36;
	p0 =	sgt.s32 s5, $0x1;
	v31, _, _ =	vpop (xrf1)  }
0x197: {  	(xrf1) =	vsort.ascd.msk.f32 $0xffff, v35, v35;
	s5 =	simm.s32 @!p0 $0x1;
	v32, _, _ =	vpop (xrf1)  }
0x198: {  	s5 =	smin.u32 s5, $0x64;
	v51, _, _ =	vpop (xrf1)  }
0x199: {  	v58 =	vmov s5;
	v52 =	vmin.f32 v29, v32;
	v54, _, _ =	vpop (xrf1)  }
0x19a: {  	v29 =	vmax.f32 v29, v32;
	v55 =	vmin.f32 v54, v24;
	v24 =	vmax.f32 v54, v24  }
0x19b: {  	v53 =	vmin.f32 v31, v51;
	v31 =	vmax.f32 v31, v51;
	v57, _, _ =	vpop (xrf1);
	v32 =	vmin.f32 v29, v24  }
0x19c: {  	v56 =	vmin.f32 v52, v55;
	v40 =	vmin.f32 v31, v57;
	v24 =	vmax.f32 v29, v24  }
0x19d: {  	v29 =	vsub.s32 $0x80, v58;
	v31 =	vmax.f32 v31, v57;
	v35 =	vmax.f32 v52, v55  }
0x19e: {  	v29 =	vbroadcast v29, $0x0;
	v59 =	vmin.f32 v32, v40;
	v60 =	vmax.f32 v24, v31  }
0x19f: {  	v61, _, _ =	vpop (xrf1);
	v32 =	vmax.f32 v32, v40;
	v24 =	vmin.f32 v24, v31;
	v31 =	vmin.f32 v35, v53  }
0x1a0: {  	v62, _, _ =	vpop (xrf1);
	v35 =	vmax.f32 v35, v53;
	vm4 =	vlt.u32 v29, $0x30;
	vm5 =	vlt.u32 v29, $0x70  }
0x1a1: {  	v63, _, _ =	vpop (xrf1);
	vm6 =	vlt.u32 v29, $0x20;
	vm7 =	vlt.u32 v29, $0x40;
	vm8 =	vlt.u32 v29, $0x60;
	s8 =	spop (v2sf)  }
0x1a2: {  	v41, _, _ =	vpop (xrf1);
	v31 =	vsel vm6, v56, v31;
	v43 =	vsel vm7, v35, v59;
	v24 =	vsel vm8, v32, v24;
	s5 =	scvt.f32.s32 s8  }
0x1a3: {  	v44, _, _ =	vpop (xrf1);
	v46 =	vmin.f32 v61, v41;
	v47 =	vmax.f32 v61, v41;
	v31 =	vsel vm4, v31, v43  }
0x1a4: {  	v24 =	vsel vm5, v24, v60;
	vm4 =	vlt.u32 v29, $0x50;
	v45, _, _ =	vpop (xrf1);
	v49 =	vmax.f32 v62, v44;
	p0 =	sgt.s32 s5, $0x1  }
0x1a5: {  	v32 =	vmin.f32 v62, v44;
	v24 =	vsel vm4, v31, v24;
	v48, _, _ =	vpop (xrf1);
	v34 =	vmax.f32 v63, v45;
	s5 =	simm.s32 @!p0 $0x1  }
0x1a6: {  	v31 =	vmin.f32 v63, v45;
	v36 =	vmin.f32 v47, v34;
	v50 =	vmin.f32 v49, v48;
	s5 =	smin.u32 s5, $0x64  }
0x1a7: {  	v34 =	vmax.f32 v47, v34;
	v51 =	vmax.f32 v49, v48;
	v52 =	vmov s5  }
0x1a8: {  	v53 =	vmax.f32 v46, v31;
	v31 =	vmin.f32 v46, v31;
	v38 =	vsub.s32 $0x80, v52  }
0x1a9: {  	v54 =	vmin.f32 v36, v50;
	v36 =	vmax.f32 v36, v50;
	v38 =	vbroadcast v38, $0x0  }
0x1aa: {  	v55 =	vmin.f32 v34, v51;
	v42 =	vmin.f32 v53, v32;
	v32 =	vmax.f32 v53, v32  }
0x1ab: {  	v34 =	vmax.f32 v34, v51;
	vm4 =	vlt.u32 v38, $0x20;
	vm5 =	vlt.u32 v38, $0x40  }
0x1ac: {  	(xrf1) =	vsort.ascd.msk.f32 $0xffff, v24, v24;
	v24 =	vsel vm4, v31, v42;
	vm4 =	vlt.u32 v38, $0x60;
	v31 =	vsel vm5, v32, v54  }
0x1ad: {  	vm5 =	vlt.u32 v38, $0x70;
	v56 =	vsel vm4, v36, v55;
	vm4 =	vlt.u32 v38, $0x30  }
0x1ae: {  	v24 =	vsel vm4, v24, v31;
	v31 =	vsel vm5, v56, v34;
	vm4 =	vlt.u32 v38, $0x50  }
0x1af: {  	v24 =	vsel vm4, v24, v31  }
0x1b0: {  	(xrf1) =	vsort.ascd.msk.f32 $0xffff, v24, v24;
	_ =	sdelay $0x7  }
0x1b1: {  	[tilespmem:s24+$0x0] =	vst.add.f32.msk $0xffff, v27  }
0x1b2: {  	v24 =	vld [tilespmem:s4+$0x0]  }
0x1b3: {  	v27, _, _ =	vpop (xrf1)  }
0x1b4: {  	v27 =	vperm.xlane v27, v29;
	_ =	sdelay $0x1  }
0x1b5: {  	vm4 =	vge.f32 v14, v27  }
0x1b6: {  	v14 =	vnsel vm4, $0x0, v24;
	v24, _, _ =	vpop (xrf1)  }
0x1b7: {  	vm4 =	vge.f32 v8, v28;
	[tilespmem:s25+$0x0] =	vst.add.f32.msk $0xffff, v14;
	v8 =	vperm.xlane v24, v38  }
0x1b8: {  	v14 =	vnsel vm4, $0x0, v17;
	v17 =	vld [tilespmem:s4+$0x10]  }
0x1b9: {  	[tilespmem:s25+$0x0] =	vst.add.f32.msk $0xffff, v14;
	vm4 =	vge.f32 v26, v8  }
0x1ba: {  	v14 =	vld [tilespmem:s3+$0xFFFFFF90];
	v24 =	vnsel vm4, $0x0, v33  }
0x1bb: {  	[tilespmem:s25+$0x0] =	vst.add.f32.msk $0xffff, v24  }
0x1bc: {  	v24 =	vnsel vm3, $0x0, v30;
	vm3 =	vge.f32 v13, v27;
	v13 =	vld [tilespmem:s4+$0xFFFFFF90]  }
0x1bd: {  	[tilespmem:s31+$0x0] =	vst.add.f32.msk $0xffff, v24;
	v17 =	vnsel vm3, $0x0, v17  }
0x1be: {  	vm3 =	vge.f32 v4, v28;
	[tilespmem:s26+$0x0] =	vst.add.f32.msk $0xffff, v17  }
0x1bf: {  	v4 =	vnsel vm3, $0x0, v14;
	v14 =	vld [tilespmem:s4+$0x20]  }
0x1c0: {  	vm3 =	vge.f32 v25, v8;
	[tilespmem:s26+$0x0] =	vst.add.f32.msk $0xffff, v4  }
0x1c1: {  	v4 =	vld [tilespmem:s3+$0xFFFFFFA0];
	v13 =	vnsel vm3, $0x0, v13  }
0x1c2: {  	[tilespmem:s26+$0x0] =	vst.add.f32.msk $0xffff, v13  }
0x1c3: {  	vm3 =	vge.f32 v12, v27;
	v12 =	vld [tilespmem:s4+$0xFFFFFFA0]  }
0x1c4: {  	v13 =	vld [tilespmem:s3+$0x54];
	v14 =	vnsel vm3, $0x0, v14  }
0x1c5: {  	vm3 =	vge.f32 v7, v28;
	[tilespmem:s28+$0x0] =	vst.add.f32.msk $0xffff, v14  }
0x1c6: {  	v4 =	vnsel vm3, $0x0, v4;
	v7 =	vld [tilespmem:s4+$0x30]  }
0x1c7: {  	vm3 =	vge.f32 v23, v8;
	[tilespmem:s28+$0x0] =	vst.add.f32.msk $0xffff, v4  }
0x1c8: {  	v4 =	vld [tilespmem:s3+$0xFFFFFFB0];
	v12 =	vnsel vm3, $0x0, v12  }
0x1c9: {  	[tilespmem:s28+$0x0] =	vst.add.f32.msk $0xffff, v12  }
0x1ca: {  	vm3 =	vge.f32 v11, v27;
	v11 =	vld [tilespmem:s4+$0xFFFFFFB0]  }
0x1cb: {  	v12 =	vld [tilespmem:s16+$0xFFFFFFD0];
	v7 =	vnsel vm3, $0x0, v7  }
0x1cc: {  	vm3 =	vge.f32 v5, v28;
	[tilespmem:s29+$0x0] =	vst.add.f32.msk $0xffff, v7  }
0x1cd: {  	v4 =	vnsel vm3, $0x0, v4;
	v5 =	vld [tilespmem:s4+$0x40]  }
0x1ce: {  	vm3 =	vge.f32 v20, v8;
	[tilespmem:s29+$0x0] =	vst.add.f32.msk $0xffff, v4  }
0x1cf: {  	v4 =	vld [tilespmem:s3+$0xFFFFFFC0];
	v7 =	vnsel vm3, $0x0, v11  }
0x1d0: {  	[tilespmem:s29+$0x0] =	vst.add.f32.msk $0xffff, v7  }
0x1d1: {  	v7 =	vnsel vm2, $0x0, v12;
	vm2 =	vge.f32 v15, v27;
	v11 =	vld [tilespmem:s4+$0xFFFFFFC0]  }
0x1d2: {  	[tilespmem:s31+$0x0] =	vst.add.f32.msk $0xffff, v7;
	v5 =	vnsel vm2, $0x0, v5  }
0x1d3: {  	vm2 =	vge.f32 v6, v28;
	[tilespmem:s30+$0x0] =	vst.add.f32.msk $0xffff, v5  }
0x1d4: {  	v4 =	vnsel vm2, $0x0, v4;
	v5 =	vld [tilespmem:s4+$0x50]  }
0x1d5: {  	vm2 =	vge.f32 v22, v8;
	[tilespmem:s30+$0x0] =	vst.add.f32.msk $0xffff, v4  }
0x1d6: {  	v4 =	vld [tilespmem:s3+$0xFFFFFFD0];
	v6 =	vnsel vm2, $0x0, v11  }
0x1d7: {  	[tilespmem:s30+$0x0] =	vst.add.f32.msk $0xffff, v6  }
0x1d8: {  	vm2 =	vge.f32 v10, v27;
	v6 =	vld [tilespmem:s4+$0xFFFFFFD0]  }
0x1d9: {  	vm3 =	vge.f32 v3, v28;
	v3 =	vld [tilespmem:s16+$0xFFFFFFD4];
	v5 =	vnsel vm2, $0x0, v5  }
0x1da: {  	vm2 =	vmmov vm3;
	[tilespmem:s31+$0x0] =	vst.add.f32.msk $0xffff, v5  }
0x1db: {  	vm3 =	vge.f32 v21, v8;
	v4 =	vnsel vm2, $0x0, v4;
	v5 =	vld [tilespmem:s4+$0x54]  }
0x1dc: {  	vm2 =	vmmov vm3;
	[tilespmem:s31+$0x0] =	vst.add.f32.msk $0xffff, v4  }
0x1dd: {  	v4 =	vld [tilespmem:s3+$0xFFFFFFD4];
	v6 =	vnsel vm2, $0x0, v6  }
0x1de: {  	[tilespmem:s31+$0x0] =	vst.add.f32.msk $0xffff, v6  }
0x1df: {  	vm3 =	vge.f32 v1, v16;
	vm2 =	vge.f32 v2, v28;
	v2 =	vsel vm0, $0x0, v13;
	v1 =	vld [tilespmem:s4+$0xFFFFFFD4]  }
0x1e0: {  	vm1 =	vmmov vm1;
	vm2 =	vmmov vm2;
	v2 =	vnsel vm3, $0x0, v2  }
0x1e1: {  	vm3 =	vge.f32 v9, v27;
	[tilespmem:s0+$0x0] =	vst.add.f32.msk $0xffff, v2;
	v2 =	vsel vm0, $0x0, v3;
	v3 =	vsel vm0, $0x0, v5  }
0x1e2: {  	[tilespmem:s0+$0x0] =	vst.add.f32.msk $0xffff, v18;
	v2 =	vnsel vm1, $0x0, v2;
	vm1 =	vge.f32 v19, v8;
	v3 =	vnsel vm3, $0x0, v3  }
0x1e3: {  	vm2 =	vmmov vm2;
	vm1 =	vmmov vm1;
	[tilespmem:s0+$0x0] =	vst.add.f32.msk $0xffff, v3;
	v3 =	vsel vm0, $0x0, v4  }
0x1e4: {  	[tilespmem:s0+$0x0] =	vst.add.f32.msk $0xffff, v2;
	v2 =	vnsel vm2, $0x0, v3;
	vm1 =	vmmov vm1;
	v1 =	vsel vm0, $0x0, v1  }
0x1e5: {  	[tilespmem:s0+$0x0] =	vst.add.f32.msk $0xffff, v2;
	v1 =	vnsel vm1, $0x0, v1  }
0x1e6: {  	[tilespmem:s0+$0x0] =	vst.add.f32.msk $0xffff, v1  }
0x1e7: {  	s4 =	rddreg [dreg:$0x6]  }
0x1e8: {  	[tilespmem:s2], [sflag:$0x1] =	stream.linear.gather [hbm4b:s4+s2], $0x4000, $0x38;
	[tilespmem:$0x10100] =	vst v63  }
0x1e9: {  	s6 =	simm.s32 $0x4000;
	s5 =	rddreg [dreg:$0x7]  }
0x1ea: {  	[tilespmem:s6], [sflag:$0x1] =	stream.linear.gather [hbm4b:s5+s2], $0x4000, $0x38;
	[tilespmem:$0x10100] =	vst v63  }
0x1eb: {  	_ =	swait.ge [sflag:s1], $0x4000  }
0x1ec: {  	[sflag:s1] =	ssyncset.done $0x0  }
0x1ed: {  	[sflag:s1] =	ssyncadd.s32 $0xFFFFC000  }
0x1ee: {  	_ =	swait.ge [sflag:s1], $0x4000  }
0x1ef: {  	[sflag:s1] =	ssyncset.done $0x0  }
0x1f0: {  	s7 =	simm.s32 $0x8080;
	[sflag:s1] =	ssyncadd.s32 $0xFFFFC000  }
0x1f1: {  	v5 =	vld [tilespmem:s7+$0x0]  }
0x1f2: {  	v4 =	vld [tilespmem:s7+$0x10]  }
0x1f3: {  	s4 =	simm.s32 $0xC080;
	v3 =	vld [tilespmem:s7+$0x20]  }
0x1f4: {  	v6 =	vld [tilespmem:s4+$0x0]  }
0x1f5: {  	v2 =	vld [tilespmem:s7+$0x30]  }
0x1f6: {  	v1 =	vld [tilespmem:s7+$0x40]  }
0x1f7: {  	v14 =	vld [tilespmem:s7+$0x50]  }
0x1f8: {  	v9 =	vld [tilespmem:s7+$0x54]  }
0x1f9: {  	[tilespmem:s18+$0x0] =	vst.add.f32.msk $0xffff, v6  }
0x1fa: {  	v7 =	vld [tilespmem:s4+$0x10];
	_ =	sdelay $0x2  }
0x1fb: {  	v15 =	vld [tilespmem:s7+$0xFFFFFF90];
	_ =	sdelay $0x1  }
0x1fc: {  	[tilespmem:s19+$0x0] =	vst.add.f32.msk $0xffff, v7  }
0x1fd: {  	v12 =	vld [tilespmem:s4+$0x20];
	_ =	sdelay $0x1  }
0x1fe: {  	v8 =	vld [tilespmem:s4+$0xFFFFFF80];
	(xrf1) =	vsort.dscd.msk.f32 $0xffff, v15, v15  }
0x1ff: {  	v19 =	vld [tilespmem:s7+$0xFFFFFFA0];
	(xrf1) =	vsort.ascd.msk.f32 $0xffff, v5, v5  }
0x200: {  	v20 =	vld [tilespmem:s7+$0xFFFFFF80];
	(xrf1) =	vsort.dscd.msk.f32 $0xffff, v4, v4  }
0x201: {  	(xrf1) =	vsort.dscd.msk.f32 $0xffff, v3, v3;
	[tilespmem:s20+$0x0] =	vst.add.f32.msk $0xffff, v12  }
0x202: {  	(xrf1) =	vsort.ascd.msk.f32 $0xffff, v2, v2;
	v13 =	vld [tilespmem:s4+$0x30]  }
0x203: {  	v11 =	vld [tilespmem:s7+$0xFFFFFFB0];
	(xrf1) =	vsort.dscd.msk.f32 $0xffff, v1, v1  }
0x204: {  	v10 =	vld [tilespmem:s7+$0xFFFFFFC0];
	(xrf1) =	vsort.ascd.msk.f32 $0xffff, v14, v14  }
0x205: {  	v17 =	vld [tilespmem:s7+$0xFFFFFFD0]  }
0x206: {  	v16 =	vld [tilespmem:s7+$0xFFFFFFD4];
	(xrf1) =	vsort.ascd.msk.f32 $0xffff, v20, v20  }
0x207: {  	[tilespmem:s21+$0x0] =	vst.add.f32.msk $0xffff, v13  }
0x208: {  	(xrf1) =	vsort.dscd.msk.f32 $0xffff, v19, v19;
	v21 =	vld [tilespmem:s4+$0x40]  }
0x209: {  	[tilespmem:s18+$0x0] =	vst.add.f32.msk $0xffff, v8;
	(xrf1) =	vsort.ascd.msk.f32 $0xffff, v11, v11  }
0x20a: {  	v18 =	vld [tilespmem:s4+$0xFFFFFF90]  }
0x20b: {  	(xrf1) =	vsort.dscd.msk.f32 $0xffff, v10, v10  }
0x20c: {  	v22 =	vsel vm0, $0xBF800000, v16;
	(xrf1) =	vsort.ascd.msk.f32 $0xffff, v17, v17;
	v23, _, _ =	vpop (xrf1)  }
0x20d: {  	(xrf1) =	vsort.ascd.msk.f32 $0xffff, v22, v22;
	v24, _, _ =	vpop (xrf1);
	[tilespmem:s22+$0x0] =	vst.add.f32.msk $0xffff, v21  }
0x20e: {  	v26, _, _ =	vpop (xrf1);
	v25 =	vld [tilespmem:s4+$0x50]  }
0x20f: {  	v27 =	vsel vm0, $0xBF800000, v9;
	[tilespmem:s19+$0x0] =	vst.add.f32.msk $0xffff, v18;
	v28, _, _ =	vpop (xrf1)  }
0x210: {  	v6 =	vadd.f32 v7, v6;
	v22 =	vld [tilespmem:s4+$0xFFFFFFA0];
	(xrf1) =	vsort.ascd.msk.f32 $0xffff, v27, v27;
	v7 =	vmin.f32 v24, v26;
	v29, _, _ =	vpop (xrf1)  }
0x211: {  	v24 =	vmax.f32 v24, v26;
	(xrf1) =	vsort.ascd.msk.f32 $0xffff, v7, v7;
	v26, _, _ =	vpop (xrf1)  }
0x212: {  	v6 =	vadd.f32 v12, v6;
	v7 =	vmax.f32 v28, v29;
	(xrf1) =	vsort.ascd.msk.f32 $0xffff, v24, v24;
	v12, _, _ =	vpop (xrf1)  }
0x213: {  	(xrf1) =	vsort.dscd.msk.f32 $0xffff, v7, v7;
	v24 =	vmin.f32 v26, v12;
	[tilespmem:s23+$0x0] =	vst.add.f32.msk $0xffff, v25  }
0x214: {  	v6 =	vadd.f32 v13, v6;
	v13, _, _ =	vpop (xrf1);
	(xrf1) =	vsort.dscd.msk.f32 $0xffff, v24, v24;
	v7 =	vld [tilespmem:s4+$0x54]  }
0x215: {  	[tilespmem:s20+$0x0] =	vst.add.f32.msk $0xffff, v22;
	v27 =	vmin.f32 v28, v29  }
0x216: {  	v24 =	vld [tilespmem:s4+$0xFFFFFFB0];
	v28, _, _ =	vpop (xrf1);
	v29 =	vmin.f32 v13, v23;
	(xrf1) =	vsort.dscd.msk.f32 $0xffff, v27, v27;
	v6 =	vadd.f32 v21, v6  }
0x217: {  	v12 =	vmax.f32 v26, v12;
	v21, _, _ =	vpop (xrf1);
	(xrf1) =	vsort.ascd.msk.f32 $0xffff, v29, v29  }
0x218: {  	v13 =	vmax.f32 v13, v23;
	v6 =	vadd.f32 v25, v6  }
0x219: {  	v26, _, _ =	vpop (xrf1);
	(xrf1) =	vsort.dscd.msk.f32 $0xffff, v12, v12;
	v7 =	vsel vm0, $0x0, v7  }
0x21a: {  	v23 =	vmax.f32 v28, v21;
	v12, _, _ =	vpop (xrf1);
	(xrf1) =	vsort.ascd.msk.f32 $0xffff, v13, v13;
	v6 =	vadd.f32 v7, v6  }
0x21b: {  	v13, _, _ =	vpop (xrf1);
	[tilespmem:s21+$0x0] =	vst.add.f32.msk $0xffff, v24;
	(xrf1) =	vsort.dscd.msk.f32 $0xffff, v23, v23  }
0x21c: {  	v23 =	vld [tilespmem:s4+$0xFFFFFFC0];
	(xrf2) =	vadd.scan.msk.f32 $0xffff, v6;
	_ =	sdelay $0x1  }
0x21d: {  	v21 =	vmin.f32 v28, v21;
	v6, _, _ =	vpop (xrf1)  }
0x21e: {  	v25, _, _ =	vpop (xrf1)  }
0x21f: {  	v27, _, _ =	vpop (xrf1)  }
0x220: {  	v28 =	vmin.f32 v26, v12;
	v12 =	vmax.f32 v26, v12;
	(xrf1) =	vsort.dscd.msk.f32 $0xffff, v21, v21;
	v21, _, _ =	vpop (xrf1)  }
0x221: {  	v26, _, _ =	vpop (xrf1)  }
0x222: {  	(xrf1) =	vsort.dscd.msk.f32 $0xffff, v28, v28;
	v28 =	vmin.f32 v26, v6  }
0x223: {  	(xrf1) =	vsort.dscd.msk.f32 $0xffff, v12, v12;
	v12, _, _ =	vpop (xrf1)  }
0x224: {  	v29 =	vmin.f32 v25, v21;
	v30 =	vmin.f32 v27, v12;
	v31, _, _ =	vpop (xrf1)  }
0x225: {  	(xrf1) =	vsort.dscd.msk.f32 $0xffff, v28, v28;
	v57 =	vmin.f32 v29, v30;
	v28, _, _ =	vpop (xrf2)  }
0x226: {  	v6 =	vmax.f32 v26, v6;
	v58, _, _ =	vpop (xrf1);
	v29 =	vmax.f32 v29, v30;
	(xrf1) =	vsort.ascd.msk.f32 $0xffff, v57, v57;
	(v2sf) =	vpush v28, $0xF  }
0x227: {  	v21 =	vmax.f32 v25, v21;
	v25 =	vmax.f32 v58, v6;
	(xrf1) =	vsort.ascd.msk.f32 $0xffff, v29, v29  }
0x228: {  	v12 =	vmax.f32 v27, v12;
	v6 =	vmin.f32 v58, v6;
	(xrf1) =	vsort.dscd.msk.f32 $0xffff, v25, v25  }
0x229: {  	v25 =	vmin.f32 v21, v12;
	(xrf1) =	vsort.dscd.msk.f32 $0xffff, v6, v6  }
0x22a: {  	(xrf1) =	vsort.ascd.msk.f32 $0xffff, v25, v25  }
0x22b: {  	v8 =	vadd.f32 v18, v8;
	[tilespmem:s22+$0x0] =	vst.add.f32.msk $0xffff, v23;
	v12 =	vmax.f32 v21, v12  }
0x22c: {  	v6 =	vld [tilespmem:s4+$0xFFFFFFD0];
	(xrf1) =	vsort.ascd.msk.f32 $0xffff, v12, v12  }
0x22d: {  	v8 =	vadd.f32 v22, v8  }
0x22e: {  	v12, _, _ =	vpop (xrf1)  }
0x22f: {  	v8 =	vadd.f32 v24, v8;
	v18, _, _ =	vpop (xrf1)  }
0x230: {  	v22, _, _ =	vpop (xrf1)  }
0x231: {  	v8 =	vadd.f32 v23, v8;
	[tilespmem:s23+$0x0] =	vst.add.f32.msk $0xffff, v6;
	v24, _, _ =	vpop (xrf1)  }
0x232: {  	s16 =	simm.s32 $0xC180;
	v21 =	vld [tilespmem:s4+$0xFFFFFFD4];
	v25, _, _ =	vpop (xrf1)  }
0x233: {  	s8 =	simm.s32 $0x8180;
	v63 =	vld [tilespmem:s16+$0x0];
	v8 =	vadd.f32 v6, v8;
	v6 =	vmin.f32 v31, v18;
	v27 =	vmin.f32 v12, v22;
	v28, _, _ =	vpop (xrf1)  }
0x234: {  	v23 =	vld [tilespmem:s8+$0x10];
	v18 =	vmax.f32 v31, v18;
	v12 =	vmax.f32 v12, v22;
	v29 =	vmax.f32 v24, v13;
	v30, _, _ =	vpop (xrf1)  }
0x235: {  	v26 =	vld [tilespmem:s8+$0x0];
	v31 =	vmin.f32 v6, v27;
	v27 =	vmax.f32 v6, v27;
	v60 =	vmin.f32 v18, v12;
	v59, _, _ =	vpop (xrf1);
	s6 =	spop (v2sf)  }
0x236: {  	v22 =	vld [tilespmem:s8+$0x20];
	v24 =	vmin.f32 v24, v13;
	v61 =	vmax.f32 v25, v29;
	(xrf1) =	vsort.ascd.msk.f32 $0xffff, v31, v31;
	v62, _, _ =	vpop (xrf1);
	s5 =	scvt.f32.s32 s6  }
0x237: {  	v13 =	vld [tilespmem:s8+$0x40];
	v25 =	vmin.f32 v25, v29;
	v29 =	vmax.f32 v18, v12;
	(xrf1) =	vsort.ascd.msk.f32 $0xffff, v27, v27;
	v6 =	vsel vm0, $0x0, v21;
	v18, _, _ =	vpop (xrf1)  }
0x238: {  	v12 =	vld [tilespmem:s8+$0x50];
	v8 =	vadd.f32 v6, v8;
	v31 =	vmin.f32 v30, v62;
	v30 =	vmax.f32 v30, v62;
	v50, _, _ =	vpop (xrf1);
	p0 =	sgt.s32 s5, $0x1  }
0x239: {  	v21 =	vld [tilespmem:s8+$0x30];
	v49 =	vmin.f32 v59, v18;
	v51 =	vmin.f32 v50, v28;
	v28 =	vmax.f32 v50, v28;
	s5 =	simm.s32 @!p0 $0x1  }
0x23a: {  	v32 =	vmax.f32 v59, v18;
	v18 =	vld [tilespmem:s8+$0x54];
	v53, _, _ =	vpop (xrf1);
	v35 =	vmin.f32 v30, v28;
	v52 =	vmin.f32 v31, v51;
	s5 =	smin.u32 s5, $0x64  }
0x23b: {  	[tilespmem:s18+$0x0] =	vst.add.f32.msk $0xffff, v63;
	v55 =	vmin.f32 v32, v53;
	v28 =	vmax.f32 v30, v28;
	v54 =	vmov s5  }
0x23c: {  	(xrf1) =	vsort.ascd.msk.f32 $0xffff, v60, v60;
	v56 =	vld [tilespmem:s16+$0x10];
	v30 =	vmax.f32 v32, v53;
	v31 =	vmax.f32 v31, v51;
	v27 =	vsub.s32 $0x80, v54  }
0x23d: {  	(xrf2) =	vadd.scan.msk.f32 $0xffff, v8;
	v32 =	vmax.f32 v28, v30;
	v8 =	vmax.f32 v35, v55;
	v40 =	vbroadcast v27, $0x0  }
0x23e: {  	v30 =	vmin.f32 v28, v30;
	v57 =	vmin.f32 v31, v49;
	v31 =	vmax.f32 v31, v49  }
0x23f: {  	(xrf1) =	vsort.dscd.msk.f32 $0xffff, v61, v61;
	v27 =	vmin.f32 v35, v55;
	vm1 =	vlt.u32 v40, $0x30;
	vm2 =	vlt.u32 v40, $0x70  }
0x240: {  	(xrf1) =	vsort.dscd.msk.f32 $0xffff, v25, v25;
	v28 =	vld [tilespmem:s8+$0xFFFFFF90];
	vm3 =	vlt.u32 v40, $0x20;
	vm4 =	vlt.u32 v40, $0x40;
	vm5 =	vlt.u32 v40, $0x60  }
0x241: {  	[tilespmem:s19+$0x0] =	vst.add.f32.msk $0xffff, v56;
	v25 =	vsel vm3, v52, v57;
	v27 =	vsel vm4, v31, v27;
	v8 =	vsel vm5, v8, v30  }
0x242: {  	(xrf1) =	vsort.dscd.msk.f32 $0xffff, v24, v24;
	v24 =	vsel vm1, v25, v27;
	v8 =	vsel vm2, v8, v32;
	vm1 =	vlt.u32 v40, $0x50;
	v25 =	vld [tilespmem:s16+$0x20]  }
0x243: {  	(xrf1) =	vsort.ascd.msk.f32 $0xffff, v29, v29;
	v8 =	vsel vm1, v24, v8  }
0x244: {  	(xrf1) =	vsort.ascd.msk.f32 $0xffff, v8, v8  }
0x245: {  	(xrf1) =	vsort.dscd.msk.f32 $0xffff, v28, v28  }
0x246: {  	v33 =	vld [tilespmem:s8+$0xFFFFFF80];
	(xrf1) =	vsort.ascd.msk.f32 $0xffff, v26, v26  }
0x247: {  	(xrf1) =	vsort.dscd.msk.f32 $0xffff, v23, v23;
	[tilespmem:s20+$0x0] =	vst.add.f32.msk $0xffff, v25  }
0x248: {  	v24, _, _ =	vpop (xrf2);
	(xrf1) =	vsort.dscd.msk.f32 $0xffff, v22, v22;
	v34 =	vld [tilespmem:s16+$0x30]  }
0x249: {  	[tilespmem:s24+$0x0] =	vst.add.f32.msk $0xffff, v7;
	(v2sf) =	vpush v24, $0xF;
	(xrf1) =	vsort.ascd.msk.f32 $0xffff, v21, v21  }
0x24a: {  	v30 =	vld [tilespmem:s8+$0xFFFFFFA0];
	(xrf1) =	vsort.dscd.msk.f32 $0xffff, v13, v13  }
0x24b: {  	v29, _, _ =	vpop (xrf1);
	v31 =	vld [tilespmem:s8+$0xFFFFFFB0];
	(xrf1) =	vsort.ascd.msk.f32 $0xffff, v12, v12  }
0x24c: {  	v35, _, _ =	vpop (xrf1);
	v32 =	vld [tilespmem:s8+$0xFFFFFFC0]  }
0x24d: {  	v58, _, _ =	vpop (xrf1);
	(xrf1) =	vsort.ascd.msk.f32 $0xffff, v33, v33;
	[tilespmem:s21+$0x0] =	vst.add.f32.msk $0xffff, v34  }
0x24e: {  	v59, _, _ =	vpop (xrf1);
	v41 =	vld [tilespmem:s16+$0x40]  }
0x24f: {  	v42, _, _ =	vpop (xrf1);
	v27 =	vld [tilespmem:s8+$0xFFFFFFD0]  }
0x250: {  	v36 =	vadd.f32 v56, v63;
	v45 =	vmin.f32 v29, v59;
	v29 =	vmax.f32 v29, v59;
	v43, _, _ =	vpop (xrf1);
	v24 =	vld [tilespmem:s8+$0xFFFFFFD4]  }
0x251: {  	v60 =	vmax.f32 v35, v42;
	v35 =	vmin.f32 v35, v42;
	v8 =	vld [tilespmem:s16+$0xFFFFFF80];
	v44, _, _ =	vpop (xrf1);
	(xrf1) =	vsort.dscd.msk.f32 $0xffff, v30, v30  }
0x252: {  	v62 =	vld [tilespmem:s4+$0x0];
	v46 =	vmin.f32 v58, v43;
	v37 =	vmax.f32 v58, v43;
	(xrf1) =	vsort.ascd.msk.f32 $0xffff, v31, v31;
	v47, _, _ =	vpop (xrf1)  }
0x253: {  	v48 =	vmin.f32 v29, v37;
	v36 =	vadd.f32 v25, v36;
	(xrf1) =	vsort.dscd.msk.f32 $0xffff, v32, v32;
	v38, _, _ =	vpop (xrf1);
	[tilespmem:s22+$0x0] =	vst.add.f32.msk $0xffff, v41  }
0x254: {  	v7 =	vsel vm0, $0xBF800000, v18;
	v51 =	vmin.f32 v60, v44;
	(xrf1) =	vsort.ascd.msk.f32 $0xffff, v27, v27;
	v25 =	vperm.xlane v47, v40;
	v49, _, _ =	vpop (xrf1);
	v50 =	vld [tilespmem:s16+$0x50]  }
0x255: {  	v37 =	vmax.f32 v29, v37;
	v52 =	vsel vm0, $0xBF800000, v24;
	v34 =	vadd.f32 v34, v36;
	v53, _, _ =	vpop (xrf1)  }
0x256: {  	v43 =	vmax.f32 v60, v44;
	[tilespmem:s18+$0x0] =	vst.add.f32.msk $0xffff, v8;
	(xrf1) =	vsort.ascd.msk.f32 $0xffff, v52, v52;
	vm1 =	vge.f32 v5, v25;
	v61, _, _ =	vpop (xrf1)  }
0x257: {  	v29 =	vld [tilespmem:s16+$0xFFFFFF90];
	(xrf1) =	vsort.ascd.msk.f32 $0xffff, v7, v7;
	v34 =	vadd.f32 v41, v34;
	v63 =	vmin.f32 v49, v53;
	v39 =	vnsel vm1, $0x0, v62;
	v54, _, _ =	vpop (xrf1)  }
0x258: {  	v41 =	vmin.f32 v48, v51;
	s7 =	spop (v2sf);
	v7 =	vmax.f32 v49, v53;
	(xrf1) =	vsort.ascd.msk.f32 $0xffff, v63, v63;
	[tilespmem:s25+$0x0] =	vst.add.f32.msk $0xffff, v39;
	v56, _, _ =	vpop (xrf1)  }
0x259: {  	s3 =	scvt.f32.s32 s7;
	v62 =	vmax.f32 v45, v46;
	v57 =	vmax.f32 v61, v54;
	(xrf1) =	vsort.ascd.msk.f32 $0xffff, v7, v7;
	v58, _, _ =	vpop (xrf1);
	[tilespmem:s23+$0x0] =	vst.add.f32.msk $0xffff, v50  }
0x25a: {  	v53 =	vmax.f32 v48, v51;
	(xrf1) =	vsort.dscd.msk.f32 $0xffff, v57, v57;
	v7 =	vmin.f32 v56, v58;
	v59 =	vld [tilespmem:s16+$0x54]  }
0x25b: {  	v45 =	vmin.f32 v45, v46;
	v60 =	vmin.f32 v61, v54;
	p0 =	sgt.s32 s3, $0x1;
	v63 =	vld [tilespmem:s4+$0x10];
	v5, _, _ =	vpop (xrf1);
	(xrf1) =	vsort.dscd.msk.f32 $0xffff, v7, v7  }
0x25c: {  	vm1 =	vge.f32 v4, v25;
	s3 =	simm.s32 @!p0 $0x1;
	v61 =	vmin.f32 v5, v38;
	(xrf1) =	vsort.dscd.msk.f32 $0xffff, v60, v60  }
0x25d: {  	v55 =	vmin.f32 v62, v35;
	v35 =	vmax.f32 v62, v35;
	s3 =	smin.u32 s3, $0x64;
	(xrf1) =	vsort.ascd.msk.f32 $0xffff, v61, v61  }
0x25e: {  	[tilespmem:s19+$0x0] =	vst.add.f32.msk $0xffff, v29;
	v34 =	vadd.f32 v50, v34;
	v52 =	vmax.f32 v56, v58;
	v57 =	vmov s3  }
0x25f: {  	v54 =	vmin.f32 v37, v43;
	v7 =	vld [tilespmem:s16+$0xFFFFFFA0];
	v56, _, _ =	vpop (xrf1);
	v40 =	vsub.s32 $0x80, v57;
	(xrf1) =	vsort.dscd.msk.f32 $0xffff, v52, v52;
	v39 =	vsel vm0, $0x0, v59  }
0x260: {  	v58, _, _ =	vpop (xrf1);
	v40 =	vbroadcast v40, $0x0;
	v42 =	vnsel vm1, $0x0, v63;
	v34 =	vadd.f32 v39, v34  }
0x261: {  	v37 =	vmax.f32 v37, v43;
	v5 =	vmax.f32 v5, v38;
	v4, _, _ =	vpop (xrf1);
	v60 =	vmin.f32 v56, v58;
	[tilespmem:s26+$0x0] =	vst.add.f32.msk $0xffff, v42  }
0x262: {  	v61 =	vmax.f32 v56, v58;
	v59, _, _ =	vpop (xrf1);
	v63 =	vld [tilespmem:s4+$0x20];
	vm1 =	vlt.u32 v40, $0x20;
	vm2 =	vlt.u32 v40, $0x40;
	(xrf2) =	vadd.scan.msk.f32 $0xffff, v34  }
0x263: {  	v62 =	vmin.f32 v4, v59;
	v36 =	vsel vm1, v45, v55;
	vm1 =	vlt.u32 v40, $0x60  }
0x264: {  	[tilespmem:s20+$0x0] =	vst.add.f32.msk $0xffff, v7;
	v46, _, _ =	vpop (xrf1);
	v35 =	vsel vm2, v35, v41;
	v52 =	vsel vm1, v53, v54;
	vm1 =	vlt.u32 v40, $0x30  }
0x265: {  	(xrf1) =	vsort.ascd.msk.f32 $0xffff, v5, v5;
	v4 =	vmax.f32 v4, v59;
	vm2 =	vlt.u32 v40, $0x70;
	v5, _, _ =	vpop (xrf1);
	v34 =	vld [tilespmem:s16+$0xFFFFFFB0];
	v35 =	vsel vm1, v36, v35  }
0x266: {  	(xrf1) =	vsort.dscd.msk.f32 $0xffff, v61, v61;
	v53 =	vsel vm2, v52, v37;
	vm1 =	vlt.u32 v40, $0x50;
	vm2 =	vge.f32 v3, v25;
	v38, _, _ =	vpop (xrf1)  }
0x267: {  	(xrf1) =	vsort.dscd.msk.f32 $0xffff, v60, v60;
	v3 =	vsel vm1, v35, v53;
	v55 =	vnsel vm2, $0x0, v63;
	v42, _, _ =	vpop (xrf1)  }
0x268: {  	(xrf1) =	vsort.dscd.msk.f32 $0xffff, v62, v62;
	[tilespmem:s28+$0x0] =	vst.add.f32.msk $0xffff, v55;
	v54, _, _ =	vpop (xrf1)  }
0x269: {  	(xrf1) =	vsort.dscd.msk.f32 $0xffff, v4, v4;
	v63 =	vld [tilespmem:s4+$0x30];
	v4, _, _ =	vpop (xrf1)  }
0x26a: {  	(xrf1) =	vsort.ascd.msk.f32 $0xffff, v3, v3;
	[tilespmem:s21+$0x0] =	vst.add.f32.msk $0xffff, v34;
	v3, _, _ =	vpop (xrf1)  }
0x26b: {  	v56 =	vld [tilespmem:s16+$0xFFFFFFC0];
	v58 =	vmin.f32 v38, v54;
	v57 =	vmin.f32 v4, v5;
	v59 =	vmin.f32 v42, v3;
	v60, _, _ =	vpop (xrf1)  }
0x26c: {  	vm1 =	vge.f32 v2, v25;
	(xrf1) =	vsort.dscd.msk.f32 $0xffff, v57, v57;
	v61 =	vmin.f32 v58, v59;
	v62, _, _ =	vpop (xrf2)  }
0x26d: {  	v4 =	vmax.f32 v4, v5;
	v52, _, _ =	vpop (xrf1);
	v43 =	vmax.f32 v58, v59;
	(xrf1) =	vsort.ascd.msk.f32 $0xffff, v61, v61;
	(v2sf) =	vpush v62, $0xF  }
0x26e: {  	v5 =	vmax.f32 v38, v54;
	v2 =	vnsel vm1, $0x0, v63;
	v53 =	vmax.f32 v52, v4;
	(xrf1) =	vsort.ascd.msk.f32 $0xffff, v43, v43  }
0x26f: {  	v3 =	vmax.f32 v42, v3;
	[tilespmem:s29+$0x0] =	vst.add.f32.msk $0xffff, v2;
	v4 =	vmin.f32 v52, v4;
	(xrf1) =	vsort.dscd.msk.f32 $0xffff, v53, v53  }
0x270: {  	v54 =	vmin.f32 v5, v3;
	[tilespmem:s22+$0x0] =	vst.add.f32.msk $0xffff, v56;
	(xrf1) =	vsort.dscd.msk.f32 $0xffff, v4, v4  }
0x271: {  	v3 =	vmax.f32 v5, v3;
	v2 =	vld [tilespmem:s4+$0x40];
	(xrf1) =	vsort.ascd.msk.f32 $0xffff, v54, v54  }
0x272: {  	v4 =	vadd.f32 v29, v8;
	v8 =	vld [tilespmem:s16+$0xFFFFFFD0]  }
0x273: {  	(xrf1) =	vsort.ascd.msk.f32 $0xffff, v3, v3  }
0x274: {  	v4 =	vadd.f32 v7, v4;
	v3, _, _ =	vpop (xrf1)  }
0x275: {  	v5, _, _ =	vpop (xrf1)  }
0x276: {  	[tilespmem:s24+$0x0] =	vst.add.f32.msk $0xffff, v6;
	vm1 =	vge.f32 v1, v25;
	v4 =	vadd.f32 v34, v4;
	v7, _, _ =	vpop (xrf1)  }
0x277: {  	v2 =	vnsel vm1, $0x0, v2;
	[tilespmem:s23+$0x0] =	vst.add.f32.msk $0xffff, v8;
	v55, _, _ =	vpop (xrf1)  }
0x278: {  	s3 =	simm.s32 $0xC280;
	v4 =	vadd.f32 v56, v4;
	v29 =	vld [tilespmem:s16+$0xFFFFFFD4];
	v1, _, _ =	vpop (xrf1)  }
0x279: {  	v47 =	vld [tilespmem:s3+$0x0];
	v41, _, _ =	vpop (xrf1)  }
0x27a: {  	[tilespmem:s30+$0x0] =	vst.add.f32.msk $0xffff, v2;
	v6 =	vmin.f32 v60, v5;
	v5 =	vmax.f32 v60, v5;
	v4 =	vadd.f32 v8, v4;
	v2, _, _ =	vpop (xrf1)  }
0x27b: {  	s8 =	simm.s32 $0x8280;
	[tilespmem:s24+$0x0] =	vst.add.f32.msk $0xffff, v39;
	v8 =	vmin.f32 v3, v7;
	v3 =	vmax.f32 v3, v7;
	v7 =	vmax.f32 v55, v46;
	v57, _, _ =	vpop (xrf1)  }
0x27c: {  	v37 =	vld [tilespmem:s8+$0x10];
	v46 =	vmin.f32 v55, v46;
	v56 =	vmin.f32 v6, v8;
	v6 =	vmax.f32 v6, v8;
	v59, _, _ =	vpop (xrf1);
	s6 =	spop (v2sf)  }
0x27d: {  	v36 =	vld [tilespmem:s8+$0x20];
	v58 =	vmin.f32 v5, v3;
	v60 =	vmax.f32 v1, v7;
	(xrf1) =	vsort.ascd.msk.f32 $0xffff, v56, v56;
	v8 =	vsel vm0, $0x0, v29;
	v29, _, _ =	vpop (xrf1);
	s6 =	scvt.f32.s32 s6  }
0x27e: {  	v35 =	vld [tilespmem:s8+$0x30];
	v7 =	vmin.f32 v1, v7;
	v3 =	vmax.f32 v5, v3;
	(xrf1) =	vsort.ascd.msk.f32 $0xffff, v6, v6;
	v1, _, _ =	vpop (xrf1)  }
0x27f: {  	v38 =	vld [tilespmem:s8+$0x0];
	v4 =	vadd.f32 v8, v4;
	v5 =	vmin.f32 v57, v29;
	v42 =	vmax.f32 v57, v29;
	v61, _, _ =	vpop (xrf1);
	p0 =	sgt.s32 s6, $0x1  }
0x280: {  	v34 =	vld [tilespmem:s8+$0x40];
	v6 =	vmin.f32 v59, v1;
	v62 =	vmin.f32 v61, v2;
	s6 =	simm.s32 @!p0 $0x1;
	v2 =	vmax.f32 v61, v2  }
0x281: {  	[tilespmem:s24+$0x0] =	vst.add.f32.msk $0xffff, v8;
	v44 =	vmax.f32 v59, v1;
	v63, _, _ =	vpop (xrf1);
	s6 =	smin.u32 s6, $0x64;
	v48 =	vmin.f32 v42, v2;
	v50 =	vmin.f32 v5, v62  }
0x282: {  	(xrf1) =	vsort.ascd.msk.f32 $0xffff, v58, v58;
	v29 =	vld [tilespmem:s8+$0x50];
	v57 =	vmin.f32 v44, v63;
	v2 =	vmax.f32 v42, v2;
	v56 =	vmov s6  }
0x283: {  	(xrf1) =	vsort.dscd.msk.f32 $0xffff, v60, v60;
	v1 =	vld [tilespmem:s8+$0x54];
	v59 =	vmax.f32 v44, v63;
	v5 =	vmax.f32 v5, v62;
	v58 =	vsub.s32 $0x80, v56  }
0x284: {  	[tilespmem:s18+$0x0] =	vst.add.f32.msk $0xffff, v47;
	v60 =	vmin.f32 v48, v57;
	v61 =	vmax.f32 v2, v59;
	v42 =	vbroadcast v58, $0x0  }
0x285: {  	v45 =	vld [tilespmem:s3+$0x10];
	v48 =	vmax.f32 v48, v57;
	v2 =	vmin.f32 v2, v59;
	v62 =	vmin.f32 v5, v6  }
0x286: {  	v51 =	vld [tilespmem:s4+$0xFFFFFF80];
	(xrf2) =	vadd.scan.msk.f32 $0xffff, v4;
	v5 =	vmax.f32 v5, v6;
	vm1 =	vlt.u32 v42, $0x30;
	vm2 =	vlt.u32 v42, $0x70  }
0x287: {  	v43 =	vld [tilespmem:s3+$0xFFFFFF80];
	(xrf1) =	vsort.dscd.msk.f32 $0xffff, v7, v7;
	vm3 =	vlt.u32 v42, $0x20;
	vm4 =	vlt.u32 v42, $0x40;
	vm5 =	vlt.u32 v42, $0x60  }
0x288: {  	v4 =	vld [tilespmem:s8+$0xFFFFFF90];
	v6 =	vsel vm3, v50, v62;
	v5 =	vsel vm4, v5, v60;
	v2 =	vsel vm5, v48, v2  }
0x289: {  	v8 =	vld [tilespmem:s8+$0xFFFFFF80];
	(xrf1) =	vsort.dscd.msk.f32 $0xffff, v46, v46;
	v5 =	vsel vm1, v6, v5;
	v2 =	vsel vm2, v2, v61;
	vm1 =	vlt.u32 v42, $0x50  }
0x28a: {  	(xrf1) =	vsort.ascd.msk.f32 $0xffff, v3, v3;
	[tilespmem:s19+$0x0] =	vst.add.f32.msk $0xffff, v45;
	v2 =	vsel vm1, v5, v2  }
0x28b: {  	v46 =	vld [tilespmem:s3+$0x20];
	(xrf1) =	vsort.ascd.msk.f32 $0xffff, v2, v2  }
0x28c: {  	v7 =	vld [tilespmem:s8+$0xFFFFFFA0]  }
0x28d: {  	v3 =	vld [tilespmem:s8+$0xFFFFFFD0];
	(xrf1) =	vsort.dscd.msk.f32 $0xffff, v4, v4  }
0x28e: {  	v6 =	vld [tilespmem:s8+$0xFFFFFFC0];
	(xrf1) =	vsort.ascd.msk.f32 $0xffff, v38, v38  }
0x28f: {  	v5 =	vld [tilespmem:s8+$0xFFFFFFB0];
	(xrf1) =	vsort.dscd.msk.f32 $0xffff, v37, v37  }
0x290: {  	[tilespmem:s20+$0x0] =	vst.add.f32.msk $0xffff, v46;
	(xrf1) =	vsort.dscd.msk.f32 $0xffff, v36, v36  }
0x291: {  	v48 =	vld [tilespmem:s3+$0x30];
	v2, _, _ =	vpop (xrf2);
	(xrf1) =	vsort.ascd.msk.f32 $0xffff, v35, v35  }
0x292: {  	v63, _, _ =	vpop (xrf1);
	(v2sf) =	vpush v2, $0xF;
	v2 =	vld [tilespmem:s8+$0xFFFFFFD4];
	(xrf1) =	vsort.dscd.msk.f32 $0xffff, v34, v34  }
0x293: {  	v40 =	vperm.xlane v41, v40;
	v50, _, _ =	vpop (xrf1);
	[tilespmem:s18+$0x0] =	vst.add.f32.msk $0xffff, v43;
	(xrf1) =	vsort.ascd.msk.f32 $0xffff, v29, v29  }
0x294: {  	v60, _, _ =	vpop (xrf1);
	v44 =	vld [tilespmem:s3+$0xFFFFFF90];
	(xrf1) =	vsort.ascd.msk.f32 $0xffff, v8, v8  }
0x295: {  	vm2 =	vge.f32 v15, v40;
	v15 =	vld [tilespmem:s16+$0x0];
	v61, _, _ =	vpop (xrf1);
	(xrf1) =	vsort.dscd.msk.f32 $0xffff, v7, v7  }
0x296: {  	vm1 =	vge.f32 v20, v40;
	v41, _, _ =	vpop (xrf1);
	[tilespmem:s21+$0x0] =	vst.add.f32.msk $0xffff, v48;
	(xrf1) =	vsort.ascd.msk.f32 $0xffff, v5, v5  }
0x297: {  	vm3 =	vge.f32 v14, v25;
	v14 =	vnsel vm1, $0x0, v51;
	v56, _, _ =	vpop (xrf1);
	v55 =	vld [tilespmem:s3+$0x40];
	(xrf1) =	vsort.dscd.msk.f32 $0xffff, v6, v6  }
0x298: {  	[tilespmem:s25+$0x0] =	vst.add.f32.msk $0xffff, v14;
	v20, _, _ =	vpop (xrf1);
	v14 =	vsel vm0, $0xBF800000, v2;
	(xrf1) =	vsort.ascd.msk.f32 $0xffff, v3, v3  }
0x299: {  	vm1 =	vge.f32 v19, v40;
	[tilespmem:s19+$0x0] =	vst.add.f32.msk $0xffff, v44;
	(xrf1) =	vsort.ascd.msk.f32 $0xffff, v14, v14;
	v14 =	vsel vm0, $0xBF800000, v1;
	v19, _, _ =	vpop (xrf1)  }
0x29a: {  	(xrf1) =	vsort.ascd.msk.f32 $0xffff, v14, v14;
	v14 =	vld [tilespmem:s3+$0xFFFFFFA0];
	v39 =	vperm.xlane v19, v42  }
0x29b: {  	v52 =	vld [tilespmem:s4+$0x50];
	v57, _, _ =	vpop (xrf1)  }
0x29c: {  	v51 =	vmin.f32 v63, v61;
	v49 =	vmax.f32 v63, v61;
	[tilespmem:s22+$0x0] =	vst.add.f32.msk $0xffff, v55;
	v62, _, _ =	vpop (xrf1);
	vm4 =	vge.f32 v26, v39  }
0x29d: {  	v53 =	vmax.f32 v60, v56;
	v54 =	vld [tilespmem:s3+$0x50];
	v19 =	vmin.f32 v60, v56;
	v58, _, _ =	vpop (xrf1);
	v15 =	vnsel vm4, $0x0, v15  }
0x29e: {  	v26 =	vadd.f32 v45, v47;
	v47 =	vmax.f32 v49, v53;
	v45, _, _ =	vpop (xrf1);
	v63 =	vmin.f32 v62, v58;
	[tilespmem:s25+$0x0] =	vst.add.f32.msk $0xffff, v15  }
0x29f: {  	v42 =	vmax.f32 v62, v58;
	v62 =	vmax.f32 v50, v41;
	v60, _, _ =	vpop (xrf1);
	(xrf1) =	vsort.ascd.msk.f32 $0xffff, v63, v63;
	[tilespmem:s20+$0x0] =	vst.add.f32.msk $0xffff, v14  }
0x2a0: {  	v50 =	vmin.f32 v50, v41;
	(xrf1) =	vsort.ascd.msk.f32 $0xffff, v42, v42;
	v42 =	vmin.f32 v49, v53;
	v49 =	vld [tilespmem:s16+$0x10];
	v15, _, _ =	vpop (xrf1)  }
0x2a1: {  	v26 =	vadd.f32 v46, v26;
	v61 =	vmax.f32 v45, v60;
	v45 =	vmin.f32 v45, v60;
	v58 =	vld [tilespmem:s3+$0xFFFFFFB0];
	v53, _, _ =	vpop (xrf1)  }
0x2a2: {  	s7 =	spop (v2sf);
	[tilespmem:s23+$0x0] =	vst.add.f32.msk $0xffff, v54;
	v60 =	vmin.f32 v62, v20;
	(xrf1) =	vsort.dscd.msk.f32 $0xffff, v61, v61;
	v63 =	vmin.f32 v15, v53  }
0x2a3: {  	s5 =	scvt.f32.s32 s7;
	v20 =	vmax.f32 v62, v20;
	v26 =	vadd.f32 v48, v26;
	v61 =	vld [tilespmem:s3+$0x54];
	(xrf1) =	vsort.dscd.msk.f32 $0xffff, v63, v63  }
0x2a4: {  	v62 =	vnsel vm3, $0x0, v52;
	vm3 =	vge.f32 v23, v39;
	v56 =	vmax.f32 v42, v60;
	v63 =	vld [tilespmem:s4+$0xFFFFFF90];
	(xrf1) =	vsort.dscd.msk.f32 $0xffff, v45, v45;
	v45, _, _ =	vpop (xrf1)  }
0x2a5: {  	p0 =	sgt.s32 s5, $0x1;
	[tilespmem:s31+$0x0] =	vst.add.f32.msk $0xffff, v62;
	v26 =	vadd.f32 v55, v26;
	v55 =	vmin.f32 v42, v60;
	v23 =	vmin.f32 v45, v57  }
0x2a6: {  	s5 =	simm.s32 @!p0 $0x1;
	v15 =	vmax.f32 v15, v53;
	[tilespmem:s21+$0x0] =	vst.add.f32.msk $0xffff, v58;
	(xrf1) =	vsort.ascd.msk.f32 $0xffff, v23, v23;
	v23 =	vnsel vm3, $0x0, v49  }
0x2a7: {  	v60 =	vmax.f32 v51, v19;
	s5 =	smin.u32 s5, $0x64;
	[tilespmem:s26+$0x0] =	vst.add.f32.msk $0xffff, v23;
	v23 =	vadd.f32 v54, v26;
	(xrf1) =	vsort.dscd.msk.f32 $0xffff, v15, v15  }
0x2a8: {  	v19 =	vmin.f32 v51, v19;
	v62 =	vmov s5;
	v41 =	vsel vm0, $0x0, v61;
	v51 =	vld [tilespmem:s3+$0xFFFFFFC0]  }
0x2a9: {  	v54 =	vsub.s32 $0x80, v62;
	v15 =	vld [tilespmem:s16+$0x20];
	v61 =	vnsel vm2, $0x0, v63;
	v63, _, _ =	vpop (xrf1);
	v23 =	vadd.f32 v41, v23  }
0x2aa: {  	v49 =	vmin.f32 v60, v50;
	v42 =	vbroadcast v54, $0x0;
	[tilespmem:s26+$0x0] =	vst.add.f32.msk $0xffff, v61;
	v59, _, _ =	vpop (xrf1)  }
0x2ab: {  	v50 =	vmax.f32 v60, v50;
	vm2 =	vge.f32 v22, v39;
	v60, _, _ =	vpop (xrf1);
	v22 =	vld [tilespmem:s4+$0xFFFFFFA0];
	(xrf2) =	vadd.scan.msk.f32 $0xffff, v23;
	v23 =	vmax.f32 v45, v57  }
0x2ac: {  	v26 =	vmin.f32 v47, v20;
	vm3 =	vlt.u32 v42, $0x60;
	v62, _, _ =	vpop (xrf1)  }
0x2ad: {  	v20 =	vmax.f32 v47, v20;
	[tilespmem:s22+$0x0] =	vst.add.f32.msk $0xffff, v51;
	v26 =	vsel vm3, v56, v26;
	vm3 =	vlt.u32 v42, $0x70;
	v53, _, _ =	vpop (xrf1)  }
0x2ae: {  	(xrf1) =	vsort.ascd.msk.f32 $0xffff, v23, v23;
	v20 =	vsel vm3, v26, v20;
	v26 =	vld [tilespmem:s3+$0xFFFFFFD0];
	v15 =	vnsel vm2, $0x0, v15;
	vm2 =	vlt.u32 v42, $0x20;
	v23, _, _ =	vpop (xrf1)  }
0x2af: {  	v61 =	vmin.f32 v63, v59;
	v46 =	vmax.f32 v63, v59;
	[tilespmem:s28+$0x0] =	vst.add.f32.msk $0xffff, v15;
	v15 =	vsel vm2, v19, v49;
	v19, _, _ =	vpop (xrf1)  }
0x2b0: {  	v63 =	vmin.f32 v60, v62;
	(xrf1) =	vsort.dscd.msk.f32 $0xffff, v46, v46;
	vm2 =	vlt.u32 v42, $0x40;
	v22 =	vnsel vm1, $0x0, v22;
	v56, _, _ =	vpop (xrf1)  }
0x2b1: {  	v47 =	vmax.f32 v60, v62;
	(xrf1) =	vsort.dscd.msk.f32 $0xffff, v61, v61;
	v54 =	vld [tilespmem:s16+$0x30];
	v55 =	vsel vm2, v50, v55;
	vm2 =	vlt.u32 v42, $0x30;
	v57, _, _ =	vpop (xrf1)  }
0x2b2: {  	(xrf1) =	vsort.dscd.msk.f32 $0xffff, v63, v63;
	vm1 =	vge.f32 v21, v39;
	v15 =	vsel vm2, v15, v55;
	vm2 =	vlt.u32 v42, $0x50;
	v59, _, _ =	vpop (xrf1)  }
0x2b3: {  	(xrf1) =	vsort.dscd.msk.f32 $0xffff, v47, v47;
	[tilespmem:s28+$0x0] =	vst.add.f32.msk $0xffff, v22;
	v15 =	vsel vm2, v15, v20;
	v20 =	vmin.f32 v59, v23;
	v22, _, _ =	vpop (xrf1)  }
0x2b4: {  	[tilespmem:s23+$0x0] =	vst.add.f32.msk $0xffff, v26;
	(xrf1) =	vsort.ascd.msk.f32 $0xffff, v15, v15;
	v21 =	vmin.f32 v19, v57;
	v60 =	vmin.f32 v56, v22;
	v61, _, _ =	vpop (xrf1)  }
0x2b5: {  	v15 =	vld [tilespmem:s4+$0xFFFFFFB0];
	v19 =	vmax.f32 v19, v57;
	(xrf1) =	vsort.dscd.msk.f32 $0xffff, v20, v20;
	v62 =	vmin.f32 v21, v60;
	v63, _, _ =	vpop (xrf1)  }
0x2b6: {  	v23 =	vmax.f32 v59, v23;
	v46 =	vnsel vm1, $0x0, v54;
	v21 =	vmax.f32 v21, v60;
	v20, _, _ =	vpop (xrf2);
	(xrf1) =	vsort.ascd.msk.f32 $0xffff, v62, v62  }
0x2b7: {  	[tilespmem:s29+$0x0] =	vst.add.f32.msk $0xffff, v46;
	v54 =	vmax.f32 v63, v23;
	(v2sf) =	vpush v20, $0xF;
	(xrf1) =	vsort.ascd.msk.f32 $0xffff, v21, v21  }
0x2b8: {  	v22 =	vmax.f32 v56, v22;
	v23 =	vmin.f32 v63, v23;
	v20 =	vld [tilespmem:s16+$0x40];
	(xrf1) =	vsort.dscd.msk.f32 $0xffff, v54, v54  }
0x2b9: {  	v55 =	vld [tilespmem:s3+$0xFFFFFFD4];
	vm1 =	vge.f32 v11, v40;
	(xrf1) =	vsort.dscd.msk.f32 $0xffff, v23, v23;
	v23 =	vadd.f32 v44, v43  }
0x2ba: {  	v11 =	vmin.f32 v19, v22;
	v21 =	vld [tilespmem:s4+$0x54];
	v15 =	vnsel vm1, $0x0, v15;
	vm1 =	vge.f32 v13, v39  }
0x2bb: {  	[tilespmem:s29+$0x0] =	vst.add.f32.msk $0xffff, v15;
	(xrf1) =	vsort.ascd.msk.f32 $0xffff, v11, v11;
	v11 =	vmax.f32 v19, v22;
	v13 =	vadd.f32 v14, v23  }
0x2bc: {  	v15 =	vld [tilespmem:s4+$0xFFFFFFC0]  }
0x2bd: {  	(xrf1) =	vsort.ascd.msk.f32 $0xffff, v11, v11;
	v14 =	vnsel vm1, $0x0, v20  }
0x2be: {  	v11, _, _ =	vpop (xrf1);
	[tilespmem:s30+$0x0] =	vst.add.f32.msk $0xffff, v14  }
0x2bf: {  	vm1 =	vge.f32 v9, v25;
	v14 =	vsel vm0, $0x0, v21;
	v9 =	vadd.f32 v58, v13;
	v19 =	vld [tilespmem:s16+$0x50];
	v13, _, _ =	vpop (xrf1)  }
0x2c0: {  	v45 =	vld [tilespmem:s16+$0xFFFFFF80];
	v14 =	vnsel vm1, $0x0, v14;
	vm1 =	vge.f32 v10, v40;
	v20, _, _ =	vpop (xrf1)  }
0x2c1: {  	s5 =	simm.s32 $0xC380;
	v21 =	vsel vm0, $0x0, v55;
	[tilespmem:s0+$0x0] =	vst.add.f32.msk $0xffff, v14;
	v9 =	vadd.f32 v51, v9;
	v14 =	vnsel vm1, $0x0, v15;
	v10, _, _ =	vpop (xrf1)  }
0x2c2: {  	v44 =	vld [tilespmem:s5+$0x0];
	vm1 =	vge.f32 v12, v39;
	v15 =	vmin.f32 v61, v13;
	v23 =	vmax.f32 v61, v13;
	v22, _, _ =	vpop (xrf1)  }
0x2c3: {  	[tilespmem:s24+$0x0] =	vst.add.f32.msk $0xffff, v21;
	v9 =	vadd.f32 v26, v9;
	v12 =	vmin.f32 v11, v20;
	v11 =	vmax.f32 v11, v20;
	v46, _, _ =	vpop (xrf1)  }
0x2c4: {  	s8 =	simm.s32 $0x8380;
	[tilespmem:s30+$0x0] =	vst.add.f32.msk $0xffff, v14;
	v20 =	vmax.f32 v10, v53;
	v25 =	vmin.f32 v15, v12;
	v13 =	vnsel vm1, $0x0, v19;
	v19, _, _ =	vpop (xrf1)  }
0x2c5: {  	v14 =	vld [tilespmem:s8+$0x0];
	v15 =	vmax.f32 v15, v12;
	v56 =	vmin.f32 v23, v11;
	v57 =	vmax.f32 v22, v20;
	v26, _, _ =	vpop (xrf1)  }
0x2c6: {  	v12 =	vld [tilespmem:s8+$0x20];
	v9 =	vadd.f32 v21, v9;
	v21 =	vmin.f32 v10, v53;
	(xrf1) =	vsort.ascd.msk.f32 $0xffff, v25, v25;
	v58, _, _ =	vpop (xrf1);
	s7 =	spop (v2sf)  }
0x2c7: {  	v20 =	vmin.f32 v22, v20;
	v22 =	vmax.f32 v23, v11;
	v11 =	vld [tilespmem:s8+$0x30];
	(xrf1) =	vsort.ascd.msk.f32 $0xffff, v15, v15;
	v10, _, _ =	vpop (xrf1);
	s7 =	scvt.f32.s32 s7  }
0x2c8: {  	[tilespmem:s31+$0x0] =	vst.add.f32.msk $0xffff, v13;
	(xrf1) =	vsort.ascd.msk.f32 $0xffff, v56, v56;
	v23, _, _ =	vpop (xrf1)  }
0x2c9: {  	v13 =	vld [tilespmem:s8+$0x10];
	(xrf1) =	vsort.dscd.msk.f32 $0xffff, v57, v57;
	v25 =	vmin.f32 v26, v10;
	v26 =	vmax.f32 v26, v10;
	v59, _, _ =	vpop (xrf1);
	p0 =	sgt.s32 s7, $0x1  }
0x2ca: {  	v15 =	vld [tilespmem:s8+$0x40];
	v49 =	vmin.f32 v58, v23;
	v60 =	vmin.f32 v59, v19;
	s7 =	simm.s32 @!p0 $0x1;
	v19 =	vmax.f32 v59, v19  }
0x2cb: {  	(xrf2) =	vadd.scan.msk.f32 $0xffff, v9;
	v9 =	vld [tilespmem:s8+$0x54];
	v23 =	vmax.f32 v58, v23;
	v63, _, _ =	vpop (xrf1);
	s7 =	smin.u32 s7, $0x64;
	v61 =	vmin.f32 v26, v19;
	v62 =	vmin.f32 v25, v60  }
0x2cc: {  	(xrf1) =	vsort.dscd.msk.f32 $0xffff, v20, v20;
	v10 =	vld [tilespmem:s8+$0x50];
	v57 =	vmin.f32 v23, v63;
	v19 =	vmax.f32 v26, v19;
	v56 =	vmov s7  }
0x2cd: {  	[tilespmem:s18+$0x0] =	vst.add.f32.msk $0xffff, v44;
	v23 =	vmax.f32 v23, v63;
	v58 =	vmax.f32 v25, v60;
	v26 =	vsub.s32 $0x80, v56  }
0x2ce: {  	(xrf1) =	vsort.dscd.msk.f32 $0xffff, v21, v21;
	v50 =	vld [tilespmem:s5+$0x10];
	v59 =	vmax.f32 v19, v23;
	v48 =	vmax.f32 v61, v57;
	v53 =	vbroadcast v26, $0x0  }
0x2cf: {  	v43 =	vld [tilespmem:s5+$0xFFFFFF80];
	v19 =	vmin.f32 v19, v23;
	v60 =	vmin.f32 v58, v49;
	v21 =	vmax.f32 v58, v49  }
0x2d0: {  	v20 =	vld [tilespmem:s8+$0xFFFFFFB0];
	v26 =	vmin.f32 v61, v57;
	vm1 =	vlt.u32 v53, $0x30;
	vm2 =	vlt.u32 v53, $0x70  }
0x2d1: {  	(xrf1) =	vsort.ascd.msk.f32 $0xffff, v22, v22;
	v25 =	vld [tilespmem:s8+$0xFFFFFF90];
	vm3 =	vlt.u32 v53, $0x20;
	vm4 =	vlt.u32 v53, $0x40;
	vm5 =	vlt.u32 v53, $0x60  }
0x2d2: {  	v23 =	vld [tilespmem:s8+$0xFFFFFFA0];
	v22 =	vsel vm3, v62, v60;
	v21 =	vsel vm4, v21, v26;
	v19 =	vsel vm5, v48, v19  }
0x2d3: {  	[tilespmem:s19+$0x0] =	vst.add.f32.msk $0xffff, v50;
	v21 =	vsel vm1, v22, v21;
	v19 =	vsel vm2, v19, v59;
	vm1 =	vlt.u32 v53, $0x50  }
0x2d4: {  	v47 =	vld [tilespmem:s5+$0x20];
	v19 =	vsel vm1, v21, v19  }
0x2d5: {  	v26 =	vld [tilespmem:s8+$0xFFFFFF80];
	(xrf1) =	vsort.ascd.msk.f32 $0xffff, v19, v19  }
0x2d6: {  	v22 =	vld [tilespmem:s8+$0xFFFFFFC0]  }
0x2d7: {  	vm13 =	vge.f32 v16, v40;
	v42 =	vperm.xlane v46, v42;
	v21 =	vld [tilespmem:s8+$0xFFFFFFD0];
	(xrf1) =	vsort.dscd.msk.f32 $0xffff, v25, v25  }
0x2d8: {  	vm6 =	vmmov vm13;
	v61, _, _ =	vpop (xrf2);
	v19 =	vld [tilespmem:s8+$0xFFFFFFD4];
	(xrf1) =	vsort.ascd.msk.f32 $0xffff, v14, v14  }
0x2d9: {  	vm13 =	vge.f32 v24, v42;
	(v2sf) =	vpush v61, $0xF;
	v62, _, _ =	vpop (xrf1);
	[tilespmem:s20+$0x0] =	vst.add.f32.msk $0xffff, v47;
	(xrf1) =	vsort.dscd.msk.f32 $0xffff, v13, v13  }
0x2da: {  	v44 =	vadd.f32 v50, v44;
	v63, _, _ =	vpop (xrf1);
	vm1 =	vge.f32 v33, v42;
	v48 =	vld [tilespmem:s5+$0x30];
	(xrf1) =	vsort.dscd.msk.f32 $0xffff, v12, v12  }
0x2db: {  	vm5 =	vge.f32 v17, v40;
	v55, _, _ =	vpop (xrf1);
	[tilespmem:s18+$0x0] =	vst.add.f32.msk $0xffff, v43;
	v17 =	vnsel vm1, $0x0, v45;
	(xrf1) =	vsort.ascd.msk.f32 $0xffff, v11, v11  }
0x2dc: {  	vm4 =	vge.f32 v31, v42;
	vm3 =	vge.f32 v32, v42;
	v56, _, _ =	vpop (xrf1);
	v51 =	vld [tilespmem:s5+$0xFFFFFF90];
	(xrf1) =	vsort.dscd.msk.f32 $0xffff, v15, v15  }
0x2dd: {  	vm2 =	vge.f32 v28, v42;
	vm1 =	vge.f32 v30, v42;
	v16, _, _ =	vpop (xrf1);
	[tilespmem:s25+$0x0] =	vst.add.f32.msk $0xffff, v17;
	(xrf1) =	vsort.ascd.msk.f32 $0xffff, v10, v10  }
0x2de: {  	v44 =	vadd.f32 v47, v44;
	v30 =	vmin.f32 v62, v56;
	v31 =	vmax.f32 v62, v56;
	v28 =	vld [tilespmem:s16+$0xFFFFFF90];
	v17, _, _ =	vpop (xrf1)  }
0x2df: {  	v59 =	vmax.f32 v63, v16;
	v57 =	vmax.f32 v55, v17;
	[tilespmem:s21+$0x0] =	vst.add.f32.msk $0xffff, v48;
	(xrf1) =	vsort.ascd.msk.f32 $0xffff, v26, v26  }
0x2e0: {  	v61 =	vmin.f32 v63, v16;
	v17 =	vmin.f32 v55, v17;
	v58, _, _ =	vpop (xrf1);
	v45 =	vmin.f32 v31, v57;
	v46 =	vld [tilespmem:s5+$0x40]  }
0x2e1: {  	[tilespmem:s24+$0x0] =	vst.add.f32.msk $0xffff, v41;
	v60 =	vmin.f32 v59, v58;
	v31 =	vmax.f32 v31, v57;
	(xrf1) =	vsort.dscd.msk.f32 $0xffff, v23, v23  }
0x2e2: {  	v62 =	vld [tilespmem:s3+$0x0];
	v32 =	vmax.f32 v59, v58;
	v63 =	vmax.f32 v30, v17;
	(xrf1) =	vsort.ascd.msk.f32 $0xffff, v20, v20  }
0x2e3: {  	v30 =	vmin.f32 v30, v17;
	v49 =	vmin.f32 v45, v60;
	[tilespmem:s19+$0x0] =	vst.add.f32.msk $0xffff, v51;
	(xrf1) =	vsort.dscd.msk.f32 $0xffff, v22, v22;
	v16, _, _ =	vpop (xrf1)  }
0x2e4: {  	v57 =	vsel vm0, $0xBF800000, v19;
	v45 =	vmax.f32 v45, v60;
	v52 =	vld [tilespmem:s5+$0xFFFFFFA0];
	(xrf1) =	vsort.ascd.msk.f32 $0xffff, v21, v21;
	v16 =	vperm.xlane v16, v53  }
0x2e5: {  	v33 =	vmax.f32 v63, v61;
	v55 =	vmin.f32 v31, v32;
	v28 =	vnsel vm2, $0x0, v28;
	[tilespmem:s22+$0x0] =	vst.add.f32.msk $0xffff, v46;
	v54, _, _ =	vpop (xrf1)  }
0x2e6: {  	v59 =	vsel vm0, $0xBF800000, v9;
	(xrf1) =	vsort.ascd.msk.f32 $0xffff, v57, v57;
	v41 =	vld [tilespmem:s5+$0x50];
	v57 =	vadd.f32 v48, v44;
	v17, _, _ =	vpop (xrf1);
	vm14 =	vge.f32 v38, v16  }
0x2e7: {  	v31 =	vmax.f32 v31, v32;
	vm2 =	vge.f32 v27, v42;
	[tilespmem:s26+$0x0] =	vst.add.f32.msk $0xffff, v28;
	v58, _, _ =	vpop (xrf1);
	v27 =	vnsel vm14, $0x0, v62  }
0x2e8: {  	vm7 =	vmmov vm5;
	s8 =	spop (v2sf);
	(xrf1) =	vsort.ascd.msk.f32 $0xffff, v59, v59;
	v53 =	vmin.f32 v63, v61;
	v32 =	vadd.f32 v46, v57;
	v57 =	vld [tilespmem:s16+$0x54];
	v28, _, _ =	vpop (xrf1)  }
0x2e9: {  	s6 =	scvt.f32.s32 s8;
	vm5 =	vge.f32 v37, v16;
	v38 =	vadd.f32 v51, v43;
	v60 =	vmin.f32 v17, v58;
	v61, _, _ =	vpop (xrf1);
	[tilespmem:s25+$0x0] =	vst.add.f32.msk $0xffff, v27  }
0x2ea: {  	vm15 =	vge.f32 v36, v16;
	v17 =	vmax.f32 v17, v58;
	(xrf1) =	vsort.ascd.msk.f32 $0xffff, v60, v60;
	v62 =	vld [tilespmem:s3+$0x10];
	v27, _, _ =	vpop (xrf1)  }
0x2eb: {  	p0 =	sgt.s32 s6, $0x1;
	[tilespmem:s23+$0x0] =	vst.add.f32.msk $0xffff, v41;
	v32 =	vadd.f32 v41, v32;
	v63 =	vmax.f32 v28, v61;
	(xrf1) =	vsort.ascd.msk.f32 $0xffff, v17, v17;
	v56, _, _ =	vpop (xrf1)  }
0x2ec: {  	s6 =	simm.s32 @!p0 $0x1;
	vm14 =	vge.f32 v18, v39;
	v44 =	vld [tilespmem:s5+$0x54];
	(xrf1) =	vsort.dscd.msk.f32 $0xffff, v63, v63;
	v17 =	vmin.f32 v27, v56  }
0x2ed: {  	[tilespmem:s20+$0x0] =	vst.add.f32.msk $0xffff, v52;
	s6 =	smin.u32 s6, $0x64;
	v18 =	vadd.f32 v52, v38;
	v28 =	vmin.f32 v28, v61;
	v58, _, _ =	vpop (xrf1);
	(xrf1) =	vsort.dscd.msk.f32 $0xffff, v17, v17  }
0x2ee: {  	v61 =	vmov s6;
	v24 =	vsel vm0, $0x0, v57;
	v59 =	vmin.f32 v58, v54;
	(xrf1) =	vsort.dscd.msk.f32 $0xffff, v28, v28;
	v28 =	vld [tilespmem:s5+$0xFFFFFFB0]  }
0x2ef: {  	v48 =	vld [tilespmem:s4+$0xFFFFFFD0];
	v24 =	vnsel vm14, $0x0, v24;
	v27 =	vmax.f32 v27, v56;
	v60 =	vnsel vm5, $0x0, v62;
	v62, _, _ =	vpop (xrf1);
	(xrf1) =	vsort.ascd.msk.f32 $0xffff, v59, v59  }
0x2f0: {  	v40 =	vmax.f32 v58, v54;
	[tilespmem:s26+$0x0] =	vst.add.f32.msk $0xffff, v60;
	v63, _, _ =	vpop (xrf1);
	(xrf1) =	vsort.dscd.msk.f32 $0xffff, v27, v27;
	v27 =	vsub.s32 $0x80, v61  }
0x2f1: {  	v56 =	vld [tilespmem:s3+$0x20];
	v58, _, _ =	vpop (xrf1);
	v59 =	vmax.f32 v62, v63;
	v47 =	vbroadcast v27, $0x0;
	v27 =	vsel vm0, $0x0, v44  }
0x2f2: {  	[tilespmem:s0+$0x0] =	vst.add.f32.msk $0xffff, v24;
	v37 =	vmin.f32 v62, v63;
	(xrf1) =	vsort.ascd.msk.f32 $0xffff, v40, v40;
	v60, _, _ =	vpop (xrf1);
	v32 =	vadd.f32 v27, v32  }
0x2f3: {  	(xrf1) =	vsort.dscd.msk.f32 $0xffff, v59, v59;
	v61 =	vmin.f32 v58, v60;
	v40 =	vmax.f32 v58, v60;
	[tilespmem:s21+$0x0] =	vst.add.f32.msk $0xffff, v28  }
0x2f4: {  	v63 =	vld [tilespmem:s16+$0xFFFFFFA0];
	vm5 =	vlt.u32 v47, $0x20;
	(xrf1) =	vsort.dscd.msk.f32 $0xffff, v37, v37;
	vm9 =	vlt.u32 v47, $0x60;
	vm12 =	vlt.u32 v47, $0x70  }
0x2f5: {  	v30 =	vsel vm5, v30, v53;
	vm5 =	vlt.u32 v47, $0x40;
	(xrf2) =	vadd.scan.msk.f32 $0xffff, v32;
	v50 =	vsel vm9, v45, v55  }
0x2f6: {  	v62 =	vld [tilespmem:s5+$0xFFFFFFC0];
	(xrf1) =	vsort.dscd.msk.f32 $0xffff, v61, v61;
	v33 =	vsel vm5, v33, v49;
	v41 =	vnsel vm15, $0x0, v56;
	vm5 =	vlt.u32 v47, $0x30;
	v32, _, _ =	vpop (xrf1)  }
0x2f7: {  	v31 =	vsel vm12, v50, v31;
	[tilespmem:s28+$0x0] =	vst.add.f32.msk $0xffff, v41;
	v30 =	vsel vm5, v30, v33;
	vm5 =	vlt.u32 v47, $0x50;
	v51, _, _ =	vpop (xrf1)  }
0x2f8: {  	v18 =	vadd.f32 v28, v18;
	v28 =	vnsel vm7, $0x0, v48;
	v54 =	vld [tilespmem:s3+$0x30];
	v30 =	vsel vm5, v30, v31;
	v53, _, _ =	vpop (xrf1)  }
0x2f9: {  	[tilespmem:s31+$0x0] =	vst.add.f32.msk $0xffff, v28;
	(xrf1) =	vsort.dscd.msk.f32 $0xffff, v40, v40;
	v31 =	vnsel vm1, $0x0, v63;
	v55, _, _ =	vpop (xrf1)  }
0x2fa: {  	[tilespmem:s28+$0x0] =	vst.add.f32.msk $0xffff, v31;
	v57, _, _ =	vpop (xrf1);
	(xrf1) =	vsort.ascd.msk.f32 $0xffff, v30, v30  }
0x2fb: {  	vm2 =	vmmov vm2;
	[tilespmem:s22+$0x0] =	vst.add.f32.msk $0xffff, v62;
	v30, _, _ =	vpop (xrf1)  }
0x2fc: {  	vm15 =	vge.f32 v35, v16;
	vm5 =	vmmov vm6;
	v56 =	vld [tilespmem:s5+$0xFFFFFFD0];
	v59 =	vmin.f32 v53, v57;
	v31, _, _ =	vpop (xrf1)  }
0x2fd: {  	v58 =	vld [tilespmem:s16+$0xFFFFFFB0];
	v40 =	vnsel vm15, $0x0, v54;
	v28 =	vmin.f32 v30, v51;
	v60 =	vmin.f32 v55, v31;
	v61, _, _ =	vpop (xrf1)  }
0x2fe: {  	v18 =	vadd.f32 v62, v18;
	[tilespmem:s29+$0x0] =	vst.add.f32.msk $0xffff, v40;
	(xrf1) =	vsort.dscd.msk.f32 $0xffff, v28, v28;
	v62 =	vmin.f32 v59, v60;
	v63, _, _ =	vpop (xrf1)  }
0x2ff: {  	vm1 =	vmmov vm13;
	v30 =	vmax.f32 v30, v51;
	v28 =	vmax.f32 v59, v60;
	v46, _, _ =	vpop (xrf2);
	v48 =	vld [tilespmem:s3+$0x40];
	(xrf1) =	vsort.ascd.msk.f32 $0xffff, v62, v62  }
0x300: {  	v50 =	vld [tilespmem:s4+$0xFFFFFFD4];
	v33 =	vmax.f32 v53, v57;
	v49 =	vmax.f32 v63, v30;
	(v2sf) =	vpush v46, $0xF;
	(xrf1) =	vsort.ascd.msk.f32 $0xffff, v28, v28  }
0x301: {  	v51, _, _ =	vpop (xrf1);
	[tilespmem:s23+$0x0] =	vst.add.f32.msk $0xffff, v56;
	v30 =	vmin.f32 v63, v30;
	v28 =	vmax.f32 v55, v31;
	(xrf1) =	vsort.dscd.msk.f32 $0xffff, v49, v49  }
0x302: {  	v35 =	vnsel vm4, $0x0, v58;
	vm4 =	vge.f32 v34, v16;
	v31, _, _ =	vpop (xrf1);
	v52 =	vld [tilespmem:s5+$0xFFFFFFD4];
	v53 =	vmin.f32 v33, v28;
	(xrf1) =	vsort.dscd.msk.f32 $0xffff, v30, v30  }
0x303: {  	v18 =	vadd.f32 v56, v18;
	[tilespmem:s29+$0x0] =	vst.add.f32.msk $0xffff, v35;
	v54, _, _ =	vpop (xrf1);
	v28 =	vmax.f32 v33, v28;
	(xrf1) =	vsort.ascd.msk.f32 $0xffff, v53, v53  }
0x304: {  	v58 =	vld [tilespmem:s16+$0xFFFFFFC0];
	v30 =	vmin.f32 v61, v31;
	v55 =	vmin.f32 v51, v54;
	v56, _, _ =	vpop (xrf1);
	v57 =	vnsel vm4, $0x0, v48  }
0x305: {  	v31 =	vmax.f32 v61, v31;
	v24 =	vmax.f32 v51, v54;
	v59 =	vmax.f32 v56, v32;
	[tilespmem:s30+$0x0] =	vst.add.f32.msk $0xffff, v57  }
0x306: {  	v63 =	vsel vm0, $0x0, v50;
	v61 =	vmin.f32 v30, v55;
	v62 =	vmax.f32 v30, v55;
	(xrf1) =	vsort.ascd.msk.f32 $0xffff, v28, v28;
	v30 =	vld [tilespmem:s3+$0x50]  }
0x307: {  	v17 =	vld [tilespmem:s3+$0xFFFFFF80];
	v34 =	vmin.f32 v31, v24;
	v36 =	vmin.f32 v56, v32;
	v60, _, _ =	vpop (xrf1);
	v28 =	vsel vm0, $0x0, v52  }
0x308: {  	v35 =	vmax.f32 v31, v24;
	v37 =	vmax.f32 v60, v59;
	[tilespmem:s24+$0x0] =	vst.add.f32.msk $0xffff, v28;
	v39 =	vadd.f32 v28, v18;
	v18, _, _ =	vpop (xrf1)  }
0x309: {  	(xrf1) =	vsort.ascd.msk.f32 $0xffff, v61, v61;
	v38 =	vmin.f32 v60, v59;
	v33 =	vld [tilespmem:s5+$0xFFFFFF80];
	v28 =	vperm.xlane v18, v47;
	v18 =	vnsel vm3, $0x0, v58  }
0x30a: {  	s7 =	simm.s32 $0x8480;
	s6 =	simm.s32 $0x6;
	s4 =	simm.s32 $0xC380;
	(xrf1) =	vsort.ascd.msk.f32 $0xffff, v62, v62;
	vm3 =	vge.f32 v29, v16;
	[tilespmem:s30+$0x0] =	vst.add.f32.msk $0xffff, v18;
	v18 =	vnsel vm5, $0x0, v63  }
.LBB2_4:
0x30b: {  	v32 =	vld [tilespmem:s7+$0x0];
	(xrf2) =	vadd.scan.msk.f32 $0xffff, v39;
	vm4 =	vge.f32 v8, v28;
	vm8 =	vge.f32 v4, v28;
	v8 =	vnsel vm3, $0x0, v30;
	v4 =	vmovc v25  }
0x30c: {  	vm6 =	vge.f32 v7, v28;
	(xrf1) =	vsort.ascd.msk.f32 $0xffff, v34, v34;
	v25, _, _ =	vpop (xrf1);
	v34 =	vnsel vm4, $0x0, v17;
	[tilespmem:s31+$0x0] =	vst.add.f32.msk $0xffff, v8  }
0x30d: {  	vm5 =	vge.f32 v5, v28;
	vm3 =	vge.f32 v6, v28;
	v7 =	vmov v23;
	(xrf1) =	vsort.dscd.msk.f32 $0xffff, v37, v37;
	v37, _, _ =	vpop (xrf1);
	v24 =	vld [tilespmem:s3+$0x54]  }
0x30e: {  	vm7 =	vge.f32 v3, v28;
	vm9 =	vge.f32 v2, v28;
	v5 =	vmov v20;
	v31 =	vld [tilespmem:s7+$0x10];
	(xrf1) =	vsort.dscd.msk.f32 $0xffff, v38, v38;
	v23, _, _ =	vpop (xrf1)  }
0x30f: {  	v6 =	vmov v22;
	v3 =	vmov v21;
	v2 =	vmov v19;
	v30 =	vld [tilespmem:s7+$0x20];
	(xrf1) =	vsort.dscd.msk.f32 $0xffff, v36, v36;
	s8 =	spop (v2sf);
	v20, _, _ =	vpop (xrf1)  }
0x310: {  	s5 =	sadd.s32 $0x100, s5;
	vm4 =	vmmov vm1;
	v8 =	vmov v26;
	v17 =	vmov v33;
	v29 =	vld [tilespmem:s7+$0x30];
	s8 =	scvt.f32.s32 s8;
	(xrf1) =	vsort.ascd.msk.f32 $0xffff, v35, v35;
	v19, _, _ =	vpop (xrf1)  }
0x311: {  	vm1 =	vmmov vm9;
	v21 =	vmin.f32 v37, v20;
	v33 =	vld [tilespmem:s5+$0x0];
	v22 =	vmin.f32 v23, v19;
	v26, _, _ =	vpop (xrf1)  }
0x312: {  	s6 =	sadd.s32 $0x2, s6;
	vm9 =	vge.f32 v1, v16;
	v1 =	vmovc v9;
	v28 =	vld [tilespmem:s7+$0x40];
	p1 =	sgt.s32 s8, $0x1;
	v35 =	vmin.f32 v26, v25;
	v36 =	vsel vm0, $0x0, v24  }
0x313: {  	p0 =	slt.u32 s6, $0x7E;
	v16 =	vmax.f32 v37, v20;
	v20 =	vmax.f32 v26, v25;
	v24 =	vld [tilespmem:s7+$0x50];
	s8 =	simm.s32 @!p1 $0x1;
	v9 =	vnsel vm9, $0x0, v36  }
0x314: {  	v19 =	vmax.f32 v23, v19;
	v23 =	vmin.f32 v16, v20;
	v26 =	vmin.f32 v21, v35;
	s8 =	smin.u32 s8, $0x64;
	v25, _, _ =	vpop (xrf1);
	[tilespmem:s0+$0x0] =	vst.add.f32.msk $0xffff, v9  }
0x315: {  	v16 =	vmax.f32 v16, v20;
	v9 =	vld [tilespmem:s7+$0x54];
	v36 =	vmov s8;
	v37 =	vmin.f32 v19, v25;
	v38, _, _ =	vpop (xrf2)  }
0x316: {  	v21 =	vmax.f32 v21, v35;
	v19 =	vmax.f32 v19, v25;
	[tilespmem:s18+$0x0] =	vst.add.f32.msk $0xffff, v33;
	v20 =	vsub.s32 $0x80, v36  }
0x317: {  	v35 =	vmin.f32 v23, v37;
	v36 =	vmax.f32 v16, v19;
	v39 =	vld [tilespmem:s5+$0x10];
	v40 =	vbroadcast v20, $0x0;
	v41, _, _ =	vpop (xrf1)  }
0x318: {  	v37 =	vmax.f32 v23, v37;
	v16 =	vmin.f32 v16, v19;
	v19 =	vmin.f32 v21, v22;
	v42 =	vld [tilespmem:s5+$0xFFFFFF80];
	v43, _, _ =	vpop (xrf1)  }
0x319: {  	v21 =	vmax.f32 v21, v22;
	v25 =	vld [tilespmem:s7+$0xFFFFFF90];
	vm9 =	vlt.u32 v40, $0x30;
	vm10 =	vlt.u32 v40, $0x70  }
0x31a: {  	vm11 =	vlt.u32 v40, $0x20;
	vm12 =	vlt.u32 v40, $0x40;
	vm13 =	vlt.u32 v40, $0x60;
	v23 =	vld [tilespmem:s7+$0xFFFFFFA0];
	v44, _, _ =	vpop (xrf1)  }
0x31b: {  	v22 =	vsel vm11, v26, v19;
	v21 =	vsel vm12, v21, v35;
	v16 =	vsel vm13, v37, v16;
	v20 =	vld [tilespmem:s7+$0xFFFFFFB0];
	v26, _, _ =	vpop (xrf1)  }
0x31c: {  	v21 =	vsel vm9, v22, v21;
	v16 =	vsel vm10, v16, v36;
	vm9 =	vlt.u32 v40, $0x50;
	[tilespmem:s19+$0x0] =	vst.add.f32.msk $0xffff, v39;
	v35, _, _ =	vpop (xrf1)  }
0x31d: {  	v37 =	vmin.f32 v41, v26;
	v16 =	vsel vm9, v21, v16;
	v45 =	vld [tilespmem:s5+$0x20];
	(v2sf) =	vpush v38, $0xF;
	v19, _, _ =	vpop (xrf1)  }
0x31e: {  	v36 =	vmax.f32 v41, v26;
	v22 =	vld [tilespmem:s7+$0xFFFFFFC0];
	v46 =	vmin.f32 v44, v19;
	v38, _, _ =	vpop (xrf1);
	(xrf1) =	vsort.ascd.msk.f32 $0xffff, v16, v16  }
0x31f: {  	v16 =	vmax.f32 v43, v35;
	v41 =	vmax.f32 v44, v19;
	v21 =	vld [tilespmem:s7+$0xFFFFFFD0];
	(xrf1) =	vsort.dscd.msk.f32 $0xffff, v25, v25  }
0x320: {  	v44 =	vmin.f32 v36, v41;
	v47 =	vmin.f32 v16, v38;
	v19 =	vld [tilespmem:s7+$0xFFFFFFD4];
	(xrf1) =	vsort.ascd.msk.f32 $0xffff, v32, v32  }
0x321: {  	v41 =	vmax.f32 v36, v41;
	v16 =	vmax.f32 v16, v38;
	v26 =	vld [tilespmem:s7+$0xFFFFFF80];
	(xrf1) =	vsort.dscd.msk.f32 $0xffff, v31, v31  }
0x322: {  	v43 =	vmin.f32 v43, v35;
	v48 =	vmax.f32 v37, v46;
	[tilespmem:s20+$0x0] =	vst.add.f32.msk $0xffff, v45;
	(xrf1) =	vsort.dscd.msk.f32 $0xffff, v30, v30  }
0x323: {  	v35 =	vmin.f32 v44, v47;
	v36 =	vmax.f32 v44, v47;
	v49 =	vld [tilespmem:s5+$0x30];
	(xrf1) =	vsort.ascd.msk.f32 $0xffff, v29, v29  }
0x324: {  	v38 =	vmin.f32 v41, v16;
	v44 =	vmin.f32 v48, v43;
	[tilespmem:s18+$0x0] =	vst.add.f32.msk $0xffff, v42;
	(xrf1) =	vsort.dscd.msk.f32 $0xffff, v28, v28  }
0x325: {  	v46 =	vmin.f32 v37, v46;
	v43 =	vmax.f32 v48, v43;
	v47 =	vld [tilespmem:s5+$0xFFFFFF90];
	v50 =	vsel vm0, $0xBF800000, v19;
	(xrf1) =	vsort.ascd.msk.f32 $0xffff, v24, v24  }
0x326: {  	v37 =	vmax.f32 v41, v16;
	(xrf1) =	vsort.ascd.msk.f32 $0xffff, v26, v26;
	[tilespmem:s25+$0x0] =	vst.add.f32.msk $0xffff, v34  }
0x327: {  	(xrf1) =	vsort.dscd.msk.f32 $0xffff, v23, v23;
	v16 =	vld [tilespmem:s3+$0xFFFFFF90]  }
0x328: {  	[tilespmem:s21+$0x0] =	vst.add.f32.msk $0xffff, v49;
	(xrf1) =	vsort.ascd.msk.f32 $0xffff, v20, v20  }
0x329: {  	v34 =	vld [tilespmem:s5+$0x40];
	(xrf1) =	vsort.dscd.msk.f32 $0xffff, v22, v22  }
0x32a: {  	v41 =	vadd.f32 v47, v42;
	(xrf1) =	vsort.ascd.msk.f32 $0xffff, v21, v21;
	[tilespmem:s24+$0x0] =	vst.add.f32.msk $0xffff, v27  }
0x32b: {  	(xrf1) =	vsort.ascd.msk.f32 $0xffff, v50, v50;
	v27 =	vld [tilespmem:s4+$0x0]  }
0x32c: {  	[tilespmem:s19+$0x0] =	vst.add.f32.msk $0xffff, v47;
	s8 =	spop (v2sf);
	v42, _, _ =	vpop (xrf1);
	v47 =	vnsel vm8, $0x0, v16  }
0x32d: {  	v48 =	vld [tilespmem:s5+$0xFFFFFFA0];
	v50, _, _ =	vpop (xrf1);
	s8 =	scvt.f32.s32 s8;
	v16 =	vperm.xlane v42, v40  }
0x32e: {  	[tilespmem:s22+$0x0] =	vst.add.f32.msk $0xffff, v34;
	v40, _, _ =	vpop (xrf1)  }
0x32f: {  	v42 =	vld [tilespmem:s5+$0x50];
	v51, _, _ =	vpop (xrf1);
	p1 =	sgt.s32 s8, $0x1;
	vm8 =	vge.f32 v14, v16;
	v14 =	vmov v32  }
0x330: {  	v32 =	vsel vm0, $0xBF800000, v9;
	v52, _, _ =	vpop (xrf1);
	s8 =	simm.s32 @!p1 $0x1;
	v27 =	vnsel vm8, $0x0, v27;
	[tilespmem:s26+$0x0] =	vst.add.f32.msk $0xffff, v47  }
0x331: {  	v33 =	vadd.f32 v39, v33;
	v39 =	vmin.f32 v40, v51;
	v47, _, _ =	vpop (xrf1);
	(xrf1) =	vsort.ascd.msk.f32 $0xffff, v32, v32;
	s8 =	smin.u32 s8, $0x64;
	[tilespmem:s25+$0x0] =	vst.add.f32.msk $0xffff, v27  }
0x332: {  	v27 =	vmax.f32 v40, v51;
	v41 =	vadd.f32 v48, v41;
	v40, _, _ =	vpop (xrf1);
	(xrf1) =	vsort.ascd.msk.f32 $0xffff, v39, v39;
	v32 =	vmov s8;
	v39 =	vld [tilespmem:s4+$0x10]  }
0x333: {  	v33 =	vadd.f32 v45, v33;
	v45 =	vmax.f32 v52, v47;
	[tilespmem:s20+$0x0] =	vst.add.f32.msk $0xffff, v48;
	v48, _, _ =	vpop (xrf1);
	(xrf1) =	vsort.ascd.msk.f32 $0xffff, v27, v27  }
0x334: {  	v32 =	vsub.s32 $0x80, v32;
	[tilespmem:s23+$0x0] =	vst.add.f32.msk $0xffff, v42;
	v27 =	vmin.f32 v40, v48;
	v51, _, _ =	vpop (xrf1);
	(xrf1) =	vsort.dscd.msk.f32 $0xffff, v45, v45  }
0x335: {  	v33 =	vadd.f32 v49, v33;
	v47 =	vmin.f32 v52, v47;
	v32 =	vbroadcast v32, $0x0;
	v45 =	vld [tilespmem:s5+$0x54];
	v49, _, _ =	vpop (xrf1);
	(xrf1) =	vsort.dscd.msk.f32 $0xffff, v27, v27  }
0x336: {  	vm8 =	vge.f32 v13, v16;
	v13 =	vmov v31;
	v27 =	vmin.f32 v51, v50;
	v52 =	vld [tilespmem:s5+$0xFFFFFFB0];
	v53, _, _ =	vpop (xrf1);
	(xrf1) =	vsort.dscd.msk.f32 $0xffff, v47, v47  }
0x337: {  	v54 =	vadd.f32 v34, v33;
	v33 =	vmax.f32 v40, v48;
	v34, _, _ =	vpop (xrf1);
	(xrf1) =	vsort.ascd.msk.f32 $0xffff, v27, v27;
	v27 =	vnsel vm8, $0x0, v39;
	v39 =	vld [tilespmem:s3+$0xFFFFFFA0]  }
0x338: {  	v40 =	vmax.f32 v51, v50;
	v47 =	vmin.f32 v49, v53;
	v48, _, _ =	vpop (xrf1);
	(xrf1) =	vsort.dscd.msk.f32 $0xffff, v33, v33;
	[tilespmem:s26+$0x0] =	vst.add.f32.msk $0xffff, v27  }
0x339: {  	v42 =	vadd.f32 v42, v54;
	v33 =	vmax.f32 v49, v53;
	v49 =	vmin.f32 v34, v48;
	v31, _, _ =	vpop (xrf1);
	v50 =	vld [tilespmem:s4+$0x20]  }
0x33a: {  	vm8 =	vlt.u32 v32, $0x20;
	v34 =	vmax.f32 v34, v48;
	v27 =	vsel vm0, $0x0, v45;
	(xrf1) =	vsort.ascd.msk.f32 $0xffff, v40, v40;
	v40 =	vld [tilespmem:s16+$0xFFFFFFD0]  }
0x33b: {  	[tilespmem:s21+$0x0] =	vst.add.f32.msk $0xffff, v52;
	v41 =	vadd.f32 v52, v41;
	v42 =	vadd.f32 v27, v42;
	(xrf1) =	vsort.dscd.msk.f32 $0xffff, v33, v33  }
0x33c: {  	vm9 =	vlt.u32 v32, $0x60;
	v44 =	vsel vm8, v46, v44;
	vm8 =	vlt.u32 v32, $0x40;
	v33 =	vld [tilespmem:s5+$0xFFFFFFC0];
	(xrf1) =	vsort.dscd.msk.f32 $0xffff, v47, v47  }
0x33d: {  	v36 =	vsel vm9, v36, v38;
	v35 =	vsel vm8, v43, v35;
	vm8 =	vge.f32 v12, v16;
	(xrf2) =	vadd.scan.msk.f32 $0xffff, v42  }
0x33e: {  	vm10 =	vlt.u32 v32, $0x70;
	vm9 =	vlt.u32 v32, $0x30;
	v12 =	vmovc v30;
	(xrf1) =	vsort.dscd.msk.f32 $0xffff, v49, v49;
	v38 =	vnsel vm8, $0x0, v50  }
0x33f: {  	(xrf1) =	vsort.dscd.msk.f32 $0xffff, v34, v34;
	v30, _, _ =	vpop (xrf1);
	v34 =	vsel vm9, v44, v35;
	v35 =	vsel vm10, v36, v37;
	[tilespmem:s28+$0x0] =	vst.add.f32.msk $0xffff, v38  }
0x340: {  	vm8 =	vlt.u32 v32, $0x50;
	v38 =	vnsel vm6, $0x0, v39;
	v39 =	vnsel vm2, $0x0, v40;
	v36, _, _ =	vpop (xrf1);
	v37 =	vld [tilespmem:s4+$0x30]  }
0x341: {  	vm2 =	vmmov vm7;
	v42 =	vsel vm8, v34, v35;
	[tilespmem:s22+$0x0] =	vst.add.f32.msk $0xffff, v33;
	v33 =	vadd.f32 v33, v41;
	v40, _, _ =	vpop (xrf1)  }
0x342: {  	v35 =	vld [tilespmem:s5+$0xFFFFFFD0];
	v41, _, _ =	vpop (xrf1);
	(xrf1) =	vsort.ascd.msk.f32 $0xffff, v42, v42  }
0x343: {  	v34, _, _ =	vpop (xrf1);
	[tilespmem:s28+$0x0] =	vst.add.f32.msk $0xffff, v38  }
0x344: {  	vm6 =	vge.f32 v11, v16;
	v11 =	vmov v29;
	v38 =	vmin.f32 v34, v30;
	v42, _, _ =	vpop (xrf1);
	v43 =	vld [tilespmem:s3+$0xFFFFFFB0]  }
0x345: {  	v29 =	vmin.f32 v36, v41;
	v44 =	vmin.f32 v40, v42;
	v45, _, _ =	vpop (xrf1);
	v37 =	vnsel vm6, $0x0, v37;
	[tilespmem:s31+$0x0] =	vst.add.f32.msk $0xffff, v39  }
0x346: {  	v47 =	vmin.f32 v29, v44;
	v46, _, _ =	vpop (xrf1);
	(xrf1) =	vsort.dscd.msk.f32 $0xffff, v38, v38;
	[tilespmem:s29+$0x0] =	vst.add.f32.msk $0xffff, v37  }
0x347: {  	v30 =	vmax.f32 v34, v30;
	v29 =	vmax.f32 v29, v44;
	v34, _, _ =	vpop (xrf2);
	(xrf1) =	vsort.ascd.msk.f32 $0xffff, v47, v47;
	v37 =	vld [tilespmem:s4+$0x40]  }
0x348: {  	v36 =	vmax.f32 v36, v41;
	v38 =	vmax.f32 v46, v30;
	v39, _, _ =	vpop (xrf1);
	(v2sf) =	vpush v34, $0xF;
	(xrf1) =	vsort.ascd.msk.f32 $0xffff, v29, v29;
	v29 =	vld [tilespmem:s16+$0xFFFFFFD4];
	s16 =	smov.u32 s3;
	s3 =	smov.u32 s4;
	s4 =	smov.u32 s5  }
0x349: {  	v30 =	vmin.f32 v46, v30;
	v34 =	vmax.f32 v40, v42;
	[tilespmem:s23+$0x0] =	vst.add.f32.msk $0xffff, v35;
	v40, _, _ =	vpop (xrf1);
	(xrf1) =	vsort.dscd.msk.f32 $0xffff, v38, v38  }
0x34a: {  	v33 =	vadd.f32 v35, v33;
	v44 =	vmin.f32 v36, v34;
	v35 =	vld [tilespmem:s5+$0xFFFFFFD4];
	v41, _, _ =	vpop (xrf1);
	(xrf1) =	vsort.dscd.msk.f32 $0xffff, v30, v30;
	v30 =	vnsel vm5, $0x0, v43  }
0x34b: {  	v42 =	vmin.f32 v45, v40;
	vm5 =	vge.f32 v15, v16;
	(xrf1) =	vsort.ascd.msk.f32 $0xffff, v44, v44;
	[tilespmem:s29+$0x0] =	vst.add.f32.msk $0xffff, v30  }
0x34c: {  	v40 =	vmax.f32 v45, v40;
	v15 =	vmin.f32 v39, v41;
	v38, _, _ =	vpop (xrf1);
	v30 =	vnsel vm5, $0x0, v37;
	v43 =	vld [tilespmem:s16+$0xFFFFFFC0]  }
0x34d: {  	v34 =	vmax.f32 v36, v34;
	v41 =	vmax.f32 v39, v41;
	v44 =	vmax.f32 v38, v31;
	v45, _, _ =	vpop (xrf1);
	[tilespmem:s30+$0x0] =	vst.add.f32.msk $0xffff, v30  }
.Ltmp1:
0x34e: {  	v46 =	vmin.f32 v42, v15;
	v42 =	vmax.f32 v42, v15;
	v29 =	vsel vm0, $0x0, v29;
	(xrf1) =	vsort.ascd.msk.f32 $0xffff, v34, v34;
	v30 =	vld [tilespmem:s3+$0x50];
	(pc) =	sbr.rel @p0 .LBB2_4-.Ltmp1, $4  }
0x34f: {  	v34 =	vmin.f32 v40, v41;
	v37 =	vmax.f32 v45, v44;
	v15 =	vmovc v28;
	v35 =	vsel vm0, $0x0, v35;
	[tilespmem:s0+$0x0] =	vst.add.f32.msk $0xffff, v18  }
0x350: {  	v36 =	vmin.f32 v38, v31;
	v38 =	vmin.f32 v45, v44;
	[tilespmem:s24+$0x0] =	vst.add.f32.msk $0xffff, v35;
	v39 =	vadd.f32 v35, v33;
	v18, _, _ =	vpop (xrf1)  }
0x351: {  	v35 =	vmax.f32 v40, v41;
	v33 =	vld [tilespmem:s5+$0xFFFFFF80];
	(xrf1) =	vsort.ascd.msk.f32 $0xffff, v46, v46;
	v28 =	vperm.xlane v18, v32;
	v18 =	vnsel vm3, $0x0, v43  }
0x352: {  	s7 =	sadd.s32 $0x100, s7;
	vm3 =	vge.f32 v10, v16;
	v10 =	vmovc v24;
	(xrf1) =	vsort.ascd.msk.f32 $0xffff, v42, v42;
	[tilespmem:s30+$0x0] =	vst.add.f32.msk $0xffff, v18;
	v18 =	vnsel vm4, $0x0, v29  }
0x353: {  	(xrf2) =	vadd.scan.msk.f32 $0xffff, v39;
	_ =	sdelay $0x9  }
0x354: {  	v24, _, _ =	vpop (xrf2)  }
0x355: {  	(v2sf) =	vpush v24, $0xF  }
0x356: {  	(xrf1) =	vsort.ascd.msk.f32 $0xffff, v34, v34;
	s5 =	spop (v2sf)  }
0x357: {  	(xrf1) =	vsort.dscd.msk.f32 $0xffff, v37, v37;
	s5 =	scvt.f32.s32 s5;
	v24, _, _ =	vpop (xrf1)  }
0x358: {  	(xrf1) =	vsort.dscd.msk.f32 $0xffff, v38, v38;
	v29, _, _ =	vpop (xrf1)  }
0x359: {  	(xrf1) =	vsort.dscd.msk.f32 $0xffff, v36, v36;
	p0 =	sgt.s32 s5, $0x1;
	v31, _, _ =	vpop (xrf1)  }
0x35a: {  	(xrf1) =	vsort.ascd.msk.f32 $0xffff, v35, v35;
	s5 =	simm.s32 @!p0 $0x1;
	v32, _, _ =	vpop (xrf1)  }
0x35b: {  	s5 =	smin.u32 s5, $0x64;
	v51, _, _ =	vpop (xrf1)  }
0x35c: {  	v58 =	vmov s5;
	v52 =	vmin.f32 v29, v32;
	v54, _, _ =	vpop (xrf1)  }
0x35d: {  	v29 =	vmax.f32 v29, v32;
	v55 =	vmin.f32 v54, v24;
	v24 =	vmax.f32 v54, v24  }
0x35e: {  	v53 =	vmin.f32 v31, v51;
	v31 =	vmax.f32 v31, v51;
	v57, _, _ =	vpop (xrf1);
	v32 =	vmin.f32 v29, v24  }
0x35f: {  	v56 =	vmin.f32 v52, v55;
	v40 =	vmin.f32 v31, v57;
	v24 =	vmax.f32 v29, v24  }
0x360: {  	v29 =	vsub.s32 $0x80, v58;
	v31 =	vmax.f32 v31, v57;
	v35 =	vmax.f32 v52, v55  }
0x361: {  	v29 =	vbroadcast v29, $0x0;
	v59 =	vmin.f32 v32, v40;
	v60 =	vmax.f32 v24, v31  }
0x362: {  	v61, _, _ =	vpop (xrf1);
	v32 =	vmax.f32 v32, v40;
	v24 =	vmin.f32 v24, v31;
	v31 =	vmin.f32 v35, v53  }
0x363: {  	v62, _, _ =	vpop (xrf1);
	v35 =	vmax.f32 v35, v53;
	vm4 =	vlt.u32 v29, $0x30;
	vm5 =	vlt.u32 v29, $0x70  }
0x364: {  	v63, _, _ =	vpop (xrf1);
	vm6 =	vlt.u32 v29, $0x20;
	vm7 =	vlt.u32 v29, $0x40;
	vm8 =	vlt.u32 v29, $0x60;
	s8 =	spop (v2sf)  }
0x365: {  	v41, _, _ =	vpop (xrf1);
	v31 =	vsel vm6, v56, v31;
	v43 =	vsel vm7, v35, v59;
	v24 =	vsel vm8, v32, v24;
	s5 =	scvt.f32.s32 s8  }
0x366: {  	v44, _, _ =	vpop (xrf1);
	v46 =	vmin.f32 v61, v41;
	v47 =	vmax.f32 v61, v41;
	v31 =	vsel vm4, v31, v43  }
0x367: {  	v24 =	vsel vm5, v24, v60;
	vm4 =	vlt.u32 v29, $0x50;
	v45, _, _ =	vpop (xrf1);
	v49 =	vmax.f32 v62, v44;
	p0 =	sgt.s32 s5, $0x1  }
0x368: {  	v32 =	vmin.f32 v62, v44;
	v24 =	vsel vm4, v31, v24;
	v48, _, _ =	vpop (xrf1);
	v34 =	vmax.f32 v63, v45;
	s5 =	simm.s32 @!p0 $0x1  }
0x369: {  	v31 =	vmin.f32 v63, v45;
	v36 =	vmin.f32 v47, v34;
	v50 =	vmin.f32 v49, v48;
	s5 =	smin.u32 s5, $0x64  }
0x36a: {  	v34 =	vmax.f32 v47, v34;
	v51 =	vmax.f32 v49, v48;
	v52 =	vmov s5  }
0x36b: {  	v53 =	vmax.f32 v46, v31;
	v31 =	vmin.f32 v46, v31;
	v38 =	vsub.s32 $0x80, v52  }
0x36c: {  	v54 =	vmin.f32 v36, v50;
	v36 =	vmax.f32 v36, v50;
	v38 =	vbroadcast v38, $0x0  }
0x36d: {  	v55 =	vmin.f32 v34, v51;
	v42 =	vmin.f32 v53, v32;
	v32 =	vmax.f32 v53, v32  }
0x36e: {  	v34 =	vmax.f32 v34, v51;
	vm4 =	vlt.u32 v38, $0x20;
	vm5 =	vlt.u32 v38, $0x40  }
0x36f: {  	(xrf1) =	vsort.ascd.msk.f32 $0xffff, v24, v24;
	v24 =	vsel vm4, v31, v42;
	vm4 =	vlt.u32 v38, $0x60;
	v31 =	vsel vm5, v32, v54  }
0x370: {  	vm5 =	vlt.u32 v38, $0x70;
	v56 =	vsel vm4, v36, v55;
	vm4 =	vlt.u32 v38, $0x30  }
0x371: {  	v24 =	vsel vm4, v24, v31;
	v31 =	vsel vm5, v56, v34;
	vm4 =	vlt.u32 v38, $0x50  }
0x372: {  	v24 =	vsel vm4, v24, v31  }
0x373: {  	(xrf1) =	vsort.ascd.msk.f32 $0xffff, v24, v24;
	_ =	sdelay $0x7  }
0x374: {  	[tilespmem:s24+$0x0] =	vst.add.f32.msk $0xffff, v27  }
0x375: {  	v24 =	vld [tilespmem:s4+$0x0]  }
0x376: {  	v27, _, _ =	vpop (xrf1)  }
0x377: {  	v27 =	vperm.xlane v27, v29;
	_ =	sdelay $0x1  }
0x378: {  	vm4 =	vge.f32 v14, v27  }
0x379: {  	v14 =	vnsel vm4, $0x0, v24;
	v24, _, _ =	vpop (xrf1)  }
0x37a: {  	vm4 =	vge.f32 v8, v28;
	[tilespmem:s25+$0x0] =	vst.add.f32.msk $0xffff, v14;
	v8 =	vperm.xlane v24, v38  }
0x37b: {  	v14 =	vnsel vm4, $0x0, v17;
	v17 =	vld [tilespmem:s4+$0x10]  }
0x37c: {  	[tilespmem:s25+$0x0] =	vst.add.f32.msk $0xffff, v14;
	vm4 =	vge.f32 v26, v8  }
0x37d: {  	v14 =	vld [tilespmem:s3+$0xFFFFFF90];
	v24 =	vnsel vm4, $0x0, v33  }
0x37e: {  	[tilespmem:s25+$0x0] =	vst.add.f32.msk $0xffff, v24  }
0x37f: {  	v24 =	vnsel vm3, $0x0, v30;
	vm3 =	vge.f32 v13, v27;
	v13 =	vld [tilespmem:s4+$0xFFFFFF90]  }
0x380: {  	[tilespmem:s31+$0x0] =	vst.add.f32.msk $0xffff, v24;
	v17 =	vnsel vm3, $0x0, v17  }
0x381: {  	vm3 =	vge.f32 v4, v28;
	[tilespmem:s26+$0x0] =	vst.add.f32.msk $0xffff, v17  }
0x382: {  	v4 =	vnsel vm3, $0x0, v14;
	v14 =	vld [tilespmem:s4+$0x20]  }
0x383: {  	vm3 =	vge.f32 v25, v8;
	[tilespmem:s26+$0x0] =	vst.add.f32.msk $0xffff, v4  }
0x384: {  	v4 =	vld [tilespmem:s3+$0xFFFFFFA0];
	v13 =	vnsel vm3, $0x0, v13  }
0x385: {  	[tilespmem:s26+$0x0] =	vst.add.f32.msk $0xffff, v13  }
0x386: {  	vm3 =	vge.f32 v12, v27;
	v12 =	vld [tilespmem:s4+$0xFFFFFFA0]  }
0x387: {  	v13 =	vld [tilespmem:s3+$0x54];
	v14 =	vnsel vm3, $0x0, v14  }
0x388: {  	vm3 =	vge.f32 v7, v28;
	[tilespmem:s28+$0x0] =	vst.add.f32.msk $0xffff, v14  }
0x389: {  	v4 =	vnsel vm3, $0x0, v4;
	v7 =	vld [tilespmem:s4+$0x30]  }
0x38a: {  	vm3 =	vge.f32 v23, v8;
	[tilespmem:s28+$0x0] =	vst.add.f32.msk $0xffff, v4  }
0x38b: {  	v4 =	vld [tilespmem:s3+$0xFFFFFFB0];
	v12 =	vnsel vm3, $0x0, v12  }
0x38c: {  	[tilespmem:s28+$0x0] =	vst.add.f32.msk $0xffff, v12  }
0x38d: {  	vm3 =	vge.f32 v11, v27;
	v11 =	vld [tilespmem:s4+$0xFFFFFFB0]  }
0x38e: {  	v12 =	vld [tilespmem:s16+$0xFFFFFFD0];
	v7 =	vnsel vm3, $0x0, v7  }
0x38f: {  	vm3 =	vge.f32 v5, v28;
	[tilespmem:s29+$0x0] =	vst.add.f32.msk $0xffff, v7  }
0x390: {  	v4 =	vnsel vm3, $0x0, v4;
	v5 =	vld [tilespmem:s4+$0x40]  }
0x391: {  	vm3 =	vge.f32 v20, v8;
	[tilespmem:s29+$0x0] =	vst.add.f32.msk $0xffff, v4  }
0x392: {  	v4 =	vld [tilespmem:s3+$0xFFFFFFC0];
	v7 =	vnsel vm3, $0x0, v11  }
0x393: {  	[tilespmem:s29+$0x0] =	vst.add.f32.msk $0xffff, v7  }
0x394: {  	v7 =	vnsel vm2, $0x0, v12;
	vm2 =	vge.f32 v15, v27;
	v11 =	vld [tilespmem:s4+$0xFFFFFFC0]  }
0x395: {  	[tilespmem:s31+$0x0] =	vst.add.f32.msk $0xffff, v7;
	v5 =	vnsel vm2, $0x0, v5  }
0x396: {  	vm2 =	vge.f32 v6, v28;
	[tilespmem:s30+$0x0] =	vst.add.f32.msk $0xffff, v5  }
0x397: {  	v4 =	vnsel vm2, $0x0, v4;
	v5 =	vld [tilespmem:s4+$0x50]  }
0x398: {  	vm2 =	vge.f32 v22, v8;
	[tilespmem:s30+$0x0] =	vst.add.f32.msk $0xffff, v4  }
0x399: {  	v4 =	vld [tilespmem:s3+$0xFFFFFFD0];
	v6 =	vnsel vm2, $0x0, v11  }
0x39a: {  	[tilespmem:s30+$0x0] =	vst.add.f32.msk $0xffff, v6  }
0x39b: {  	vm2 =	vge.f32 v10, v27;
	v6 =	vld [tilespmem:s4+$0xFFFFFFD0]  }
0x39c: {  	vm3 =	vge.f32 v3, v28;
	v3 =	vld [tilespmem:s16+$0xFFFFFFD4];
	v5 =	vnsel vm2, $0x0, v5  }
0x39d: {  	vm2 =	vmmov vm3;
	[tilespmem:s31+$0x0] =	vst.add.f32.msk $0xffff, v5  }
0x39e: {  	vm3 =	vge.f32 v21, v8;
	v4 =	vnsel vm2, $0x0, v4;
	v5 =	vld [tilespmem:s4+$0x54]  }
0x39f: {  	vm2 =	vmmov vm3;
	[tilespmem:s31+$0x0] =	vst.add.f32.msk $0xffff, v4  }
0x3a0: {  	v4 =	vld [tilespmem:s3+$0xFFFFFFD4];
	v6 =	vnsel vm2, $0x0, v6  }
0x3a1: {  	[tilespmem:s31+$0x0] =	vst.add.f32.msk $0xffff, v6  }
0x3a2: {  	vm3 =	vge.f32 v1, v16;
	vm2 =	vge.f32 v2, v28;
	v2 =	vsel vm0, $0x0, v13;
	v1 =	vld [tilespmem:s4+$0xFFFFFFD4]  }
0x3a3: {  	vm1 =	vmmov vm1;
	vm2 =	vmmov vm2;
	v2 =	vnsel vm3, $0x0, v2  }
0x3a4: {  	vm3 =	vge.f32 v9, v27;
	[tilespmem:s0+$0x0] =	vst.add.f32.msk $0xffff, v2;
	v2 =	vsel vm0, $0x0, v3;
	v3 =	vsel vm0, $0x0, v5  }
0x3a5: {  	[tilespmem:s0+$0x0] =	vst.add.f32.msk $0xffff, v18;
	v2 =	vnsel vm1, $0x0, v2;
	vm1 =	vge.f32 v19, v8;
	v3 =	vnsel vm3, $0x0, v3  }
0x3a6: {  	vm2 =	vmmov vm2;
	vm1 =	vmmov vm1;
	[tilespmem:s0+$0x0] =	vst.add.f32.msk $0xffff, v3;
	v3 =	vsel vm0, $0x0, v4  }
0x3a7: {  	[tilespmem:s0+$0x0] =	vst.add.f32.msk $0xffff, v2;
	v2 =	vnsel vm2, $0x0, v3;
	vm1 =	vmmov vm1;
	v1 =	vsel vm0, $0x0, v1  }
0x3a8: {  	[tilespmem:s0+$0x0] =	vst.add.f32.msk $0xffff, v2;
	v1 =	vnsel vm1, $0x0, v1  }
0x3a9: {  	s5 =	simm.s32 $0x8000;
	[tilespmem:s0+$0x0] =	vst.add.f32.msk $0xffff, v1  }
0x3aa: {  	[tilespmem:s5], [sflag:$0x2] =	stream.linear.gather [hbm4b:s9+s2], $0x4000, $0x38;
	[tilespmem:$0x10100] =	vst v63  }
0x3ab: {  	s6 =	simm.s32 $0xC000  }
0x3ac: {  	[tilespmem:s6], [sflag:$0x2] =	stream.linear.gather [hbm4b:s10+s2], $0x4000, $0x38;
	[tilespmem:$0x10100] =	vst v63  }
0x3ad: {  	_ =	swait.ge [sflag:s17], $0x4000  }
0x3ae: {  	[sflag:s17] =	ssyncset.done $0x0  }
0x3af: {  	[sflag:s17] =	ssyncadd.s32 $0xFFFFC000  }
0x3b0: {  	_ =	swait.ge [sflag:s17], $0x4000  }
0x3b1: {  	[sflag:s17] =	ssyncset.done $0x0  }
0x3b2: {  	s7 =	simm.s32 $0x80;
	[sflag:s17] =	ssyncadd.s32 $0xFFFFC000  }
0x3b3: {  	v5 =	vld [tilespmem:s7+$0x0]  }
0x3b4: {  	v4 =	vld [tilespmem:s7+$0x10]  }
0x3b5: {  	s4 =	simm.s32 $0x4080;
	v3 =	vld [tilespmem:s7+$0x20]  }
0x3b6: {  	v6 =	vld [tilespmem:s4+$0x0]  }
0x3b7: {  	v2 =	vld [tilespmem:s7+$0x30]  }
0x3b8: {  	v1 =	vld [tilespmem:s7+$0x40]  }
0x3b9: {  	v14 =	vld [tilespmem:s7+$0x50]  }
0x3ba: {  	v9 =	vld [tilespmem:s7+$0x54]  }
0x3bb: {  	[tilespmem:s18+$0x0] =	vst.add.f32.msk $0xffff, v6  }
0x3bc: {  	v7 =	vld [tilespmem:s4+$0x10];
	_ =	sdelay $0x2  }
0x3bd: {  	v15 =	vld [tilespmem:s7+$0xFFFFFF90];
	_ =	sdelay $0x1  }
0x3be: {  	[tilespmem:s19+$0x0] =	vst.add.f32.msk $0xffff, v7  }
0x3bf: {  	v12 =	vld [tilespmem:s4+$0x20];
	_ =	sdelay $0x1  }
0x3c0: {  	v8 =	vld [tilespmem:s4+$0xFFFFFF80];
	(xrf1) =	vsort.dscd.msk.f32 $0xffff, v15, v15  }
0x3c1: {  	v19 =	vld [tilespmem:s7+$0xFFFFFFA0];
	(xrf1) =	vsort.ascd.msk.f32 $0xffff, v5, v5  }
0x3c2: {  	v20 =	vld [tilespmem:s7+$0xFFFFFF80];
	(xrf1) =	vsort.dscd.msk.f32 $0xffff, v4, v4  }
0x3c3: {  	(xrf1) =	vsort.dscd.msk.f32 $0xffff, v3, v3;
	[tilespmem:s20+$0x0] =	vst.add.f32.msk $0xffff, v12  }
0x3c4: {  	(xrf1) =	vsort.ascd.msk.f32 $0xffff, v2, v2;
	v13 =	vld [tilespmem:s4+$0x30]  }
0x3c5: {  	v11 =	vld [tilespmem:s7+$0xFFFFFFB0];
	(xrf1) =	vsort.dscd.msk.f32 $0xffff, v1, v1  }
0x3c6: {  	v10 =	vld [tilespmem:s7+$0xFFFFFFC0];
	(xrf1) =	vsort.ascd.msk.f32 $0xffff, v14, v14  }
0x3c7: {  	v17 =	vld [tilespmem:s7+$0xFFFFFFD0]  }
0x3c8: {  	v16 =	vld [tilespmem:s7+$0xFFFFFFD4];
	(xrf1) =	vsort.ascd.msk.f32 $0xffff, v20, v20  }
0x3c9: {  	[tilespmem:s21+$0x0] =	vst.add.f32.msk $0xffff, v13  }
0x3ca: {  	(xrf1) =	vsort.dscd.msk.f32 $0xffff, v19, v19;
	v21 =	vld [tilespmem:s4+$0x40]  }
0x3cb: {  	[tilespmem:s18+$0x0] =	vst.add.f32.msk $0xffff, v8;
	(xrf1) =	vsort.ascd.msk.f32 $0xffff, v11, v11  }
0x3cc: {  	v18 =	vld [tilespmem:s4+$0xFFFFFF90]  }
0x3cd: {  	(xrf1) =	vsort.dscd.msk.f32 $0xffff, v10, v10  }
0x3ce: {  	v22 =	vsel vm0, $0xBF800000, v16;
	(xrf1) =	vsort.ascd.msk.f32 $0xffff, v17, v17;
	v23, _, _ =	vpop (xrf1)  }
0x3cf: {  	(xrf1) =	vsort.ascd.msk.f32 $0xffff, v22, v22;
	v24, _, _ =	vpop (xrf1);
	[tilespmem:s22+$0x0] =	vst.add.f32.msk $0xffff, v21  }
0x3d0: {  	v26, _, _ =	vpop (xrf1);
	v25 =	vld [tilespmem:s4+$0x50]  }
0x3d1: {  	v27 =	vsel vm0, $0xBF800000, v9;
	[tilespmem:s19+$0x0] =	vst.add.f32.msk $0xffff, v18;
	v28, _, _ =	vpop (xrf1)  }
0x3d2: {  	v6 =	vadd.f32 v7, v6;
	v22 =	vld [tilespmem:s4+$0xFFFFFFA0];
	(xrf1) =	vsort.ascd.msk.f32 $0xffff, v27, v27;
	v7 =	vmin.f32 v24, v26;
	v29, _, _ =	vpop (xrf1)  }
0x3d3: {  	v24 =	vmax.f32 v24, v26;
	(xrf1) =	vsort.ascd.msk.f32 $0xffff, v7, v7;
	v26, _, _ =	vpop (xrf1)  }
0x3d4: {  	v6 =	vadd.f32 v12, v6;
	v7 =	vmax.f32 v28, v29;
	(xrf1) =	vsort.ascd.msk.f32 $0xffff, v24, v24;
	v12, _, _ =	vpop (xrf1)  }
0x3d5: {  	(xrf1) =	vsort.dscd.msk.f32 $0xffff, v7, v7;
	v24 =	vmin.f32 v26, v12;
	[tilespmem:s23+$0x0] =	vst.add.f32.msk $0xffff, v25  }
0x3d6: {  	v6 =	vadd.f32 v13, v6;
	v13, _, _ =	vpop (xrf1);
	(xrf1) =	vsort.dscd.msk.f32 $0xffff, v24, v24;
	v7 =	vld [tilespmem:s4+$0x54]  }
0x3d7: {  	[tilespmem:s20+$0x0] =	vst.add.f32.msk $0xffff, v22;
	v27 =	vmin.f32 v28, v29  }
0x3d8: {  	v24 =	vld [tilespmem:s4+$0xFFFFFFB0];
	v28, _, _ =	vpop (xrf1);
	v29 =	vmin.f32 v13, v23;
	(xrf1) =	vsort.dscd.msk.f32 $0xffff, v27, v27;
	v6 =	vadd.f32 v21, v6  }
0x3d9: {  	v12 =	vmax.f32 v26, v12;
	v21, _, _ =	vpop (xrf1);
	(xrf1) =	vsort.ascd.msk.f32 $0xffff, v29, v29  }
0x3da: {  	v13 =	vmax.f32 v13, v23;
	v6 =	vadd.f32 v25, v6  }
0x3db: {  	v26, _, _ =	vpop (xrf1);
	(xrf1) =	vsort.dscd.msk.f32 $0xffff, v12, v12;
	v7 =	vsel vm0, $0x0, v7  }
0x3dc: {  	v23 =	vmax.f32 v28, v21;
	v12, _, _ =	vpop (xrf1);
	(xrf1) =	vsort.ascd.msk.f32 $0xffff, v13, v13;
	v6 =	vadd.f32 v7, v6  }
0x3dd: {  	v13, _, _ =	vpop (xrf1);
	[tilespmem:s21+$0x0] =	vst.add.f32.msk $0xffff, v24;
	(xrf1) =	vsort.dscd.msk.f32 $0xffff, v23, v23  }
0x3de: {  	v23 =	vld [tilespmem:s4+$0xFFFFFFC0];
	(xrf2) =	vadd.scan.msk.f32 $0xffff, v6;
	_ =	sdelay $0x1  }
0x3df: {  	v21 =	vmin.f32 v28, v21;
	v6, _, _ =	vpop (xrf1)  }
0x3e0: {  	v25, _, _ =	vpop (xrf1)  }
0x3e1: {  	v27, _, _ =	vpop (xrf1)  }
0x3e2: {  	v28 =	vmin.f32 v26, v12;
	v12 =	vmax.f32 v26, v12;
	(xrf1) =	vsort.dscd.msk.f32 $0xffff, v21, v21;
	v21, _, _ =	vpop (xrf1)  }
0x3e3: {  	v26, _, _ =	vpop (xrf1)  }
0x3e4: {  	(xrf1) =	vsort.dscd.msk.f32 $0xffff, v28, v28;
	v28 =	vmin.f32 v26, v6  }
0x3e5: {  	(xrf1) =	vsort.dscd.msk.f32 $0xffff, v12, v12;
	v12, _, _ =	vpop (xrf1)  }
0x3e6: {  	v29 =	vmin.f32 v25, v21;
	v30 =	vmin.f32 v27, v12;
	v31, _, _ =	vpop (xrf1)  }
0x3e7: {  	(xrf1) =	vsort.dscd.msk.f32 $0xffff, v28, v28;
	v57 =	vmin.f32 v29, v30;
	v28, _, _ =	vpop (xrf2)  }
0x3e8: {  	v6 =	vmax.f32 v26, v6;
	v58, _, _ =	vpop (xrf1);
	v29 =	vmax.f32 v29, v30;
	(xrf1) =	vsort.ascd.msk.f32 $0xffff, v57, v57;
	(v2sf) =	vpush v28, $0xF  }
0x3e9: {  	v21 =	vmax.f32 v25, v21;
	v25 =	vmax.f32 v58, v6;
	(xrf1) =	vsort.ascd.msk.f32 $0xffff, v29, v29  }
0x3ea: {  	v12 =	vmax.f32 v27, v12;
	v6 =	vmin.f32 v58, v6;
	(xrf1) =	vsort.dscd.msk.f32 $0xffff, v25, v25  }
0x3eb: {  	v25 =	vmin.f32 v21, v12;
	(xrf1) =	vsort.dscd.msk.f32 $0xffff, v6, v6  }
0x3ec: {  	(xrf1) =	vsort.ascd.msk.f32 $0xffff, v25, v25  }
0x3ed: {  	v8 =	vadd.f32 v18, v8;
	[tilespmem:s22+$0x0] =	vst.add.f32.msk $0xffff, v23;
	v12 =	vmax.f32 v21, v12  }
0x3ee: {  	v6 =	vld [tilespmem:s4+$0xFFFFFFD0];
	(xrf1) =	vsort.ascd.msk.f32 $0xffff, v12, v12  }
0x3ef: {  	v8 =	vadd.f32 v22, v8  }
0x3f0: {  	v12, _, _ =	vpop (xrf1)  }
0x3f1: {  	v8 =	vadd.f32 v24, v8;
	v18, _, _ =	vpop (xrf1)  }
0x3f2: {  	v22, _, _ =	vpop (xrf1)  }
0x3f3: {  	v8 =	vadd.f32 v23, v8;
	[tilespmem:s23+$0x0] =	vst.add.f32.msk $0xffff, v6;
	v24, _, _ =	vpop (xrf1)  }
0x3f4: {  	s16 =	simm.s32 $0x4180;
	v21 =	vld [tilespmem:s4+$0xFFFFFFD4];
	v25, _, _ =	vpop (xrf1)  }
0x3f5: {  	s8 =	simm.s32 $0x180;
	v63 =	vld [tilespmem:s16+$0x0];
	v8 =	vadd.f32 v6, v8;
	v6 =	vmin.f32 v31, v18;
	v27 =	vmin.f32 v12, v22;
	v28, _, _ =	vpop (xrf1)  }
0x3f6: {  	v23 =	vld [tilespmem:s8+$0x10];
	v18 =	vmax.f32 v31, v18;
	v12 =	vmax.f32 v12, v22;
	v29 =	vmax.f32 v24, v13;
	v30, _, _ =	vpop (xrf1)  }
0x3f7: {  	v26 =	vld [tilespmem:s8+$0x0];
	v31 =	vmin.f32 v6, v27;
	v27 =	vmax.f32 v6, v27;
	v60 =	vmin.f32 v18, v12;
	v59, _, _ =	vpop (xrf1);
	s6 =	spop (v2sf)  }
0x3f8: {  	v22 =	vld [tilespmem:s8+$0x20];
	v24 =	vmin.f32 v24, v13;
	v61 =	vmax.f32 v25, v29;
	(xrf1) =	vsort.ascd.msk.f32 $0xffff, v31, v31;
	v62, _, _ =	vpop (xrf1);
	s5 =	scvt.f32.s32 s6  }
0x3f9: {  	v13 =	vld [tilespmem:s8+$0x40];
	v25 =	vmin.f32 v25, v29;
	v29 =	vmax.f32 v18, v12;
	(xrf1) =	vsort.ascd.msk.f32 $0xffff, v27, v27;
	v6 =	vsel vm0, $0x0, v21;
	v18, _, _ =	vpop (xrf1)  }
0x3fa: {  	v12 =	vld [tilespmem:s8+$0x50];
	v8 =	vadd.f32 v6, v8;
	v31 =	vmin.f32 v30, v62;
	v30 =	vmax.f32 v30, v62;
	v50, _, _ =	vpop (xrf1);
	p0 =	sgt.s32 s5, $0x1  }
0x3fb: {  	v21 =	vld [tilespmem:s8+$0x30];
	v49 =	vmin.f32 v59, v18;
	v51 =	vmin.f32 v50, v28;
	v28 =	vmax.f32 v50, v28;
	s5 =	simm.s32 @!p0 $0x1  }
0x3fc: {  	v32 =	vmax.f32 v59, v18;
	v18 =	vld [tilespmem:s8+$0x54];
	v53, _, _ =	vpop (xrf1);
	v35 =	vmin.f32 v30, v28;
	v52 =	vmin.f32 v31, v51;
	s5 =	smin.u32 s5, $0x64  }
0x3fd: {  	[tilespmem:s18+$0x0] =	vst.add.f32.msk $0xffff, v63;
	v55 =	vmin.f32 v32, v53;
	v28 =	vmax.f32 v30, v28;
	v54 =	vmov s5  }
0x3fe: {  	(xrf1) =	vsort.ascd.msk.f32 $0xffff, v60, v60;
	v56 =	vld [tilespmem:s16+$0x10];
	v30 =	vmax.f32 v32, v53;
	v31 =	vmax.f32 v31, v51;
	v27 =	vsub.s32 $0x80, v54  }
0x3ff: {  	(xrf2) =	vadd.scan.msk.f32 $0xffff, v8;
	v32 =	vmax.f32 v28, v30;
	v8 =	vmax.f32 v35, v55;
	v40 =	vbroadcast v27, $0x0  }
0x400: {  	v30 =	vmin.f32 v28, v30;
	v57 =	vmin.f32 v31, v49;
	v31 =	vmax.f32 v31, v49  }
0x401: {  	(xrf1) =	vsort.dscd.msk.f32 $0xffff, v61, v61;
	v27 =	vmin.f32 v35, v55;
	vm1 =	vlt.u32 v40, $0x30;
	vm2 =	vlt.u32 v40, $0x70  }
0x402: {  	(xrf1) =	vsort.dscd.msk.f32 $0xffff, v25, v25;
	v28 =	vld [tilespmem:s8+$0xFFFFFF90];
	vm3 =	vlt.u32 v40, $0x20;
	vm4 =	vlt.u32 v40, $0x40;
	vm5 =	vlt.u32 v40, $0x60  }
0x403: {  	[tilespmem:s19+$0x0] =	vst.add.f32.msk $0xffff, v56;
	v25 =	vsel vm3, v52, v57;
	v27 =	vsel vm4, v31, v27;
	v8 =	vsel vm5, v8, v30  }
0x404: {  	(xrf1) =	vsort.dscd.msk.f32 $0xffff, v24, v24;
	v24 =	vsel vm1, v25, v27;
	v8 =	vsel vm2, v8, v32;
	vm1 =	vlt.u32 v40, $0x50;
	v25 =	vld [tilespmem:s16+$0x20]  }
0x405: {  	(xrf1) =	vsort.ascd.msk.f32 $0xffff, v29, v29;
	v8 =	vsel vm1, v24, v8  }
0x406: {  	(xrf1) =	vsort.ascd.msk.f32 $0xffff, v8, v8  }
0x407: {  	(xrf1) =	vsort.dscd.msk.f32 $0xffff, v28, v28  }
0x408: {  	v33 =	vld [tilespmem:s8+$0xFFFFFF80];
	(xrf1) =	vsort.ascd.msk.f32 $0xffff, v26, v26  }
0x409: {  	(xrf1) =	vsort.dscd.msk.f32 $0xffff, v23, v23;
	[tilespmem:s20+$0x0] =	vst.add.f32.msk $0xffff, v25  }
0x40a: {  	v24, _, _ =	vpop (xrf2);
	(xrf1) =	vsort.dscd.msk.f32 $0xffff, v22, v22;
	v34 =	vld [tilespmem:s16+$0x30]  }
0x40b: {  	[tilespmem:s24+$0x0] =	vst.add.f32.msk $0xffff, v7;
	(v2sf) =	vpush v24, $0xF;
	(xrf1) =	vsort.ascd.msk.f32 $0xffff, v21, v21  }
0x40c: {  	v30 =	vld [tilespmem:s8+$0xFFFFFFA0];
	(xrf1) =	vsort.dscd.msk.f32 $0xffff, v13, v13  }
0x40d: {  	v29, _, _ =	vpop (xrf1);
	v31 =	vld [tilespmem:s8+$0xFFFFFFB0];
	(xrf1) =	vsort.ascd.msk.f32 $0xffff, v12, v12  }
0x40e: {  	v35, _, _ =	vpop (xrf1);
	v32 =	vld [tilespmem:s8+$0xFFFFFFC0]  }
0x40f: {  	v58, _, _ =	vpop (xrf1);
	(xrf1) =	vsort.ascd.msk.f32 $0xffff, v33, v33;
	[tilespmem:s21+$0x0] =	vst.add.f32.msk $0xffff, v34  }
0x410: {  	v59, _, _ =	vpop (xrf1);
	v41 =	vld [tilespmem:s16+$0x40]  }
0x411: {  	v42, _, _ =	vpop (xrf1);
	v27 =	vld [tilespmem:s8+$0xFFFFFFD0]  }
0x412: {  	v36 =	vadd.f32 v56, v63;
	v45 =	vmin.f32 v29, v59;
	v29 =	vmax.f32 v29, v59;
	v43, _, _ =	vpop (xrf1);
	v24 =	vld [tilespmem:s8+$0xFFFFFFD4]  }
0x413: {  	v60 =	vmax.f32 v35, v42;
	v35 =	vmin.f32 v35, v42;
	v8 =	vld [tilespmem:s16+$0xFFFFFF80];
	v44, _, _ =	vpop (xrf1);
	(xrf1) =	vsort.dscd.msk.f32 $0xffff, v30, v30  }
0x414: {  	v62 =	vld [tilespmem:s4+$0x0];
	v46 =	vmin.f32 v58, v43;
	v37 =	vmax.f32 v58, v43;
	(xrf1) =	vsort.ascd.msk.f32 $0xffff, v31, v31;
	v47, _, _ =	vpop (xrf1)  }
0x415: {  	v48 =	vmin.f32 v29, v37;
	v36 =	vadd.f32 v25, v36;
	(xrf1) =	vsort.dscd.msk.f32 $0xffff, v32, v32;
	v38, _, _ =	vpop (xrf1);
	[tilespmem:s22+$0x0] =	vst.add.f32.msk $0xffff, v41  }
0x416: {  	v7 =	vsel vm0, $0xBF800000, v18;
	v51 =	vmin.f32 v60, v44;
	(xrf1) =	vsort.ascd.msk.f32 $0xffff, v27, v27;
	v25 =	vperm.xlane v47, v40;
	v49, _, _ =	vpop (xrf1);
	v50 =	vld [tilespmem:s16+$0x50]  }
0x417: {  	v37 =	vmax.f32 v29, v37;
	v52 =	vsel vm0, $0xBF800000, v24;
	v34 =	vadd.f32 v34, v36;
	v53, _, _ =	vpop (xrf1)  }
0x418: {  	v43 =	vmax.f32 v60, v44;
	[tilespmem:s18+$0x0] =	vst.add.f32.msk $0xffff, v8;
	(xrf1) =	vsort.ascd.msk.f32 $0xffff, v52, v52;
	vm1 =	vge.f32 v5, v25;
	v61, _, _ =	vpop (xrf1)  }
0x419: {  	v29 =	vld [tilespmem:s16+$0xFFFFFF90];
	(xrf1) =	vsort.ascd.msk.f32 $0xffff, v7, v7;
	v34 =	vadd.f32 v41, v34;
	v63 =	vmin.f32 v49, v53;
	v39 =	vnsel vm1, $0x0, v62;
	v54, _, _ =	vpop (xrf1)  }
0x41a: {  	v41 =	vmin.f32 v48, v51;
	s7 =	spop (v2sf);
	v7 =	vmax.f32 v49, v53;
	(xrf1) =	vsort.ascd.msk.f32 $0xffff, v63, v63;
	[tilespmem:s25+$0x0] =	vst.add.f32.msk $0xffff, v39;
	v56, _, _ =	vpop (xrf1)  }
0x41b: {  	s3 =	scvt.f32.s32 s7;
	v62 =	vmax.f32 v45, v46;
	v57 =	vmax.f32 v61, v54;
	(xrf1) =	vsort.ascd.msk.f32 $0xffff, v7, v7;
	v58, _, _ =	vpop (xrf1);
	[tilespmem:s23+$0x0] =	vst.add.f32.msk $0xffff, v50  }
0x41c: {  	v53 =	vmax.f32 v48, v51;
	(xrf1) =	vsort.dscd.msk.f32 $0xffff, v57, v57;
	v7 =	vmin.f32 v56, v58;
	v59 =	vld [tilespmem:s16+$0x54]  }
0x41d: {  	v45 =	vmin.f32 v45, v46;
	v60 =	vmin.f32 v61, v54;
	p0 =	sgt.s32 s3, $0x1;
	v63 =	vld [tilespmem:s4+$0x10];
	v5, _, _ =	vpop (xrf1);
	(xrf1) =	vsort.dscd.msk.f32 $0xffff, v7, v7  }
0x41e: {  	vm1 =	vge.f32 v4, v25;
	s3 =	simm.s32 @!p0 $0x1;
	v61 =	vmin.f32 v5, v38;
	(xrf1) =	vsort.dscd.msk.f32 $0xffff, v60, v60  }
0x41f: {  	v55 =	vmin.f32 v62, v35;
	v35 =	vmax.f32 v62, v35;
	s3 =	smin.u32 s3, $0x64;
	(xrf1) =	vsort.ascd.msk.f32 $0xffff, v61, v61  }
0x420: {  	[tilespmem:s19+$0x0] =	vst.add.f32.msk $0xffff, v29;
	v34 =	vadd.f32 v50, v34;
	v52 =	vmax.f32 v56, v58;
	v57 =	vmov s3  }
0x421: {  	v54 =	vmin.f32 v37, v43;
	v7 =	vld [tilespmem:s16+$0xFFFFFFA0];
	v56, _, _ =	vpop (xrf1);
	v40 =	vsub.s32 $0x80, v57;
	(xrf1) =	vsort.dscd.msk.f32 $0xffff, v52, v52;
	v39 =	vsel vm0, $0x0, v59  }
0x422: {  	v58, _, _ =	vpop (xrf1);
	v40 =	vbroadcast v40, $0x0;
	v42 =	vnsel vm1, $0x0, v63;
	v34 =	vadd.f32 v39, v34  }
0x423: {  	v37 =	vmax.f32 v37, v43;
	v5 =	vmax.f32 v5, v38;
	v4, _, _ =	vpop (xrf1);
	v60 =	vmin.f32 v56, v58;
	[tilespmem:s26+$0x0] =	vst.add.f32.msk $0xffff, v42  }
0x424: {  	v61 =	vmax.f32 v56, v58;
	v59, _, _ =	vpop (xrf1);
	v63 =	vld [tilespmem:s4+$0x20];
	vm1 =	vlt.u32 v40, $0x20;
	vm2 =	vlt.u32 v40, $0x40;
	(xrf2) =	vadd.scan.msk.f32 $0xffff, v34  }
0x425: {  	v62 =	vmin.f32 v4, v59;
	v36 =	vsel vm1, v45, v55;
	vm1 =	vlt.u32 v40, $0x60  }
0x426: {  	[tilespmem:s20+$0x0] =	vst.add.f32.msk $0xffff, v7;
	v46, _, _ =	vpop (xrf1);
	v35 =	vsel vm2, v35, v41;
	v52 =	vsel vm1, v53, v54;
	vm1 =	vlt.u32 v40, $0x30  }
0x427: {  	(xrf1) =	vsort.ascd.msk.f32 $0xffff, v5, v5;
	v4 =	vmax.f32 v4, v59;
	vm2 =	vlt.u32 v40, $0x70;
	v5, _, _ =	vpop (xrf1);
	v34 =	vld [tilespmem:s16+$0xFFFFFFB0];
	v35 =	vsel vm1, v36, v35  }
0x428: {  	(xrf1) =	vsort.dscd.msk.f32 $0xffff, v61, v61;
	v53 =	vsel vm2, v52, v37;
	vm1 =	vlt.u32 v40, $0x50;
	vm2 =	vge.f32 v3, v25;
	v38, _, _ =	vpop (xrf1)  }
0x429: {  	(xrf1) =	vsort.dscd.msk.f32 $0xffff, v60, v60;
	v3 =	vsel vm1, v35, v53;
	v55 =	vnsel vm2, $0x0, v63;
	v42, _, _ =	vpop (xrf1)  }
0x42a: {  	(xrf1) =	vsort.dscd.msk.f32 $0xffff, v62, v62;
	[tilespmem:s28+$0x0] =	vst.add.f32.msk $0xffff, v55;
	v54, _, _ =	vpop (xrf1)  }
0x42b: {  	(xrf1) =	vsort.dscd.msk.f32 $0xffff, v4, v4;
	v63 =	vld [tilespmem:s4+$0x30];
	v4, _, _ =	vpop (xrf1)  }
0x42c: {  	(xrf1) =	vsort.ascd.msk.f32 $0xffff, v3, v3;
	[tilespmem:s21+$0x0] =	vst.add.f32.msk $0xffff, v34;
	v3, _, _ =	vpop (xrf1)  }
0x42d: {  	v56 =	vld [tilespmem:s16+$0xFFFFFFC0];
	v58 =	vmin.f32 v38, v54;
	v57 =	vmin.f32 v4, v5;
	v59 =	vmin.f32 v42, v3;
	v60, _, _ =	vpop (xrf1)  }
0x42e: {  	vm1 =	vge.f32 v2, v25;
	(xrf1) =	vsort.dscd.msk.f32 $0xffff, v57, v57;
	v61 =	vmin.f32 v58, v59;
	v62, _, _ =	vpop (xrf2)  }
0x42f: {  	v4 =	vmax.f32 v4, v5;
	v52, _, _ =	vpop (xrf1);
	v43 =	vmax.f32 v58, v59;
	(xrf1) =	vsort.ascd.msk.f32 $0xffff, v61, v61;
	(v2sf) =	vpush v62, $0xF  }
0x430: {  	v5 =	vmax.f32 v38, v54;
	v2 =	vnsel vm1, $0x0, v63;
	v53 =	vmax.f32 v52, v4;
	(xrf1) =	vsort.ascd.msk.f32 $0xffff, v43, v43  }
0x431: {  	v3 =	vmax.f32 v42, v3;
	[tilespmem:s29+$0x0] =	vst.add.f32.msk $0xffff, v2;
	v4 =	vmin.f32 v52, v4;
	(xrf1) =	vsort.dscd.msk.f32 $0xffff, v53, v53  }
0x432: {  	v54 =	vmin.f32 v5, v3;
	[tilespmem:s22+$0x0] =	vst.add.f32.msk $0xffff, v56;
	(xrf1) =	vsort.dscd.msk.f32 $0xffff, v4, v4  }
0x433: {  	v3 =	vmax.f32 v5, v3;
	v2 =	vld [tilespmem:s4+$0x40];
	(xrf1) =	vsort.ascd.msk.f32 $0xffff, v54, v54  }
0x434: {  	v4 =	vadd.f32 v29, v8;
	v8 =	vld [tilespmem:s16+$0xFFFFFFD0]  }
0x435: {  	(xrf1) =	vsort.ascd.msk.f32 $0xffff, v3, v3  }
0x436: {  	v4 =	vadd.f32 v7, v4;
	v3, _, _ =	vpop (xrf1)  }
0x437: {  	v5, _, _ =	vpop (xrf1)  }
0x438: {  	[tilespmem:s24+$0x0] =	vst.add.f32.msk $0xffff, v6;
	vm1 =	vge.f32 v1, v25;
	v4 =	vadd.f32 v34, v4;
	v7, _, _ =	vpop (xrf1)  }
0x439: {  	v2 =	vnsel vm1, $0x0, v2;
	[tilespmem:s23+$0x0] =	vst.add.f32.msk $0xffff, v8;
	v55, _, _ =	vpop (xrf1)  }
0x43a: {  	s3 =	simm.s32 $0x4280;
	v4 =	vadd.f32 v56, v4;
	v29 =	vld [tilespmem:s16+$0xFFFFFFD4];
	v1, _, _ =	vpop (xrf1)  }
0x43b: {  	v47 =	vld [tilespmem:s3+$0x0];
	v41, _, _ =	vpop (xrf1)  }
0x43c: {  	[tilespmem:s30+$0x0] =	vst.add.f32.msk $0xffff, v2;
	v6 =	vmin.f32 v60, v5;
	v5 =	vmax.f32 v60, v5;
	v4 =	vadd.f32 v8, v4;
	v2, _, _ =	vpop (xrf1)  }
0x43d: {  	s8 =	simm.s32 $0x280;
	[tilespmem:s24+$0x0] =	vst.add.f32.msk $0xffff, v39;
	v8 =	vmin.f32 v3, v7;
	v3 =	vmax.f32 v3, v7;
	v7 =	vmax.f32 v55, v46;
	v57, _, _ =	vpop (xrf1)  }
0x43e: {  	v37 =	vld [tilespmem:s8+$0x10];
	v46 =	vmin.f32 v55, v46;
	v56 =	vmin.f32 v6, v8;
	v6 =	vmax.f32 v6, v8;
	v59, _, _ =	vpop (xrf1);
	s6 =	spop (v2sf)  }
0x43f: {  	v36 =	vld [tilespmem:s8+$0x20];
	v58 =	vmin.f32 v5, v3;
	v60 =	vmax.f32 v1, v7;
	(xrf1) =	vsort.ascd.msk.f32 $0xffff, v56, v56;
	v8 =	vsel vm0, $0x0, v29;
	v29, _, _ =	vpop (xrf1);
	s6 =	scvt.f32.s32 s6  }
0x440: {  	v35 =	vld [tilespmem:s8+$0x30];
	v7 =	vmin.f32 v1, v7;
	v3 =	vmax.f32 v5, v3;
	(xrf1) =	vsort.ascd.msk.f32 $0xffff, v6, v6;
	v1, _, _ =	vpop (xrf1)  }
0x441: {  	v38 =	vld [tilespmem:s8+$0x0];
	v4 =	vadd.f32 v8, v4;
	v5 =	vmin.f32 v57, v29;
	v42 =	vmax.f32 v57, v29;
	v61, _, _ =	vpop (xrf1);
	p0 =	sgt.s32 s6, $0x1  }
0x442: {  	v34 =	vld [tilespmem:s8+$0x40];
	v6 =	vmin.f32 v59, v1;
	v62 =	vmin.f32 v61, v2;
	s6 =	simm.s32 @!p0 $0x1;
	v2 =	vmax.f32 v61, v2  }
0x443: {  	[tilespmem:s24+$0x0] =	vst.add.f32.msk $0xffff, v8;
	v44 =	vmax.f32 v59, v1;
	v63, _, _ =	vpop (xrf1);
	s6 =	smin.u32 s6, $0x64;
	v48 =	vmin.f32 v42, v2;
	v50 =	vmin.f32 v5, v62  }
0x444: {  	(xrf1) =	vsort.ascd.msk.f32 $0xffff, v58, v58;
	v29 =	vld [tilespmem:s8+$0x50];
	v57 =	vmin.f32 v44, v63;
	v2 =	vmax.f32 v42, v2;
	v56 =	vmov s6  }
0x445: {  	(xrf1) =	vsort.dscd.msk.f32 $0xffff, v60, v60;
	v1 =	vld [tilespmem:s8+$0x54];
	v59 =	vmax.f32 v44, v63;
	v5 =	vmax.f32 v5, v62;
	v58 =	vsub.s32 $0x80, v56  }
0x446: {  	[tilespmem:s18+$0x0] =	vst.add.f32.msk $0xffff, v47;
	v60 =	vmin.f32 v48, v57;
	v61 =	vmax.f32 v2, v59;
	v42 =	vbroadcast v58, $0x0  }
0x447: {  	v45 =	vld [tilespmem:s3+$0x10];
	v48 =	vmax.f32 v48, v57;
	v2 =	vmin.f32 v2, v59;
	v62 =	vmin.f32 v5, v6  }
0x448: {  	v51 =	vld [tilespmem:s4+$0xFFFFFF80];
	(xrf2) =	vadd.scan.msk.f32 $0xffff, v4;
	v5 =	vmax.f32 v5, v6;
	vm1 =	vlt.u32 v42, $0x30;
	vm2 =	vlt.u32 v42, $0x70  }
0x449: {  	v43 =	vld [tilespmem:s3+$0xFFFFFF80];
	(xrf1) =	vsort.dscd.msk.f32 $0xffff, v7, v7;
	vm3 =	vlt.u32 v42, $0x20;
	vm4 =	vlt.u32 v42, $0x40;
	vm5 =	vlt.u32 v42, $0x60  }
0x44a: {  	v4 =	vld [tilespmem:s8+$0xFFFFFF90];
	v6 =	vsel vm3, v50, v62;
	v5 =	vsel vm4, v5, v60;
	v2 =	vsel vm5, v48, v2  }
0x44b: {  	v8 =	vld [tilespmem:s8+$0xFFFFFF80];
	(xrf1) =	vsort.dscd.msk.f32 $0xffff, v46, v46;
	v5 =	vsel vm1, v6, v5;
	v2 =	vsel vm2, v2, v61;
	vm1 =	vlt.u32 v42, $0x50  }
0x44c: {  	(xrf1) =	vsort.ascd.msk.f32 $0xffff, v3, v3;
	[tilespmem:s19+$0x0] =	vst.add.f32.msk $0xffff, v45;
	v2 =	vsel vm1, v5, v2  }
0x44d: {  	v46 =	vld [tilespmem:s3+$0x20];
	(xrf1) =	vsort.ascd.msk.f32 $0xffff, v2, v2  }
0x44e: {  	v7 =	vld [tilespmem:s8+$0xFFFFFFA0]  }
0x44f: {  	v3 =	vld [tilespmem:s8+$0xFFFFFFD0];
	(xrf1) =	vsort.dscd.msk.f32 $0xffff, v4, v4  }
0x450: {  	v6 =	vld [tilespmem:s8+$0xFFFFFFC0];
	(xrf1) =	vsort.ascd.msk.f32 $0xffff, v38, v38  }
0x451: {  	v5 =	vld [tilespmem:s8+$0xFFFFFFB0];
	(xrf1) =	vsort.dscd.msk.f32 $0xffff, v37, v37  }
0x452: {  	[tilespmem:s20+$0x0] =	vst.add.f32.msk $0xffff, v46;
	(xrf1) =	vsort.dscd.msk.f32 $0xffff, v36, v36  }
0x453: {  	v48 =	vld [tilespmem:s3+$0x30];
	v2, _, _ =	vpop (xrf2);
	(xrf1) =	vsort.ascd.msk.f32 $0xffff, v35, v35  }
0x454: {  	v63, _, _ =	vpop (xrf1);
	(v2sf) =	vpush v2, $0xF;
	v2 =	vld [tilespmem:s8+$0xFFFFFFD4];
	(xrf1) =	vsort.dscd.msk.f32 $0xffff, v34, v34  }
0x455: {  	v40 =	vperm.xlane v41, v40;
	v50, _, _ =	vpop (xrf1);
	[tilespmem:s18+$0x0] =	vst.add.f32.msk $0xffff, v43;
	(xrf1) =	vsort.ascd.msk.f32 $0xffff, v29, v29  }
0x456: {  	v60, _, _ =	vpop (xrf1);
	v44 =	vld [tilespmem:s3+$0xFFFFFF90];
	(xrf1) =	vsort.ascd.msk.f32 $0xffff, v8, v8  }
0x457: {  	vm2 =	vge.f32 v15, v40;
	v15 =	vld [tilespmem:s16+$0x0];
	v61, _, _ =	vpop (xrf1);
	(xrf1) =	vsort.dscd.msk.f32 $0xffff, v7, v7  }
0x458: {  	vm1 =	vge.f32 v20, v40;
	v41, _, _ =	vpop (xrf1);
	[tilespmem:s21+$0x0] =	vst.add.f32.msk $0xffff, v48;
	(xrf1) =	vsort.ascd.msk.f32 $0xffff, v5, v5  }
0x459: {  	vm3 =	vge.f32 v14, v25;
	v14 =	vnsel vm1, $0x0, v51;
	v56, _, _ =	vpop (xrf1);
	v55 =	vld [tilespmem:s3+$0x40];
	(xrf1) =	vsort.dscd.msk.f32 $0xffff, v6, v6  }
0x45a: {  	[tilespmem:s25+$0x0] =	vst.add.f32.msk $0xffff, v14;
	v20, _, _ =	vpop (xrf1);
	v14 =	vsel vm0, $0xBF800000, v2;
	(xrf1) =	vsort.ascd.msk.f32 $0xffff, v3, v3  }
0x45b: {  	vm1 =	vge.f32 v19, v40;
	[tilespmem:s19+$0x0] =	vst.add.f32.msk $0xffff, v44;
	(xrf1) =	vsort.ascd.msk.f32 $0xffff, v14, v14;
	v14 =	vsel vm0, $0xBF800000, v1;
	v19, _, _ =	vpop (xrf1)  }
0x45c: {  	(xrf1) =	vsort.ascd.msk.f32 $0xffff, v14, v14;
	v14 =	vld [tilespmem:s3+$0xFFFFFFA0];
	v39 =	vperm.xlane v19, v42  }
0x45d: {  	v52 =	vld [tilespmem:s4+$0x50];
	v57, _, _ =	vpop (xrf1)  }
0x45e: {  	v51 =	vmin.f32 v63, v61;
	v49 =	vmax.f32 v63, v61;
	[tilespmem:s22+$0x0] =	vst.add.f32.msk $0xffff, v55;
	v62, _, _ =	vpop (xrf1);
	vm4 =	vge.f32 v26, v39  }
0x45f: {  	v53 =	vmax.f32 v60, v56;
	v54 =	vld [tilespmem:s3+$0x50];
	v19 =	vmin.f32 v60, v56;
	v58, _, _ =	vpop (xrf1);
	v15 =	vnsel vm4, $0x0, v15  }
0x460: {  	v26 =	vadd.f32 v45, v47;
	v47 =	vmax.f32 v49, v53;
	v45, _, _ =	vpop (xrf1);
	v63 =	vmin.f32 v62, v58;
	[tilespmem:s25+$0x0] =	vst.add.f32.msk $0xffff, v15  }
0x461: {  	v42 =	vmax.f32 v62, v58;
	v62 =	vmax.f32 v50, v41;
	v60, _, _ =	vpop (xrf1);
	(xrf1) =	vsort.ascd.msk.f32 $0xffff, v63, v63;
	[tilespmem:s20+$0x0] =	vst.add.f32.msk $0xffff, v14  }
0x462: {  	v50 =	vmin.f32 v50, v41;
	(xrf1) =	vsort.ascd.msk.f32 $0xffff, v42, v42;
	v42 =	vmin.f32 v49, v53;
	v49 =	vld [tilespmem:s16+$0x10];
	v15, _, _ =	vpop (xrf1)  }
0x463: {  	v26 =	vadd.f32 v46, v26;
	v61 =	vmax.f32 v45, v60;
	v45 =	vmin.f32 v45, v60;
	v58 =	vld [tilespmem:s3+$0xFFFFFFB0];
	v53, _, _ =	vpop (xrf1)  }
0x464: {  	s7 =	spop (v2sf);
	[tilespmem:s23+$0x0] =	vst.add.f32.msk $0xffff, v54;
	v60 =	vmin.f32 v62, v20;
	(xrf1) =	vsort.dscd.msk.f32 $0xffff, v61, v61;
	v63 =	vmin.f32 v15, v53  }
0x465: {  	s5 =	scvt.f32.s32 s7;
	v20 =	vmax.f32 v62, v20;
	v26 =	vadd.f32 v48, v26;
	v61 =	vld [tilespmem:s3+$0x54];
	(xrf1) =	vsort.dscd.msk.f32 $0xffff, v63, v63  }
0x466: {  	v62 =	vnsel vm3, $0x0, v52;
	vm3 =	vge.f32 v23, v39;
	v56 =	vmax.f32 v42, v60;
	v63 =	vld [tilespmem:s4+$0xFFFFFF90];
	(xrf1) =	vsort.dscd.msk.f32 $0xffff, v45, v45;
	v45, _, _ =	vpop (xrf1)  }
0x467: {  	p0 =	sgt.s32 s5, $0x1;
	[tilespmem:s31+$0x0] =	vst.add.f32.msk $0xffff, v62;
	v26 =	vadd.f32 v55, v26;
	v55 =	vmin.f32 v42, v60;
	v23 =	vmin.f32 v45, v57  }
0x468: {  	s5 =	simm.s32 @!p0 $0x1;
	v15 =	vmax.f32 v15, v53;
	[tilespmem:s21+$0x0] =	vst.add.f32.msk $0xffff, v58;
	(xrf1) =	vsort.ascd.msk.f32 $0xffff, v23, v23;
	v23 =	vnsel vm3, $0x0, v49  }
0x469: {  	v60 =	vmax.f32 v51, v19;
	s5 =	smin.u32 s5, $0x64;
	[tilespmem:s26+$0x0] =	vst.add.f32.msk $0xffff, v23;
	v23 =	vadd.f32 v54, v26;
	(xrf1) =	vsort.dscd.msk.f32 $0xffff, v15, v15  }
0x46a: {  	v19 =	vmin.f32 v51, v19;
	v62 =	vmov s5;
	v41 =	vsel vm0, $0x0, v61;
	v51 =	vld [tilespmem:s3+$0xFFFFFFC0]  }
0x46b: {  	v54 =	vsub.s32 $0x80, v62;
	v15 =	vld [tilespmem:s16+$0x20];
	v61 =	vnsel vm2, $0x0, v63;
	v63, _, _ =	vpop (xrf1);
	v23 =	vadd.f32 v41, v23  }
0x46c: {  	v49 =	vmin.f32 v60, v50;
	v42 =	vbroadcast v54, $0x0;
	[tilespmem:s26+$0x0] =	vst.add.f32.msk $0xffff, v61;
	v59, _, _ =	vpop (xrf1)  }
0x46d: {  	v50 =	vmax.f32 v60, v50;
	vm2 =	vge.f32 v22, v39;
	v60, _, _ =	vpop (xrf1);
	v22 =	vld [tilespmem:s4+$0xFFFFFFA0];
	(xrf2) =	vadd.scan.msk.f32 $0xffff, v23;
	v23 =	vmax.f32 v45, v57  }
0x46e: {  	v26 =	vmin.f32 v47, v20;
	vm3 =	vlt.u32 v42, $0x60;
	v62, _, _ =	vpop (xrf1)  }
0x46f: {  	v20 =	vmax.f32 v47, v20;
	[tilespmem:s22+$0x0] =	vst.add.f32.msk $0xffff, v51;
	v26 =	vsel vm3, v56, v26;
	vm3 =	vlt.u32 v42, $0x70;
	v53, _, _ =	vpop (xrf1)  }
0x470: {  	(xrf1) =	vsort.ascd.msk.f32 $0xffff, v23, v23;
	v20 =	vsel vm3, v26, v20;
	v26 =	vld [tilespmem:s3+$0xFFFFFFD0];
	v15 =	vnsel vm2, $0x0, v15;
	vm2 =	vlt.u32 v42, $0x20;
	v23, _, _ =	vpop (xrf1)  }
0x471: {  	v61 =	vmin.f32 v63, v59;
	v46 =	vmax.f32 v63, v59;
	[tilespmem:s28+$0x0] =	vst.add.f32.msk $0xffff, v15;
	v15 =	vsel vm2, v19, v49;
	v19, _, _ =	vpop (xrf1)  }
0x472: {  	v63 =	vmin.f32 v60, v62;
	(xrf1) =	vsort.dscd.msk.f32 $0xffff, v46, v46;
	vm2 =	vlt.u32 v42, $0x40;
	v22 =	vnsel vm1, $0x0, v22;
	v56, _, _ =	vpop (xrf1)  }
0x473: {  	v47 =	vmax.f32 v60, v62;
	(xrf1) =	vsort.dscd.msk.f32 $0xffff, v61, v61;
	v54 =	vld [tilespmem:s16+$0x30];
	v55 =	vsel vm2, v50, v55;
	vm2 =	vlt.u32 v42, $0x30;
	v57, _, _ =	vpop (xrf1)  }
0x474: {  	(xrf1) =	vsort.dscd.msk.f32 $0xffff, v63, v63;
	vm1 =	vge.f32 v21, v39;
	v15 =	vsel vm2, v15, v55;
	vm2 =	vlt.u32 v42, $0x50;
	v59, _, _ =	vpop (xrf1)  }
0x475: {  	(xrf1) =	vsort.dscd.msk.f32 $0xffff, v47, v47;
	[tilespmem:s28+$0x0] =	vst.add.f32.msk $0xffff, v22;
	v15 =	vsel vm2, v15, v20;
	v20 =	vmin.f32 v59, v23;
	v22, _, _ =	vpop (xrf1)  }
0x476: {  	[tilespmem:s23+$0x0] =	vst.add.f32.msk $0xffff, v26;
	(xrf1) =	vsort.ascd.msk.f32 $0xffff, v15, v15;
	v21 =	vmin.f32 v19, v57;
	v60 =	vmin.f32 v56, v22;
	v61, _, _ =	vpop (xrf1)  }
0x477: {  	v15 =	vld [tilespmem:s4+$0xFFFFFFB0];
	v19 =	vmax.f32 v19, v57;
	(xrf1) =	vsort.dscd.msk.f32 $0xffff, v20, v20;
	v62 =	vmin.f32 v21, v60;
	v63, _, _ =	vpop (xrf1)  }
0x478: {  	v23 =	vmax.f32 v59, v23;
	v46 =	vnsel vm1, $0x0, v54;
	v21 =	vmax.f32 v21, v60;
	v20, _, _ =	vpop (xrf2);
	(xrf1) =	vsort.ascd.msk.f32 $0xffff, v62, v62  }
0x479: {  	[tilespmem:s29+$0x0] =	vst.add.f32.msk $0xffff, v46;
	v54 =	vmax.f32 v63, v23;
	(v2sf) =	vpush v20, $0xF;
	(xrf1) =	vsort.ascd.msk.f32 $0xffff, v21, v21  }
0x47a: {  	v22 =	vmax.f32 v56, v22;
	v23 =	vmin.f32 v63, v23;
	v20 =	vld [tilespmem:s16+$0x40];
	(xrf1) =	vsort.dscd.msk.f32 $0xffff, v54, v54  }
0x47b: {  	v55 =	vld [tilespmem:s3+$0xFFFFFFD4];
	vm1 =	vge.f32 v11, v40;
	(xrf1) =	vsort.dscd.msk.f32 $0xffff, v23, v23;
	v23 =	vadd.f32 v44, v43  }
0x47c: {  	v11 =	vmin.f32 v19, v22;
	v21 =	vld [tilespmem:s4+$0x54];
	v15 =	vnsel vm1, $0x0, v15;
	vm1 =	vge.f32 v13, v39  }
0x47d: {  	[tilespmem:s29+$0x0] =	vst.add.f32.msk $0xffff, v15;
	(xrf1) =	vsort.ascd.msk.f32 $0xffff, v11, v11;
	v11 =	vmax.f32 v19, v22;
	v13 =	vadd.f32 v14, v23  }
0x47e: {  	v15 =	vld [tilespmem:s4+$0xFFFFFFC0]  }
0x47f: {  	(xrf1) =	vsort.ascd.msk.f32 $0xffff, v11, v11;
	v14 =	vnsel vm1, $0x0, v20  }
0x480: {  	v11, _, _ =	vpop (xrf1);
	[tilespmem:s30+$0x0] =	vst.add.f32.msk $0xffff, v14  }
0x481: {  	vm1 =	vge.f32 v9, v25;
	v14 =	vsel vm0, $0x0, v21;
	v9 =	vadd.f32 v58, v13;
	v19 =	vld [tilespmem:s16+$0x50];
	v13, _, _ =	vpop (xrf1)  }
0x482: {  	v45 =	vld [tilespmem:s16+$0xFFFFFF80];
	v14 =	vnsel vm1, $0x0, v14;
	vm1 =	vge.f32 v10, v40;
	v20, _, _ =	vpop (xrf1)  }
0x483: {  	s5 =	simm.s32 $0x4380;
	v21 =	vsel vm0, $0x0, v55;
	[tilespmem:s0+$0x0] =	vst.add.f32.msk $0xffff, v14;
	v9 =	vadd.f32 v51, v9;
	v14 =	vnsel vm1, $0x0, v15;
	v10, _, _ =	vpop (xrf1)  }
0x484: {  	v44 =	vld [tilespmem:s5+$0x0];
	vm1 =	vge.f32 v12, v39;
	v15 =	vmin.f32 v61, v13;
	v23 =	vmax.f32 v61, v13;
	v22, _, _ =	vpop (xrf1)  }
0x485: {  	[tilespmem:s24+$0x0] =	vst.add.f32.msk $0xffff, v21;
	v9 =	vadd.f32 v26, v9;
	v12 =	vmin.f32 v11, v20;
	v11 =	vmax.f32 v11, v20;
	v46, _, _ =	vpop (xrf1)  }
0x486: {  	s8 =	simm.s32 $0x380;
	[tilespmem:s30+$0x0] =	vst.add.f32.msk $0xffff, v14;
	v20 =	vmax.f32 v10, v53;
	v25 =	vmin.f32 v15, v12;
	v13 =	vnsel vm1, $0x0, v19;
	v19, _, _ =	vpop (xrf1)  }
0x487: {  	v14 =	vld [tilespmem:s8+$0x0];
	v15 =	vmax.f32 v15, v12;
	v56 =	vmin.f32 v23, v11;
	v57 =	vmax.f32 v22, v20;
	v26, _, _ =	vpop (xrf1)  }
0x488: {  	v12 =	vld [tilespmem:s8+$0x20];
	v9 =	vadd.f32 v21, v9;
	v21 =	vmin.f32 v10, v53;
	(xrf1) =	vsort.ascd.msk.f32 $0xffff, v25, v25;
	v58, _, _ =	vpop (xrf1);
	s7 =	spop (v2sf)  }
0x489: {  	v20 =	vmin.f32 v22, v20;
	v22 =	vmax.f32 v23, v11;
	v11 =	vld [tilespmem:s8+$0x30];
	(xrf1) =	vsort.ascd.msk.f32 $0xffff, v15, v15;
	v10, _, _ =	vpop (xrf1);
	s7 =	scvt.f32.s32 s7  }
0x48a: {  	[tilespmem:s31+$0x0] =	vst.add.f32.msk $0xffff, v13;
	(xrf1) =	vsort.ascd.msk.f32 $0xffff, v56, v56;
	v23, _, _ =	vpop (xrf1)  }
0x48b: {  	v13 =	vld [tilespmem:s8+$0x10];
	(xrf1) =	vsort.dscd.msk.f32 $0xffff, v57, v57;
	v25 =	vmin.f32 v26, v10;
	v26 =	vmax.f32 v26, v10;
	v59, _, _ =	vpop (xrf1);
	p0 =	sgt.s32 s7, $0x1  }
0x48c: {  	v15 =	vld [tilespmem:s8+$0x40];
	v49 =	vmin.f32 v58, v23;
	v60 =	vmin.f32 v59, v19;
	s7 =	simm.s32 @!p0 $0x1;
	v19 =	vmax.f32 v59, v19  }
0x48d: {  	(xrf2) =	vadd.scan.msk.f32 $0xffff, v9;
	v9 =	vld [tilespmem:s8+$0x54];
	v23 =	vmax.f32 v58, v23;
	v63, _, _ =	vpop (xrf1);
	s7 =	smin.u32 s7, $0x64;
	v61 =	vmin.f32 v26, v19;
	v62 =	vmin.f32 v25, v60  }
0x48e: {  	(xrf1) =	vsort.dscd.msk.f32 $0xffff, v20, v20;
	v10 =	vld [tilespmem:s8+$0x50];
	v57 =	vmin.f32 v23, v63;
	v19 =	vmax.f32 v26, v19;
	v56 =	vmov s7  }
0x48f: {  	[tilespmem:s18+$0x0] =	vst.add.f32.msk $0xffff, v44;
	v23 =	vmax.f32 v23, v63;
	v58 =	vmax.f32 v25, v60;
	v26 =	vsub.s32 $0x80, v56  }
0x490: {  	(xrf1) =	vsort.dscd.msk.f32 $0xffff, v21, v21;
	v50 =	vld [tilespmem:s5+$0x10];
	v59 =	vmax.f32 v19, v23;
	v48 =	vmax.f32 v61, v57;
	v53 =	vbroadcast v26, $0x0  }
0x491: {  	v43 =	vld [tilespmem:s5+$0xFFFFFF80];
	v19 =	vmin.f32 v19, v23;
	v60 =	vmin.f32 v58, v49;
	v21 =	vmax.f32 v58, v49  }
0x492: {  	v20 =	vld [tilespmem:s8+$0xFFFFFFB0];
	v26 =	vmin.f32 v61, v57;
	vm1 =	vlt.u32 v53, $0x30;
	vm2 =	vlt.u32 v53, $0x70  }
0x493: {  	(xrf1) =	vsort.ascd.msk.f32 $0xffff, v22, v22;
	v25 =	vld [tilespmem:s8+$0xFFFFFF90];
	vm3 =	vlt.u32 v53, $0x20;
	vm4 =	vlt.u32 v53, $0x40;
	vm5 =	vlt.u32 v53, $0x60  }
0x494: {  	v23 =	vld [tilespmem:s8+$0xFFFFFFA0];
	v22 =	vsel vm3, v62, v60;
	v21 =	vsel vm4, v21, v26;
	v19 =	vsel vm5, v48, v19  }
0x495: {  	[tilespmem:s19+$0x0] =	vst.add.f32.msk $0xffff, v50;
	v21 =	vsel vm1, v22, v21;
	v19 =	vsel vm2, v19, v59;
	vm1 =	vlt.u32 v53, $0x50  }
0x496: {  	v47 =	vld [tilespmem:s5+$0x20];
	v19 =	vsel vm1, v21, v19  }
0x497: {  	v26 =	vld [tilespmem:s8+$0xFFFFFF80];
	(xrf1) =	vsort.ascd.msk.f32 $0xffff, v19, v19  }
0x498: {  	v22 =	vld [tilespmem:s8+$0xFFFFFFC0]  }
0x499: {  	vm13 =	vge.f32 v16, v40;
	v42 =	vperm.xlane v46, v42;
	v21 =	vld [tilespmem:s8+$0xFFFFFFD0];
	(xrf1) =	vsort.dscd.msk.f32 $0xffff, v25, v25  }
0x49a: {  	vm6 =	vmmov vm13;
	v61, _, _ =	vpop (xrf2);
	v19 =	vld [tilespmem:s8+$0xFFFFFFD4];
	(xrf1) =	vsort.ascd.msk.f32 $0xffff, v14, v14  }
0x49b: {  	vm13 =	vge.f32 v24, v42;
	(v2sf) =	vpush v61, $0xF;
	v62, _, _ =	vpop (xrf1);
	[tilespmem:s20+$0x0] =	vst.add.f32.msk $0xffff, v47;
	(xrf1) =	vsort.dscd.msk.f32 $0xffff, v13, v13  }
0x49c: {  	v44 =	vadd.f32 v50, v44;
	v63, _, _ =	vpop (xrf1);
	vm1 =	vge.f32 v33, v42;
	v48 =	vld [tilespmem:s5+$0x30];
	(xrf1) =	vsort.dscd.msk.f32 $0xffff, v12, v12  }
0x49d: {  	vm5 =	vge.f32 v17, v40;
	v55, _, _ =	vpop (xrf1);
	[tilespmem:s18+$0x0] =	vst.add.f32.msk $0xffff, v43;
	v17 =	vnsel vm1, $0x0, v45;
	(xrf1) =	vsort.ascd.msk.f32 $0xffff, v11, v11  }
0x49e: {  	vm4 =	vge.f32 v31, v42;
	vm3 =	vge.f32 v32, v42;
	v56, _, _ =	vpop (xrf1);
	v51 =	vld [tilespmem:s5+$0xFFFFFF90];
	(xrf1) =	vsort.dscd.msk.f32 $0xffff, v15, v15  }
0x49f: {  	vm2 =	vge.f32 v28, v42;
	vm1 =	vge.f32 v30, v42;
	v16, _, _ =	vpop (xrf1);
	[tilespmem:s25+$0x0] =	vst.add.f32.msk $0xffff, v17;
	(xrf1) =	vsort.ascd.msk.f32 $0xffff, v10, v10  }
0x4a0: {  	v44 =	vadd.f32 v47, v44;
	v30 =	vmin.f32 v62, v56;
	v31 =	vmax.f32 v62, v56;
	v28 =	vld [tilespmem:s16+$0xFFFFFF90];
	v17, _, _ =	vpop (xrf1)  }
0x4a1: {  	v59 =	vmax.f32 v63, v16;
	v57 =	vmax.f32 v55, v17;
	[tilespmem:s21+$0x0] =	vst.add.f32.msk $0xffff, v48;
	(xrf1) =	vsort.ascd.msk.f32 $0xffff, v26, v26  }
0x4a2: {  	v61 =	vmin.f32 v63, v16;
	v17 =	vmin.f32 v55, v17;
	v58, _, _ =	vpop (xrf1);
	v45 =	vmin.f32 v31, v57;
	v46 =	vld [tilespmem:s5+$0x40]  }
0x4a3: {  	[tilespmem:s24+$0x0] =	vst.add.f32.msk $0xffff, v41;
	v60 =	vmin.f32 v59, v58;
	v31 =	vmax.f32 v31, v57;
	(xrf1) =	vsort.dscd.msk.f32 $0xffff, v23, v23  }
0x4a4: {  	v62 =	vld [tilespmem:s3+$0x0];
	v32 =	vmax.f32 v59, v58;
	v63 =	vmax.f32 v30, v17;
	(xrf1) =	vsort.ascd.msk.f32 $0xffff, v20, v20  }
0x4a5: {  	v30 =	vmin.f32 v30, v17;
	v49 =	vmin.f32 v45, v60;
	[tilespmem:s19+$0x0] =	vst.add.f32.msk $0xffff, v51;
	(xrf1) =	vsort.dscd.msk.f32 $0xffff, v22, v22;
	v16, _, _ =	vpop (xrf1)  }
0x4a6: {  	v57 =	vsel vm0, $0xBF800000, v19;
	v45 =	vmax.f32 v45, v60;
	v52 =	vld [tilespmem:s5+$0xFFFFFFA0];
	(xrf1) =	vsort.ascd.msk.f32 $0xffff, v21, v21;
	v16 =	vperm.xlane v16, v53  }
0x4a7: {  	v33 =	vmax.f32 v63, v61;
	v55 =	vmin.f32 v31, v32;
	v28 =	vnsel vm2, $0x0, v28;
	[tilespmem:s22+$0x0] =	vst.add.f32.msk $0xffff, v46;
	v54, _, _ =	vpop (xrf1)  }
0x4a8: {  	v59 =	vsel vm0, $0xBF800000, v9;
	(xrf1) =	vsort.ascd.msk.f32 $0xffff, v57, v57;
	v41 =	vld [tilespmem:s5+$0x50];
	v57 =	vadd.f32 v48, v44;
	v17, _, _ =	vpop (xrf1);
	vm14 =	vge.f32 v38, v16  }
0x4a9: {  	v31 =	vmax.f32 v31, v32;
	vm2 =	vge.f32 v27, v42;
	[tilespmem:s26+$0x0] =	vst.add.f32.msk $0xffff, v28;
	v58, _, _ =	vpop (xrf1);
	v27 =	vnsel vm14, $0x0, v62  }
0x4aa: {  	vm7 =	vmmov vm5;
	s8 =	spop (v2sf);
	(xrf1) =	vsort.ascd.msk.f32 $0xffff, v59, v59;
	v53 =	vmin.f32 v63, v61;
	v32 =	vadd.f32 v46, v57;
	v57 =	vld [tilespmem:s16+$0x54];
	v28, _, _ =	vpop (xrf1)  }
0x4ab: {  	s6 =	scvt.f32.s32 s8;
	vm5 =	vge.f32 v37, v16;
	v38 =	vadd.f32 v51, v43;
	v60 =	vmin.f32 v17, v58;
	v61, _, _ =	vpop (xrf1);
	[tilespmem:s25+$0x0] =	vst.add.f32.msk $0xffff, v27  }
0x4ac: {  	vm15 =	vge.f32 v36, v16;
	v17 =	vmax.f32 v17, v58;
	(xrf1) =	vsort.ascd.msk.f32 $0xffff, v60, v60;
	v62 =	vld [tilespmem:s3+$0x10];
	v27, _, _ =	vpop (xrf1)  }
0x4ad: {  	p0 =	sgt.s32 s6, $0x1;
	[tilespmem:s23+$0x0] =	vst.add.f32.msk $0xffff, v41;
	v32 =	vadd.f32 v41, v32;
	v63 =	vmax.f32 v28, v61;
	(xrf1) =	vsort.ascd.msk.f32 $0xffff, v17, v17;
	v56, _, _ =	vpop (xrf1)  }
0x4ae: {  	s6 =	simm.s32 @!p0 $0x1;
	vm14 =	vge.f32 v18, v39;
	v44 =	vld [tilespmem:s5+$0x54];
	(xrf1) =	vsort.dscd.msk.f32 $0xffff, v63, v63;
	v17 =	vmin.f32 v27, v56  }
0x4af: {  	[tilespmem:s20+$0x0] =	vst.add.f32.msk $0xffff, v52;
	s6 =	smin.u32 s6, $0x64;
	v18 =	vadd.f32 v52, v38;
	v28 =	vmin.f32 v28, v61;
	v58, _, _ =	vpop (xrf1);
	(xrf1) =	vsort.dscd.msk.f32 $0xffff, v17, v17  }
0x4b0: {  	v61 =	vmov s6;
	v24 =	vsel vm0, $0x0, v57;
	v59 =	vmin.f32 v58, v54;
	(xrf1) =	vsort.dscd.msk.f32 $0xffff, v28, v28;
	v28 =	vld [tilespmem:s5+$0xFFFFFFB0]  }
0x4b1: {  	v48 =	vld [tilespmem:s4+$0xFFFFFFD0];
	v24 =	vnsel vm14, $0x0, v24;
	v27 =	vmax.f32 v27, v56;
	v60 =	vnsel vm5, $0x0, v62;
	v62, _, _ =	vpop (xrf1);
	(xrf1) =	vsort.ascd.msk.f32 $0xffff, v59, v59  }
0x4b2: {  	v40 =	vmax.f32 v58, v54;
	[tilespmem:s26+$0x0] =	vst.add.f32.msk $0xffff, v60;
	v63, _, _ =	vpop (xrf1);
	(xrf1) =	vsort.dscd.msk.f32 $0xffff, v27, v27;
	v27 =	vsub.s32 $0x80, v61  }
0x4b3: {  	v56 =	vld [tilespmem:s3+$0x20];
	v58, _, _ =	vpop (xrf1);
	v59 =	vmax.f32 v62, v63;
	v47 =	vbroadcast v27, $0x0;
	v27 =	vsel vm0, $0x0, v44  }
0x4b4: {  	[tilespmem:s0+$0x0] =	vst.add.f32.msk $0xffff, v24;
	v37 =	vmin.f32 v62, v63;
	(xrf1) =	vsort.ascd.msk.f32 $0xffff, v40, v40;
	v60, _, _ =	vpop (xrf1);
	v32 =	vadd.f32 v27, v32  }
0x4b5: {  	(xrf1) =	vsort.dscd.msk.f32 $0xffff, v59, v59;
	v61 =	vmin.f32 v58, v60;
	v40 =	vmax.f32 v58, v60;
	[tilespmem:s21+$0x0] =	vst.add.f32.msk $0xffff, v28  }
0x4b6: {  	v63 =	vld [tilespmem:s16+$0xFFFFFFA0];
	vm5 =	vlt.u32 v47, $0x20;
	(xrf1) =	vsort.dscd.msk.f32 $0xffff, v37, v37;
	vm9 =	vlt.u32 v47, $0x60;
	vm12 =	vlt.u32 v47, $0x70  }
0x4b7: {  	v30 =	vsel vm5, v30, v53;
	vm5 =	vlt.u32 v47, $0x40;
	(xrf2) =	vadd.scan.msk.f32 $0xffff, v32;
	v50 =	vsel vm9, v45, v55  }
0x4b8: {  	v62 =	vld [tilespmem:s5+$0xFFFFFFC0];
	(xrf1) =	vsort.dscd.msk.f32 $0xffff, v61, v61;
	v33 =	vsel vm5, v33, v49;
	v41 =	vnsel vm15, $0x0, v56;
	vm5 =	vlt.u32 v47, $0x30;
	v32, _, _ =	vpop (xrf1)  }
0x4b9: {  	v31 =	vsel vm12, v50, v31;
	[tilespmem:s28+$0x0] =	vst.add.f32.msk $0xffff, v41;
	v30 =	vsel vm5, v30, v33;
	vm5 =	vlt.u32 v47, $0x50;
	v51, _, _ =	vpop (xrf1)  }
0x4ba: {  	v18 =	vadd.f32 v28, v18;
	v28 =	vnsel vm7, $0x0, v48;
	v54 =	vld [tilespmem:s3+$0x30];
	v30 =	vsel vm5, v30, v31;
	v53, _, _ =	vpop (xrf1)  }
0x4bb: {  	[tilespmem:s31+$0x0] =	vst.add.f32.msk $0xffff, v28;
	(xrf1) =	vsort.dscd.msk.f32 $0xffff, v40, v40;
	v31 =	vnsel vm1, $0x0, v63;
	v55, _, _ =	vpop (xrf1)  }
0x4bc: {  	[tilespmem:s28+$0x0] =	vst.add.f32.msk $0xffff, v31;
	v57, _, _ =	vpop (xrf1);
	(xrf1) =	vsort.ascd.msk.f32 $0xffff, v30, v30  }
0x4bd: {  	vm2 =	vmmov vm2;
	[tilespmem:s22+$0x0] =	vst.add.f32.msk $0xffff, v62;
	v30, _, _ =	vpop (xrf1)  }
0x4be: {  	vm15 =	vge.f32 v35, v16;
	vm5 =	vmmov vm6;
	v56 =	vld [tilespmem:s5+$0xFFFFFFD0];
	v59 =	vmin.f32 v53, v57;
	v31, _, _ =	vpop (xrf1)  }
0x4bf: {  	v58 =	vld [tilespmem:s16+$0xFFFFFFB0];
	v40 =	vnsel vm15, $0x0, v54;
	v28 =	vmin.f32 v30, v51;
	v60 =	vmin.f32 v55, v31;
	v61, _, _ =	vpop (xrf1)  }
0x4c0: {  	v18 =	vadd.f32 v62, v18;
	[tilespmem:s29+$0x0] =	vst.add.f32.msk $0xffff, v40;
	(xrf1) =	vsort.dscd.msk.f32 $0xffff, v28, v28;
	v62 =	vmin.f32 v59, v60;
	v63, _, _ =	vpop (xrf1)  }
0x4c1: {  	vm1 =	vmmov vm13;
	v30 =	vmax.f32 v30, v51;
	v28 =	vmax.f32 v59, v60;
	v46, _, _ =	vpop (xrf2);
	v48 =	vld [tilespmem:s3+$0x40];
	(xrf1) =	vsort.ascd.msk.f32 $0xffff, v62, v62  }
0x4c2: {  	v50 =	vld [tilespmem:s4+$0xFFFFFFD4];
	v33 =	vmax.f32 v53, v57;
	v49 =	vmax.f32 v63, v30;
	(v2sf) =	vpush v46, $0xF;
	(xrf1) =	vsort.ascd.msk.f32 $0xffff, v28, v28  }
0x4c3: {  	v51, _, _ =	vpop (xrf1);
	[tilespmem:s23+$0x0] =	vst.add.f32.msk $0xffff, v56;
	v30 =	vmin.f32 v63, v30;
	v28 =	vmax.f32 v55, v31;
	(xrf1) =	vsort.dscd.msk.f32 $0xffff, v49, v49  }
0x4c4: {  	v35 =	vnsel vm4, $0x0, v58;
	vm4 =	vge.f32 v34, v16;
	v31, _, _ =	vpop (xrf1);
	v52 =	vld [tilespmem:s5+$0xFFFFFFD4];
	v53 =	vmin.f32 v33, v28;
	(xrf1) =	vsort.dscd.msk.f32 $0xffff, v30, v30  }
0x4c5: {  	v18 =	vadd.f32 v56, v18;
	[tilespmem:s29+$0x0] =	vst.add.f32.msk $0xffff, v35;
	v54, _, _ =	vpop (xrf1);
	v28 =	vmax.f32 v33, v28;
	(xrf1) =	vsort.ascd.msk.f32 $0xffff, v53, v53  }
0x4c6: {  	v58 =	vld [tilespmem:s16+$0xFFFFFFC0];
	v30 =	vmin.f32 v61, v31;
	v55 =	vmin.f32 v51, v54;
	v56, _, _ =	vpop (xrf1);
	v57 =	vnsel vm4, $0x0, v48  }
0x4c7: {  	v31 =	vmax.f32 v61, v31;
	v24 =	vmax.f32 v51, v54;
	v59 =	vmax.f32 v56, v32;
	[tilespmem:s30+$0x0] =	vst.add.f32.msk $0xffff, v57  }
0x4c8: {  	v63 =	vsel vm0, $0x0, v50;
	v61 =	vmin.f32 v30, v55;
	v62 =	vmax.f32 v30, v55;
	(xrf1) =	vsort.ascd.msk.f32 $0xffff, v28, v28;
	v30 =	vld [tilespmem:s3+$0x50]  }
0x4c9: {  	v17 =	vld [tilespmem:s3+$0xFFFFFF80];
	v34 =	vmin.f32 v31, v24;
	v36 =	vmin.f32 v56, v32;
	v60, _, _ =	vpop (xrf1);
	v28 =	vsel vm0, $0x0, v52  }
0x4ca: {  	v35 =	vmax.f32 v31, v24;
	v37 =	vmax.f32 v60, v59;
	[tilespmem:s24+$0x0] =	vst.add.f32.msk $0xffff, v28;
	v39 =	vadd.f32 v28, v18;
	v18, _, _ =	vpop (xrf1)  }
0x4cb: {  	(xrf1) =	vsort.ascd.msk.f32 $0xffff, v61, v61;
	v38 =	vmin.f32 v60, v59;
	v33 =	vld [tilespmem:s5+$0xFFFFFF80];
	v28 =	vperm.xlane v18, v47;
	v18 =	vnsel vm3, $0x0, v58  }
0x4cc: {  	s7 =	simm.s32 $0x480;
	s6 =	simm.s32 $0x6;
	s4 =	simm.s32 $0x4380;
	(xrf1) =	vsort.ascd.msk.f32 $0xffff, v62, v62;
	vm3 =	vge.f32 v29, v16;
	[tilespmem:s30+$0x0] =	vst.add.f32.msk $0xffff, v18;
	v18 =	vnsel vm5, $0x0, v63  }
.LBB2_6:
0x4cd: {  	v32 =	vld [tilespmem:s7+$0x0];
	(xrf2) =	vadd.scan.msk.f32 $0xffff, v39;
	vm4 =	vge.f32 v8, v28;
	vm8 =	vge.f32 v4, v28;
	v8 =	vnsel vm3, $0x0, v30;
	v4 =	vmovc v25  }
0x4ce: {  	vm6 =	vge.f32 v7, v28;
	(xrf1) =	vsort.ascd.msk.f32 $0xffff, v34, v34;
	v25, _, _ =	vpop (xrf1);
	v34 =	vnsel vm4, $0x0, v17;
	[tilespmem:s31+$0x0] =	vst.add.f32.msk $0xffff, v8  }
0x4cf: {  	vm5 =	vge.f32 v5, v28;
	vm3 =	vge.f32 v6, v28;
	v7 =	vmov v23;
	(xrf1) =	vsort.dscd.msk.f32 $0xffff, v37, v37;
	v37, _, _ =	vpop (xrf1);
	v24 =	vld [tilespmem:s3+$0x54]  }
0x4d0: {  	vm7 =	vge.f32 v3, v28;
	vm9 =	vge.f32 v2, v28;
	v5 =	vmov v20;
	v31 =	vld [tilespmem:s7+$0x10];
	(xrf1) =	vsort.dscd.msk.f32 $0xffff, v38, v38;
	v23, _, _ =	vpop (xrf1)  }
0x4d1: {  	v6 =	vmov v22;
	v3 =	vmov v21;
	v2 =	vmov v19;
	v30 =	vld [tilespmem:s7+$0x20];
	(xrf1) =	vsort.dscd.msk.f32 $0xffff, v36, v36;
	s8 =	spop (v2sf);
	v20, _, _ =	vpop (xrf1)  }
0x4d2: {  	s5 =	sadd.s32 $0x100, s5;
	vm4 =	vmmov vm1;
	v8 =	vmov v26;
	v17 =	vmov v33;
	v29 =	vld [tilespmem:s7+$0x30];
	s8 =	scvt.f32.s32 s8;
	(xrf1) =	vsort.ascd.msk.f32 $0xffff, v35, v35;
	v19, _, _ =	vpop (xrf1)  }
0x4d3: {  	vm1 =	vmmov vm9;
	v21 =	vmin.f32 v37, v20;
	v33 =	vld [tilespmem:s5+$0x0];
	v22 =	vmin.f32 v23, v19;
	v26, _, _ =	vpop (xrf1)  }
0x4d4: {  	s6 =	sadd.s32 $0x2, s6;
	vm9 =	vge.f32 v1, v16;
	v1 =	vmovc v9;
	v28 =	vld [tilespmem:s7+$0x40];
	p1 =	sgt.s32 s8, $0x1;
	v35 =	vmin.f32 v26, v25;
	v36 =	vsel vm0, $0x0, v24  }
0x4d5: {  	p0 =	slt.u32 s6, $0x7E;
	v16 =	vmax.f32 v37, v20;
	v20 =	vmax.f32 v26, v25;
	v24 =	vld [tilespmem:s7+$0x50];
	s8 =	simm.s32 @!p1 $0x1;
	v9 =	vnsel vm9, $0x0, v36  }
0x4d6: {  	v19 =	vmax.f32 v23, v19;
	v23 =	vmin.f32 v16, v20;
	v26 =	vmin.f32 v21, v35;
	s8 =	smin.u32 s8, $0x64;
	v25, _, _ =	vpop (xrf1);
	[tilespmem:s0+$0x0] =	vst.add.f32.msk $0xffff, v9  }
0x4d7: {  	v16 =	vmax.f32 v16, v20;
	v9 =	vld [tilespmem:s7+$0x54];
	v36 =	vmov s8;
	v37 =	vmin.f32 v19, v25;
	v38, _, _ =	vpop (xrf2)  }
0x4d8: {  	v21 =	vmax.f32 v21, v35;
	v19 =	vmax.f32 v19, v25;
	[tilespmem:s18+$0x0] =	vst.add.f32.msk $0xffff, v33;
	v20 =	vsub.s32 $0x80, v36  }
0x4d9: {  	v35 =	vmin.f32 v23, v37;
	v36 =	vmax.f32 v16, v19;
	v39 =	vld [tilespmem:s5+$0x10];
	v40 =	vbroadcast v20, $0x0;
	v41, _, _ =	vpop (xrf1)  }
0x4da: {  	v37 =	vmax.f32 v23, v37;
	v16 =	vmin.f32 v16, v19;
	v19 =	vmin.f32 v21, v22;
	v42 =	vld [tilespmem:s5+$0xFFFFFF80];
	v43, _, _ =	vpop (xrf1)  }
0x4db: {  	v21 =	vmax.f32 v21, v22;
	v25 =	vld [tilespmem:s7+$0xFFFFFF90];
	vm9 =	vlt.u32 v40, $0x30;
	vm10 =	vlt.u32 v40, $0x70  }
0x4dc: {  	vm11 =	vlt.u32 v40, $0x20;
	vm12 =	vlt.u32 v40, $0x40;
	vm13 =	vlt.u32 v40, $0x60;
	v23 =	vld [tilespmem:s7+$0xFFFFFFA0];
	v44, _, _ =	vpop (xrf1)  }
0x4dd: {  	v22 =	vsel vm11, v26, v19;
	v21 =	vsel vm12, v21, v35;
	v16 =	vsel vm13, v37, v16;
	v20 =	vld [tilespmem:s7+$0xFFFFFFB0];
	v26, _, _ =	vpop (xrf1)  }
0x4de: {  	v21 =	vsel vm9, v22, v21;
	v16 =	vsel vm10, v16, v36;
	vm9 =	vlt.u32 v40, $0x50;
	[tilespmem:s19+$0x0] =	vst.add.f32.msk $0xffff, v39;
	v35, _, _ =	vpop (xrf1)  }
0x4df: {  	v37 =	vmin.f32 v41, v26;
	v16 =	vsel vm9, v21, v16;
	v45 =	vld [tilespmem:s5+$0x20];
	(v2sf) =	vpush v38, $0xF;
	v19, _, _ =	vpop (xrf1)  }
0x4e0: {  	v36 =	vmax.f32 v41, v26;
	v22 =	vld [tilespmem:s7+$0xFFFFFFC0];
	v46 =	vmin.f32 v44, v19;
	v38, _, _ =	vpop (xrf1);
	(xrf1) =	vsort.ascd.msk.f32 $0xffff, v16, v16  }
0x4e1: {  	v16 =	vmax.f32 v43, v35;
	v41 =	vmax.f32 v44, v19;
	v21 =	vld [tilespmem:s7+$0xFFFFFFD0];
	(xrf1) =	vsort.dscd.msk.f32 $0xffff, v25, v25  }
0x4e2: {  	v44 =	vmin.f32 v36, v41;
	v47 =	vmin.f32 v16, v38;
	v19 =	vld [tilespmem:s7+$0xFFFFFFD4];
	(xrf1) =	vsort.ascd.msk.f32 $0xffff, v32, v32  }
0x4e3: {  	v41 =	vmax.f32 v36, v41;
	v16 =	vmax.f32 v16, v38;
	v26 =	vld [tilespmem:s7+$0xFFFFFF80];
	(xrf1) =	vsort.dscd.msk.f32 $0xffff, v31, v31  }
0x4e4: {  	v43 =	vmin.f32 v43, v35;
	v48 =	vmax.f32 v37, v46;
	[tilespmem:s20+$0x0] =	vst.add.f32.msk $0xffff, v45;
	(xrf1) =	vsort.dscd.msk.f32 $0xffff, v30, v30  }
0x4e5: {  	v35 =	vmin.f32 v44, v47;
	v36 =	vmax.f32 v44, v47;
	v49 =	vld [tilespmem:s5+$0x30];
	(xrf1) =	vsort.ascd.msk.f32 $0xffff, v29, v29  }
0x4e6: {  	v38 =	vmin.f32 v41, v16;
	v44 =	vmin.f32 v48, v43;
	[tilespmem:s18+$0x0] =	vst.add.f32.msk $0xffff, v42;
	(xrf1) =	vsort.dscd.msk.f32 $0xffff, v28, v28  }
0x4e7: {  	v46 =	vmin.f32 v37, v46;
	v43 =	vmax.f32 v48, v43;
	v47 =	vld [tilespmem:s5+$0xFFFFFF90];
	v50 =	vsel vm0, $0xBF800000, v19;
	(xrf1) =	vsort.ascd.msk.f32 $0xffff, v24, v24  }
0x4e8: {  	v37 =	vmax.f32 v41, v16;
	(xrf1) =	vsort.ascd.msk.f32 $0xffff, v26, v26;
	[tilespmem:s25+$0x0] =	vst.add.f32.msk $0xffff, v34  }
0x4e9: {  	(xrf1) =	vsort.dscd.msk.f32 $0xffff, v23, v23;
	v16 =	vld [tilespmem:s3+$0xFFFFFF90]  }
0x4ea: {  	[tilespmem:s21+$0x0] =	vst.add.f32.msk $0xffff, v49;
	(xrf1) =	vsort.ascd.msk.f32 $0xffff, v20, v20  }
0x4eb: {  	v34 =	vld [tilespmem:s5+$0x40];
	(xrf1) =	vsort.dscd.msk.f32 $0xffff, v22, v22  }
0x4ec: {  	v41 =	vadd.f32 v47, v42;
	(xrf1) =	vsort.ascd.msk.f32 $0xffff, v21, v21;
	[tilespmem:s24+$0x0] =	vst.add.f32.msk $0xffff, v27  }
0x4ed: {  	(xrf1) =	vsort.ascd.msk.f32 $0xffff, v50, v50;
	v27 =	vld [tilespmem:s4+$0x0]  }
0x4ee: {  	[tilespmem:s19+$0x0] =	vst.add.f32.msk $0xffff, v47;
	s8 =	spop (v2sf);
	v42, _, _ =	vpop (xrf1);
	v47 =	vnsel vm8, $0x0, v16  }
0x4ef: {  	v48 =	vld [tilespmem:s5+$0xFFFFFFA0];
	v50, _, _ =	vpop (xrf1);
	s8 =	scvt.f32.s32 s8;
	v16 =	vperm.xlane v42, v40  }
0x4f0: {  	[tilespmem:s22+$0x0] =	vst.add.f32.msk $0xffff, v34;
	v40, _, _ =	vpop (xrf1)  }
0x4f1: {  	v42 =	vld [tilespmem:s5+$0x50];
	v51, _, _ =	vpop (xrf1);
	p1 =	sgt.s32 s8, $0x1;
	vm8 =	vge.f32 v14, v16;
	v14 =	vmov v32  }
0x4f2: {  	v32 =	vsel vm0, $0xBF800000, v9;
	v52, _, _ =	vpop (xrf1);
	s8 =	simm.s32 @!p1 $0x1;
	v27 =	vnsel vm8, $0x0, v27;
	[tilespmem:s26+$0x0] =	vst.add.f32.msk $0xffff, v47  }
0x4f3: {  	v33 =	vadd.f32 v39, v33;
	v39 =	vmin.f32 v40, v51;
	v47, _, _ =	vpop (xrf1);
	(xrf1) =	vsort.ascd.msk.f32 $0xffff, v32, v32;
	s8 =	smin.u32 s8, $0x64;
	[tilespmem:s25+$0x0] =	vst.add.f32.msk $0xffff, v27  }
0x4f4: {  	v27 =	vmax.f32 v40, v51;
	v41 =	vadd.f32 v48, v41;
	v40, _, _ =	vpop (xrf1);
	(xrf1) =	vsort.ascd.msk.f32 $0xffff, v39, v39;
	v32 =	vmov s8;
	v39 =	vld [tilespmem:s4+$0x10]  }
0x4f5: {  	v33 =	vadd.f32 v45, v33;
	v45 =	vmax.f32 v52, v47;
	[tilespmem:s20+$0x0] =	vst.add.f32.msk $0xffff, v48;
	v48, _, _ =	vpop (xrf1);
	(xrf1) =	vsort.ascd.msk.f32 $0xffff, v27, v27  }
0x4f6: {  	v32 =	vsub.s32 $0x80, v32;
	[tilespmem:s23+$0x0] =	vst.add.f32.msk $0xffff, v42;
	v27 =	vmin.f32 v40, v48;
	v51, _, _ =	vpop (xrf1);
	(xrf1) =	vsort.dscd.msk.f32 $0xffff, v45, v45  }
0x4f7: {  	v33 =	vadd.f32 v49, v33;
	v47 =	vmin.f32 v52, v47;
	v32 =	vbroadcast v32, $0x0;
	v45 =	vld [tilespmem:s5+$0x54];
	v49, _, _ =	vpop (xrf1);
	(xrf1) =	vsort.dscd.msk.f32 $0xffff, v27, v27  }
0x4f8: {  	vm8 =	vge.f32 v13, v16;
	v13 =	vmov v31;
	v27 =	vmin.f32 v51, v50;
	v52 =	vld [tilespmem:s5+$0xFFFFFFB0];
	v53, _, _ =	vpop (xrf1);
	(xrf1) =	vsort.dscd.msk.f32 $0xffff, v47, v47  }
0x4f9: {  	v54 =	vadd.f32 v34, v33;
	v33 =	vmax.f32 v40, v48;
	v34, _, _ =	vpop (xrf1);
	(xrf1) =	vsort.ascd.msk.f32 $0xffff, v27, v27;
	v27 =	vnsel vm8, $0x0, v39;
	v39 =	vld [tilespmem:s3+$0xFFFFFFA0]  }
0x4fa: {  	v40 =	vmax.f32 v51, v50;
	v47 =	vmin.f32 v49, v53;
	v48, _, _ =	vpop (xrf1);
	(xrf1) =	vsort.dscd.msk.f32 $0xffff, v33, v33;
	[tilespmem:s26+$0x0] =	vst.add.f32.msk $0xffff, v27  }
0x4fb: {  	v42 =	vadd.f32 v42, v54;
	v33 =	vmax.f32 v49, v53;
	v49 =	vmin.f32 v34, v48;
	v31, _, _ =	vpop (xrf1);
	v50 =	vld [tilespmem:s4+$0x20]  }
0x4fc: {  	vm8 =	vlt.u32 v32, $0x20;
	v34 =	vmax.f32 v34, v48;
	v27 =	vsel vm0, $0x0, v45;
	(xrf1) =	vsort.ascd.msk.f32 $0xffff, v40, v40;
	v40 =	vld [tilespmem:s16+$0xFFFFFFD0]  }
0x4fd: {  	[tilespmem:s21+$0x0] =	vst.add.f32.msk $0xffff, v52;
	v41 =	vadd.f32 v52, v41;
	v42 =	vadd.f32 v27, v42;
	(xrf1) =	vsort.dscd.msk.f32 $0xffff, v33, v33  }
0x4fe: {  	vm9 =	vlt.u32 v32, $0x60;
	v44 =	vsel vm8, v46, v44;
	vm8 =	vlt.u32 v32, $0x40;
	v33 =	vld [tilespmem:s5+$0xFFFFFFC0];
	(xrf1) =	vsort.dscd.msk.f32 $0xffff, v47, v47  }
0x4ff: {  	v36 =	vsel vm9, v36, v38;
	v35 =	vsel vm8, v43, v35;
	vm8 =	vge.f32 v12, v16;
	(xrf2) =	vadd.scan.msk.f32 $0xffff, v42  }
0x500: {  	vm10 =	vlt.u32 v32, $0x70;
	vm9 =	vlt.u32 v32, $0x30;
	v12 =	vmovc v30;
	(xrf1) =	vsort.dscd.msk.f32 $0xffff, v49, v49;
	v38 =	vnsel vm8, $0x0, v50  }
0x501: {  	(xrf1) =	vsort.dscd.msk.f32 $0xffff, v34, v34;
	v30, _, _ =	vpop (xrf1);
	v34 =	vsel vm9, v44, v35;
	v35 =	vsel vm10, v36, v37;
	[tilespmem:s28+$0x0] =	vst.add.f32.msk $0xffff, v38  }
0x502: {  	vm8 =	vlt.u32 v32, $0x50;
	v38 =	vnsel vm6, $0x0, v39;
	v39 =	vnsel vm2, $0x0, v40;
	v36, _, _ =	vpop (xrf1);
	v37 =	vld [tilespmem:s4+$0x30]  }
0x503: {  	vm2 =	vmmov vm7;
	v42 =	vsel vm8, v34, v35;
	[tilespmem:s22+$0x0] =	vst.add.f32.msk $0xffff, v33;
	v33 =	vadd.f32 v33, v41;
	v40, _, _ =	vpop (xrf1)  }
0x504: {  	v35 =	vld [tilespmem:s5+$0xFFFFFFD0];
	v41, _, _ =	vpop (xrf1);
	(xrf1) =	vsort.ascd.msk.f32 $0xffff, v42, v42  }
0x505: {  	v34, _, _ =	vpop (xrf1);
	[tilespmem:s28+$0x0] =	vst.add.f32.msk $0xffff, v38  }
0x506: {  	vm6 =	vge.f32 v11, v16;
	v11 =	vmov v29;
	v38 =	vmin.f32 v34, v30;
	v42, _, _ =	vpop (xrf1);
	v43 =	vld [tilespmem:s3+$0xFFFFFFB0]  }
0x507: {  	v29 =	vmin.f32 v36, v41;
	v44 =	vmin.f32 v40, v42;
	v45, _, _ =	vpop (xrf1);
	v37 =	vnsel vm6, $0x0, v37;
	[tilespmem:s31+$0x0] =	vst.add.f32.msk $0xffff, v39  }
0x508: {  	v47 =	vmin.f32 v29, v44;
	v46, _, _ =	vpop (xrf1);
	(xrf1) =	vsort.dscd.msk.f32 $0xffff, v38, v38;
	[tilespmem:s29+$0x0] =	vst.add.f32.msk $0xffff, v37  }
0x509: {  	v30 =	vmax.f32 v34, v30;
	v29 =	vmax.f32 v29, v44;
	v34, _, _ =	vpop (xrf2);
	(xrf1) =	vsort.ascd.msk.f32 $0xffff, v47, v47;
	v37 =	vld [tilespmem:s4+$0x40]  }
0x50a: {  	v36 =	vmax.f32 v36, v41;
	v38 =	vmax.f32 v46, v30;
	v39, _, _ =	vpop (xrf1);
	(v2sf) =	vpush v34, $0xF;
	(xrf1) =	vsort.ascd.msk.f32 $0xffff, v29, v29;
	v29 =	vld [tilespmem:s16+$0xFFFFFFD4];
	s16 =	smov.u32 s3;
	s3 =	smov.u32 s4;
	s4 =	smov.u32 s5  }
0x50b: {  	v30 =	vmin.f32 v46, v30;
	v34 =	vmax.f32 v40, v42;
	[tilespmem:s23+$0x0] =	vst.add.f32.msk $0xffff, v35;
	v40, _, _ =	vpop (xrf1);
	(xrf1) =	vsort.dscd.msk.f32 $0xffff, v38, v38  }
0x50c: {  	v33 =	vadd.f32 v35, v33;
	v44 =	vmin.f32 v36, v34;
	v35 =	vld [tilespmem:s5+$0xFFFFFFD4];
	v41, _, _ =	vpop (xrf1);
	(xrf1) =	vsort.dscd.msk.f32 $0xffff, v30, v30;
	v30 =	vnsel vm5, $0x0, v43  }
0x50d: {  	v42 =	vmin.f32 v45, v40;
	vm5 =	vge.f32 v15, v16;
	(xrf1) =	vsort.ascd.msk.f32 $0xffff, v44, v44;
	[tilespmem:s29+$0x0] =	vst.add.f32.msk $0xffff, v30  }
0x50e: {  	v40 =	vmax.f32 v45, v40;
	v15 =	vmin.f32 v39, v41;
	v38, _, _ =	vpop (xrf1);
	v30 =	vnsel vm5, $0x0, v37;
	v43 =	vld [tilespmem:s16+$0xFFFFFFC0]  }
0x50f: {  	v34 =	vmax.f32 v36, v34;
	v41 =	vmax.f32 v39, v41;
	v44 =	vmax.f32 v38, v31;
	v45, _, _ =	vpop (xrf1);
	[tilespmem:s30+$0x0] =	vst.add.f32.msk $0xffff, v30  }
.Ltmp2:
0x510: {  	v46 =	vmin.f32 v42, v15;
	v42 =	vmax.f32 v42, v15;
	v29 =	vsel vm0, $0x0, v29;
	(xrf1) =	vsort.ascd.msk.f32 $0xffff, v34, v34;
	v30 =	vld [tilespmem:s3+$0x50];
	(pc) =	sbr.rel @p0 .LBB2_6-.Ltmp2, $4  }
0x511: {  	v34 =	vmin.f32 v40, v41;
	v37 =	vmax.f32 v45, v44;
	v15 =	vmovc v28;
	v35 =	vsel vm0, $0x0, v35;
	[tilespmem:s0+$0x0] =	vst.add.f32.msk $0xffff, v18  }
0x512: {  	v36 =	vmin.f32 v38, v31;
	v38 =	vmin.f32 v45, v44;
	[tilespmem:s24+$0x0] =	vst.add.f32.msk $0xffff, v35;
	v39 =	vadd.f32 v35, v33;
	v18, _, _ =	vpop (xrf1)  }
0x513: {  	v35 =	vmax.f32 v40, v41;
	v33 =	vld [tilespmem:s5+$0xFFFFFF80];
	(xrf1) =	vsort.ascd.msk.f32 $0xffff, v46, v46;
	v28 =	vperm.xlane v18, v32;
	v18 =	vnsel vm3, $0x0, v43  }
0x514: {  	s7 =	sadd.s32 $0x100, s7;
	vm3 =	vge.f32 v10, v16;
	v10 =	vmovc v24;
	(xrf1) =	vsort.ascd.msk.f32 $0xffff, v42, v42;
	[tilespmem:s30+$0x0] =	vst.add.f32.msk $0xffff, v18;
	v18 =	vnsel vm4, $0x0, v29  }
0x515: {  	(xrf2) =	vadd.scan.msk.f32 $0xffff, v39;
	_ =	sdelay $0x9  }
0x516: {  	v24, _, _ =	vpop (xrf2)  }
0x517: {  	(v2sf) =	vpush v24, $0xF  }
0x518: {  	(xrf1) =	vsort.ascd.msk.f32 $0xffff, v34, v34;
	s5 =	spop (v2sf)  }
0x519: {  	(xrf1) =	vsort.dscd.msk.f32 $0xffff, v37, v37;
	s5 =	scvt.f32.s32 s5;
	v24, _, _ =	vpop (xrf1)  }
0x51a: {  	(xrf1) =	vsort.dscd.msk.f32 $0xffff, v38, v38;
	v29, _, _ =	vpop (xrf1)  }
0x51b: {  	(xrf1) =	vsort.dscd.msk.f32 $0xffff, v36, v36;
	p0 =	sgt.s32 s5, $0x1;
	v31, _, _ =	vpop (xrf1)  }
0x51c: {  	(xrf1) =	vsort.ascd.msk.f32 $0xffff, v35, v35;
	s5 =	simm.s32 @!p0 $0x1;
	v32, _, _ =	vpop (xrf1)  }
0x51d: {  	s5 =	smin.u32 s5, $0x64;
	v51, _, _ =	vpop (xrf1)  }
0x51e: {  	v58 =	vmov s5;
	v52 =	vmin.f32 v29, v32;
	v54, _, _ =	vpop (xrf1)  }
0x51f: {  	v29 =	vmax.f32 v29, v32;
	v55 =	vmin.f32 v54, v24;
	v24 =	vmax.f32 v54, v24  }
0x520: {  	v53 =	vmin.f32 v31, v51;
	v31 =	vmax.f32 v31, v51;
	v57, _, _ =	vpop (xrf1);
	v32 =	vmin.f32 v29, v24  }
0x521: {  	v56 =	vmin.f32 v52, v55;
	v40 =	vmin.f32 v31, v57;
	v24 =	vmax.f32 v29, v24  }
0x522: {  	v29 =	vsub.s32 $0x80, v58;
	v31 =	vmax.f32 v31, v57;
	v35 =	vmax.f32 v52, v55  }
0x523: {  	v29 =	vbroadcast v29, $0x0;
	v59 =	vmin.f32 v32, v40;
	v60 =	vmax.f32 v24, v31  }
0x524: {  	v61, _, _ =	vpop (xrf1);
	v32 =	vmax.f32 v32, v40;
	v24 =	vmin.f32 v24, v31;
	v31 =	vmin.f32 v35, v53  }
0x525: {  	v62, _, _ =	vpop (xrf1);
	v35 =	vmax.f32 v35, v53;
	vm4 =	vlt.u32 v29, $0x30;
	vm5 =	vlt.u32 v29, $0x70  }
0x526: {  	v63, _, _ =	vpop (xrf1);
	vm6 =	vlt.u32 v29, $0x20;
	vm7 =	vlt.u32 v29, $0x40;
	vm8 =	vlt.u32 v29, $0x60;
	s6 =	spop (v2sf)  }
0x527: {  	v41, _, _ =	vpop (xrf1);
	v31 =	vsel vm6, v56, v31;
	v43 =	vsel vm7, v35, v59;
	v24 =	vsel vm8, v32, v24;
	s5 =	scvt.f32.s32 s6  }
0x528: {  	v44, _, _ =	vpop (xrf1);
	v46 =	vmin.f32 v61, v41;
	v47 =	vmax.f32 v61, v41;
	v31 =	vsel vm4, v31, v43  }
0x529: {  	v24 =	vsel vm5, v24, v60;
	vm4 =	vlt.u32 v29, $0x50;
	v45, _, _ =	vpop (xrf1);
	v49 =	vmax.f32 v62, v44;
	p0 =	sgt.s32 s5, $0x1  }
0x52a: {  	v32 =	vmin.f32 v62, v44;
	v24 =	vsel vm4, v31, v24;
	v48, _, _ =	vpop (xrf1);
	v34 =	vmax.f32 v63, v45;
	s5 =	simm.s32 @!p0 $0x1  }
0x52b: {  	v31 =	vmin.f32 v63, v45;
	v36 =	vmin.f32 v47, v34;
	v50 =	vmin.f32 v49, v48;
	s5 =	smin.u32 s5, $0x64  }
0x52c: {  	v34 =	vmax.f32 v47, v34;
	v51 =	vmax.f32 v49, v48;
	v52 =	vmov s5  }
0x52d: {  	v53 =	vmax.f32 v46, v31;
	v31 =	vmin.f32 v46, v31;
	v38 =	vsub.s32 $0x80, v52  }
0x52e: {  	v54 =	vmin.f32 v36, v50;
	v36 =	vmax.f32 v36, v50;
	v38 =	vbroadcast v38, $0x0  }
0x52f: {  	v55 =	vmin.f32 v34, v51;
	v42 =	vmin.f32 v53, v32;
	v32 =	vmax.f32 v53, v32  }
0x530: {  	v34 =	vmax.f32 v34, v51;
	vm4 =	vlt.u32 v38, $0x20;
	vm5 =	vlt.u32 v38, $0x40  }
0x531: {  	(xrf1) =	vsort.ascd.msk.f32 $0xffff, v24, v24;
	v24 =	vsel vm4, v31, v42;
	vm4 =	vlt.u32 v38, $0x60;
	v31 =	vsel vm5, v32, v54  }
0x532: {  	vm5 =	vlt.u32 v38, $0x70;
	v56 =	vsel vm4, v36, v55;
	vm4 =	vlt.u32 v38, $0x30  }
0x533: {  	v24 =	vsel vm4, v24, v31;
	v31 =	vsel vm5, v56, v34;
	vm4 =	vlt.u32 v38, $0x50  }
0x534: {  	v24 =	vsel vm4, v24, v31  }
0x535: {  	(xrf1) =	vsort.ascd.msk.f32 $0xffff, v24, v24;
	_ =	sdelay $0x7  }
0x536: {  	[tilespmem:s24+$0x0] =	vst.add.f32.msk $0xffff, v27  }
0x537: {  	v24 =	vld [tilespmem:s4+$0x0]  }
0x538: {  	v27, _, _ =	vpop (xrf1)  }
0x539: {  	v27 =	vperm.xlane v27, v29;
	_ =	sdelay $0x1  }
0x53a: {  	vm4 =	vge.f32 v14, v27  }
0x53b: {  	v14 =	vnsel vm4, $0x0, v24;
	v24, _, _ =	vpop (xrf1)  }
0x53c: {  	vm4 =	vge.f32 v8, v28;
	[tilespmem:s25+$0x0] =	vst.add.f32.msk $0xffff, v14;
	v8 =	vperm.xlane v24, v38  }
0x53d: {  	v14 =	vnsel vm4, $0x0, v17;
	v17 =	vld [tilespmem:s4+$0x10]  }
0x53e: {  	[tilespmem:s25+$0x0] =	vst.add.f32.msk $0xffff, v14;
	vm4 =	vge.f32 v26, v8  }
0x53f: {  	v14 =	vld [tilespmem:s3+$0xFFFFFF90];
	v24 =	vnsel vm4, $0x0, v33  }
0x540: {  	[tilespmem:s25+$0x0] =	vst.add.f32.msk $0xffff, v24  }
0x541: {  	v24 =	vnsel vm3, $0x0, v30;
	vm3 =	vge.f32 v13, v27;
	v13 =	vld [tilespmem:s4+$0xFFFFFF90]  }
0x542: {  	[tilespmem:s31+$0x0] =	vst.add.f32.msk $0xffff, v24;
	v17 =	vnsel vm3, $0x0, v17  }
0x543: {  	vm3 =	vge.f32 v4, v28;
	[tilespmem:s26+$0x0] =	vst.add.f32.msk $0xffff, v17  }
0x544: {  	v4 =	vnsel vm3, $0x0, v14;
	v14 =	vld [tilespmem:s4+$0x20]  }
0x545: {  	vm3 =	vge.f32 v25, v8;
	[tilespmem:s26+$0x0] =	vst.add.f32.msk $0xffff, v4  }
0x546: {  	v4 =	vld [tilespmem:s3+$0xFFFFFFA0];
	v13 =	vnsel vm3, $0x0, v13  }
0x547: {  	[tilespmem:s26+$0x0] =	vst.add.f32.msk $0xffff, v13  }
0x548: {  	vm3 =	vge.f32 v12, v27;
	v12 =	vld [tilespmem:s4+$0xFFFFFFA0]  }
0x549: {  	v13 =	vld [tilespmem:s3+$0x54];
	v14 =	vnsel vm3, $0x0, v14  }
0x54a: {  	vm3 =	vge.f32 v7, v28;
	[tilespmem:s28+$0x0] =	vst.add.f32.msk $0xffff, v14  }
0x54b: {  	v4 =	vnsel vm3, $0x0, v4;
	v7 =	vld [tilespmem:s4+$0x30]  }
0x54c: {  	vm3 =	vge.f32 v23, v8;
	[tilespmem:s28+$0x0] =	vst.add.f32.msk $0xffff, v4  }
0x54d: {  	v4 =	vld [tilespmem:s3+$0xFFFFFFB0];
	v12 =	vnsel vm3, $0x0, v12  }
0x54e: {  	[tilespmem:s28+$0x0] =	vst.add.f32.msk $0xffff, v12  }
0x54f: {  	vm3 =	vge.f32 v11, v27;
	v11 =	vld [tilespmem:s4+$0xFFFFFFB0]  }
0x550: {  	v12 =	vld [tilespmem:s16+$0xFFFFFFD0];
	v7 =	vnsel vm3, $0x0, v7  }
0x551: {  	vm3 =	vge.f32 v5, v28;
	[tilespmem:s29+$0x0] =	vst.add.f32.msk $0xffff, v7  }
0x552: {  	v4 =	vnsel vm3, $0x0, v4;
	v5 =	vld [tilespmem:s4+$0x40]  }
0x553: {  	vm3 =	vge.f32 v20, v8;
	[tilespmem:s29+$0x0] =	vst.add.f32.msk $0xffff, v4  }
0x554: {  	v4 =	vld [tilespmem:s3+$0xFFFFFFC0];
	v7 =	vnsel vm3, $0x0, v11  }
0x555: {  	[tilespmem:s29+$0x0] =	vst.add.f32.msk $0xffff, v7  }
0x556: {  	v7 =	vnsel vm2, $0x0, v12;
	vm2 =	vge.f32 v15, v27;
	v11 =	vld [tilespmem:s4+$0xFFFFFFC0]  }
0x557: {  	[tilespmem:s31+$0x0] =	vst.add.f32.msk $0xffff, v7;
	v5 =	vnsel vm2, $0x0, v5  }
0x558: {  	vm2 =	vge.f32 v6, v28;
	[tilespmem:s30+$0x0] =	vst.add.f32.msk $0xffff, v5  }
0x559: {  	v4 =	vnsel vm2, $0x0, v4;
	v5 =	vld [tilespmem:s4+$0x50]  }
0x55a: {  	vm2 =	vge.f32 v22, v8;
	[tilespmem:s30+$0x0] =	vst.add.f32.msk $0xffff, v4  }
0x55b: {  	v4 =	vld [tilespmem:s3+$0xFFFFFFD0];
	v6 =	vnsel vm2, $0x0, v11  }
0x55c: {  	[tilespmem:s30+$0x0] =	vst.add.f32.msk $0xffff, v6  }
0x55d: {  	vm2 =	vge.f32 v10, v27;
	v6 =	vld [tilespmem:s4+$0xFFFFFFD0]  }
0x55e: {  	vm3 =	vge.f32 v3, v28;
	v3 =	vld [tilespmem:s16+$0xFFFFFFD4];
	v5 =	vnsel vm2, $0x0, v5  }
0x55f: {  	vm2 =	vmmov vm3;
	[tilespmem:s31+$0x0] =	vst.add.f32.msk $0xffff, v5  }
0x560: {  	vm3 =	vge.f32 v21, v8;
	v4 =	vnsel vm2, $0x0, v4;
	v5 =	vld [tilespmem:s4+$0x54]  }
0x561: {  	vm2 =	vmmov vm3;
	[tilespmem:s31+$0x0] =	vst.add.f32.msk $0xffff, v4  }
0x562: {  	v4 =	vld [tilespmem:s3+$0xFFFFFFD4];
	v6 =	vnsel vm2, $0x0, v6  }
0x563: {  	[tilespmem:s31+$0x0] =	vst.add.f32.msk $0xffff, v6  }
0x564: {  	vm3 =	vge.f32 v1, v16;
	vm2 =	vge.f32 v2, v28;
	v2 =	vsel vm0, $0x0, v13;
	v1 =	vld [tilespmem:s4+$0xFFFFFFD4]  }
0x565: {  	vm1 =	vmmov vm1;
	vm2 =	vmmov vm2;
	v2 =	vnsel vm3, $0x0, v2  }
0x566: {  	vm3 =	vge.f32 v9, v27;
	[tilespmem:s0+$0x0] =	vst.add.f32.msk $0xffff, v2;
	v2 =	vsel vm0, $0x0, v3;
	v3 =	vsel vm0, $0x0, v5  }
0x567: {  	[tilespmem:s0+$0x0] =	vst.add.f32.msk $0xffff, v18;
	v2 =	vnsel vm1, $0x0, v2;
	vm1 =	vge.f32 v19, v8;
	v3 =	vnsel vm3, $0x0, v3  }
0x568: {  	vm2 =	vmmov vm2;
	vm1 =	vmmov vm1;
	[tilespmem:s0+$0x0] =	vst.add.f32.msk $0xffff, v3;
	v3 =	vsel vm0, $0x0, v4  }
0x569: {  	[tilespmem:s0+$0x0] =	vst.add.f32.msk $0xffff, v2;
	v2 =	vnsel vm2, $0x0, v3;
	vm1 =	vmmov vm1;
	v1 =	vsel vm0, $0x0, v1  }
0x56a: {  	[tilespmem:s0+$0x0] =	vst.add.f32.msk $0xffff, v2;
	v1 =	vnsel vm1, $0x0, v1  }
0x56b: {  	[tilespmem:s0+$0x0] =	vst.add.f32.msk $0xffff, v1  }
0x56c: {  	_ =	swait.ge [sflag:s1], $0x4000  }
0x56d: {  	[sflag:s1] =	ssyncset.done $0x0  }
0x56e: {  	[sflag:s1] =	ssyncadd.s32 $0xFFFFC000  }
0x56f: {  	_ =	swait.ge [sflag:s1], $0x4000  }
0x570: {  	[sflag:s1] =	ssyncset.done $0x0  }
0x571: {  	s7 =	simm.s32 $0x8080;
	[sflag:s1] =	ssyncadd.s32 $0xFFFFC000  }
0x572: {  	v5 =	vld [tilespmem:s7+$0x0]  }
0x573: {  	v4 =	vld [tilespmem:s7+$0x10]  }
0x574: {  	s4 =	simm.s32 $0xC080;
	v3 =	vld [tilespmem:s7+$0x20]  }
0x575: {  	v6 =	vld [tilespmem:s4+$0x0]  }
0x576: {  	v2 =	vld [tilespmem:s7+$0x30]  }
0x577: {  	v1 =	vld [tilespmem:s7+$0x40]  }
0x578: {  	v14 =	vld [tilespmem:s7+$0x50]  }
0x579: {  	v9 =	vld [tilespmem:s7+$0x54]  }
0x57a: {  	[tilespmem:s18+$0x0] =	vst.add.f32.msk $0xffff, v6  }
0x57b: {  	v7 =	vld [tilespmem:s4+$0x10];
	_ =	sdelay $0x2  }
0x57c: {  	v15 =	vld [tilespmem:s7+$0xFFFFFF90];
	_ =	sdelay $0x1  }
0x57d: {  	[tilespmem:s19+$0x0] =	vst.add.f32.msk $0xffff, v7  }
0x57e: {  	v12 =	vld [tilespmem:s4+$0x20];
	_ =	sdelay $0x1  }
0x57f: {  	v8 =	vld [tilespmem:s4+$0xFFFFFF80];
	(xrf1) =	vsort.dscd.msk.f32 $0xffff, v15, v15  }
0x580: {  	v19 =	vld [tilespmem:s7+$0xFFFFFFA0];
	(xrf1) =	vsort.ascd.msk.f32 $0xffff, v5, v5  }
0x581: {  	v20 =	vld [tilespmem:s7+$0xFFFFFF80];
	(xrf1) =	vsort.dscd.msk.f32 $0xffff, v4, v4  }
0x582: {  	(xrf1) =	vsort.dscd.msk.f32 $0xffff, v3, v3;
	[tilespmem:s20+$0x0] =	vst.add.f32.msk $0xffff, v12  }
0x583: {  	(xrf1) =	vsort.ascd.msk.f32 $0xffff, v2, v2;
	v13 =	vld [tilespmem:s4+$0x30]  }
0x584: {  	v11 =	vld [tilespmem:s7+$0xFFFFFFB0];
	(xrf1) =	vsort.dscd.msk.f32 $0xffff, v1, v1  }
0x585: {  	v10 =	vld [tilespmem:s7+$0xFFFFFFC0];
	(xrf1) =	vsort.ascd.msk.f32 $0xffff, v14, v14  }
0x586: {  	v17 =	vld [tilespmem:s7+$0xFFFFFFD0]  }
0x587: {  	v16 =	vld [tilespmem:s7+$0xFFFFFFD4];
	(xrf1) =	vsort.ascd.msk.f32 $0xffff, v20, v20  }
0x588: {  	[tilespmem:s21+$0x0] =	vst.add.f32.msk $0xffff, v13  }
0x589: {  	(xrf1) =	vsort.dscd.msk.f32 $0xffff, v19, v19;
	v21 =	vld [tilespmem:s4+$0x40]  }
0x58a: {  	[tilespmem:s18+$0x0] =	vst.add.f32.msk $0xffff, v8;
	(xrf1) =	vsort.ascd.msk.f32 $0xffff, v11, v11  }
0x58b: {  	v18 =	vld [tilespmem:s4+$0xFFFFFF90]  }
0x58c: {  	(xrf1) =	vsort.dscd.msk.f32 $0xffff, v10, v10  }
0x58d: {  	v22 =	vsel vm0, $0xBF800000, v16;
	(xrf1) =	vsort.ascd.msk.f32 $0xffff, v17, v17;
	v23, _, _ =	vpop (xrf1)  }
0x58e: {  	(xrf1) =	vsort.ascd.msk.f32 $0xffff, v22, v22;
	v24, _, _ =	vpop (xrf1);
	[tilespmem:s22+$0x0] =	vst.add.f32.msk $0xffff, v21  }
0x58f: {  	v26, _, _ =	vpop (xrf1);
	v25 =	vld [tilespmem:s4+$0x50]  }
0x590: {  	v27 =	vsel vm0, $0xBF800000, v9;
	[tilespmem:s19+$0x0] =	vst.add.f32.msk $0xffff, v18;
	v28, _, _ =	vpop (xrf1)  }
0x591: {  	v6 =	vadd.f32 v7, v6;
	v22 =	vld [tilespmem:s4+$0xFFFFFFA0];
	(xrf1) =	vsort.ascd.msk.f32 $0xffff, v27, v27;
	v7 =	vmin.f32 v24, v26;
	v29, _, _ =	vpop (xrf1)  }
0x592: {  	v24 =	vmax.f32 v24, v26;
	(xrf1) =	vsort.ascd.msk.f32 $0xffff, v7, v7;
	v26, _, _ =	vpop (xrf1)  }
0x593: {  	v6 =	vadd.f32 v12, v6;
	v7 =	vmax.f32 v28, v29;
	(xrf1) =	vsort.ascd.msk.f32 $0xffff, v24, v24;
	v12, _, _ =	vpop (xrf1)  }
0x594: {  	(xrf1) =	vsort.dscd.msk.f32 $0xffff, v7, v7;
	v24 =	vmin.f32 v26, v12;
	[tilespmem:s23+$0x0] =	vst.add.f32.msk $0xffff, v25  }
0x595: {  	v6 =	vadd.f32 v13, v6;
	v13, _, _ =	vpop (xrf1);
	(xrf1) =	vsort.dscd.msk.f32 $0xffff, v24, v24;
	v7 =	vld [tilespmem:s4+$0x54]  }
0x596: {  	[tilespmem:s20+$0x0] =	vst.add.f32.msk $0xffff, v22;
	v27 =	vmin.f32 v28, v29  }
0x597: {  	v24 =	vld [tilespmem:s4+$0xFFFFFFB0];
	v28, _, _ =	vpop (xrf1);
	v29 =	vmin.f32 v13, v23;
	(xrf1) =	vsort.dscd.msk.f32 $0xffff, v27, v27;
	v6 =	vadd.f32 v21, v6  }
0x598: {  	v12 =	vmax.f32 v26, v12;
	v21, _, _ =	vpop (xrf1);
	(xrf1) =	vsort.ascd.msk.f32 $0xffff, v29, v29  }
0x599: {  	v13 =	vmax.f32 v13, v23;
	v6 =	vadd.f32 v25, v6  }
0x59a: {  	v26, _, _ =	vpop (xrf1);
	(xrf1) =	vsort.dscd.msk.f32 $0xffff, v12, v12;
	v7 =	vsel vm0, $0x0, v7  }
0x59b: {  	v23 =	vmax.f32 v28, v21;
	v12, _, _ =	vpop (xrf1);
	(xrf1) =	vsort.ascd.msk.f32 $0xffff, v13, v13;
	v6 =	vadd.f32 v7, v6  }
0x59c: {  	v13, _, _ =	vpop (xrf1);
	[tilespmem:s21+$0x0] =	vst.add.f32.msk $0xffff, v24;
	(xrf1) =	vsort.dscd.msk.f32 $0xffff, v23, v23  }
0x59d: {  	v23 =	vld [tilespmem:s4+$0xFFFFFFC0];
	(xrf2) =	vadd.scan.msk.f32 $0xffff, v6;
	_ =	sdelay $0x1  }
0x59e: {  	v21 =	vmin.f32 v28, v21;
	v6, _, _ =	vpop (xrf1)  }
0x59f: {  	v25, _, _ =	vpop (xrf1)  }
0x5a0: {  	v27, _, _ =	vpop (xrf1)  }
0x5a1: {  	v28 =	vmin.f32 v26, v12;
	v12 =	vmax.f32 v26, v12;
	(xrf1) =	vsort.dscd.msk.f32 $0xffff, v21, v21;
	v21, _, _ =	vpop (xrf1)  }
0x5a2: {  	v26, _, _ =	vpop (xrf1)  }
0x5a3: {  	(xrf1) =	vsort.dscd.msk.f32 $0xffff, v28, v28;
	v28 =	vmin.f32 v26, v6  }
0x5a4: {  	(xrf1) =	vsort.dscd.msk.f32 $0xffff, v12, v12;
	v12, _, _ =	vpop (xrf1)  }
0x5a5: {  	v29 =	vmin.f32 v25, v21;
	v30 =	vmin.f32 v27, v12;
	v31, _, _ =	vpop (xrf1)  }
0x5a6: {  	(xrf1) =	vsort.dscd.msk.f32 $0xffff, v28, v28;
	v57 =	vmin.f32 v29, v30;
	v28, _, _ =	vpop (xrf2)  }
0x5a7: {  	v6 =	vmax.f32 v26, v6;
	v58, _, _ =	vpop (xrf1);
	v29 =	vmax.f32 v29, v30;
	(xrf1) =	vsort.ascd.msk.f32 $0xffff, v57, v57;
	(v2sf) =	vpush v28, $0xF  }
0x5a8: {  	v21 =	vmax.f32 v25, v21;
	v25 =	vmax.f32 v58, v6;
	(xrf1) =	vsort.ascd.msk.f32 $0xffff, v29, v29  }
0x5a9: {  	v12 =	vmax.f32 v27, v12;
	v6 =	vmin.f32 v58, v6;
	(xrf1) =	vsort.dscd.msk.f32 $0xffff, v25, v25  }
0x5aa: {  	v25 =	vmin.f32 v21, v12;
	(xrf1) =	vsort.dscd.msk.f32 $0xffff, v6, v6  }
0x5ab: {  	(xrf1) =	vsort.ascd.msk.f32 $0xffff, v25, v25  }
0x5ac: {  	v8 =	vadd.f32 v18, v8;
	[tilespmem:s22+$0x0] =	vst.add.f32.msk $0xffff, v23;
	v12 =	vmax.f32 v21, v12  }
0x5ad: {  	v6 =	vld [tilespmem:s4+$0xFFFFFFD0];
	(xrf1) =	vsort.ascd.msk.f32 $0xffff, v12, v12  }
0x5ae: {  	v8 =	vadd.f32 v22, v8  }
0x5af: {  	v12, _, _ =	vpop (xrf1)  }
0x5b0: {  	v8 =	vadd.f32 v24, v8;
	v18, _, _ =	vpop (xrf1)  }
0x5b1: {  	v22, _, _ =	vpop (xrf1)  }
0x5b2: {  	v8 =	vadd.f32 v23, v8;
	[tilespmem:s23+$0x0] =	vst.add.f32.msk $0xffff, v6;
	v24, _, _ =	vpop (xrf1)  }
0x5b3: {  	s16 =	simm.s32 $0xC180;
	v21 =	vld [tilespmem:s4+$0xFFFFFFD4];
	v25, _, _ =	vpop (xrf1)  }
0x5b4: {  	s8 =	simm.s32 $0x8180;
	v63 =	vld [tilespmem:s16+$0x0];
	v8 =	vadd.f32 v6, v8;
	v6 =	vmin.f32 v31, v18;
	v27 =	vmin.f32 v12, v22;
	v28, _, _ =	vpop (xrf1)  }
0x5b5: {  	v23 =	vld [tilespmem:s8+$0x10];
	v18 =	vmax.f32 v31, v18;
	v12 =	vmax.f32 v12, v22;
	v29 =	vmax.f32 v24, v13;
	v30, _, _ =	vpop (xrf1)  }
0x5b6: {  	v26 =	vld [tilespmem:s8+$0x0];
	v31 =	vmin.f32 v6, v27;
	v27 =	vmax.f32 v6, v27;
	v60 =	vmin.f32 v18, v12;
	v59, _, _ =	vpop (xrf1);
	s6 =	spop (v2sf)  }
0x5b7: {  	v22 =	vld [tilespmem:s8+$0x20];
	v24 =	vmin.f32 v24, v13;
	v61 =	vmax.f32 v25, v29;
	(xrf1) =	vsort.ascd.msk.f32 $0xffff, v31, v31;
	v62, _, _ =	vpop (xrf1);
	s5 =	scvt.f32.s32 s6  }
0x5b8: {  	v13 =	vld [tilespmem:s8+$0x40];
	v25 =	vmin.f32 v25, v29;
	v29 =	vmax.f32 v18, v12;
	(xrf1) =	vsort.ascd.msk.f32 $0xffff, v27, v27;
	v6 =	vsel vm0, $0x0, v21;
	v18, _, _ =	vpop (xrf1)  }
0x5b9: {  	v12 =	vld [tilespmem:s8+$0x50];
	v8 =	vadd.f32 v6, v8;
	v31 =	vmin.f32 v30, v62;
	v30 =	vmax.f32 v30, v62;
	v50, _, _ =	vpop (xrf1);
	p0 =	sgt.s32 s5, $0x1  }
0x5ba: {  	v21 =	vld [tilespmem:s8+$0x30];
	v49 =	vmin.f32 v59, v18;
	v51 =	vmin.f32 v50, v28;
	v28 =	vmax.f32 v50, v28;
	s5 =	simm.s32 @!p0 $0x1  }
0x5bb: {  	v32 =	vmax.f32 v59, v18;
	v18 =	vld [tilespmem:s8+$0x54];
	v53, _, _ =	vpop (xrf1);
	v35 =	vmin.f32 v30, v28;
	v52 =	vmin.f32 v31, v51;
	s5 =	smin.u32 s5, $0x64  }
0x5bc: {  	[tilespmem:s18+$0x0] =	vst.add.f32.msk $0xffff, v63;
	v55 =	vmin.f32 v32, v53;
	v28 =	vmax.f32 v30, v28;
	v54 =	vmov s5  }
0x5bd: {  	(xrf1) =	vsort.ascd.msk.f32 $0xffff, v60, v60;
	v56 =	vld [tilespmem:s16+$0x10];
	v30 =	vmax.f32 v32, v53;
	v31 =	vmax.f32 v31, v51;
	v27 =	vsub.s32 $0x80, v54  }
0x5be: {  	(xrf2) =	vadd.scan.msk.f32 $0xffff, v8;
	v32 =	vmax.f32 v28, v30;
	v8 =	vmax.f32 v35, v55;
	v40 =	vbroadcast v27, $0x0  }
0x5bf: {  	v30 =	vmin.f32 v28, v30;
	v57 =	vmin.f32 v31, v49;
	v31 =	vmax.f32 v31, v49  }
0x5c0: {  	(xrf1) =	vsort.dscd.msk.f32 $0xffff, v61, v61;
	v27 =	vmin.f32 v35, v55;
	vm1 =	vlt.u32 v40, $0x30;
	vm2 =	vlt.u32 v40, $0x70  }
0x5c1: {  	(xrf1) =	vsort.dscd.msk.f32 $0xffff, v25, v25;
	v28 =	vld [tilespmem:s8+$0xFFFFFF90];
	vm3 =	vlt.u32 v40, $0x20;
	vm4 =	vlt.u32 v40, $0x40;
	vm5 =	vlt.u32 v40, $0x60  }
0x5c2: {  	[tilespmem:s19+$0x0] =	vst.add.f32.msk $0xffff, v56;
	v25 =	vsel vm3, v52, v57;
	v27 =	vsel vm4, v31, v27;
	v8 =	vsel vm5, v8, v30  }
0x5c3: {  	(xrf1) =	vsort.dscd.msk.f32 $0xffff, v24, v24;
	v24 =	vsel vm1, v25, v27;
	v8 =	vsel vm2, v8, v32;
	vm1 =	vlt.u32 v40, $0x50;
	v25 =	vld [tilespmem:s16+$0x20]  }
0x5c4: {  	(xrf1) =	vsort.ascd.msk.f32 $0xffff, v29, v29;
	v8 =	vsel vm1, v24, v8  }
0x5c5: {  	(xrf1) =	vsort.ascd.msk.f32 $0xffff, v8, v8  }
0x5c6: {  	(xrf1) =	vsort.dscd.msk.f32 $0xffff, v28, v28  }
0x5c7: {  	v33 =	vld [tilespmem:s8+$0xFFFFFF80];
	(xrf1) =	vsort.ascd.msk.f32 $0xffff, v26, v26  }
0x5c8: {  	(xrf1) =	vsort.dscd.msk.f32 $0xffff, v23, v23;
	[tilespmem:s20+$0x0] =	vst.add.f32.msk $0xffff, v25  }
0x5c9: {  	v24, _, _ =	vpop (xrf2);
	(xrf1) =	vsort.dscd.msk.f32 $0xffff, v22, v22;
	v34 =	vld [tilespmem:s16+$0x30]  }
0x5ca: {  	[tilespmem:s24+$0x0] =	vst.add.f32.msk $0xffff, v7;
	(v2sf) =	vpush v24, $0xF;
	(xrf1) =	vsort.ascd.msk.f32 $0xffff, v21, v21  }
0x5cb: {  	v30 =	vld [tilespmem:s8+$0xFFFFFFA0];
	(xrf1) =	vsort.dscd.msk.f32 $0xffff, v13, v13  }
0x5cc: {  	v29, _, _ =	vpop (xrf1);
	v31 =	vld [tilespmem:s8+$0xFFFFFFB0];
	(xrf1) =	vsort.ascd.msk.f32 $0xffff, v12, v12  }
0x5cd: {  	v35, _, _ =	vpop (xrf1);
	v32 =	vld [tilespmem:s8+$0xFFFFFFC0]  }
0x5ce: {  	v58, _, _ =	vpop (xrf1);
	(xrf1) =	vsort.ascd.msk.f32 $0xffff, v33, v33;
	[tilespmem:s21+$0x0] =	vst.add.f32.msk $0xffff, v34  }
0x5cf: {  	v59, _, _ =	vpop (xrf1);
	v41 =	vld [tilespmem:s16+$0x40]  }
0x5d0: {  	v42, _, _ =	vpop (xrf1);
	v27 =	vld [tilespmem:s8+$0xFFFFFFD0]  }
0x5d1: {  	v36 =	vadd.f32 v56, v63;
	v45 =	vmin.f32 v29, v59;
	v29 =	vmax.f32 v29, v59;
	v43, _, _ =	vpop (xrf1);
	v24 =	vld [tilespmem:s8+$0xFFFFFFD4]  }
0x5d2: {  	v60 =	vmax.f32 v35, v42;
	v35 =	vmin.f32 v35, v42;
	v8 =	vld [tilespmem:s16+$0xFFFFFF80];
	v44, _, _ =	vpop (xrf1);
	(xrf1) =	vsort.dscd.msk.f32 $0xffff, v30, v30  }
0x5d3: {  	v62 =	vld [tilespmem:s4+$0x0];
	v46 =	vmin.f32 v58, v43;
	v37 =	vmax.f32 v58, v43;
	(xrf1) =	vsort.ascd.msk.f32 $0xffff, v31, v31;
	v47, _, _ =	vpop (xrf1)  }
0x5d4: {  	v48 =	vmin.f32 v29, v37;
	v36 =	vadd.f32 v25, v36;
	(xrf1) =	vsort.dscd.msk.f32 $0xffff, v32, v32;
	v38, _, _ =	vpop (xrf1);
	[tilespmem:s22+$0x0] =	vst.add.f32.msk $0xffff, v41  }
0x5d5: {  	v7 =	vsel vm0, $0xBF800000, v18;
	v51 =	vmin.f32 v60, v44;
	(xrf1) =	vsort.ascd.msk.f32 $0xffff, v27, v27;
	v25 =	vperm.xlane v47, v40;
	v49, _, _ =	vpop (xrf1);
	v50 =	vld [tilespmem:s16+$0x50]  }
0x5d6: {  	v37 =	vmax.f32 v29, v37;
	v52 =	vsel vm0, $0xBF800000, v24;
	v34 =	vadd.f32 v34, v36;
	v53, _, _ =	vpop (xrf1)  }
0x5d7: {  	v43 =	vmax.f32 v60, v44;
	[tilespmem:s18+$0x0] =	vst.add.f32.msk $0xffff, v8;
	(xrf1) =	vsort.ascd.msk.f32 $0xffff, v52, v52;
	vm1 =	vge.f32 v5, v25;
	v61, _, _ =	vpop (xrf1)  }
0x5d8: {  	v29 =	vld [tilespmem:s16+$0xFFFFFF90];
	(xrf1) =	vsort.ascd.msk.f32 $0xffff, v7, v7;
	v34 =	vadd.f32 v41, v34;
	v63 =	vmin.f32 v49, v53;
	v39 =	vnsel vm1, $0x0, v62;
	v54, _, _ =	vpop (xrf1)  }
0x5d9: {  	v41 =	vmin.f32 v48, v51;
	s7 =	spop (v2sf);
	v7 =	vmax.f32 v49, v53;
	(xrf1) =	vsort.ascd.msk.f32 $0xffff, v63, v63;
	[tilespmem:s25+$0x0] =	vst.add.f32.msk $0xffff, v39;
	v56, _, _ =	vpop (xrf1)  }
0x5da: {  	s3 =	scvt.f32.s32 s7;
	v62 =	vmax.f32 v45, v46;
	v57 =	vmax.f32 v61, v54;
	(xrf1) =	vsort.ascd.msk.f32 $0xffff, v7, v7;
	v58, _, _ =	vpop (xrf1);
	[tilespmem:s23+$0x0] =	vst.add.f32.msk $0xffff, v50  }
0x5db: {  	v53 =	vmax.f32 v48, v51;
	(xrf1) =	vsort.dscd.msk.f32 $0xffff, v57, v57;
	v7 =	vmin.f32 v56, v58;
	v59 =	vld [tilespmem:s16+$0x54]  }
0x5dc: {  	v45 =	vmin.f32 v45, v46;
	v60 =	vmin.f32 v61, v54;
	p0 =	sgt.s32 s3, $0x1;
	v63 =	vld [tilespmem:s4+$0x10];
	v5, _, _ =	vpop (xrf1);
	(xrf1) =	vsort.dscd.msk.f32 $0xffff, v7, v7  }
0x5dd: {  	vm1 =	vge.f32 v4, v25;
	s3 =	simm.s32 @!p0 $0x1;
	v61 =	vmin.f32 v5, v38;
	(xrf1) =	vsort.dscd.msk.f32 $0xffff, v60, v60  }
0x5de: {  	v55 =	vmin.f32 v62, v35;
	v35 =	vmax.f32 v62, v35;
	s3 =	smin.u32 s3, $0x64;
	(xrf1) =	vsort.ascd.msk.f32 $0xffff, v61, v61  }
0x5df: {  	[tilespmem:s19+$0x0] =	vst.add.f32.msk $0xffff, v29;
	v34 =	vadd.f32 v50, v34;
	v52 =	vmax.f32 v56, v58;
	v57 =	vmov s3  }
0x5e0: {  	v54 =	vmin.f32 v37, v43;
	v7 =	vld [tilespmem:s16+$0xFFFFFFA0];
	v56, _, _ =	vpop (xrf1);
	v40 =	vsub.s32 $0x80, v57;
	(xrf1) =	vsort.dscd.msk.f32 $0xffff, v52, v52;
	v39 =	vsel vm0, $0x0, v59  }
0x5e1: {  	v58, _, _ =	vpop (xrf1);
	v40 =	vbroadcast v40, $0x0;
	v42 =	vnsel vm1, $0x0, v63;
	v34 =	vadd.f32 v39, v34  }
0x5e2: {  	v37 =	vmax.f32 v37, v43;
	v5 =	vmax.f32 v5, v38;
	v4, _, _ =	vpop (xrf1);
	v60 =	vmin.f32 v56, v58;
	[tilespmem:s26+$0x0] =	vst.add.f32.msk $0xffff, v42  }
0x5e3: {  	v61 =	vmax.f32 v56, v58;
	v59, _, _ =	vpop (xrf1);
	v63 =	vld [tilespmem:s4+$0x20];
	vm1 =	vlt.u32 v40, $0x20;
	vm2 =	vlt.u32 v40, $0x40;
	(xrf2) =	vadd.scan.msk.f32 $0xffff, v34  }
0x5e4: {  	v62 =	vmin.f32 v4, v59;
	v36 =	vsel vm1, v45, v55;
	vm1 =	vlt.u32 v40, $0x60  }
0x5e5: {  	[tilespmem:s20+$0x0] =	vst.add.f32.msk $0xffff, v7;
	v46, _, _ =	vpop (xrf1);
	v35 =	vsel vm2, v35, v41;
	v52 =	vsel vm1, v53, v54;
	vm1 =	vlt.u32 v40, $0x30  }
0x5e6: {  	(xrf1) =	vsort.ascd.msk.f32 $0xffff, v5, v5;
	v4 =	vmax.f32 v4, v59;
	vm2 =	vlt.u32 v40, $0x70;
	v5, _, _ =	vpop (xrf1);
	v34 =	vld [tilespmem:s16+$0xFFFFFFB0];
	v35 =	vsel vm1, v36, v35  }
0x5e7: {  	(xrf1) =	vsort.dscd.msk.f32 $0xffff, v61, v61;
	v53 =	vsel vm2, v52, v37;
	vm1 =	vlt.u32 v40, $0x50;
	vm2 =	vge.f32 v3, v25;
	v38, _, _ =	vpop (xrf1)  }
0x5e8: {  	(xrf1) =	vsort.dscd.msk.f32 $0xffff, v60, v60;
	v3 =	vsel vm1, v35, v53;
	v55 =	vnsel vm2, $0x0, v63;
	v42, _, _ =	vpop (xrf1)  }
0x5e9: {  	(xrf1) =	vsort.dscd.msk.f32 $0xffff, v62, v62;
	[tilespmem:s28+$0x0] =	vst.add.f32.msk $0xffff, v55;
	v54, _, _ =	vpop (xrf1)  }
0x5ea: {  	(xrf1) =	vsort.dscd.msk.f32 $0xffff, v4, v4;
	v63 =	vld [tilespmem:s4+$0x30];
	v4, _, _ =	vpop (xrf1)  }
0x5eb: {  	(xrf1) =	vsort.ascd.msk.f32 $0xffff, v3, v3;
	[tilespmem:s21+$0x0] =	vst.add.f32.msk $0xffff, v34;
	v3, _, _ =	vpop (xrf1)  }
0x5ec: {  	v56 =	vld [tilespmem:s16+$0xFFFFFFC0];
	v58 =	vmin.f32 v38, v54;
	v57 =	vmin.f32 v4, v5;
	v59 =	vmin.f32 v42, v3;
	v60, _, _ =	vpop (xrf1)  }
0x5ed: {  	vm1 =	vge.f32 v2, v25;
	(xrf1) =	vsort.dscd.msk.f32 $0xffff, v57, v57;
	v61 =	vmin.f32 v58, v59;
	v62, _, _ =	vpop (xrf2)  }
0x5ee: {  	v4 =	vmax.f32 v4, v5;
	v52, _, _ =	vpop (xrf1);
	v43 =	vmax.f32 v58, v59;
	(xrf1) =	vsort.ascd.msk.f32 $0xffff, v61, v61;
	(v2sf) =	vpush v62, $0xF  }
0x5ef: {  	v5 =	vmax.f32 v38, v54;
	v2 =	vnsel vm1, $0x0, v63;
	v53 =	vmax.f32 v52, v4;
	(xrf1) =	vsort.ascd.msk.f32 $0xffff, v43, v43  }
0x5f0: {  	v3 =	vmax.f32 v42, v3;
	[tilespmem:s29+$0x0] =	vst.add.f32.msk $0xffff, v2;
	v4 =	vmin.f32 v52, v4;
	(xrf1) =	vsort.dscd.msk.f32 $0xffff, v53, v53  }
0x5f1: {  	v54 =	vmin.f32 v5, v3;
	[tilespmem:s22+$0x0] =	vst.add.f32.msk $0xffff, v56;
	(xrf1) =	vsort.dscd.msk.f32 $0xffff, v4, v4  }
0x5f2: {  	v3 =	vmax.f32 v5, v3;
	v2 =	vld [tilespmem:s4+$0x40];
	(xrf1) =	vsort.ascd.msk.f32 $0xffff, v54, v54  }
0x5f3: {  	v4 =	vadd.f32 v29, v8;
	v8 =	vld [tilespmem:s16+$0xFFFFFFD0]  }
0x5f4: {  	(xrf1) =	vsort.ascd.msk.f32 $0xffff, v3, v3  }
0x5f5: {  	v4 =	vadd.f32 v7, v4;
	v3, _, _ =	vpop (xrf1)  }
0x5f6: {  	v5, _, _ =	vpop (xrf1)  }
0x5f7: {  	[tilespmem:s24+$0x0] =	vst.add.f32.msk $0xffff, v6;
	vm1 =	vge.f32 v1, v25;
	v4 =	vadd.f32 v34, v4;
	v7, _, _ =	vpop (xrf1)  }
0x5f8: {  	v2 =	vnsel vm1, $0x0, v2;
	[tilespmem:s23+$0x0] =	vst.add.f32.msk $0xffff, v8;
	v55, _, _ =	vpop (xrf1)  }
0x5f9: {  	s3 =	simm.s32 $0xC280;
	v4 =	vadd.f32 v56, v4;
	v29 =	vld [tilespmem:s16+$0xFFFFFFD4];
	v1, _, _ =	vpop (xrf1)  }
0x5fa: {  	v47 =	vld [tilespmem:s3+$0x0];
	v41, _, _ =	vpop (xrf1)  }
0x5fb: {  	[tilespmem:s30+$0x0] =	vst.add.f32.msk $0xffff, v2;
	v6 =	vmin.f32 v60, v5;
	v5 =	vmax.f32 v60, v5;
	v4 =	vadd.f32 v8, v4;
	v2, _, _ =	vpop (xrf1)  }
0x5fc: {  	s8 =	simm.s32 $0x8280;
	[tilespmem:s24+$0x0] =	vst.add.f32.msk $0xffff, v39;
	v8 =	vmin.f32 v3, v7;
	v3 =	vmax.f32 v3, v7;
	v7 =	vmax.f32 v55, v46;
	v57, _, _ =	vpop (xrf1)  }
0x5fd: {  	v37 =	vld [tilespmem:s8+$0x10];
	v46 =	vmin.f32 v55, v46;
	v56 =	vmin.f32 v6, v8;
	v6 =	vmax.f32 v6, v8;
	v59, _, _ =	vpop (xrf1);
	s6 =	spop (v2sf)  }
0x5fe: {  	v36 =	vld [tilespmem:s8+$0x20];
	v58 =	vmin.f32 v5, v3;
	v60 =	vmax.f32 v1, v7;
	(xrf1) =	vsort.ascd.msk.f32 $0xffff, v56, v56;
	v8 =	vsel vm0, $0x0, v29;
	v29, _, _ =	vpop (xrf1);
	s6 =	scvt.f32.s32 s6  }
0x5ff: {  	v35 =	vld [tilespmem:s8+$0x30];
	v7 =	vmin.f32 v1, v7;
	v3 =	vmax.f32 v5, v3;
	(xrf1) =	vsort.ascd.msk.f32 $0xffff, v6, v6;
	v1, _, _ =	vpop (xrf1)  }
0x600: {  	v38 =	vld [tilespmem:s8+$0x0];
	v4 =	vadd.f32 v8, v4;
	v5 =	vmin.f32 v57, v29;
	v42 =	vmax.f32 v57, v29;
	v61, _, _ =	vpop (xrf1);
	p0 =	sgt.s32 s6, $0x1  }
0x601: {  	v34 =	vld [tilespmem:s8+$0x40];
	v6 =	vmin.f32 v59, v1;
	v62 =	vmin.f32 v61, v2;
	s6 =	simm.s32 @!p0 $0x1;
	v2 =	vmax.f32 v61, v2  }
0x602: {  	[tilespmem:s24+$0x0] =	vst.add.f32.msk $0xffff, v8;
	v44 =	vmax.f32 v59, v1;
	v63, _, _ =	vpop (xrf1);
	s6 =	smin.u32 s6, $0x64;
	v48 =	vmin.f32 v42, v2;
	v50 =	vmin.f32 v5, v62  }
0x603: {  	(xrf1) =	vsort.ascd.msk.f32 $0xffff, v58, v58;
	v29 =	vld [tilespmem:s8+$0x50];
	v57 =	vmin.f32 v44, v63;
	v2 =	vmax.f32 v42, v2;
	v56 =	vmov s6  }
0x604: {  	(xrf1) =	vsort.dscd.msk.f32 $0xffff, v60, v60;
	v1 =	vld [tilespmem:s8+$0x54];
	v59 =	vmax.f32 v44, v63;
	v5 =	vmax.f32 v5, v62;
	v58 =	vsub.s32 $0x80, v56  }
0x605: {  	[tilespmem:s18+$0x0] =	vst.add.f32.msk $0xffff, v47;
	v60 =	vmin.f32 v48, v57;
	v61 =	vmax.f32 v2, v59;
	v42 =	vbroadcast v58, $0x0  }
0x606: {  	v45 =	vld [tilespmem:s3+$0x10];
	v48 =	vmax.f32 v48, v57;
	v2 =	vmin.f32 v2, v59;
	v62 =	vmin.f32 v5, v6  }
0x607: {  	v51 =	vld [tilespmem:s4+$0xFFFFFF80];
	(xrf2) =	vadd.scan.msk.f32 $0xffff, v4;
	v5 =	vmax.f32 v5, v6;
	vm1 =	vlt.u32 v42, $0x30;
	vm2 =	vlt.u32 v42, $0x70  }
0x608: {  	v43 =	vld [tilespmem:s3+$0xFFFFFF80];
	(xrf1) =	vsort.dscd.msk.f32 $0xffff, v7, v7;
	vm3 =	vlt.u32 v42, $0x20;
	vm4 =	vlt.u32 v42, $0x40;
	vm5 =	vlt.u32 v42, $0x60  }
0x609: {  	v4 =	vld [tilespmem:s8+$0xFFFFFF90];
	v6 =	vsel vm3, v50, v62;
	v5 =	vsel vm4, v5, v60;
	v2 =	vsel vm5, v48, v2  }
0x60a: {  	v8 =	vld [tilespmem:s8+$0xFFFFFF80];
	(xrf1) =	vsort.dscd.msk.f32 $0xffff, v46, v46;
	v5 =	vsel vm1, v6, v5;
	v2 =	vsel vm2, v2, v61;
	vm1 =	vlt.u32 v42, $0x50  }
0x60b: {  	(xrf1) =	vsort.ascd.msk.f32 $0xffff, v3, v3;
	[tilespmem:s19+$0x0] =	vst.add.f32.msk $0xffff, v45;
	v2 =	vsel vm1, v5, v2  }
0x60c: {  	v46 =	vld [tilespmem:s3+$0x20];
	(xrf1) =	vsort.ascd.msk.f32 $0xffff, v2, v2  }
0x60d: {  	v7 =	vld [tilespmem:s8+$0xFFFFFFA0]  }
0x60e: {  	v3 =	vld [tilespmem:s8+$0xFFFFFFD0];
	(xrf1) =	vsort.dscd.msk.f32 $0xffff, v4, v4  }
0x60f: {  	v6 =	vld [tilespmem:s8+$0xFFFFFFC0];
	(xrf1) =	vsort.ascd.msk.f32 $0xffff, v38, v38  }
0x610: {  	v5 =	vld [tilespmem:s8+$0xFFFFFFB0];
	(xrf1) =	vsort.dscd.msk.f32 $0xffff, v37, v37  }
0x611: {  	[tilespmem:s20+$0x0] =	vst.add.f32.msk $0xffff, v46;
	(xrf1) =	vsort.dscd.msk.f32 $0xffff, v36, v36  }
0x612: {  	v48 =	vld [tilespmem:s3+$0x30];
	v2, _, _ =	vpop (xrf2);
	(xrf1) =	vsort.ascd.msk.f32 $0xffff, v35, v35  }
0x613: {  	v63, _, _ =	vpop (xrf1);
	(v2sf) =	vpush v2, $0xF;
	v2 =	vld [tilespmem:s8+$0xFFFFFFD4];
	(xrf1) =	vsort.dscd.msk.f32 $0xffff, v34, v34  }
0x614: {  	v40 =	vperm.xlane v41, v40;
	v50, _, _ =	vpop (xrf1);
	[tilespmem:s18+$0x0] =	vst.add.f32.msk $0xffff, v43;
	(xrf1) =	vsort.ascd.msk.f32 $0xffff, v29, v29  }
0x615: {  	v60, _, _ =	vpop (xrf1);
	v44 =	vld [tilespmem:s3+$0xFFFFFF90];
	(xrf1) =	vsort.ascd.msk.f32 $0xffff, v8, v8  }
0x616: {  	vm2 =	vge.f32 v15, v40;
	v15 =	vld [tilespmem:s16+$0x0];
	v61, _, _ =	vpop (xrf1);
	(xrf1) =	vsort.dscd.msk.f32 $0xffff, v7, v7  }
0x617: {  	vm1 =	vge.f32 v20, v40;
	v41, _, _ =	vpop (xrf1);
	[tilespmem:s21+$0x0] =	vst.add.f32.msk $0xffff, v48;
	(xrf1) =	vsort.ascd.msk.f32 $0xffff, v5, v5  }
0x618: {  	vm3 =	vge.f32 v14, v25;
	v14 =	vnsel vm1, $0x0, v51;
	v56, _, _ =	vpop (xrf1);
	v55 =	vld [tilespmem:s3+$0x40];
	(xrf1) =	vsort.dscd.msk.f32 $0xffff, v6, v6  }
0x619: {  	[tilespmem:s25+$0x0] =	vst.add.f32.msk $0xffff, v14;
	v20, _, _ =	vpop (xrf1);
	v14 =	vsel vm0, $0xBF800000, v2;
	(xrf1) =	vsort.ascd.msk.f32 $0xffff, v3, v3  }
0x61a: {  	vm1 =	vge.f32 v19, v40;
	[tilespmem:s19+$0x0] =	vst.add.f32.msk $0xffff, v44;
	(xrf1) =	vsort.ascd.msk.f32 $0xffff, v14, v14;
	v14 =	vsel vm0, $0xBF800000, v1;
	v19, _, _ =	vpop (xrf1)  }
0x61b: {  	(xrf1) =	vsort.ascd.msk.f32 $0xffff, v14, v14;
	v14 =	vld [tilespmem:s3+$0xFFFFFFA0];
	v39 =	vperm.xlane v19, v42  }
0x61c: {  	v52 =	vld [tilespmem:s4+$0x50];
	v57, _, _ =	vpop (xrf1)  }
0x61d: {  	v51 =	vmin.f32 v63, v61;
	v49 =	vmax.f32 v63, v61;
	[tilespmem:s22+$0x0] =	vst.add.f32.msk $0xffff, v55;
	v62, _, _ =	vpop (xrf1);
	vm4 =	vge.f32 v26, v39  }
0x61e: {  	v53 =	vmax.f32 v60, v56;
	v54 =	vld [tilespmem:s3+$0x50];
	v19 =	vmin.f32 v60, v56;
	v58, _, _ =	vpop (xrf1);
	v15 =	vnsel vm4, $0x0, v15  }
0x61f: {  	v26 =	vadd.f32 v45, v47;
	v47 =	vmax.f32 v49, v53;
	v45, _, _ =	vpop (xrf1);
	v63 =	vmin.f32 v62, v58;
	[tilespmem:s25+$0x0] =	vst.add.f32.msk $0xffff, v15  }
0x620: {  	v42 =	vmax.f32 v62, v58;
	v62 =	vmax.f32 v50, v41;
	v60, _, _ =	vpop (xrf1);
	(xrf1) =	vsort.ascd.msk.f32 $0xffff, v63, v63;
	[tilespmem:s20+$0x0] =	vst.add.f32.msk $0xffff, v14  }
0x621: {  	v50 =	vmin.f32 v50, v41;
	(xrf1) =	vsort.ascd.msk.f32 $0xffff, v42, v42;
	v42 =	vmin.f32 v49, v53;
	v49 =	vld [tilespmem:s16+$0x10];
	v15, _, _ =	vpop (xrf1)  }
0x622: {  	v26 =	vadd.f32 v46, v26;
	v61 =	vmax.f32 v45, v60;
	v45 =	vmin.f32 v45, v60;
	v58 =	vld [tilespmem:s3+$0xFFFFFFB0];
	v53, _, _ =	vpop (xrf1)  }
0x623: {  	s7 =	spop (v2sf);
	[tilespmem:s23+$0x0] =	vst.add.f32.msk $0xffff, v54;
	v60 =	vmin.f32 v62, v20;
	(xrf1) =	vsort.dscd.msk.f32 $0xffff, v61, v61;
	v63 =	vmin.f32 v15, v53  }
0x624: {  	s5 =	scvt.f32.s32 s7;
	v20 =	vmax.f32 v62, v20;
	v26 =	vadd.f32 v48, v26;
	v61 =	vld [tilespmem:s3+$0x54];
	(xrf1) =	vsort.dscd.msk.f32 $0xffff, v63, v63  }
0x625: {  	v62 =	vnsel vm3, $0x0, v52;
	vm3 =	vge.f32 v23, v39;
	v56 =	vmax.f32 v42, v60;
	v63 =	vld [tilespmem:s4+$0xFFFFFF90];
	(xrf1) =	vsort.dscd.msk.f32 $0xffff, v45, v45;
	v45, _, _ =	vpop (xrf1)  }
0x626: {  	p0 =	sgt.s32 s5, $0x1;
	[tilespmem:s31+$0x0] =	vst.add.f32.msk $0xffff, v62;
	v26 =	vadd.f32 v55, v26;
	v55 =	vmin.f32 v42, v60;
	v23 =	vmin.f32 v45, v57  }
0x627: {  	s5 =	simm.s32 @!p0 $0x1;
	v15 =	vmax.f32 v15, v53;
	[tilespmem:s21+$0x0] =	vst.add.f32.msk $0xffff, v58;
	(xrf1) =	vsort.ascd.msk.f32 $0xffff, v23, v23;
	v23 =	vnsel vm3, $0x0, v49  }
0x628: {  	v60 =	vmax.f32 v51, v19;
	s5 =	smin.u32 s5, $0x64;
	[tilespmem:s26+$0x0] =	vst.add.f32.msk $0xffff, v23;
	v23 =	vadd.f32 v54, v26;
	(xrf1) =	vsort.dscd.msk.f32 $0xffff, v15, v15  }
0x629: {  	v19 =	vmin.f32 v51, v19;
	v62 =	vmov s5;
	v41 =	vsel vm0, $0x0, v61;
	v51 =	vld [tilespmem:s3+$0xFFFFFFC0]  }
0x62a: {  	v54 =	vsub.s32 $0x80, v62;
	v15 =	vld [tilespmem:s16+$0x20];
	v61 =	vnsel vm2, $0x0, v63;
	v63, _, _ =	vpop (xrf1);
	v23 =	vadd.f32 v41, v23  }
0x62b: {  	v49 =	vmin.f32 v60, v50;
	v42 =	vbroadcast v54, $0x0;
	[tilespmem:s26+$0x0] =	vst.add.f32.msk $0xffff, v61;
	v59, _, _ =	vpop (xrf1)  }
0x62c: {  	v50 =	vmax.f32 v60, v50;
	vm2 =	vge.f32 v22, v39;
	v60, _, _ =	vpop (xrf1);
	v22 =	vld [tilespmem:s4+$0xFFFFFFA0];
	(xrf2) =	vadd.scan.msk.f32 $0xffff, v23;
	v23 =	vmax.f32 v45, v57  }
0x62d: {  	v26 =	vmin.f32 v47, v20;
	vm3 =	vlt.u32 v42, $0x60;
	v62, _, _ =	vpop (xrf1)  }
0x62e: {  	v20 =	vmax.f32 v47, v20;
	[tilespmem:s22+$0x0] =	vst.add.f32.msk $0xffff, v51;
	v26 =	vsel vm3, v56, v26;
	vm3 =	vlt.u32 v42, $0x70;
	v53, _, _ =	vpop (xrf1)  }
0x62f: {  	(xrf1) =	vsort.ascd.msk.f32 $0xffff, v23, v23;
	v20 =	vsel vm3, v26, v20;
	v26 =	vld [tilespmem:s3+$0xFFFFFFD0];
	v15 =	vnsel vm2, $0x0, v15;
	vm2 =	vlt.u32 v42, $0x20;
	v23, _, _ =	vpop (xrf1)  }
0x630: {  	v61 =	vmin.f32 v63, v59;
	v46 =	vmax.f32 v63, v59;
	[tilespmem:s28+$0x0] =	vst.add.f32.msk $0xffff, v15;
	v15 =	vsel vm2, v19, v49;
	v19, _, _ =	vpop (xrf1)  }
0x631: {  	v63 =	vmin.f32 v60, v62;
	(xrf1) =	vsort.dscd.msk.f32 $0xffff, v46, v46;
	vm2 =	vlt.u32 v42, $0x40;
	v22 =	vnsel vm1, $0x0, v22;
	v56, _, _ =	vpop (xrf1)  }
0x632: {  	v47 =	vmax.f32 v60, v62;
	(xrf1) =	vsort.dscd.msk.f32 $0xffff, v61, v61;
	v54 =	vld [tilespmem:s16+$0x30];
	v55 =	vsel vm2, v50, v55;
	vm2 =	vlt.u32 v42, $0x30;
	v57, _, _ =	vpop (xrf1)  }
0x633: {  	(xrf1) =	vsort.dscd.msk.f32 $0xffff, v63, v63;
	vm1 =	vge.f32 v21, v39;
	v15 =	vsel vm2, v15, v55;
	vm2 =	vlt.u32 v42, $0x50;
	v59, _, _ =	vpop (xrf1)  }
0x634: {  	(xrf1) =	vsort.dscd.msk.f32 $0xffff, v47, v47;
	[tilespmem:s28+$0x0] =	vst.add.f32.msk $0xffff, v22;
	v15 =	vsel vm2, v15, v20;
	v20 =	vmin.f32 v59, v23;
	v22, _, _ =	vpop (xrf1)  }
0x635: {  	[tilespmem:s23+$0x0] =	vst.add.f32.msk $0xffff, v26;
	(xrf1) =	vsort.ascd.msk.f32 $0xffff, v15, v15;
	v21 =	vmin.f32 v19, v57;
	v60 =	vmin.f32 v56, v22;
	v61, _, _ =	vpop (xrf1)  }
0x636: {  	v15 =	vld [tilespmem:s4+$0xFFFFFFB0];
	v19 =	vmax.f32 v19, v57;
	(xrf1) =	vsort.dscd.msk.f32 $0xffff, v20, v20;
	v62 =	vmin.f32 v21, v60;
	v63, _, _ =	vpop (xrf1)  }
0x637: {  	v23 =	vmax.f32 v59, v23;
	v46 =	vnsel vm1, $0x0, v54;
	v21 =	vmax.f32 v21, v60;
	v20, _, _ =	vpop (xrf2);
	(xrf1) =	vsort.ascd.msk.f32 $0xffff, v62, v62  }
0x638: {  	[tilespmem:s29+$0x0] =	vst.add.f32.msk $0xffff, v46;
	v54 =	vmax.f32 v63, v23;
	(v2sf) =	vpush v20, $0xF;
	(xrf1) =	vsort.ascd.msk.f32 $0xffff, v21, v21  }
0x639: {  	v22 =	vmax.f32 v56, v22;
	v23 =	vmin.f32 v63, v23;
	v20 =	vld [tilespmem:s16+$0x40];
	(xrf1) =	vsort.dscd.msk.f32 $0xffff, v54, v54  }
0x63a: {  	v55 =	vld [tilespmem:s3+$0xFFFFFFD4];
	vm1 =	vge.f32 v11, v40;
	(xrf1) =	vsort.dscd.msk.f32 $0xffff, v23, v23;
	v23 =	vadd.f32 v44, v43  }
0x63b: {  	v11 =	vmin.f32 v19, v22;
	v21 =	vld [tilespmem:s4+$0x54];
	v15 =	vnsel vm1, $0x0, v15;
	vm1 =	vge.f32 v13, v39  }
0x63c: {  	[tilespmem:s29+$0x0] =	vst.add.f32.msk $0xffff, v15;
	(xrf1) =	vsort.ascd.msk.f32 $0xffff, v11, v11;
	v11 =	vmax.f32 v19, v22;
	v13 =	vadd.f32 v14, v23  }
0x63d: {  	v15 =	vld [tilespmem:s4+$0xFFFFFFC0]  }
0x63e: {  	(xrf1) =	vsort.ascd.msk.f32 $0xffff, v11, v11;
	v14 =	vnsel vm1, $0x0, v20  }
0x63f: {  	v11, _, _ =	vpop (xrf1);
	[tilespmem:s30+$0x0] =	vst.add.f32.msk $0xffff, v14  }
0x640: {  	vm1 =	vge.f32 v9, v25;
	v14 =	vsel vm0, $0x0, v21;
	v9 =	vadd.f32 v58, v13;
	v19 =	vld [tilespmem:s16+$0x50];
	v13, _, _ =	vpop (xrf1)  }
0x641: {  	v45 =	vld [tilespmem:s16+$0xFFFFFF80];
	v14 =	vnsel vm1, $0x0, v14;
	vm1 =	vge.f32 v10, v40;
	v20, _, _ =	vpop (xrf1)  }
0x642: {  	s5 =	simm.s32 $0xC380;
	v21 =	vsel vm0, $0x0, v55;
	[tilespmem:s0+$0x0] =	vst.add.f32.msk $0xffff, v14;
	v9 =	vadd.f32 v51, v9;
	v14 =	vnsel vm1, $0x0, v15;
	v10, _, _ =	vpop (xrf1)  }
0x643: {  	v44 =	vld [tilespmem:s5+$0x0];
	vm1 =	vge.f32 v12, v39;
	v15 =	vmin.f32 v61, v13;
	v23 =	vmax.f32 v61, v13;
	v22, _, _ =	vpop (xrf1)  }
0x644: {  	[tilespmem:s24+$0x0] =	vst.add.f32.msk $0xffff, v21;
	v9 =	vadd.f32 v26, v9;
	v12 =	vmin.f32 v11, v20;
	v11 =	vmax.f32 v11, v20;
	v46, _, _ =	vpop (xrf1)  }
0x645: {  	s8 =	simm.s32 $0x8380;
	[tilespmem:s30+$0x0] =	vst.add.f32.msk $0xffff, v14;
	v20 =	vmax.f32 v10, v53;
	v25 =	vmin.f32 v15, v12;
	v13 =	vnsel vm1, $0x0, v19;
	v19, _, _ =	vpop (xrf1)  }
0x646: {  	v14 =	vld [tilespmem:s8+$0x0];
	v15 =	vmax.f32 v15, v12;
	v56 =	vmin.f32 v23, v11;
	v57 =	vmax.f32 v22, v20;
	v26, _, _ =	vpop (xrf1)  }
0x647: {  	v12 =	vld [tilespmem:s8+$0x20];
	v9 =	vadd.f32 v21, v9;
	v21 =	vmin.f32 v10, v53;
	(xrf1) =	vsort.ascd.msk.f32 $0xffff, v25, v25;
	v58, _, _ =	vpop (xrf1);
	s7 =	spop (v2sf)  }
0x648: {  	v20 =	vmin.f32 v22, v20;
	v22 =	vmax.f32 v23, v11;
	v11 =	vld [tilespmem:s8+$0x30];
	(xrf1) =	vsort.ascd.msk.f32 $0xffff, v15, v15;
	v10, _, _ =	vpop (xrf1);
	s7 =	scvt.f32.s32 s7  }
0x649: {  	[tilespmem:s31+$0x0] =	vst.add.f32.msk $0xffff, v13;
	(xrf1) =	vsort.ascd.msk.f32 $0xffff, v56, v56;
	v23, _, _ =	vpop (xrf1)  }
0x64a: {  	v13 =	vld [tilespmem:s8+$0x10];
	(xrf1) =	vsort.dscd.msk.f32 $0xffff, v57, v57;
	v25 =	vmin.f32 v26, v10;
	v26 =	vmax.f32 v26, v10;
	v59, _, _ =	vpop (xrf1);
	p0 =	sgt.s32 s7, $0x1  }
0x64b: {  	v15 =	vld [tilespmem:s8+$0x40];
	v49 =	vmin.f32 v58, v23;
	v60 =	vmin.f32 v59, v19;
	s7 =	simm.s32 @!p0 $0x1;
	v19 =	vmax.f32 v59, v19  }
0x64c: {  	(xrf2) =	vadd.scan.msk.f32 $0xffff, v9;
	v9 =	vld [tilespmem:s8+$0x54];
	v23 =	vmax.f32 v58, v23;
	v63, _, _ =	vpop (xrf1);
	s7 =	smin.u32 s7, $0x64;
	v61 =	vmin.f32 v26, v19;
	v62 =	vmin.f32 v25, v60  }
0x64d: {  	(xrf1) =	vsort.dscd.msk.f32 $0xffff, v20, v20;
	v10 =	vld [tilespmem:s8+$0x50];
	v57 =	vmin.f32 v23, v63;
	v19 =	vmax.f32 v26, v19;
	v56 =	vmov s7  }
0x64e: {  	[tilespmem:s18+$0x0] =	vst.add.f32.msk $0xffff, v44;
	v23 =	vmax.f32 v23, v63;
	v58 =	vmax.f32 v25, v60;
	v26 =	vsub.s32 $0x80, v56  }
0x64f: {  	(xrf1) =	vsort.dscd.msk.f32 $0xffff, v21, v21;
	v50 =	vld [tilespmem:s5+$0x10];
	v59 =	vmax.f32 v19, v23;
	v48 =	vmax.f32 v61, v57;
	v53 =	vbroadcast v26, $0x0  }
0x650: {  	v43 =	vld [tilespmem:s5+$0xFFFFFF80];
	v19 =	vmin.f32 v19, v23;
	v60 =	vmin.f32 v58, v49;
	v21 =	vmax.f32 v58, v49  }
0x651: {  	v20 =	vld [tilespmem:s8+$0xFFFFFFB0];
	v26 =	vmin.f32 v61, v57;
	vm1 =	vlt.u32 v53, $0x30;
	vm2 =	vlt.u32 v53, $0x70  }
0x652: {  	(xrf1) =	vsort.ascd.msk.f32 $0xffff, v22, v22;
	v25 =	vld [tilespmem:s8+$0xFFFFFF90];
	vm3 =	vlt.u32 v53, $0x20;
	vm4 =	vlt.u32 v53, $0x40;
	vm5 =	vlt.u32 v53, $0x60  }
0x653: {  	v23 =	vld [tilespmem:s8+$0xFFFFFFA0];
	v22 =	vsel vm3, v62, v60;
	v21 =	vsel vm4, v21, v26;
	v19 =	vsel vm5, v48, v19  }
0x654: {  	[tilespmem:s19+$0x0] =	vst.add.f32.msk $0xffff, v50;
	v21 =	vsel vm1, v22, v21;
	v19 =	vsel vm2, v19, v59;
	vm1 =	vlt.u32 v53, $0x50  }
0x655: {  	v47 =	vld [tilespmem:s5+$0x20];
	v19 =	vsel vm1, v21, v19  }
0x656: {  	v26 =	vld [tilespmem:s8+$0xFFFFFF80];
	(xrf1) =	vsort.ascd.msk.f32 $0xffff, v19, v19  }
0x657: {  	v22 =	vld [tilespmem:s8+$0xFFFFFFC0]  }
0x658: {  	vm13 =	vge.f32 v16, v40;
	v42 =	vperm.xlane v46, v42;
	v21 =	vld [tilespmem:s8+$0xFFFFFFD0];
	(xrf1) =	vsort.dscd.msk.f32 $0xffff, v25, v25  }
0x659: {  	vm6 =	vmmov vm13;
	v61, _, _ =	vpop (xrf2);
	v19 =	vld [tilespmem:s8+$0xFFFFFFD4];
	(xrf1) =	vsort.ascd.msk.f32 $0xffff, v14, v14  }
0x65a: {  	vm13 =	vge.f32 v24, v42;
	(v2sf) =	vpush v61, $0xF;
	v62, _, _ =	vpop (xrf1);
	[tilespmem:s20+$0x0] =	vst.add.f32.msk $0xffff, v47;
	(xrf1) =	vsort.dscd.msk.f32 $0xffff, v13, v13  }
0x65b: {  	v44 =	vadd.f32 v50, v44;
	v63, _, _ =	vpop (xrf1);
	vm1 =	vge.f32 v33, v42;
	v48 =	vld [tilespmem:s5+$0x30];
	(xrf1) =	vsort.dscd.msk.f32 $0xffff, v12, v12  }
0x65c: {  	vm5 =	vge.f32 v17, v40;
	v55, _, _ =	vpop (xrf1);
	[tilespmem:s18+$0x0] =	vst.add.f32.msk $0xffff, v43;
	v17 =	vnsel vm1, $0x0, v45;
	(xrf1) =	vsort.ascd.msk.f32 $0xffff, v11, v11  }
0x65d: {  	vm4 =	vge.f32 v31, v42;
	vm3 =	vge.f32 v32, v42;
	v56, _, _ =	vpop (xrf1);
	v51 =	vld [tilespmem:s5+$0xFFFFFF90];
	(xrf1) =	vsort.dscd.msk.f32 $0xffff, v15, v15  }
0x65e: {  	vm2 =	vge.f32 v28, v42;
	vm1 =	vge.f32 v30, v42;
	v16, _, _ =	vpop (xrf1);
	[tilespmem:s25+$0x0] =	vst.add.f32.msk $0xffff, v17;
	(xrf1) =	vsort.ascd.msk.f32 $0xffff, v10, v10  }
0x65f: {  	v44 =	vadd.f32 v47, v44;
	v30 =	vmin.f32 v62, v56;
	v31 =	vmax.f32 v62, v56;
	v28 =	vld [tilespmem:s16+$0xFFFFFF90];
	v17, _, _ =	vpop (xrf1)  }
0x660: {  	v59 =	vmax.f32 v63, v16;
	v57 =	vmax.f32 v55, v17;
	[tilespmem:s21+$0x0] =	vst.add.f32.msk $0xffff, v48;
	(xrf1) =	vsort.ascd.msk.f32 $0xffff, v26, v26  }
0x661: {  	v61 =	vmin.f32 v63, v16;
	v17 =	vmin.f32 v55, v17;
	v58, _, _ =	vpop (xrf1);
	v45 =	vmin.f32 v31, v57;
	v46 =	vld [tilespmem:s5+$0x40]  }
0x662: {  	[tilespmem:s24+$0x0] =	vst.add.f32.msk $0xffff, v41;
	v60 =	vmin.f32 v59, v58;
	v31 =	vmax.f32 v31, v57;
	(xrf1) =	vsort.dscd.msk.f32 $0xffff, v23, v23  }
0x663: {  	v62 =	vld [tilespmem:s3+$0x0];
	v32 =	vmax.f32 v59, v58;
	v63 =	vmax.f32 v30, v17;
	(xrf1) =	vsort.ascd.msk.f32 $0xffff, v20, v20  }
0x664: {  	v30 =	vmin.f32 v30, v17;
	v49 =	vmin.f32 v45, v60;
	[tilespmem:s19+$0x0] =	vst.add.f32.msk $0xffff, v51;
	(xrf1) =	vsort.dscd.msk.f32 $0xffff, v22, v22;
	v16, _, _ =	vpop (xrf1)  }
0x665: {  	v57 =	vsel vm0, $0xBF800000, v19;
	v45 =	vmax.f32 v45, v60;
	v52 =	vld [tilespmem:s5+$0xFFFFFFA0];
	(xrf1) =	vsort.ascd.msk.f32 $0xffff, v21, v21;
	v16 =	vperm.xlane v16, v53  }
0x666: {  	v33 =	vmax.f32 v63, v61;
	v55 =	vmin.f32 v31, v32;
	v28 =	vnsel vm2, $0x0, v28;
	[tilespmem:s22+$0x0] =	vst.add.f32.msk $0xffff, v46;
	v54, _, _ =	vpop (xrf1)  }
0x667: {  	v59 =	vsel vm0, $0xBF800000, v9;
	(xrf1) =	vsort.ascd.msk.f32 $0xffff, v57, v57;
	v41 =	vld [tilespmem:s5+$0x50];
	v57 =	vadd.f32 v48, v44;
	v17, _, _ =	vpop (xrf1);
	vm14 =	vge.f32 v38, v16  }
0x668: {  	v31 =	vmax.f32 v31, v32;
	vm2 =	vge.f32 v27, v42;
	[tilespmem:s26+$0x0] =	vst.add.f32.msk $0xffff, v28;
	v58, _, _ =	vpop (xrf1);
	v27 =	vnsel vm14, $0x0, v62  }
0x669: {  	vm7 =	vmmov vm5;
	s8 =	spop (v2sf);
	(xrf1) =	vsort.ascd.msk.f32 $0xffff, v59, v59;
	v53 =	vmin.f32 v63, v61;
	v32 =	vadd.f32 v46, v57;
	v57 =	vld [tilespmem:s16+$0x54];
	v28, _, _ =	vpop (xrf1)  }
0x66a: {  	s6 =	scvt.f32.s32 s8;
	vm5 =	vge.f32 v37, v16;
	v38 =	vadd.f32 v51, v43;
	v60 =	vmin.f32 v17, v58;
	v61, _, _ =	vpop (xrf1);
	[tilespmem:s25+$0x0] =	vst.add.f32.msk $0xffff, v27  }
0x66b: {  	vm15 =	vge.f32 v36, v16;
	v17 =	vmax.f32 v17, v58;
	(xrf1) =	vsort.ascd.msk.f32 $0xffff, v60, v60;
	v62 =	vld [tilespmem:s3+$0x10];
	v27, _, _ =	vpop (xrf1)  }
0x66c: {  	p0 =	sgt.s32 s6, $0x1;
	[tilespmem:s23+$0x0] =	vst.add.f32.msk $0xffff, v41;
	v32 =	vadd.f32 v41, v32;
	v63 =	vmax.f32 v28, v61;
	(xrf1) =	vsort.ascd.msk.f32 $0xffff, v17, v17;
	v56, _, _ =	vpop (xrf1)  }
0x66d: {  	s6 =	simm.s32 @!p0 $0x1;
	vm14 =	vge.f32 v18, v39;
	v44 =	vld [tilespmem:s5+$0x54];
	(xrf1) =	vsort.dscd.msk.f32 $0xffff, v63, v63;
	v17 =	vmin.f32 v27, v56  }
0x66e: {  	[tilespmem:s20+$0x0] =	vst.add.f32.msk $0xffff, v52;
	s6 =	smin.u32 s6, $0x64;
	v18 =	vadd.f32 v52, v38;
	v28 =	vmin.f32 v28, v61;
	v58, _, _ =	vpop (xrf1);
	(xrf1) =	vsort.dscd.msk.f32 $0xffff, v17, v17  }
0x66f: {  	v61 =	vmov s6;
	v24 =	vsel vm0, $0x0, v57;
	v59 =	vmin.f32 v58, v54;
	(xrf1) =	vsort.dscd.msk.f32 $0xffff, v28, v28;
	v28 =	vld [tilespmem:s5+$0xFFFFFFB0]  }
0x670: {  	v48 =	vld [tilespmem:s4+$0xFFFFFFD0];
	v24 =	vnsel vm14, $0x0, v24;
	v27 =	vmax.f32 v27, v56;
	v60 =	vnsel vm5, $0x0, v62;
	v62, _, _ =	vpop (xrf1);
	(xrf1) =	vsort.ascd.msk.f32 $0xffff, v59, v59  }
0x671: {  	v40 =	vmax.f32 v58, v54;
	[tilespmem:s26+$0x0] =	vst.add.f32.msk $0xffff, v60;
	v63, _, _ =	vpop (xrf1);
	(xrf1) =	vsort.dscd.msk.f32 $0xffff, v27, v27;
	v27 =	vsub.s32 $0x80, v61  }
0x672: {  	v56 =	vld [tilespmem:s3+$0x20];
	v58, _, _ =	vpop (xrf1);
	v59 =	vmax.f32 v62, v63;
	v47 =	vbroadcast v27, $0x0;
	v27 =	vsel vm0, $0x0, v44  }
0x673: {  	[tilespmem:s0+$0x0] =	vst.add.f32.msk $0xffff, v24;
	v37 =	vmin.f32 v62, v63;
	(xrf1) =	vsort.ascd.msk.f32 $0xffff, v40, v40;
	v60, _, _ =	vpop (xrf1);
	v32 =	vadd.f32 v27, v32  }
0x674: {  	(xrf1) =	vsort.dscd.msk.f32 $0xffff, v59, v59;
	v61 =	vmin.f32 v58, v60;
	v40 =	vmax.f32 v58, v60;
	[tilespmem:s21+$0x0] =	vst.add.f32.msk $0xffff, v28  }
0x675: {  	v63 =	vld [tilespmem:s16+$0xFFFFFFA0];
	vm5 =	vlt.u32 v47, $0x20;
	(xrf1) =	vsort.dscd.msk.f32 $0xffff, v37, v37;
	vm9 =	vlt.u32 v47, $0x60;
	vm12 =	vlt.u32 v47, $0x70  }
0x676: {  	v30 =	vsel vm5, v30, v53;
	vm5 =	vlt.u32 v47, $0x40;
	(xrf2) =	vadd.scan.msk.f32 $0xffff, v32;
	v50 =	vsel vm9, v45, v55  }
0x677: {  	v62 =	vld [tilespmem:s5+$0xFFFFFFC0];
	(xrf1) =	vsort.dscd.msk.f32 $0xffff, v61, v61;
	v33 =	vsel vm5, v33, v49;
	v41 =	vnsel vm15, $0x0, v56;
	vm5 =	vlt.u32 v47, $0x30;
	v32, _, _ =	vpop (xrf1)  }
0x678: {  	v31 =	vsel vm12, v50, v31;
	[tilespmem:s28+$0x0] =	vst.add.f32.msk $0xffff, v41;
	v30 =	vsel vm5, v30, v33;
	vm5 =	vlt.u32 v47, $0x50;
	v51, _, _ =	vpop (xrf1)  }
0x679: {  	v18 =	vadd.f32 v28, v18;
	v28 =	vnsel vm7, $0x0, v48;
	v54 =	vld [tilespmem:s3+$0x30];
	v30 =	vsel vm5, v30, v31;
	v53, _, _ =	vpop (xrf1)  }
0x67a: {  	[tilespmem:s31+$0x0] =	vst.add.f32.msk $0xffff, v28;
	(xrf1) =	vsort.dscd.msk.f32 $0xffff, v40, v40;
	v31 =	vnsel vm1, $0x0, v63;
	v55, _, _ =	vpop (xrf1)  }
0x67b: {  	[tilespmem:s28+$0x0] =	vst.add.f32.msk $0xffff, v31;
	v57, _, _ =	vpop (xrf1);
	(xrf1) =	vsort.ascd.msk.f32 $0xffff, v30, v30  }
0x67c: {  	vm2 =	vmmov vm2;
	[tilespmem:s22+$0x0] =	vst.add.f32.msk $0xffff, v62;
	v30, _, _ =	vpop (xrf1)  }
0x67d: {  	vm15 =	vge.f32 v35, v16;
	vm5 =	vmmov vm6;
	v56 =	vld [tilespmem:s5+$0xFFFFFFD0];
	v59 =	vmin.f32 v53, v57;
	v31, _, _ =	vpop (xrf1)  }
0x67e: {  	v58 =	vld [tilespmem:s16+$0xFFFFFFB0];
	v40 =	vnsel vm15, $0x0, v54;
	v28 =	vmin.f32 v30, v51;
	v60 =	vmin.f32 v55, v31;
	v61, _, _ =	vpop (xrf1)  }
0x67f: {  	v18 =	vadd.f32 v62, v18;
	[tilespmem:s29+$0x0] =	vst.add.f32.msk $0xffff, v40;
	(xrf1) =	vsort.dscd.msk.f32 $0xffff, v28, v28;
	v62 =	vmin.f32 v59, v60;
	v63, _, _ =	vpop (xrf1)  }
0x680: {  	vm1 =	vmmov vm13;
	v30 =	vmax.f32 v30, v51;
	v28 =	vmax.f32 v59, v60;
	v46, _, _ =	vpop (xrf2);
	v48 =	vld [tilespmem:s3+$0x40];
	(xrf1) =	vsort.ascd.msk.f32 $0xffff, v62, v62  }
0x681: {  	v50 =	vld [tilespmem:s4+$0xFFFFFFD4];
	v33 =	vmax.f32 v53, v57;
	v49 =	vmax.f32 v63, v30;
	(v2sf) =	vpush v46, $0xF;
	(xrf1) =	vsort.ascd.msk.f32 $0xffff, v28, v28  }
0x682: {  	v51, _, _ =	vpop (xrf1);
	[tilespmem:s23+$0x0] =	vst.add.f32.msk $0xffff, v56;
	v30 =	vmin.f32 v63, v30;
	v28 =	vmax.f32 v55, v31;
	(xrf1) =	vsort.dscd.msk.f32 $0xffff, v49, v49  }
0x683: {  	v35 =	vnsel vm4, $0x0, v58;
	vm4 =	vge.f32 v34, v16;
	v31, _, _ =	vpop (xrf1);
	v52 =	vld [tilespmem:s5+$0xFFFFFFD4];
	v53 =	vmin.f32 v33, v28;
	(xrf1) =	vsort.dscd.msk.f32 $0xffff, v30, v30  }
0x684: {  	v18 =	vadd.f32 v56, v18;
	[tilespmem:s29+$0x0] =	vst.add.f32.msk $0xffff, v35;
	v54, _, _ =	vpop (xrf1);
	v28 =	vmax.f32 v33, v28;
	(xrf1) =	vsort.ascd.msk.f32 $0xffff, v53, v53  }
0x685: {  	v58 =	vld [tilespmem:s16+$0xFFFFFFC0];
	v30 =	vmin.f32 v61, v31;
	v55 =	vmin.f32 v51, v54;
	v56, _, _ =	vpop (xrf1);
	v57 =	vnsel vm4, $0x0, v48  }
0x686: {  	v31 =	vmax.f32 v61, v31;
	v24 =	vmax.f32 v51, v54;
	v59 =	vmax.f32 v56, v32;
	[tilespmem:s30+$0x0] =	vst.add.f32.msk $0xffff, v57  }
0x687: {  	v63 =	vsel vm0, $0x0, v50;
	v61 =	vmin.f32 v30, v55;
	v62 =	vmax.f32 v30, v55;
	(xrf1) =	vsort.ascd.msk.f32 $0xffff, v28, v28;
	v30 =	vld [tilespmem:s3+$0x50]  }
0x688: {  	v17 =	vld [tilespmem:s3+$0xFFFFFF80];
	v34 =	vmin.f32 v31, v24;
	v36 =	vmin.f32 v56, v32;
	v60, _, _ =	vpop (xrf1);
	v28 =	vsel vm0, $0x0, v52  }
0x689: {  	v35 =	vmax.f32 v31, v24;
	v37 =	vmax.f32 v60, v59;
	[tilespmem:s24+$0x0] =	vst.add.f32.msk $0xffff, v28;
	v39 =	vadd.f32 v28, v18;
	v18, _, _ =	vpop (xrf1)  }
0x68a: {  	(xrf1) =	vsort.ascd.msk.f32 $0xffff, v61, v61;
	v38 =	vmin.f32 v60, v59;
	v33 =	vld [tilespmem:s5+$0xFFFFFF80];
	v28 =	vperm.xlane v18, v47;
	v18 =	vnsel vm3, $0x0, v58  }
0x68b: {  	s7 =	simm.s32 $0x8480;
	s6 =	simm.s32 $0x6;
	s4 =	simm.s32 $0xC380;
	(xrf1) =	vsort.ascd.msk.f32 $0xffff, v62, v62;
	vm3 =	vge.f32 v29, v16;
	[tilespmem:s30+$0x0] =	vst.add.f32.msk $0xffff, v18;
	v18 =	vnsel vm5, $0x0, v63  }
.LBB2_8:
0x68c: {  	v32 =	vld [tilespmem:s7+$0x0];
	(xrf2) =	vadd.scan.msk.f32 $0xffff, v39;
	vm4 =	vge.f32 v8, v28;
	vm8 =	vge.f32 v4, v28;
	v8 =	vnsel vm3, $0x0, v30;
	v4 =	vmovc v25  }
0x68d: {  	vm6 =	vge.f32 v7, v28;
	(xrf1) =	vsort.ascd.msk.f32 $0xffff, v34, v34;
	v25, _, _ =	vpop (xrf1);
	v34 =	vnsel vm4, $0x0, v17;
	[tilespmem:s31+$0x0] =	vst.add.f32.msk $0xffff, v8  }
0x68e: {  	vm5 =	vge.f32 v5, v28;
	vm3 =	vge.f32 v6, v28;
	v7 =	vmov v23;
	(xrf1) =	vsort.dscd.msk.f32 $0xffff, v37, v37;
	v37, _, _ =	vpop (xrf1);
	v24 =	vld [tilespmem:s3+$0x54]  }
0x68f: {  	vm7 =	vge.f32 v3, v28;
	vm9 =	vge.f32 v2, v28;
	v5 =	vmov v20;
	v31 =	vld [tilespmem:s7+$0x10];
	(xrf1) =	vsort.dscd.msk.f32 $0xffff, v38, v38;
	v23, _, _ =	vpop (xrf1)  }
0x690: {  	v6 =	vmov v22;
	v3 =	vmov v21;
	v2 =	vmov v19;
	v30 =	vld [tilespmem:s7+$0x20];
	(xrf1) =	vsort.dscd.msk.f32 $0xffff, v36, v36;
	s8 =	spop (v2sf);
	v20, _, _ =	vpop (xrf1)  }
0x691: {  	s5 =	sadd.s32 $0x100, s5;
	vm4 =	vmmov vm1;
	v8 =	vmov v26;
	v17 =	vmov v33;
	v29 =	vld [tilespmem:s7+$0x30];
	s8 =	scvt.f32.s32 s8;
	(xrf1) =	vsort.ascd.msk.f32 $0xffff, v35, v35;
	v19, _, _ =	vpop (xrf1)  }
0x692: {  	vm1 =	vmmov vm9;
	v21 =	vmin.f32 v37, v20;
	v33 =	vld [tilespmem:s5+$0x0];
	v22 =	vmin.f32 v23, v19;
	v26, _, _ =	vpop (xrf1)  }
0x693: {  	s6 =	sadd.s32 $0x2, s6;
	vm9 =	vge.f32 v1, v16;
	v1 =	vmovc v9;
	v28 =	vld [tilespmem:s7+$0x40];
	p1 =	sgt.s32 s8, $0x1;
	v35 =	vmin.f32 v26, v25;
	v36 =	vsel vm0, $0x0, v24  }
0x694: {  	p0 =	slt.u32 s6, $0x7E;
	v16 =	vmax.f32 v37, v20;
	v20 =	vmax.f32 v26, v25;
	v24 =	vld [tilespmem:s7+$0x50];
	s8 =	simm.s32 @!p1 $0x1;
	v9 =	vnsel vm9, $0x0, v36  }
0x695: {  	v19 =	vmax.f32 v23, v19;
	v23 =	vmin.f32 v16, v20;
	v26 =	vmin.f32 v21, v35;
	s8 =	smin.u32 s8, $0x64;
	v25, _, _ =	vpop (xrf1);
	[tilespmem:s0+$0x0] =	vst.add.f32.msk $0xffff, v9  }
0x696: {  	v16 =	vmax.f32 v16, v20;
	v9 =	vld [tilespmem:s7+$0x54];
	v36 =	vmov s8;
	v37 =	vmin.f32 v19, v25;
	v38, _, _ =	vpop (xrf2)  }
0x697: {  	v21 =	vmax.f32 v21, v35;
	v19 =	vmax.f32 v19, v25;
	[tilespmem:s18+$0x0] =	vst.add.f32.msk $0xffff, v33;
	v20 =	vsub.s32 $0x80, v36  }
0x698: {  	v35 =	vmin.f32 v23, v37;
	v36 =	vmax.f32 v16, v19;
	v39 =	vld [tilespmem:s5+$0x10];
	v40 =	vbroadcast v20, $0x0;
	v41, _, _ =	vpop (xrf1)  }
0x699: {  	v37 =	vmax.f32 v23, v37;
	v16 =	vmin.f32 v16, v19;
	v19 =	vmin.f32 v21, v22;
	v42 =	vld [tilespmem:s5+$0xFFFFFF80];
	v43, _, _ =	vpop (xrf1)  }
0x69a: {  	v21 =	vmax.f32 v21, v22;
	v25 =	vld [tilespmem:s7+$0xFFFFFF90];
	vm9 =	vlt.u32 v40, $0x30;
	vm10 =	vlt.u32 v40, $0x70  }
0x69b: {  	vm11 =	vlt.u32 v40, $0x20;
	vm12 =	vlt.u32 v40, $0x40;
	vm13 =	vlt.u32 v40, $0x60;
	v23 =	vld [tilespmem:s7+$0xFFFFFFA0];
	v44, _, _ =	vpop (xrf1)  }
0x69c: {  	v22 =	vsel vm11, v26, v19;
	v21 =	vsel vm12, v21, v35;
	v16 =	vsel vm13, v37, v16;
	v20 =	vld [tilespmem:s7+$0xFFFFFFB0];
	v26, _, _ =	vpop (xrf1)  }
0x69d: {  	v21 =	vsel vm9, v22, v21;
	v16 =	vsel vm10, v16, v36;
	vm9 =	vlt.u32 v40, $0x50;
	[tilespmem:s19+$0x0] =	vst.add.f32.msk $0xffff, v39;
	v35, _, _ =	vpop (xrf1)  }
0x69e: {  	v37 =	vmin.f32 v41, v26;
	v16 =	vsel vm9, v21, v16;
	v45 =	vld [tilespmem:s5+$0x20];
	(v2sf) =	vpush v38, $0xF;
	v19, _, _ =	vpop (xrf1)  }
0x69f: {  	v36 =	vmax.f32 v41, v26;
	v22 =	vld [tilespmem:s7+$0xFFFFFFC0];
	v46 =	vmin.f32 v44, v19;
	v38, _, _ =	vpop (xrf1);
	(xrf1) =	vsort.ascd.msk.f32 $0xffff, v16, v16  }
0x6a0: {  	v16 =	vmax.f32 v43, v35;
	v41 =	vmax.f32 v44, v19;
	v21 =	vld [tilespmem:s7+$0xFFFFFFD0];
	(xrf1) =	vsort.dscd.msk.f32 $0xffff, v25, v25  }
0x6a1: {  	v44 =	vmin.f32 v36, v41;
	v47 =	vmin.f32 v16, v38;
	v19 =	vld [tilespmem:s7+$0xFFFFFFD4];
	(xrf1) =	vsort.ascd.msk.f32 $0xffff, v32, v32  }
0x6a2: {  	v41 =	vmax.f32 v36, v41;
	v16 =	vmax.f32 v16, v38;
	v26 =	vld [tilespmem:s7+$0xFFFFFF80];
	(xrf1) =	vsort.dscd.msk.f32 $0xffff, v31, v31  }
0x6a3: {  	v43 =	vmin.f32 v43, v35;
	v48 =	vmax.f32 v37, v46;
	[tilespmem:s20+$0x0] =	vst.add.f32.msk $0xffff, v45;
	(xrf1) =	vsort.dscd.msk.f32 $0xffff, v30, v30  }
0x6a4: {  	v35 =	vmin.f32 v44, v47;
	v36 =	vmax.f32 v44, v47;
	v49 =	vld [tilespmem:s5+$0x30];
	(xrf1) =	vsort.ascd.msk.f32 $0xffff, v29, v29  }
0x6a5: {  	v38 =	vmin.f32 v41, v16;
	v44 =	vmin.f32 v48, v43;
	[tilespmem:s18+$0x0] =	vst.add.f32.msk $0xffff, v42;
	(xrf1) =	vsort.dscd.msk.f32 $0xffff, v28, v28  }
0x6a6: {  	v46 =	vmin.f32 v37, v46;
	v43 =	vmax.f32 v48, v43;
	v47 =	vld [tilespmem:s5+$0xFFFFFF90];
	v50 =	vsel vm0, $0xBF800000, v19;
	(xrf1) =	vsort.ascd.msk.f32 $0xffff, v24, v24  }
0x6a7: {  	v37 =	vmax.f32 v41, v16;
	(xrf1) =	vsort.ascd.msk.f32 $0xffff, v26, v26;
	[tilespmem:s25+$0x0] =	vst.add.f32.msk $0xffff, v34  }
0x6a8: {  	(xrf1) =	vsort.dscd.msk.f32 $0xffff, v23, v23;
	v16 =	vld [tilespmem:s3+$0xFFFFFF90]  }
0x6a9: {  	[tilespmem:s21+$0x0] =	vst.add.f32.msk $0xffff, v49;
	(xrf1) =	vsort.ascd.msk.f32 $0xffff, v20, v20  }
0x6aa: {  	v34 =	vld [tilespmem:s5+$0x40];
	(xrf1) =	vsort.dscd.msk.f32 $0xffff, v22, v22  }
0x6ab: {  	v41 =	vadd.f32 v47, v42;
	(xrf1) =	vsort.ascd.msk.f32 $0xffff, v21, v21;
	[tilespmem:s24+$0x0] =	vst.add.f32.msk $0xffff, v27  }
0x6ac: {  	(xrf1) =	vsort.ascd.msk.f32 $0xffff, v50, v50;
	v27 =	vld [tilespmem:s4+$0x0]  }
0x6ad: {  	[tilespmem:s19+$0x0] =	vst.add.f32.msk $0xffff, v47;
	s8 =	spop (v2sf);
	v42, _, _ =	vpop (xrf1);
	v47 =	vnsel vm8, $0x0, v16  }
0x6ae: {  	v48 =	vld [tilespmem:s5+$0xFFFFFFA0];
	v50, _, _ =	vpop (xrf1);
	s8 =	scvt.f32.s32 s8;
	v16 =	vperm.xlane v42, v40  }
0x6af: {  	[tilespmem:s22+$0x0] =	vst.add.f32.msk $0xffff, v34;
	v40, _, _ =	vpop (xrf1)  }
0x6b0: {  	v42 =	vld [tilespmem:s5+$0x50];
	v51, _, _ =	vpop (xrf1);
	p1 =	sgt.s32 s8, $0x1;
	vm8 =	vge.f32 v14, v16;
	v14 =	vmov v32  }
0x6b1: {  	v32 =	vsel vm0, $0xBF800000, v9;
	v52, _, _ =	vpop (xrf1);
	s8 =	simm.s32 @!p1 $0x1;
	v27 =	vnsel vm8, $0x0, v27;
	[tilespmem:s26+$0x0] =	vst.add.f32.msk $0xffff, v47  }
0x6b2: {  	v33 =	vadd.f32 v39, v33;
	v39 =	vmin.f32 v40, v51;
	v47, _, _ =	vpop (xrf1);
	(xrf1) =	vsort.ascd.msk.f32 $0xffff, v32, v32;
	s8 =	smin.u32 s8, $0x64;
	[tilespmem:s25+$0x0] =	vst.add.f32.msk $0xffff, v27  }
0x6b3: {  	v27 =	vmax.f32 v40, v51;
	v41 =	vadd.f32 v48, v41;
	v40, _, _ =	vpop (xrf1);
	(xrf1) =	vsort.ascd.msk.f32 $0xffff, v39, v39;
	v32 =	vmov s8;
	v39 =	vld [tilespmem:s4+$0x10]  }
0x6b4: {  	v33 =	vadd.f32 v45, v33;
	v45 =	vmax.f32 v52, v47;
	[tilespmem:s20+$0x0] =	vst.add.f32.msk $0xffff, v48;
	v48, _, _ =	vpop (xrf1);
	(xrf1) =	vsort.ascd.msk.f32 $0xffff, v27, v27  }
0x6b5: {  	v32 =	vsub.s32 $0x80, v32;
	[tilespmem:s23+$0x0] =	vst.add.f32.msk $0xffff, v42;
	v27 =	vmin.f32 v40, v48;
	v51, _, _ =	vpop (xrf1);
	(xrf1) =	vsort.dscd.msk.f32 $0xffff, v45, v45  }
0x6b6: {  	v33 =	vadd.f32 v49, v33;
	v47 =	vmin.f32 v52, v47;
	v32 =	vbroadcast v32, $0x0;
	v45 =	vld [tilespmem:s5+$0x54];
	v49, _, _ =	vpop (xrf1);
	(xrf1) =	vsort.dscd.msk.f32 $0xffff, v27, v27  }
0x6b7: {  	vm8 =	vge.f32 v13, v16;
	v13 =	vmov v31;
	v27 =	vmin.f32 v51, v50;
	v52 =	vld [tilespmem:s5+$0xFFFFFFB0];
	v53, _, _ =	vpop (xrf1);
	(xrf1) =	vsort.dscd.msk.f32 $0xffff, v47, v47  }
0x6b8: {  	v54 =	vadd.f32 v34, v33;
	v33 =	vmax.f32 v40, v48;
	v34, _, _ =	vpop (xrf1);
	(xrf1) =	vsort.ascd.msk.f32 $0xffff, v27, v27;
	v27 =	vnsel vm8, $0x0, v39;
	v39 =	vld [tilespmem:s3+$0xFFFFFFA0]  }
0x6b9: {  	v40 =	vmax.f32 v51, v50;
	v47 =	vmin.f32 v49, v53;
	v48, _, _ =	vpop (xrf1);
	(xrf1) =	vsort.dscd.msk.f32 $0xffff, v33, v33;
	[tilespmem:s26+$0x0] =	vst.add.f32.msk $0xffff, v27  }
0x6ba: {  	v42 =	vadd.f32 v42, v54;
	v33 =	vmax.f32 v49, v53;
	v49 =	vmin.f32 v34, v48;
	v31, _, _ =	vpop (xrf1);
	v50 =	vld [tilespmem:s4+$0x20]  }
0x6bb: {  	vm8 =	vlt.u32 v32, $0x20;
	v34 =	vmax.f32 v34, v48;
	v27 =	vsel vm0, $0x0, v45;
	(xrf1) =	vsort.ascd.msk.f32 $0xffff, v40, v40;
	v40 =	vld [tilespmem:s16+$0xFFFFFFD0]  }
0x6bc: {  	[tilespmem:s21+$0x0] =	vst.add.f32.msk $0xffff, v52;
	v41 =	vadd.f32 v52, v41;
	v42 =	vadd.f32 v27, v42;
	(xrf1) =	vsort.dscd.msk.f32 $0xffff, v33, v33  }
0x6bd: {  	vm9 =	vlt.u32 v32, $0x60;
	v44 =	vsel vm8, v46, v44;
	vm8 =	vlt.u32 v32, $0x40;
	v33 =	vld [tilespmem:s5+$0xFFFFFFC0];
	(xrf1) =	vsort.dscd.msk.f32 $0xffff, v47, v47  }
0x6be: {  	v36 =	vsel vm9, v36, v38;
	v35 =	vsel vm8, v43, v35;
	vm8 =	vge.f32 v12, v16;
	(xrf2) =	vadd.scan.msk.f32 $0xffff, v42  }
0x6bf: {  	vm10 =	vlt.u32 v32, $0x70;
	vm9 =	vlt.u32 v32, $0x30;
	v12 =	vmovc v30;
	(xrf1) =	vsort.dscd.msk.f32 $0xffff, v49, v49;
	v38 =	vnsel vm8, $0x0, v50  }
0x6c0: {  	(xrf1) =	vsort.dscd.msk.f32 $0xffff, v34, v34;
	v30, _, _ =	vpop (xrf1);
	v34 =	vsel vm9, v44, v35;
	v35 =	vsel vm10, v36, v37;
	[tilespmem:s28+$0x0] =	vst.add.f32.msk $0xffff, v38  }
0x6c1: {  	vm8 =	vlt.u32 v32, $0x50;
	v38 =	vnsel vm6, $0x0, v39;
	v39 =	vnsel vm2, $0x0, v40;
	v36, _, _ =	vpop (xrf1);
	v37 =	vld [tilespmem:s4+$0x30]  }
0x6c2: {  	vm2 =	vmmov vm7;
	v42 =	vsel vm8, v34, v35;
	[tilespmem:s22+$0x0] =	vst.add.f32.msk $0xffff, v33;
	v33 =	vadd.f32 v33, v41;
	v40, _, _ =	vpop (xrf1)  }
0x6c3: {  	v35 =	vld [tilespmem:s5+$0xFFFFFFD0];
	v41, _, _ =	vpop (xrf1);
	(xrf1) =	vsort.ascd.msk.f32 $0xffff, v42, v42  }
0x6c4: {  	v34, _, _ =	vpop (xrf1);
	[tilespmem:s28+$0x0] =	vst.add.f32.msk $0xffff, v38  }
0x6c5: {  	vm6 =	vge.f32 v11, v16;
	v11 =	vmov v29;
	v38 =	vmin.f32 v34, v30;
	v42, _, _ =	vpop (xrf1);
	v43 =	vld [tilespmem:s3+$0xFFFFFFB0]  }
0x6c6: {  	v29 =	vmin.f32 v36, v41;
	v44 =	vmin.f32 v40, v42;
	v45, _, _ =	vpop (xrf1);
	v37 =	vnsel vm6, $0x0, v37;
	[tilespmem:s31+$0x0] =	vst.add.f32.msk $0xffff, v39  }
0x6c7: {  	v47 =	vmin.f32 v29, v44;
	v46, _, _ =	vpop (xrf1);
	(xrf1) =	vsort.dscd.msk.f32 $0xffff, v38, v38;
	[tilespmem:s29+$0x0] =	vst.add.f32.msk $0xffff, v37  }
0x6c8: {  	v30 =	vmax.f32 v34, v30;
	v29 =	vmax.f32 v29, v44;
	v34, _, _ =	vpop (xrf2);
	(xrf1) =	vsort.ascd.msk.f32 $0xffff, v47, v47;
	v37 =	vld [tilespmem:s4+$0x40]  }
0x6c9: {  	v36 =	vmax.f32 v36, v41;
	v38 =	vmax.f32 v46, v30;
	v39, _, _ =	vpop (xrf1);
	(v2sf) =	vpush v34, $0xF;
	(xrf1) =	vsort.ascd.msk.f32 $0xffff, v29, v29;
	v29 =	vld [tilespmem:s16+$0xFFFFFFD4];
	s16 =	smov.u32 s3;
	s3 =	smov.u32 s4;
	s4 =	smov.u32 s5  }
0x6ca: {  	v30 =	vmin.f32 v46, v30;
	v34 =	vmax.f32 v40, v42;
	[tilespmem:s23+$0x0] =	vst.add.f32.msk $0xffff, v35;
	v40, _, _ =	vpop (xrf1);
	(xrf1) =	vsort.dscd.msk.f32 $0xffff, v38, v38  }
0x6cb: {  	v33 =	vadd.f32 v35, v33;
	v44 =	vmin.f32 v36, v34;
	v35 =	vld [tilespmem:s5+$0xFFFFFFD4];
	v41, _, _ =	vpop (xrf1);
	(xrf1) =	vsort.dscd.msk.f32 $0xffff, v30, v30;
	v30 =	vnsel vm5, $0x0, v43  }
0x6cc: {  	v42 =	vmin.f32 v45, v40;
	vm5 =	vge.f32 v15, v16;
	(xrf1) =	vsort.ascd.msk.f32 $0xffff, v44, v44;
	[tilespmem:s29+$0x0] =	vst.add.f32.msk $0xffff, v30  }
0x6cd: {  	v40 =	vmax.f32 v45, v40;
	v15 =	vmin.f32 v39, v41;
	v38, _, _ =	vpop (xrf1);
	v30 =	vnsel vm5, $0x0, v37;
	v43 =	vld [tilespmem:s16+$0xFFFFFFC0]  }
0x6ce: {  	v34 =	vmax.f32 v36, v34;
	v41 =	vmax.f32 v39, v41;
	v44 =	vmax.f32 v38, v31;
	v45, _, _ =	vpop (xrf1);
	[tilespmem:s30+$0x0] =	vst.add.f32.msk $0xffff, v30  }
.Ltmp3:
0x6cf: {  	v46 =	vmin.f32 v42, v15;
	v42 =	vmax.f32 v42, v15;
	v29 =	vsel vm0, $0x0, v29;
	(xrf1) =	vsort.ascd.msk.f32 $0xffff, v34, v34;
	v30 =	vld [tilespmem:s3+$0x50];
	(pc) =	sbr.rel @p0 .LBB2_8-.Ltmp3, $4  }
0x6d0: {  	v34 =	vmin.f32 v40, v41;
	v37 =	vmax.f32 v45, v44;
	v15 =	vmovc v28;
	v35 =	vsel vm0, $0x0, v35;
	[tilespmem:s0+$0x0] =	vst.add.f32.msk $0xffff, v18  }
0x6d1: {  	v36 =	vmin.f32 v38, v31;
	v38 =	vmin.f32 v45, v44;
	[tilespmem:s24+$0x0] =	vst.add.f32.msk $0xffff, v35;
	v39 =	vadd.f32 v35, v33;
	v18, _, _ =	vpop (xrf1)  }
0x6d2: {  	v35 =	vmax.f32 v40, v41;
	v33 =	vld [tilespmem:s5+$0xFFFFFF80];
	(xrf1) =	vsort.ascd.msk.f32 $0xffff, v46, v46;
	v28 =	vperm.xlane v18, v32;
	v18 =	vnsel vm3, $0x0, v43  }
0x6d3: {  	s7 =	sadd.s32 $0x100, s7;
	vm3 =	vge.f32 v10, v16;
	v10 =	vmovc v24;
	(xrf1) =	vsort.ascd.msk.f32 $0xffff, v42, v42;
	[tilespmem:s30+$0x0] =	vst.add.f32.msk $0xffff, v18;
	v18 =	vnsel vm4, $0x0, v29  }
0x6d4: {  	(xrf2) =	vadd.scan.msk.f32 $0xffff, v39;
	_ =	sdelay $0x9  }
0x6d5: {  	v24, _, _ =	vpop (xrf2)  }
0x6d6: {  	(v2sf) =	vpush v24, $0xF  }
0x6d7: {  	(xrf1) =	vsort.ascd.msk.f32 $0xffff, v34, v34;
	v53, _, _ =	vpop (xrf1)  }
0x6d8: {  	(xrf1) =	vsort.dscd.msk.f32 $0xffff, v37, v37;
	v29, _, _ =	vpop (xrf1)  }
0x6d9: {  	(xrf1) =	vsort.dscd.msk.f32 $0xffff, v38, v38;
	v31, _, _ =	vpop (xrf1)  }
0x6da: {  	(xrf1) =	vsort.dscd.msk.f32 $0xffff, v36, v36;
	s5 =	spop (v2sf);
	v32, _, _ =	vpop (xrf1)  }
0x6db: {  	s5 =	scvt.f32.s32 s5;
	v54, _, _ =	vpop (xrf1)  }
0x6dc: {  	(xrf1) =	vsort.ascd.msk.f32 $0xffff, v35, v35;
	v57, _, _ =	vpop (xrf1)  }
0x6dd: {  	v55 =	vmin.f32 v29, v32;
	p0 =	sgt.s32 s5, $0x1;
	v58 =	vmin.f32 v57, v53  }
0x6de: {  	v29 =	vmax.f32 v29, v32;
	v56 =	vmin.f32 v31, v54;
	s5 =	simm.s32 @!p0 $0x1;
	v63 =	vmax.f32 v55, v58  }
0x6df: {  	v31 =	vmax.f32 v31, v54;
	v61 =	vmin.f32 v55, v58;
	s5 =	smin.u32 s5, $0x64;
	v59, _, _ =	vpop (xrf1);
	v38 =	vmin.f32 v63, v56  }
0x6e0: {  	v34 =	vmax.f32 v63, v56;
	v60 =	vmov s5;
	v40 =	vmin.f32 v31, v59  }
0x6e1: {  	v62 =	vmax.f32 v31, v59;
	v24 =	vmax.f32 v57, v53;
	v37 =	vsub.s32 $0x80, v60  }
0x6e2: {  	v32 =	vmin.f32 v29, v24;
	v24 =	vmax.f32 v29, v24;
	v31 =	vbroadcast v37, $0x0  }
0x6e3: {  	v45, _, _ =	vpop (xrf1);
	v44 =	vmin.f32 v32, v40;
	v32 =	vmax.f32 v32, v40;
	v47 =	vmax.f32 v24, v62  }
0x6e4: {  	v46, _, _ =	vpop (xrf1);
	v24 =	vmin.f32 v24, v62;
	vm4 =	vlt.u32 v31, $0x20;
	vm11 =	vlt.u32 v31, $0x40  }
0x6e5: {  	v48, _, _ =	vpop (xrf1);
	vm5 =	vlt.u32 v31, $0x60;
	vm12 =	vlt.u32 v31, $0x30;
	vm13 =	vlt.u32 v31, $0x70;
	s8 =	spop (v2sf)  }
0x6e6: {  	v38 =	vsel vm4, v61, v38;
	v49 =	vsel vm11, v34, v44;
	v50, _, _ =	vpop (xrf1);
	v24 =	vsel vm5, v32, v24;
	s5 =	scvt.f32.s32 s8  }
0x6e7: {  	vm14 =	vlt.u32 v31, $0x50;
	v51, _, _ =	vpop (xrf1);
	v29 =	vsel vm12, v38, v49;
	v24 =	vsel vm13, v24, v47  }
0x6e8: {  	v53 =	vmin.f32 v45, v50;
	v34 =	vmax.f32 v45, v50;
	v52, _, _ =	vpop (xrf1);
	v24 =	vsel vm14, v29, v24;
	p0 =	sgt.s32 s5, $0x1  }
0x6e9: {  	v56 =	vmax.f32 v46, v51;
	v32 =	vmin.f32 v46, v51;
	v35 =	vmax.f32 v48, v52;
	s5 =	simm.s32 @!p0 $0x1  }
0x6ea: {  	v54 =	vmin.f32 v48, v52;
	v55, _, _ =	vpop (xrf1);
	v39 =	vmin.f32 v34, v35;
	v34 =	vmax.f32 v34, v35;
	s5 =	smin.u32 s5, $0x64  }
0x6eb: {  	v57 =	vmin.f32 v56, v55;
	v37 =	vmax.f32 v56, v55;
	v58 =	vmov s5  }
0x6ec: {  	v60 =	vmax.f32 v53, v54;
	v29 =	vmin.f32 v53, v54;
	v38 =	vsub.s32 $0x80, v58  }
0x6ed: {  	v59 =	vmin.f32 v39, v57;
	v35 =	vmax.f32 v39, v57;
	v61 =	vbroadcast v38, $0x0  }
0x6ee: {  	v62 =	vmin.f32 v60, v32;
	v32 =	vmax.f32 v60, v32;
	v63 =	vmin.f32 v34, v37  }
0x6ef: {  	v34 =	vmax.f32 v34, v37;
	vm15 =	vlt.u32 v61, $0x20;
	vm8 =	vlt.u32 v61, $0x40  }
0x6f0: {  	(xrf1) =	vsort.ascd.msk.f32 $0xffff, v24, v24;
	vm9 =	vlt.u32 v61, $0x60;
	vm10 =	vlt.u32 v61, $0x30;
	vm11 =	vlt.u32 v61, $0x70  }
0x6f1: {  	v38 =	vsel vm15, v29, v62;
	v41 =	vsel vm8, v32, v59;
	v42 =	vsel vm9, v35, v63  }
0x6f2: {  	vm12 =	vlt.u32 v61, $0x50;
	v24 =	vsel vm10, v38, v41;
	v43 =	vsel vm11, v42, v34  }
0x6f3: {  	v24 =	vsel vm12, v24, v43  }
0x6f4: {  	(xrf1) =	vsort.ascd.msk.f32 $0xffff, v24, v24;
	_ =	sdelay $0x7  }
0x6f5: {  	[tilespmem:s24+$0x0] =	vst.add.f32.msk $0xffff, v27  }
0x6f6: {  	v44 =	vld [tilespmem:s4+$0x0]  }
0x6f7: {  	v45, _, _ =	vpop (xrf1)  }
0x6f8: {  	v27 =	vperm.xlane v45, v31;
	_ =	sdelay $0x1  }
0x6f9: {  	vm13 =	vge.f32 v14, v27  }
0x6fa: {  	v14 =	vnsel vm13, $0x0, v44;
	v46, _, _ =	vpop (xrf1)  }
0x6fb: {  	vm14 =	vge.f32 v8, v28;
	[tilespmem:s25+$0x0] =	vst.add.f32.msk $0xffff, v14;
	v47 =	vperm.xlane v46, v61  }
0x6fc: {  	v48 =	vnsel vm14, $0x0, v17;
	v49 =	vld [tilespmem:s4+$0x10]  }
0x6fd: {  	[tilespmem:s25+$0x0] =	vst.add.f32.msk $0xffff, v48;
	vm15 =	vge.f32 v26, v47  }
0x6fe: {  	v14 =	vld [tilespmem:s3+$0xFFFFFF90];
	v50 =	vnsel vm15, $0x0, v33  }
0x6ff: {  	[tilespmem:s25+$0x0] =	vst.add.f32.msk $0xffff, v50  }
0x700: {  	v51 =	vnsel vm3, $0x0, v30;
	vm3 =	vge.f32 v13, v27;
	v52 =	vld [tilespmem:s4+$0xFFFFFF90]  }
0x701: {  	[tilespmem:s31+$0x0] =	vst.add.f32.msk $0xffff, v51;
	v17 =	vnsel vm3, $0x0, v49  }
0x702: {  	vm3 =	vge.f32 v4, v28;
	[tilespmem:s26+$0x0] =	vst.add.f32.msk $0xffff, v17  }
0x703: {  	v4 =	vnsel vm3, $0x0, v14;
	v53 =	vld [tilespmem:s4+$0x20]  }
0x704: {  	[tilespmem:s26+$0x0] =	vst.add.f32.msk $0xffff, v4;
	vm3 =	vge.f32 v25, v47  }
0x705: {  	v4 =	vld [tilespmem:s3+$0xFFFFFFA0];
	v13 =	vnsel vm3, $0x0, v52  }
0x706: {  	[tilespmem:s26+$0x0] =	vst.add.f32.msk $0xffff, v13  }
0x707: {  	vm3 =	vge.f32 v12, v27;
	v54 =	vld [tilespmem:s4+$0xFFFFFFA0]  }
0x708: {  	v55 =	vld [tilespmem:s3+$0x54];
	v14 =	vnsel vm3, $0x0, v53  }
0x709: {  	vm3 =	vge.f32 v7, v28;
	[tilespmem:s28+$0x0] =	vst.add.f32.msk $0xffff, v14  }
0x70a: {  	v4 =	vnsel vm3, $0x0, v4;
	v56 =	vld [tilespmem:s4+$0x30]  }
0x70b: {  	vm3 =	vge.f32 v23, v47;
	[tilespmem:s28+$0x0] =	vst.add.f32.msk $0xffff, v4  }
0x70c: {  	v4 =	vld [tilespmem:s3+$0xFFFFFFB0];
	v12 =	vnsel vm3, $0x0, v54  }
0x70d: {  	[tilespmem:s28+$0x0] =	vst.add.f32.msk $0xffff, v12  }
0x70e: {  	vm3 =	vge.f32 v11, v27;
	v57 =	vld [tilespmem:s4+$0xFFFFFFB0]  }
0x70f: {  	v58 =	vld [tilespmem:s16+$0xFFFFFFD0];
	v7 =	vnsel vm3, $0x0, v56  }
0x710: {  	vm3 =	vge.f32 v5, v28;
	[tilespmem:s29+$0x0] =	vst.add.f32.msk $0xffff, v7  }
0x711: {  	v4 =	vnsel vm3, $0x0, v4;
	v59 =	vld [tilespmem:s4+$0x40]  }
0x712: {  	vm3 =	vge.f32 v20, v47;
	[tilespmem:s29+$0x0] =	vst.add.f32.msk $0xffff, v4  }
0x713: {  	v4 =	vld [tilespmem:s3+$0xFFFFFFC0];
	v60 =	vnsel vm3, $0x0, v57  }
0x714: {  	[tilespmem:s29+$0x0] =	vst.add.f32.msk $0xffff, v60  }
0x715: {  	v61 =	vnsel vm2, $0x0, v58;
	vm2 =	vge.f32 v15, v27;
	v62 =	vld [tilespmem:s4+$0xFFFFFFC0]  }
0x716: {  	[tilespmem:s31+$0x0] =	vst.add.f32.msk $0xffff, v61;
	v5 =	vnsel vm2, $0x0, v59  }
0x717: {  	vm2 =	vge.f32 v6, v28;
	[tilespmem:s30+$0x0] =	vst.add.f32.msk $0xffff, v5  }
0x718: {  	v4 =	vnsel vm2, $0x0, v4;
	v5 =	vld [tilespmem:s4+$0x50]  }
0x719: {  	vm2 =	vge.f32 v22, v47;
	[tilespmem:s30+$0x0] =	vst.add.f32.msk $0xffff, v4  }
0x71a: {  	v4 =	vld [tilespmem:s3+$0xFFFFFFD0];
	v63 =	vnsel vm2, $0x0, v62  }
0x71b: {  	[tilespmem:s30+$0x0] =	vst.add.f32.msk $0xffff, v63  }
0x71c: {  	vm2 =	vge.f32 v10, v27;
	v6 =	vld [tilespmem:s4+$0xFFFFFFD0]  }
0x71d: {  	vm3 =	vge.f32 v3, v28;
	v3 =	vld [tilespmem:s16+$0xFFFFFFD4];
	v5 =	vnsel vm2, $0x0, v5  }
0x71e: {  	vm2 =	vmmov vm3;
	[tilespmem:s31+$0x0] =	vst.add.f32.msk $0xffff, v5  }
0x71f: {  	vm3 =	vge.f32 v21, v47;
	v4 =	vnsel vm2, $0x0, v4;
	v5 =	vld [tilespmem:s4+$0x54]  }
0x720: {  	vm2 =	vmmov vm3;
	[tilespmem:s31+$0x0] =	vst.add.f32.msk $0xffff, v4  }
0x721: {  	v4 =	vld [tilespmem:s3+$0xFFFFFFD4];
	v6 =	vnsel vm2, $0x0, v6  }
0x722: {  	[tilespmem:s31+$0x0] =	vst.add.f32.msk $0xffff, v6  }
0x723: {  	vm3 =	vge.f32 v1, v16;
	vm2 =	vge.f32 v2, v28;
	v2 =	vsel vm0, $0x0, v55;
	v1 =	vld [tilespmem:s4+$0xFFFFFFD4]  }
0x724: {  	vm1 =	vmmov vm1;
	vm2 =	vmmov vm2;
	v2 =	vnsel vm3, $0x0, v2  }
0x725: {  	vm3 =	vge.f32 v9, v27;
	[tilespmem:s0+$0x0] =	vst.add.f32.msk $0xffff, v2;
	v2 =	vsel vm0, $0x0, v3;
	v3 =	vsel vm0, $0x0, v5  }
0x726: {  	[tilespmem:s0+$0x0] =	vst.add.f32.msk $0xffff, v18;
	v2 =	vnsel vm1, $0x0, v2;
	vm1 =	vge.f32 v19, v47;
	v3 =	vnsel vm3, $0x0, v3  }
0x727: {  	vm2 =	vmmov vm2;
	vm1 =	vmmov vm1;
	[tilespmem:s0+$0x0] =	vst.add.f32.msk $0xffff, v3;
	v3 =	vsel vm0, $0x0, v4  }
0x728: {  	[tilespmem:s0+$0x0] =	vst.add.f32.msk $0xffff, v2;
	v2 =	vnsel vm2, $0x0, v3;
	vm1 =	vmmov vm1;
	v1 =	vsel vm0, $0x0, v1  }
0x729: {  	[tilespmem:s0+$0x0] =	vst.add.f32.msk $0xffff, v2;
	v1 =	vnsel vm1, $0x0, v1  }
0x72a: {  	[tilespmem:s0+$0x0] =	vst.add.f32.msk $0xffff, v1  }
0x72b: {  	[hbm4b:s11+s2] =	stream.linear.scatter [tilespmem:s25], [sflag:$0x3], $0x80, $0x38;
	[tilespmem:$0x10100] =	vst v63  }
0x72c: {  	s15 =	sadd.s32 $0x1, s15;
	_ =	swait.ge [sflag:s14], $0x80  }
0x72d: {  	p0 =	sne.s32 s15, s13;
	[sflag:s14] =	ssyncset.done $0x0  }
.Ltmp4:
0x72e: {  	[sflag:s14] =	ssyncadd.s32 $0xFFFFFF80;
	(pc) =	sbr.rel @p0 .LBB2_1-.Ltmp4, $4  }
0x72f: {  	[hbm4b:s12+s2] =	stream.linear.scatter [tilespmem:s18], [sflag:$0x3], $0x80, $0x38;
	[tilespmem:$0x10100] =	vst v63  }
0x730: {  	_ =	swait.ge [sflag:s14], $0x80  }
0x731: {  	[sflag:s14] =	ssyncset.done $0x0  }
0x732: {  	[sflag:s14] =	ssyncadd.s32 $0xFFFFFF80  }
0x733: {  	_ =	sfence.sel $0x180000  }
0x734: {  	[bflag:$0x0] =	sbarrier.arrive $0xFFFF  }
0x735: {  	_ =	strace $0x90000047  }
0x736: {  	s0 =	stileid.u32;
	[bflag:$0x2] =	sbarrier.arrive $0xFFFF  }
0x737: {  	p0 =	sne.s32 s0, $0x0;
	s0 =	rddreg [dreg:$0x1]  }
0x738: {  	s0 =	sadd.s32 @!p0 $0x100000, s0  }
0x739: {  	[sflag:s0] =	ssyncadd.tile.s32 @!p0 $0x1;
	_ =	shalt  }
.Lfunc_end2:
_tile_overlayer_lowered:
.L_overlay_start_2:
0x73a: {  	(tag) =	ssettag $0x2  }
0x73b: {  	s0 =	rddreg [dreg:$0x0];
	s2 =	stileid.u32  }
0x73c: {  	s1 =	rddreg [dreg:$0x1];
	p0 =	sne.s32 s2, $0x0  }
0x73d: {  	s3 =	rddreg [dreg:$0x2];
	[bflag:$0x3] =	sbarrier.arrive $0xFFFF;
	s2 =	simm.s32 @!p0 $0x1C03  }
0x73e: {  	[timem:s3], [sflag:s2] =	dma.local @!p0 [hbm:s0], s1  }
0x73f: {  	s0 =	simm.s32 @!p0 $0x3  }
0x740: {  	_ =	swait.ge @!p0 [sflag:s0], s1  }
0x741: {  	s1 =	ssub.s32 @!p0 $0x0, s1;
	[sflag:s0] =	ssyncset.done @!p0 $0x0  }
0x742: {  	[sflag:s0] =	ssyncadd.s32 @!p0 s1  }
0x743: {  	[bflag:$0x3] =	sbarrier.arrive $0xFFFF  }
0x744: {  	_ =	shalt  }

</sc_bundles>
